<compile_context>
chip_gen: v7x
topology: tpu7x:2x2x1
jax: 0.10.2.dev20260603
libtpu: 0.0.44.dev20260713+nightly
codegen_flags: <defaults>
</compile_context>

<pallas_src>
import functools

import jax
import jax.numpy as jnp
from jax import lax
from jax.experimental import pallas as pl
from jax.experimental.pallas import tpu as pltpu
from jax.experimental.pallas import tpu_sc as plsc

B, S, D = 4, 8192, 1024
NC, NS, L = 2, 16, 16
NW = NC * NS
ROWS_PER_W = S // NW
BLK = 16
NBLK = ROWS_PER_W // BLK
NU = NBLK * B
BLK_ELEMS = BLK * D
UNROLL = 8
VREGS = BLK_ELEMS // L


def _sc_body(x_hbm, t_hbm, o_hbm,
             x0, x1, x2, t0, t1,
             sx0, sx1, sx2, so0, so1, so2, st0, st1):
    xb, tb = [x0, x1, x2], [t0, t1]
    sx, so, st = [sx0, sx1, sx2], [so0, so1, so2], [st0, st1]
    wid = lax.axis_index("s") * NC + lax.axis_index("c")
    base = wid * ROWS_PER_W

    def x_off(u):
        blk, b = divmod(u, B)
        return (b * S + base + blk * BLK) * D

    def start_in(u):
        return pltpu.async_copy(
            x_hbm.at[pl.ds(x_off(u), BLK_ELEMS)], xb[u % 3], sx[u % 3])

    def start_tab(blk):
        return pltpu.async_copy(
            t_hbm.at[pl.ds((base + blk * BLK) * D, BLK_ELEMS)],
            tb[blk % 2], st[blk % 2])

    def start_out(u):
        return pltpu.async_copy(
            xb[u % 3], o_hbm.at[pl.ds(x_off(u), BLK_ELEMS)], so[u % 3])

    in_h, tab_h, out_h = {}, {}, {}
    tab_h[0] = start_tab(0)
    in_h[0] = start_in(0)
    for u in range(NU):
        blk, b = divmod(u, B)
        if b == 0 and blk + 1 < NBLK:
            tab_h[blk + 1] = start_tab(blk + 1)
        if u >= 2:
            out_h.pop(u - 2).wait()
        if u + 1 < NU:
            in_h[u + 1] = start_in(u + 1)
        in_h.pop(u).wait()
        if b == 0:
            tab_h.pop(blk).wait()

        x_v, t_v = xb[u % 3], tb[blk % 2]

        del t_v
        out_h[u] = start_out(u)
    out_h.pop(NU - 2).wait()
    out_h.pop(NU - 1).wait()


def kernel(inputs, pos_table):
    mesh = plsc.VectorSubcoreMesh(core_axis_name="c", subcore_axis_name="s")
    sc_add = functools.partial(
        pl.kernel,
        mesh=mesh,
        out_type=jax.ShapeDtypeStruct((B * S * D,), jnp.float32),
        scratch_types=[
            pltpu.VMEM((BLK_ELEMS,), jnp.float32),
            pltpu.VMEM((BLK_ELEMS,), jnp.float32),
            pltpu.VMEM((BLK_ELEMS,), jnp.float32),
            pltpu.VMEM((BLK_ELEMS,), jnp.float32),
            pltpu.VMEM((BLK_ELEMS,), jnp.float32),
            pltpu.SemaphoreType.DMA,
            pltpu.SemaphoreType.DMA,
            pltpu.SemaphoreType.DMA,
            pltpu.SemaphoreType.DMA,
            pltpu.SemaphoreType.DMA,
            pltpu.SemaphoreType.DMA,
            pltpu.SemaphoreType.DMA,
            pltpu.SemaphoreType.DMA,
        ],
    )(_sc_body)
    out = sc_add(inputs.reshape(B * S * D), pos_table.reshape(S * D))
    return out.reshape(B, S, D)

# --- scband reference (transcript-rebuilt; emitter-appended) ---
"""Pipeline reference for scband-positional-encoding-42769284334155 (READ-ONLY COPY).

The authoritative reference and input builder live on the scoring server;
editing this copy changes nothing except your own understanding.
"""

import jax, jax.numpy as jnp
import numpy as np

SEQ_LEN = 8192
D_MODEL = 1024
BATCH = 4

def setup_inputs(seed: int = 0) -> dict:
    key = jax.random.key(seed)
    k1, k2 = jax.random.split(key)
    inputs = jax.random.normal(k1, (BATCH, SEQ_LEN, D_MODEL), dtype=jnp.float32)
    # Keras Embedding default init: uniform(-0.05, 0.05)
    pos_table = jax.random.uniform(k2, (SEQ_LEN, D_MODEL), dtype=jnp.float32, minval=-0.05, maxval=0.05)
    return {"inputs": inputs, "pos_table": pos_table}

def reference(inputs, pos_table):
    length = inputs.shape[1]
    positions = jnp.arange(0, length, dtype=jnp.int32)
    embedded_positions = jnp.take(pos_table, positions, axis=0)  # [S, D]
    return inputs + embedded_positions[None, :, :]

if __name__ == "__main__":
    import jax
    _d = setup_inputs()
    print(jax.jit(kernel)(*tuple(_d.values())))

</pallas_src>

<mosaic_0001>
#map = affine_map<(d0, d1) -> (0)>
module attributes {stable_mosaic.version = 14 : i64} {
  func.func @_sc_body(%arg0: i32, %arg1: i32, %arg2: memref<33554432xf32, #tpu.memory_space<hbm>>, %arg3: memref<8388608xf32, #tpu.memory_space<hbm>>, %arg4: memref<33554432xf32, #tpu.memory_space<hbm>>, %arg5: memref<16384xf32, #tpu.memory_space<vmem>>, %arg6: memref<16384xf32, #tpu.memory_space<vmem>>, %arg7: memref<16384xf32, #tpu.memory_space<vmem>>, %arg8: memref<16384xf32, #tpu.memory_space<vmem>>, %arg9: memref<16384xf32, #tpu.memory_space<vmem>>, %arg10: memref<!tpu.dma_semaphore, #tpu.memory_space<semaphore_mem>>, %arg11: memref<!tpu.dma_semaphore, #tpu.memory_space<semaphore_mem>>, %arg12: memref<!tpu.dma_semaphore, #tpu.memory_space<semaphore_mem>>, %arg13: memref<!tpu.dma_semaphore, #tpu.memory_space<semaphore_mem>>, %arg14: memref<!tpu.dma_semaphore, #tpu.memory_space<semaphore_mem>>, %arg15: memref<!tpu.dma_semaphore, #tpu.memory_space<semaphore_mem>>, %arg16: memref<!tpu.dma_semaphore, #tpu.memory_space<semaphore_mem>>, %arg17: memref<!tpu.dma_semaphore, #tpu.memory_space<semaphore_mem>>) attributes {dimension_semantics = [#tpu.dimension_semantics<core_parallel>, #tpu.dimension_semantics<subcore_parallel>], iteration_bounds = array<i64: 2, 16>, scalar_prefetch = 0 : i64, scratch_operands = 13 : i64, tpu.core_type = #tpu.core_type<sc_vector_subcore>, window_params = [{transform_indices = #map}, {transform_indices = #map}, {transform_indices = #map}]} {
    %mul3A = arith.constant 2 : i32
    %mul3A_0 = arith.muli %arg1, %mul3A : i32
    %add3A = arith.addi %mul3A_0, %arg0 : i32
    %mul3A_1 = arith.constant 256 : i32
    %mul3A_2 = arith.muli %add3A, %mul3A_1 : i32
    %add3A_3 = arith.constant 0 : i32
    %add3A_4 = arith.addi %mul3A_2, %add3A_3 : i32
    %mul3A_5 = arith.constant 1024 : i32
    %mul3A_6 = arith.muli %add3A_4, %mul3A_5 : i32
    %dma_start3A = tpu.memref_slice %arg3[%mul3A_6] : memref<8388608xf32, #tpu.memory_space<hbm>> -> memref<16384xf32, #tpu.memory_space<hbm>>
    %dma_start3A_7 = tpu.memref_slice %arg3[%mul3A_6] : memref<8388608xf32, #tpu.memory_space<hbm>> -> memref<16384xf32, #tpu.memory_space<hbm>>
    tpu.enqueue_dma source(%dma_start3A_7 : memref<16384xf32, #tpu.memory_space<hbm>>) target(%arg8 : memref<16384xf32, #tpu.memory_space<vmem>>) target_semaphore(%arg16 : memref<!tpu.dma_semaphore, #tpu.memory_space<semaphore_mem>>)
    %add3A_8 = arith.constant 0 : i32
    %add3A_9 = arith.addi %add3A_8, %mul3A_2 : i32
    %add3A_10 = arith.constant 0 : i32
    %add3A_11 = arith.addi %add3A_9, %add3A_10 : i32
    %mul3A_12 = arith.constant 1024 : i32
    %mul3A_13 = arith.muli %add3A_11, %mul3A_12 : i32
    %dma_start3A_14 = tpu.memref_slice %arg2[%mul3A_13] : memref<33554432xf32, #tpu.memory_space<hbm>> -> memref<16384xf32, #tpu.memory_space<hbm>>
    %dma_start3A_15 = tpu.memref_slice %arg2[%mul3A_13] : memref<33554432xf32, #tpu.memory_space<hbm>> -> memref<16384xf32, #tpu.memory_space<hbm>>
    tpu.enqueue_dma source(%dma_start3A_15 : memref<16384xf32, #tpu.memory_space<hbm>>) target(%arg5 : memref<16384xf32, #tpu.memory_space<vmem>>) target_semaphore(%arg10 : memref<!tpu.dma_semaphore, #tpu.memory_space<semaphore_mem>>)
    %add3A_16 = arith.constant 16 : i32
    %add3A_17 = arith.addi %mul3A_2, %add3A_16 : i32
    %mul3A_18 = arith.constant 1024 : i32
    %mul3A_19 = arith.muli %add3A_17, %mul3A_18 : i32
    %dma_start3A_20 = tpu.memref_slice %arg3[%mul3A_19] : memref<8388608xf32, #tpu.memory_space<hbm>> -> memref<16384xf32, #tpu.memory_space<hbm>>
    %dma_start3A_21 = tpu.memref_slice %arg3[%mul3A_19] : memref<8388608xf32, #tpu.memory_space<hbm>> -> memref<16384xf32, #tpu.memory_space<hbm>>
    tpu.enqueue_dma source(%dma_start3A_21 : memref<16384xf32, #tpu.memory_space<hbm>>) target(%arg9 : memref<16384xf32, #tpu.memory_space<vmem>>) target_semaphore(%arg17 : memref<!tpu.dma_semaphore, #tpu.memory_space<semaphore_mem>>)
    %add3A_22 = arith.constant 8192 : i32
    %add3A_23 = arith.addi %add3A_22, %mul3A_2 : i32
    %add3A_24 = arith.constant 0 : i32
    %add3A_25 = arith.addi %add3A_23, %add3A_24 : i32
    %mul3A_26 = arith.constant 1024 : i32
    %mul3A_27 = arith.muli %add3A_25, %mul3A_26 : i32
    %dma_start3A_28 = tpu.memref_slice %arg2[%mul3A_27] : memref<33554432xf32, #tpu.memory_space<hbm>> -> memref<16384xf32, #tpu.memory_space<hbm>>
    %dma_start3A_29 = tpu.memref_slice %arg2[%mul3A_27] : memref<33554432xf32, #tpu.memory_space<hbm>> -> memref<16384xf32, #tpu.memory_space<hbm>>
    tpu.enqueue_dma source(%dma_start3A_29 : memref<16384xf32, #tpu.memory_space<hbm>>) target(%arg6 : memref<16384xf32, #tpu.memory_space<vmem>>) target_semaphore(%arg11 : memref<!tpu.dma_semaphore, #tpu.memory_space<semaphore_mem>>)
    %dma_wait3A = tpu.memref_slice %arg2[%mul3A_13] : memref<33554432xf32, #tpu.memory_space<hbm>> -> memref<16384xf32, #tpu.memory_space<hbm>>
    %dma_wait3A_30 = tpu.memref_slice %arg2[%mul3A_13] : memref<33554432xf32, #tpu.memory_space<hbm>> -> memref<16384xf32, #tpu.memory_space<hbm>>
    tpu.wait_dma2 semaphore(%arg10 : memref<!tpu.dma_semaphore, #tpu.memory_space<semaphore_mem>>) src(%dma_wait3A_30 : memref<16384xf32, #tpu.memory_space<hbm>>) dst(%arg5 : memref<16384xf32, #tpu.memory_space<vmem>>)
    %dma_wait3A_31 = tpu.memref_slice %arg3[%mul3A_6] : memref<8388608xf32, #tpu.memory_space<hbm>> -> memref<16384xf32, #tpu.memory_space<hbm>>
    %dma_wait3A_32 = tpu.memref_slice %arg3[%mul3A_6] : memref<8388608xf32, #tpu.memory_space<hbm>> -> memref<16384xf32, #tpu.memory_space<hbm>>
    tpu.wait_dma2 semaphore(%arg16 : memref<!tpu.dma_semaphore, #tpu.memory_space<semaphore_mem>>) src(%dma_wait3A_32 : memref<16384xf32, #tpu.memory_space<hbm>>) dst(%arg8 : memref<16384xf32, #tpu.memory_space<vmem>>)
    %add3A_33 = arith.constant 0 : i32
    %add3A_34 = arith.addi %add3A_33, %mul3A_2 : i32
    %add3A_35 = arith.constant 0 : i32
    %add3A_36 = arith.addi %add3A_34, %add3A_35 : i32
    %mul3A_37 = arith.constant 1024 : i32
    %mul3A_38 = arith.muli %add3A_36, %mul3A_37 : i32
    %dma_start3A_39 = tpu.memref_slice %arg4[%mul3A_38] : memref<33554432xf32, #tpu.memory_space<hbm>> -> memref<16384xf32, #tpu.memory_space<hbm>>
    %dma_start3A_40 = tpu.memref_slice %arg4[%mul3A_38] : memref<33554432xf32, #tpu.memory_space<hbm>> -> memref<16384xf32, #tpu.memory_space<hbm>>
    tpu.enqueue_dma source(%arg5 : memref<16384xf32, #tpu.memory_space<vmem>>) target(%dma_start3A_40 : memref<16384xf32, #tpu.memory_space<hbm>>) target_semaphore(%arg13 : memref<!tpu.dma_semaphore, #tpu.memory_space<semaphore_mem>>)
    %add3A_41 = arith.constant 16384 : i32
    %add3A_42 = arith.addi %add3A_41, %mul3A_2 : i32
    %add3A_43 = arith.constant 0 : i32
    %add3A_44 = arith.addi %add3A_42, %add3A_43 : i32
    %mul3A_45 = arith.constant 1024 : i32
    %mul3A_46 = arith.muli %add3A_44, %mul3A_45 : i32
    %dma_start3A_47 = tpu.memref_slice %arg2[%mul3A_46] : memref<33554432xf32, #tpu.memory_space<hbm>> -> memref<16384xf32, #tpu.memory_space<hbm>>
    %dma_start3A_48 = tpu.memref_slice %arg2[%mul3A_46] : memref<33554432xf32, #tpu.memory_space<hbm>> -> memref<16384xf32, #tpu.memory_space<hbm>>
    tpu.enqueue_dma source(%dma_start3A_48 : memref<16384xf32, #tpu.memory_space<hbm>>) target(%arg7 : memref<16384xf32, #tpu.memory_space<vmem>>) target_semaphore(%arg12 : memref<!tpu.dma_semaphore, #tpu.memory_space<semaphore_mem>>)
    %dma_wait3A_49 = tpu.memref_slice %arg2[%mul3A_27] : memref<33554432xf32, #tpu.memory_space<hbm>> -> memref<16384xf32, #tpu.memory_space<hbm>>
    %dma_wait3A_50 = tpu.memref_slice %arg2[%mul3A_27] : memref<33554432xf32, #tpu.memory_space<hbm>> -> memref<16384xf32, #tpu.memory_space<hbm>>
    tpu.wait_dma2 semaphore(%arg11 : memref<!tpu.dma_semaphore, #tpu.memory_space<semaphore_mem>>) src(%dma_wait3A_50 : memref<16384xf32, #tpu.memory_space<hbm>>) dst(%arg6 : memref<16384xf32, #tpu.memory_space<vmem>>)
    %add3A_51 = arith.constant 8192 : i32
    %add3A_52 = arith.addi %add3A_51, %mul3A_2 : i32
    %add3A_53 = arith.constant 0 : i32
    %add3A_54 = arith.addi %add3A_52, %add3A_53 : i32
    %mul3A_55 = arith.constant 1024 : i32
    %mul3A_56 = arith.muli %add3A_54, %mul3A_55 : i32
    %dma_start3A_57 = tpu.memref_slice %arg4[%mul3A_56] : memref<33554432xf32, #tpu.memory_space<hbm>> -> memref<16384xf32, #tpu.memory_space<hbm>>
    %dma_start3A_58 = tpu.memref_slice %arg4[%mul3A_56] : memref<33554432xf32, #tpu.memory_space<hbm>> -> memref<16384xf32, #tpu.memory_space<hbm>>
    tpu.enqueue_dma source(%arg6 : memref<16384xf32, #tpu.memory_space<vmem>>) target(%dma_start3A_58 : memref<16384xf32, #tpu.memory_space<hbm>>) target_semaphore(%arg14 : memref<!tpu.dma_semaphore, #tpu.memory_space<semaphore_mem>>)
    %dma_wait3A_59 = tpu.memref_slice %arg4[%mul3A_38] : memref<33554432xf32, #tpu.memory_space<hbm>> -> memref<16384xf32, #tpu.memory_space<hbm>>
    %dma_wait3A_60 = tpu.memref_slice %arg4[%mul3A_38] : memref<33554432xf32, #tpu.memory_space<hbm>> -> memref<16384xf32, #tpu.memory_space<hbm>>
    tpu.wait_dma2 semaphore(%arg13 : memref<!tpu.dma_semaphore, #tpu.memory_space<semaphore_mem>>) src(%arg5 : memref<16384xf32, #tpu.memory_space<vmem>>) dst(%dma_wait3A_60 : memref<16384xf32, #tpu.memory_space<hbm>>)
    %add3A_61 = arith.constant 24576 : i32
    %add3A_62 = arith.addi %add3A_61, %mul3A_2 : i32
    %add3A_63 = arith.constant 0 : i32
    %add3A_64 = arith.addi %add3A_62, %add3A_63 : i32
    %mul3A_65 = arith.constant 1024 : i32
    %mul3A_66 = arith.muli %add3A_64, %mul3A_65 : i32
    %dma_start3A_67 = tpu.memref_slice %arg2[%mul3A_66] : memref<33554432xf32, #tpu.memory_space<hbm>> -> memref<16384xf32, #tpu.memory_space<hbm>>
    %dma_start3A_68 = tpu.memref_slice %arg2[%mul3A_66] : memref<33554432xf32, #tpu.memory_space<hbm>> -> memref<16384xf32, #tpu.memory_space<hbm>>
    tpu.enqueue_dma source(%dma_start3A_68 : memref<16384xf32, #tpu.memory_space<hbm>>) target(%arg5 : memref<16384xf32, #tpu.memory_space<vmem>>) target_semaphore(%arg10 : memref<!tpu.dma_semaphore, #tpu.memory_space<semaphore_mem>>)
    %dma_wait3A_69 = tpu.memref_slice %arg2[%mul3A_46] : memref<33554432xf32, #tpu.memory_space<hbm>> -> memref<16384xf32, #tpu.memory_space<hbm>>
    %dma_wait3A_70 = tpu.memref_slice %arg2[%mul3A_46] : memref<33554432xf32, #tpu.memory_space<hbm>> -> memref<16384xf32, #tpu.memory_space<hbm>>
    tpu.wait_dma2 semaphore(%arg12 : memref<!tpu.dma_semaphore, #tpu.memory_space<semaphore_mem>>) src(%dma_wait3A_70 : memref<16384xf32, #tpu.memory_space<hbm>>) dst(%arg7 : memref<16384xf32, #tpu.memory_space<vmem>>)
    %add3A_71 = arith.constant 16384 : i32
    %add3A_72 = arith.addi %add3A_71, %mul3A_2 : i32
    %add3A_73 = arith.constant 0 : i32
    %add3A_74 = arith.addi %add3A_72, %add3A_73 : i32
    %mul3A_75 = arith.constant 1024 : i32
    %mul3A_76 = arith.muli %add3A_74, %mul3A_75 : i32
    %dma_start3A_77 = tpu.memref_slice %arg4[%mul3A_76] : memref<33554432xf32, #tpu.memory_space<hbm>> -> memref<16384xf32, #tpu.memory_space<hbm>>
    %dma_start3A_78 = tpu.memref_slice %arg4[%mul3A_76] : memref<33554432xf32, #tpu.memory_space<hbm>> -> memref<16384xf32, #tpu.memory_space<hbm>>
    tpu.enqueue_dma source(%arg7 : memref<16384xf32, #tpu.memory_space<vmem>>) target(%dma_start3A_78 : memref<16384xf32, #tpu.memory_space<hbm>>) target_semaphore(%arg15 : memref<!tpu.dma_semaphore, #tpu.memory_space<semaphore_mem>>)
    %dma_wait3A_79 = tpu.memref_slice %arg4[%mul3A_56] : memref<33554432xf32, #tpu.memory_space<hbm>> -> memref<16384xf32, #tpu.memory_space<hbm>>
    %dma_wait3A_80 = tpu.memref_slice %arg4[%mul3A_56] : memref<33554432xf32, #tpu.memory_space<hbm>> -> memref<16384xf32, #tpu.memory_space<hbm>>
    tpu.wait_dma2 semaphore(%arg14 : memref<!tpu.dma_semaphore, #tpu.memory_space<semaphore_mem>>) src(%arg6 : memref<16384xf32, #tpu.memory_space<vmem>>) dst(%dma_wait3A_80 : memref<16384xf32, #tpu.memory_space<hbm>>)
    %add3A_81 = arith.constant 0 : i32
    %add3A_82 = arith.addi %add3A_81, %mul3A_2 : i32
    %add3A_83 = arith.constant 16 : i32
    %add3A_84 = arith.addi %add3A_82, %add3A_83 : i32
    %mul3A_85 = arith.constant 1024 : i32
    %mul3A_86 = arith.muli %add3A_84, %mul3A_85 : i32
    %dma_start3A_87 = tpu.memref_slice %arg2[%mul3A_86] : memref<33554432xf32, #tpu.memory_space<hbm>> -> memref<16384xf32, #tpu.memory_space<hbm>>
    %dma_start3A_88 = tpu.memref_slice %arg2[%mul3A_86] : memref<33554432xf32, #tpu.memory_space<hbm>> -> memref<16384xf32, #tpu.memory_space<hbm>>
    tpu.enqueue_dma source(%dma_start3A_88 : memref<16384xf32, #tpu.memory_space<hbm>>) target(%arg6 : memref<16384xf32, #tpu.memory_space<vmem>>) target_semaphore(%arg11 : memref<!tpu.dma_semaphore, #tpu.memory_space<semaphore_mem>>)
    %dma_wait3A_89 = tpu.memref_slice %arg2[%mul3A_66] : memref<33554432xf32, #tpu.memory_space<hbm>> -> memref<16384xf32, #tpu.memory_space<hbm>>
    %dma_wait3A_90 = tpu.memref_slice %arg2[%mul3A_66] : memref<33554432xf32, #tpu.memory_space<hbm>> -> memref<16384xf32, #tpu.memory_space<hbm>>
    tpu.wait_dma2 semaphore(%arg10 : memref<!tpu.dma_semaphore, #tpu.memory_space<semaphore_mem>>) src(%dma_wait3A_90 : memref<16384xf32, #tpu.memory_space<hbm>>) dst(%arg5 : memref<16384xf32, #tpu.memory_space<vmem>>)
    %add3A_91 = arith.constant 24576 : i32
    %add3A_92 = arith.addi %add3A_91, %mul3A_2 : i32
    %add3A_93 = arith.constant 0 : i32
    %add3A_94 = arith.addi %add3A_92, %add3A_93 : i32
    %mul3A_95 = arith.constant 1024 : i32
    %mul3A_96 = arith.muli %add3A_94, %mul3A_95 : i32
    %dma_start3A_97 = tpu.memref_slice %arg4[%mul3A_96] : memref<33554432xf32, #tpu.memory_space<hbm>> -> memref<16384xf32, #tpu.memory_space<hbm>>
    %dma_start3A_98 = tpu.memref_slice %arg4[%mul3A_96] : memref<33554432xf32, #tpu.memory_space<hbm>> -> memref<16384xf32, #tpu.memory_space<hbm>>
    tpu.enqueue_dma source(%arg5 : memref<16384xf32, #tpu.memory_space<vmem>>) target(%dma_start3A_98 : memref<16384xf32, #tpu.memory_space<hbm>>) target_semaphore(%arg13 : memref<!tpu.dma_semaphore, #tpu.memory_space<semaphore_mem>>)
    %add3A_99 = arith.constant 32 : i32
    %add3A_100 = arith.addi %mul3A_2, %add3A_99 : i32
    %mul3A_101 = arith.constant 1024 : i32
    %mul3A_102 = arith.muli %add3A_100, %mul3A_101 : i32
    %dma_start3A_103 = tpu.memref_slice %arg3[%mul3A_102] : memref<8388608xf32, #tpu.memory_space<hbm>> -> memref<16384xf32, #tpu.memory_space<hbm>>
    %dma_start3A_104 = tpu.memref_slice %arg3[%mul3A_102] : memref<8388608xf32, #tpu.memory_space<hbm>> -> memref<16384xf32, #tpu.memory_space<hbm>>
    tpu.enqueue_dma source(%dma_start3A_104 : memref<16384xf32, #tpu.memory_space<hbm>>) target(%arg8 : memref<16384xf32, #tpu.memory_space<vmem>>) target_semaphore(%arg16 : memref<!tpu.dma_semaphore, #tpu.memory_space<semaphore_mem>>)
    %dma_wait3A_105 = tpu.memref_slice %arg4[%mul3A_76] : memref<33554432xf32, #tpu.memory_space<hbm>> -> memref<16384xf32, #tpu.memory_space<hbm>>
    %dma_wait3A_106 = tpu.memref_slice %arg4[%mul3A_76] : memref<33554432xf32, #tpu.memory_space<hbm>> -> memref<16384xf32, #tpu.memory_space<hbm>>
    tpu.wait_dma2 semaphore(%arg15 : memref<!tpu.dma_semaphore, #tpu.memory_space<semaphore_mem>>) src(%arg7 : memref<16384xf32, #tpu.memory_space<vmem>>) dst(%dma_wait3A_106 : memref<16384xf32, #tpu.memory_space<hbm>>)
    %add3A_107 = arith.constant 8192 : i32
    %add3A_108 = arith.addi %add3A_107, %mul3A_2 : i32
    %add3A_109 = arith.constant 16 : i32
    %add3A_110 = arith.addi %add3A_108, %add3A_109 : i32
    %mul3A_111 = arith.constant 1024 : i32
    %mul3A_112 = arith.muli %add3A_110, %mul3A_111 : i32
    %dma_start3A_113 = tpu.memref_slice %arg2[%mul3A_112] : memref<33554432xf32, #tpu.memory_space<hbm>> -> memref<16384xf32, #tpu.memory_space<hbm>>
    %dma_start3A_114 = tpu.memref_slice %arg2[%mul3A_112] : memref<33554432xf32, #tpu.memory_space<hbm>> -> memref<16384xf32, #tpu.memory_space<hbm>>
    tpu.enqueue_dma source(%dma_start3A_114 : memref<16384xf32, #tpu.memory_space<hbm>>) target(%arg7 : memref<16384xf32, #tpu.memory_space<vmem>>) target_semaphore(%arg12 : memref<!tpu.dma_semaphore, #tpu.memory_space<semaphore_mem>>)
    %dma_wait3A_115 = tpu.memref_slice %arg2[%mul3A_86] : memref<33554432xf32, #tpu.memory_space<hbm>> -> memref<16384xf32, #tpu.memory_space<hbm>>
    %dma_wait3A_116 = tpu.memref_slice %arg2[%mul3A_86] : memref<33554432xf32, #tpu.memory_space<hbm>> -> memref<16384xf32, #tpu.memory_space<hbm>>
    tpu.wait_dma2 semaphore(%arg11 : memref<!tpu.dma_semaphore, #tpu.memory_space<semaphore_mem>>) src(%dma_wait3A_116 : memref<16384xf32, #tpu.memory_space<hbm>>) dst(%arg6 : memref<16384xf32, #tpu.memory_space<vmem>>)
    %dma_wait3A_117 = tpu.memref_slice %arg3[%mul3A_19] : memref<8388608xf32, #tpu.memory_space<hbm>> -> memref<16384xf32, #tpu.memory_space<hbm>>
    %dma_wait3A_118 = tpu.memref_slice %arg3[%mul3A_19] : memref<8388608xf32, #tpu.memory_space<hbm>> -> memref<16384xf32, #tpu.memory_space<hbm>>
    tpu.wait_dma2 semaphore(%arg17 : memref<!tpu.dma_semaphore, #tpu.memory_space<semaphore_mem>>) src(%dma_wait3A_118 : memref<16384xf32, #tpu.memory_space<hbm>>) dst(%arg9 : memref<16384xf32, #tpu.memory_space<vmem>>)
    %add3A_119 = arith.constant 0 : i32
    %add3A_120 = arith.addi %add3A_119, %mul3A_2 : i32
    %add3A_121 = arith.constant 16 : i32
    %add3A_122 = arith.addi %add3A_120, %add3A_121 : i32
    %mul3A_123 = arith.constant 1024 : i32
    %mul3A_124 = arith.muli %add3A_122, %mul3A_123 : i32
    %dma_start3A_125 = tpu.memref_slice %arg4[%mul3A_124] : memref<33554432xf32, #tpu.memory_space<hbm>> -> memref<16384xf32, #tpu.memory_space<hbm>>
    %dma_start3A_126 = tpu.memref_slice %arg4[%mul3A_124] : memref<33554432xf32, #tpu.memory_space<hbm>> -> memref<16384xf32, #tpu.memory_space<hbm>>
    tpu.enqueue_dma source(%arg6 : memref<16384xf32, #tpu.memory_space<vmem>>) target(%dma_start3A_126 : memref<16384xf32, #tpu.memory_space<hbm>>) target_semaphore(%arg14 : memref<!tpu.dma_semaphore, #tpu.memory_space<semaphore_mem>>)
    %dma_wait3A_127 = tpu.memref_slice %arg4[%mul3A_96] : memref<33554432xf32, #tpu.memory_space<hbm>> -> memref<16384xf32, #tpu.memory_space<hbm>>
    %dma_wait3A_128 = tpu.memref_slice %arg4[%mul3A_96] : memref<33554432xf32, #tpu.memory_space<hbm>> -> memref<16384xf32, #tpu.memory_space<hbm>>
    tpu.wait_dma2 semaphore(%arg13 : memref<!tpu.dma_semaphore, #tpu.memory_space<semaphore_mem>>) src(%arg5 : memref<16384xf32, #tpu.memory_space<vmem>>) dst(%dma_wait3A_128 : memref<16384xf32, #tpu.memory_space<hbm>>)
    %add3A_129 = arith.constant 16384 : i32
    %add3A_130 = arith.addi %add3A_129, %mul3A_2 : i32
    %add3A_131 = arith.constant 16 : i32
    %add3A_132 = arith.addi %add3A_130, %add3A_131 : i32
    %mul3A_133 = arith.constant 1024 : i32
    %mul3A_134 = arith.muli %add3A_132, %mul3A_133 : i32
    %dma_start3A_135 = tpu.memref_slice %arg2[%mul3A_134] : memref<33554432xf32, #tpu.memory_space<hbm>> -> memref<16384xf32, #tpu.memory_space<hbm>>
    %dma_start3A_136 = tpu.memref_slice %arg2[%mul3A_134] : memref<33554432xf32, #tpu.memory_space<hbm>> -> memref<16384xf32, #tpu.memory_space<hbm>>
    tpu.enqueue_dma source(%dma_start3A_136 : memref<16384xf32, #tpu.memory_space<hbm>>) target(%arg5 : memref<16384xf32, #tpu.memory_space<vmem>>) target_semaphore(%arg10 : memref<!tpu.dma_semaphore, #tpu.memory_space<semaphore_mem>>)
    %dma_wait3A_137 = tpu.memref_slice %arg2[%mul3A_112] : memref<33554432xf32, #tpu.memory_space<hbm>> -> memref<16384xf32, #tpu.memory_space<hbm>>
    %dma_wait3A_138 = tpu.memref_slice %arg2[%mul3A_112] : memref<33554432xf32, #tpu.memory_space<hbm>> -> memref<16384xf32, #tpu.memory_space<hbm>>
    tpu.wait_dma2 semaphore(%arg12 : memref<!tpu.dma_semaphore, #tpu.memory_space<semaphore_mem>>) src(%dma_wait3A_138 : memref<16384xf32, #tpu.memory_space<hbm>>) dst(%arg7 : memref<16384xf32, #tpu.memory_space<vmem>>)
    %add3A_139 = arith.constant 8192 : i32
    %add3A_140 = arith.addi %add3A_139, %mul3A_2 : i32
    %add3A_141 = arith.constant 16 : i32
    %add3A_142 = arith.addi %add3A_140, %add3A_141 : i32
    %mul3A_143 = arith.constant 1024 : i32
    %mul3A_144 = arith.muli %add3A_142, %mul3A_143 : i32
    %dma_start3A_145 = tpu.memref_slice %arg4[%mul3A_144] : memref<33554432xf32, #tpu.memory_space<hbm>> -> memref<16384xf32, #tpu.memory_space<hbm>>
    %dma_start3A_146 = tpu.memref_slice %arg4[%mul3A_144] : memref<33554432xf32, #tpu.memory_space<hbm>> -> memref<16384xf32, #tpu.memory_space<hbm>>
    tpu.enqueue_dma source(%arg7 : memref<16384xf32, #tpu.memory_space<vmem>>) target(%dma_start3A_146 : memref<16384xf32, #tpu.memory_space<hbm>>) target_semaphore(%arg15 : memref<!tpu.dma_semaphore, #tpu.memory_space<semaphore_mem>>)
    %dma_wait3A_147 = tpu.memref_slice %arg4[%mul3A_124] : memref<33554432xf32, #tpu.memory_space<hbm>> -> memref<16384xf32, #tpu.memory_space<hbm>>
    %dma_wait3A_148 = tpu.memref_slice %arg4[%mul3A_124] : memref<33554432xf32, #tpu.memory_space<hbm>> -> memref<16384xf32, #tpu.memory_space<hbm>>
    tpu.wait_dma2 semaphore(%arg14 : memref<!tpu.dma_semaphore, #tpu.memory_space<semaphore_mem>>) src(%arg6 : memref<16384xf32, #tpu.memory_space<vmem>>) dst(%dma_wait3A_148 : memref<16384xf32, #tpu.memory_space<hbm>>)
    %add3A_149 = arith.constant 24576 : i32
    %add3A_150 = arith.addi %add3A_149, %mul3A_2 : i32
    %add3A_151 = arith.constant 16 : i32
    %add3A_152 = arith.addi %add3A_150, %add3A_151 : i32
    %mul3A_153 = arith.constant 1024 : i32
    %mul3A_154 = arith.muli %add3A_152, %mul3A_153 : i32
    %dma_start3A_155 = tpu.memref_slice %arg2[%mul3A_154] : memref<33554432xf32, #tpu.memory_space<hbm>> -> memref<16384xf32, #tpu.memory_space<hbm>>
    %dma_start3A_156 = tpu.memref_slice %arg2[%mul3A_154] : memref<33554432xf32, #tpu.memory_space<hbm>> -> memref<16384xf32, #tpu.memory_space<hbm>>
    tpu.enqueue_dma source(%dma_start3A_156 : memref<16384xf32, #tpu.memory_space<hbm>>) target(%arg6 : memref<16384xf32, #tpu.memory_space<vmem>>) target_semaphore(%arg11 : memref<!tpu.dma_semaphore, #tpu.memory_space<semaphore_mem>>)
    %dma_wait3A_157 = tpu.memref_slice %arg2[%mul3A_134] : memref<33554432xf32, #tpu.memory_space<hbm>> -> memref<16384xf32, #tpu.memory_space<hbm>>
    %dma_wait3A_158 = tpu.memref_slice %arg2[%mul3A_134] : memref<33554432xf32, #tpu.memory_space<hbm>> -> memref<16384xf32, #tpu.memory_space<hbm>>
    tpu.wait_dma2 semaphore(%arg10 : memref<!tpu.dma_semaphore, #tpu.memory_space<semaphore_mem>>) src(%dma_wait3A_158 : memref<16384xf32, #tpu.memory_space<hbm>>) dst(%arg5 : memref<16384xf32, #tpu.memory_space<vmem>>)
    %add3A_159 = arith.constant 16384 : i32
    %add3A_160 = arith.addi %add3A_159, %mul3A_2 : i32
    %add3A_161 = arith.constant 16 : i32
    %add3A_162 = arith.addi %add3A_160, %add3A_161 : i32
    %mul3A_163 = arith.constant 1024 : i32
    %mul3A_164 = arith.muli %add3A_162, %mul3A_163 : i32
    %dma_start3A_165 = tpu.memref_slice %arg4[%mul3A_164] : memref<33554432xf32, #tpu.memory_space<hbm>> -> memref<16384xf32, #tpu.memory_space<hbm>>
    %dma_start3A_166 = tpu.memref_slice %arg4[%mul3A_164] : memref<33554432xf32, #tpu.memory_space<hbm>> -> memref<16384xf32, #tpu.memory_space<hbm>>
    tpu.enqueue_dma source(%arg5 : memref<16384xf32, #tpu.memory_space<vmem>>) target(%dma_start3A_166 : memref<16384xf32, #tpu.memory_space<hbm>>) target_semaphore(%arg13 : memref<!tpu.dma_semaphore, #tpu.memory_space<semaphore_mem>>)
    %dma_wait3A_167 = tpu.memref_slice %arg4[%mul3A_144] : memref<33554432xf32, #tpu.memory_space<hbm>> -> memref<16384xf32, #tpu.memory_space<hbm>>
    %dma_wait3A_168 = tpu.memref_slice %arg4[%mul3A_144] : memref<33554432xf32, #tpu.memory_space<hbm>> -> memref<16384xf32, #tpu.memory_space<hbm>>
    tpu.wait_dma2 semaphore(%arg15 : memref<!tpu.dma_semaphore, #tpu.memory_space<semaphore_mem>>) src(%arg7 : memref<16384xf32, #tpu.memory_space<vmem>>) dst(%dma_wait3A_168 : memref<16384xf32, #tpu.memory_space<hbm>>)
    %add3A_169 = arith.constant 0 : i32
    %add3A_170 = arith.addi %add3A_169, %mul3A_2 : i32
    %add3A_171 = arith.constant 32 : i32
    %add3A_172 = arith.addi %add3A_170, %add3A_171 : i32
    %mul3A_173 = arith.constant 1024 : i32
    %mul3A_174 = arith.muli %add3A_172, %mul3A_173 : i32
    %dma_start3A_175 = tpu.memref_slice %arg2[%mul3A_174] : memref<33554432xf32, #tpu.memory_space<hbm>> -> memref<16384xf32, #tpu.memory_space<hbm>>
    %dma_start3A_176 = tpu.memref_slice %arg2[%mul3A_174] : memref<33554432xf32, #tpu.memory_space<hbm>> -> memref<16384xf32, #tpu.memory_space<hbm>>
    tpu.enqueue_dma source(%dma_start3A_176 : memref<16384xf32, #tpu.memory_space<hbm>>) target(%arg7 : memref<16384xf32, #tpu.memory_space<vmem>>) target_semaphore(%arg12 : memref<!tpu.dma_semaphore, #tpu.memory_space<semaphore_mem>>)
    %dma_wait3A_177 = tpu.memref_slice %arg2[%mul3A_154] : memref<33554432xf32, #tpu.memory_space<hbm>> -> memref<16384xf32, #tpu.memory_space<hbm>>
    %dma_wait3A_178 = tpu.memref_slice %arg2[%mul3A_154] : memref<33554432xf32, #tpu.memory_space<hbm>> -> memref<16384xf32, #tpu.memory_space<hbm>>
    tpu.wait_dma2 semaphore(%arg11 : memref<!tpu.dma_semaphore, #tpu.memory_space<semaphore_mem>>) src(%dma_wait3A_178 : memref<16384xf32, #tpu.memory_space<hbm>>) dst(%arg6 : memref<16384xf32, #tpu.memory_space<vmem>>)
    %add3A_179 = arith.constant 24576 : i32
    %add3A_180 = arith.addi %add3A_179, %mul3A_2 : i32
    %add3A_181 = arith.constant 16 : i32
    %add3A_182 = arith.addi %add3A_180, %add3A_181 : i32
    %mul3A_183 = arith.constant 1024 : i32
    %mul3A_184 = arith.muli %add3A_182, %mul3A_183 : i32
    %dma_start3A_185 = tpu.memref_slice %arg4[%mul3A_184] : memref<33554432xf32, #tpu.memory_space<hbm>> -> memref<16384xf32, #tpu.memory_space<hbm>>
    %dma_start3A_186 = tpu.memref_slice %arg4[%mul3A_184] : memref<33554432xf32, #tpu.memory_space<hbm>> -> memref<16384xf32, #tpu.memory_space<hbm>>
    tpu.enqueue_dma source(%arg6 : memref<16384xf32, #tpu.memory_space<vmem>>) target(%dma_start3A_186 : memref<16384xf32, #tpu.memory_space<hbm>>) target_semaphore(%arg14 : memref<!tpu.dma_semaphore, #tpu.memory_space<semaphore_mem>>)
    %add3A_187 = arith.constant 48 : i32
    %add3A_188 = arith.addi %mul3A_2, %add3A_187 : i32
    %mul3A_189 = arith.constant 1024 : i32
    %mul3A_190 = arith.muli %add3A_188, %mul3A_189 : i32
    %dma_start3A_191 = tpu.memref_slice %arg3[%mul3A_190] : memref<8388608xf32, #tpu.memory_space<hbm>> -> memref<16384xf32, #tpu.memory_space<hbm>>
    %dma_start3A_192 = tpu.memref_slice %arg3[%mul3A_190] : memref<8388608xf32, #tpu.memory_space<hbm>> -> memref<16384xf32, #tpu.memory_space<hbm>>
    tpu.enqueue_dma source(%dma_start3A_192 : memref<16384xf32, #tpu.memory_space<hbm>>) target(%arg9 : memref<16384xf32, #tpu.memory_space<vmem>>) target_semaphore(%arg17 : memref<!tpu.dma_semaphore, #tpu.memory_space<semaphore_mem>>)
    %dma_wait3A_193 = tpu.memref_slice %arg4[%mul3A_164] : memref<33554432xf32, #tpu.memory_space<hbm>> -> memref<16384xf32, #tpu.memory_space<hbm>>
    %dma_wait3A_194 = tpu.memref_slice %arg4[%mul3A_164] : memref<33554432xf32, #tpu.memory_space<hbm>> -> memref<16384xf32, #tpu.memory_space<hbm>>
    tpu.wait_dma2 semaphore(%arg13 : memref<!tpu.dma_semaphore, #tpu.memory_space<semaphore_mem>>) src(%arg5 : memref<16384xf32, #tpu.memory_space<vmem>>) dst(%dma_wait3A_194 : memref<16384xf32, #tpu.memory_space<hbm>>)
    %add3A_195 = arith.constant 8192 : i32
    %add3A_196 = arith.addi %add3A_195, %mul3A_2 : i32
    %add3A_197 = arith.constant 32 : i32
    %add3A_198 = arith.addi %add3A_196, %add3A_197 : i32
    %mul3A_199 = arith.constant 1024 : i32
    %mul3A_200 = arith.muli %add3A_198, %mul3A_199 : i32
    %dma_start3A_201 = tpu.memref_slice %arg2[%mul3A_200] : memref<33554432xf32, #tpu.memory_space<hbm>> -> memref<16384xf32, #tpu.memory_space<hbm>>
    %dma_start3A_202 = tpu.memref_slice %arg2[%mul3A_200] : memref<33554432xf32, #tpu.memory_space<hbm>> -> memref<16384xf32, #tpu.memory_space<hbm>>
    tpu.enqueue_dma source(%dma_start3A_202 : memref<16384xf32, #tpu.memory_space<hbm>>) target(%arg5 : memref<16384xf32, #tpu.memory_space<vmem>>) target_semaphore(%arg10 : memref<!tpu.dma_semaphore, #tpu.memory_space<semaphore_mem>>)
    %dma_wait3A_203 = tpu.memref_slice %arg2[%mul3A_174] : memref<33554432xf32, #tpu.memory_space<hbm>> -> memref<16384xf32, #tpu.memory_space<hbm>>
    %dma_wait3A_204 = tpu.memref_slice %arg2[%mul3A_174] : memref<33554432xf32, #tpu.memory_space<hbm>> -> memref<16384xf32, #tpu.memory_space<hbm>>
    tpu.wait_dma2 semaphore(%arg12 : memref<!tpu.dma_semaphore, #tpu.memory_space<semaphore_mem>>) src(%dma_wait3A_204 : memref<16384xf32, #tpu.memory_space<hbm>>) dst(%arg7 : memref<16384xf32, #tpu.memory_space<vmem>>)
    %dma_wait3A_205 = tpu.memref_slice %arg3[%mul3A_102] : memref<8388608xf32, #tpu.memory_space<hbm>> -> memref<16384xf32, #tpu.memory_space<hbm>>
    %dma_wait3A_206 = tpu.memref_slice %arg3[%mul3A_102] : memref<8388608xf32, #tpu.memory_space<hbm>> -> memref<16384xf32, #tpu.memory_space<hbm>>
    tpu.wait_dma2 semaphore(%arg16 : memref<!tpu.dma_semaphore, #tpu.memory_space<semaphore_mem>>) src(%dma_wait3A_206 : memref<16384xf32, #tpu.memory_space<hbm>>) dst(%arg8 : memref<16384xf32, #tpu.memory_space<vmem>>)
    %add3A_207 = arith.constant 0 : i32
    %add3A_208 = arith.addi %add3A_207, %mul3A_2 : i32
    %add3A_209 = arith.constant 32 : i32
    %add3A_210 = arith.addi %add3A_208, %add3A_209 : i32
    %mul3A_211 = arith.constant 1024 : i32
    %mul3A_212 = arith.muli %add3A_210, %mul3A_211 : i32
    %dma_start3A_213 = tpu.memref_slice %arg4[%mul3A_212] : memref<33554432xf32, #tpu.memory_space<hbm>> -> memref<16384xf32, #tpu.memory_space<hbm>>
    %dma_start3A_214 = tpu.memref_slice %arg4[%mul3A_212] : memref<33554432xf32, #tpu.memory_space<hbm>> -> memref<16384xf32, #tpu.memory_space<hbm>>
    tpu.enqueue_dma source(%arg7 : memref<16384xf32, #tpu.memory_space<vmem>>) target(%dma_start3A_214 : memref<16384xf32, #tpu.memory_space<hbm>>) target_semaphore(%arg15 : memref<!tpu.dma_semaphore, #tpu.memory_space<semaphore_mem>>)
    %dma_wait3A_215 = tpu.memref_slice %arg4[%mul3A_184] : memref<33554432xf32, #tpu.memory_space<hbm>> -> memref<16384xf32, #tpu.memory_space<hbm>>
    %dma_wait3A_216 = tpu.memref_slice %arg4[%mul3A_184] : memref<33554432xf32, #tpu.memory_space<hbm>> -> memref<16384xf32, #tpu.memory_space<hbm>>
    tpu.wait_dma2 semaphore(%arg14 : memref<!tpu.dma_semaphore, #tpu.memory_space<semaphore_mem>>) src(%arg6 : memref<16384xf32, #tpu.memory_space<vmem>>) dst(%dma_wait3A_216 : memref<16384xf32, #tpu.memory_space<hbm>>)
    %add3A_217 = arith.constant 16384 : i32
    %add3A_218 = arith.addi %add3A_217, %mul3A_2 : i32
    %add3A_219 = arith.constant 32 : i32
    %add3A_220 = arith.addi %add3A_218, %add3A_219 : i32
    %mul3A_221 = arith.constant 1024 : i32
    %mul3A_222 = arith.muli %add3A_220, %mul3A_221 : i32
    %dma_start3A_223 = tpu.memref_slice %arg2[%mul3A_222] : memref<33554432xf32, #tpu.memory_space<hbm>> -> memref<16384xf32, #tpu.memory_space<hbm>>
    %dma_start3A_224 = tpu.memref_slice %arg2[%mul3A_222] : memref<33554432xf32, #tpu.memory_space<hbm>> -> memref<16384xf32, #tpu.memory_space<hbm>>
    tpu.enqueue_dma source(%dma_start3A_224 : memref<16384xf32, #tpu.memory_space<hbm>>) target(%arg6 : memref<16384xf32, #tpu.memory_space<vmem>>) target_semaphore(%arg11 : memref<!tpu.dma_semaphore, #tpu.memory_space<semaphore_mem>>)
    %dma_wait3A_225 = tpu.memref_slice %arg2[%mul3A_200] : memref<33554432xf32, #tpu.memory_space<hbm>> -> memref<16384xf32, #tpu.memory_space<hbm>>
    %dma_wait3A_226 = tpu.memref_slice %arg2[%mul3A_200] : memref<33554432xf32, #tpu.memory_space<hbm>> -> memref<16384xf32, #tpu.memory_space<hbm>>
    tpu.wait_dma2 semaphore(%arg10 : memref<!tpu.dma_semaphore, #tpu.memory_space<semaphore_mem>>) src(%dma_wait3A_226 : memref<16384xf32, #tpu.memory_space<hbm>>) dst(%arg5 : memref<16384xf32, #tpu.memory_space<vmem>>)
    %add3A_227 = arith.constant 8192 : i32
    %add3A_228 = arith.addi %add3A_227, %mul3A_2 : i32
    %add3A_229 = arith.constant 32 : i32
    %add3A_230 = arith.addi %add3A_228, %add3A_229 : i32
    %mul3A_231 = arith.constant 1024 : i32
    %mul3A_232 = arith.muli %add3A_230, %mul3A_231 : i32
    %dma_start3A_233 = tpu.memref_slice %arg4[%mul3A_232] : memref<33554432xf32, #tpu.memory_space<hbm>> -> memref<16384xf32, #tpu.memory_space<hbm>>
    %dma_start3A_234 = tpu.memref_slice %arg4[%mul3A_232] : memref<33554432xf32, #tpu.memory_space<hbm>> -> memref<16384xf32, #tpu.memory_space<hbm>>
    tpu.enqueue_dma source(%arg5 : memref<16384xf32, #tpu.memory_space<vmem>>) target(%dma_start3A_234 : memref<16384xf32, #tpu.memory_space<hbm>>) target_semaphore(%arg13 : memref<!tpu.dma_semaphore, #tpu.memory_space<semaphore_mem>>)
    %dma_wait3A_235 = tpu.memref_slice %arg4[%mul3A_212] : memref<33554432xf32, #tpu.memory_space<hbm>> -> memref<16384xf32, #tpu.memory_space<hbm>>
    %dma_wait3A_236 = tpu.memref_slice %arg4[%mul3A_212] : memref<33554432xf32, #tpu.memory_space<hbm>> -> memref<16384xf32, #tpu.memory_space<hbm>>
    tpu.wait_dma2 semaphore(%arg15 : memref<!tpu.dma_semaphore, #tpu.memory_space<semaphore_mem>>) src(%arg7 : memref<16384xf32, #tpu.memory_space<vmem>>) dst(%dma_wait3A_236 : memref<16384xf32, #tpu.memory_space<hbm>>)
    %add3A_237 = arith.constant 24576 : i32
    %add3A_238 = arith.addi %add3A_237, %mul3A_2 : i32
    %add3A_239 = arith.constant 32 : i32
    %add3A_240 = arith.addi %add3A_238, %add3A_239 : i32
    %mul3A_241 = arith.constant 1024 : i32
    %mul3A_242 = arith.muli %add3A_240, %mul3A_241 : i32
    %dma_start3A_243 = tpu.memref_slice %arg2[%mul3A_242] : memref<33554432xf32, #tpu.memory_space<hbm>> -> memref<16384xf32, #tpu.memory_space<hbm>>
    %dma_start3A_244 = tpu.memref_slice %arg2[%mul3A_242] : memref<33554432xf32, #tpu.memory_space<hbm>> -> memref<16384xf32, #tpu.memory_space<hbm>>
    tpu.enqueue_dma source(%dma_start3A_244 : memref<16384xf32, #tpu.memory_space<hbm>>) target(%arg7 : memref<16384xf32, #tpu.memory_space<vmem>>) target_semaphore(%arg12 : memref<!tpu.dma_semaphore, #tpu.memory_space<semaphore_mem>>)
    %dma_wait3A_245 = tpu.memref_slice %arg2[%mul3A_222] : memref<33554432xf32, #tpu.memory_space<hbm>> -> memref<16384xf32, #tpu.memory_space<hbm>>
    %dma_wait3A_246 = tpu.memref_slice %arg2[%mul3A_222] : memref<33554432xf32, #tpu.memory_space<hbm>> -> memref<16384xf32, #tpu.memory_space<hbm>>
    tpu.wait_dma2 semaphore(%arg11 : memref<!tpu.dma_semaphore, #tpu.memory_space<semaphore_mem>>) src(%dma_wait3A_246 : memref<16384xf32, #tpu.memory_space<hbm>>) dst(%arg6 : memref<16384xf32, #tpu.memory_space<vmem>>)
    %add3A_247 = arith.constant 16384 : i32
    %add3A_248 = arith.addi %add3A_247, %mul3A_2 : i32
    %add3A_249 = arith.constant 32 : i32
    %add3A_250 = arith.addi %add3A_248, %add3A_249 : i32
    %mul3A_251 = arith.constant 1024 : i32
    %mul3A_252 = arith.muli %add3A_250, %mul3A_251 : i32
    %dma_start3A_253 = tpu.memref_slice %arg4[%mul3A_252] : memref<33554432xf32, #tpu.memory_space<hbm>> -> memref<16384xf32, #tpu.memory_space<hbm>>
    %dma_start3A_254 = tpu.memref_slice %arg4[%mul3A_252] : memref<33554432xf32, #tpu.memory_space<hbm>> -> memref<16384xf32, #tpu.memory_space<hbm>>
    tpu.enqueue_dma source(%arg6 : memref<16384xf32, #tpu.memory_space<vmem>>) target(%dma_start3A_254 : memref<16384xf32, #tpu.memory_space<hbm>>) target_semaphore(%arg14 : memref<!tpu.dma_semaphore, #tpu.memory_space<semaphore_mem>>)
    %dma_wait3A_255 = tpu.memref_slice %arg4[%mul3A_232] : memref<33554432xf32, #tpu.memory_space<hbm>> -> memref<16384xf32, #tpu.memory_space<hbm>>
    %dma_wait3A_256 = tpu.memref_slice %arg4[%mul3A_232] : memref<33554432xf32, #tpu.memory_space<hbm>> -> memref<16384xf32, #tpu.memory_space<hbm>>
    tpu.wait_dma2 semaphore(%arg13 : memref<!tpu.dma_semaphore, #tpu.memory_space<semaphore_mem>>) src(%arg5 : memref<16384xf32, #tpu.memory_space<vmem>>) dst(%dma_wait3A_256 : memref<16384xf32, #tpu.memory_space<hbm>>)
    %add3A_257 = arith.constant 0 : i32
    %add3A_258 = arith.addi %add3A_257, %mul3A_2 : i32
    %add3A_259 = arith.constant 48 : i32
    %add3A_260 = arith.addi %add3A_258, %add3A_259 : i32
    %mul3A_261 = arith.constant 1024 : i32
    %mul3A_262 = arith.muli %add3A_260, %mul3A_261 : i32
    %dma_start3A_263 = tpu.memref_slice %arg2[%mul3A_262] : memref<33554432xf32, #tpu.memory_space<hbm>> -> memref<16384xf32, #tpu.memory_space<hbm>>
    %dma_start3A_264 = tpu.memref_slice %arg2[%mul3A_262] : memref<33554432xf32, #tpu.memory_space<hbm>> -> memref<16384xf32, #tpu.memory_space<hbm>>
    tpu.enqueue_dma source(%dma_start3A_264 : memref<16384xf32, #tpu.memory_space<hbm>>) target(%arg5 : memref<16384xf32, #tpu.memory_space<vmem>>) target_semaphore(%arg10 : memref<!tpu.dma_semaphore, #tpu.memory_space<semaphore_mem>>)
    %dma_wait3A_265 = tpu.memref_slice %arg2[%mul3A_242] : memref<33554432xf32, #tpu.memory_space<hbm>> -> memref<16384xf32, #tpu.memory_space<hbm>>
    %dma_wait3A_266 = tpu.memref_slice %arg2[%mul3A_242] : memref<33554432xf32, #tpu.memory_space<hbm>> -> memref<16384xf32, #tpu.memory_space<hbm>>
    tpu.wait_dma2 semaphore(%arg12 : memref<!tpu.dma_semaphore, #tpu.memory_space<semaphore_mem>>) src(%dma_wait3A_266 : memref<16384xf32, #tpu.memory_space<hbm>>) dst(%arg7 : memref<16384xf32, #tpu.memory_space<vmem>>)
    %add3A_267 = arith.constant 24576 : i32
    %add3A_268 = arith.addi %add3A_267, %mul3A_2 : i32
    %add3A_269 = arith.constant 32 : i32
    %add3A_270 = arith.addi %add3A_268, %add3A_269 : i32
    %mul3A_271 = arith.constant 1024 : i32
    %mul3A_272 = arith.muli %add3A_270, %mul3A_271 : i32
    %dma_start3A_273 = tpu.memref_slice %arg4[%mul3A_272] : memref<33554432xf32, #tpu.memory_space<hbm>> -> memref<16384xf32, #tpu.memory_space<hbm>>
    %dma_start3A_274 = tpu.memref_slice %arg4[%mul3A_272] : memref<33554432xf32, #tpu.memory_space<hbm>> -> memref<16384xf32, #tpu.memory_space<hbm>>
    tpu.enqueue_dma source(%arg7 : memref<16384xf32, #tpu.memory_space<vmem>>) target(%dma_start3A_274 : memref<16384xf32, #tpu.memory_space<hbm>>) target_semaphore(%arg15 : memref<!tpu.dma_semaphore, #tpu.memory_space<semaphore_mem>>)
    %add3A_275 = arith.constant 64 : i32
    %add3A_276 = arith.addi %mul3A_2, %add3A_275 : i32
    %mul3A_277 = arith.constant 1024 : i32
    %mul3A_278 = arith.muli %add3A_276, %mul3A_277 : i32
    %dma_start3A_279 = tpu.memref_slice %arg3[%mul3A_278] : memref<8388608xf32, #tpu.memory_space<hbm>> -> memref<16384xf32, #tpu.memory_space<hbm>>
    %dma_start3A_280 = tpu.memref_slice %arg3[%mul3A_278] : memref<8388608xf32, #tpu.memory_space<hbm>> -> memref<16384xf32, #tpu.memory_space<hbm>>
    tpu.enqueue_dma source(%dma_start3A_280 : memref<16384xf32, #tpu.memory_space<hbm>>) target(%arg8 : memref<16384xf32, #tpu.memory_space<vmem>>) target_semaphore(%arg16 : memref<!tpu.dma_semaphore, #tpu.memory_space<semaphore_mem>>)
    %dma_wait3A_281 = tpu.memref_slice %arg4[%mul3A_252] : memref<33554432xf32, #tpu.memory_space<hbm>> -> memref<16384xf32, #tpu.memory_space<hbm>>
    %dma_wait3A_282 = tpu.memref_slice %arg4[%mul3A_252] : memref<33554432xf32, #tpu.memory_space<hbm>> -> memref<16384xf32, #tpu.memory_space<hbm>>
    tpu.wait_dma2 semaphore(%arg14 : memref<!tpu.dma_semaphore, #tpu.memory_space<semaphore_mem>>) src(%arg6 : memref<16384xf32, #tpu.memory_space<vmem>>) dst(%dma_wait3A_282 : memref<16384xf32, #tpu.memory_space<hbm>>)
    %add3A_283 = arith.constant 8192 : i32
    %add3A_284 = arith.addi %add3A_283, %mul3A_2 : i32
    %add3A_285 = arith.constant 48 : i32
    %add3A_286 = arith.addi %add3A_284, %add3A_285 : i32
    %mul3A_287 = arith.constant 1024 : i32
    %mul3A_288 = arith.muli %add3A_286, %mul3A_287 : i32
    %dma_start3A_289 = tpu.memref_slice %arg2[%mul3A_288] : memref<33554432xf32, #tpu.memory_space<hbm>> -> memref<16384xf32, #tpu.memory_space<hbm>>
    %dma_start3A_290 = tpu.memref_slice %arg2[%mul3A_288] : memref<33554432xf32, #tpu.memory_space<hbm>> -> memref<16384xf32, #tpu.memory_space<hbm>>
    tpu.enqueue_dma source(%dma_start3A_290 : memref<16384xf32, #tpu.memory_space<hbm>>) target(%arg6 : memref<16384xf32, #tpu.memory_space<vmem>>) target_semaphore(%arg11 : memref<!tpu.dma_semaphore, #tpu.memory_space<semaphore_mem>>)
    %dma_wait3A_291 = tpu.memref_slice %arg2[%mul3A_262] : memref<33554432xf32, #tpu.memory_space<hbm>> -> memref<16384xf32, #tpu.memory_space<hbm>>
    %dma_wait3A_292 = tpu.memref_slice %arg2[%mul3A_262] : memref<33554432xf32, #tpu.memory_space<hbm>> -> memref<16384xf32, #tpu.memory_space<hbm>>
    tpu.wait_dma2 semaphore(%arg10 : memref<!tpu.dma_semaphore, #tpu.memory_space<semaphore_mem>>) src(%dma_wait3A_292 : memref<16384xf32, #tpu.memory_space<hbm>>) dst(%arg5 : memref<16384xf32, #tpu.memory_space<vmem>>)
    %dma_wait3A_293 = tpu.memref_slice %arg3[%mul3A_190] : memref<8388608xf32, #tpu.memory_space<hbm>> -> memref<16384xf32, #tpu.memory_space<hbm>>
    %dma_wait3A_294 = tpu.memref_slice %arg3[%mul3A_190] : memref<8388608xf32, #tpu.memory_space<hbm>> -> memref<16384xf32, #tpu.memory_space<hbm>>
    tpu.wait_dma2 semaphore(%arg17 : memref<!tpu.dma_semaphore, #tpu.memory_space<semaphore_mem>>) src(%dma_wait3A_294 : memref<16384xf32, #tpu.memory_space<hbm>>) dst(%arg9 : memref<16384xf32, #tpu.memory_space<vmem>>)
    %add3A_295 = arith.constant 0 : i32
    %add3A_296 = arith.addi %add3A_295, %mul3A_2 : i32
    %add3A_297 = arith.constant 48 : i32
    %add3A_298 = arith.addi %add3A_296, %add3A_297 : i32
    %mul3A_299 = arith.constant 1024 : i32
    %mul3A_300 = arith.muli %add3A_298, %mul3A_299 : i32
    %dma_start3A_301 = tpu.memref_slice %arg4[%mul3A_300] : memref<33554432xf32, #tpu.memory_space<hbm>> -> memref<16384xf32, #tpu.memory_space<hbm>>
    %dma_start3A_302 = tpu.memref_slice %arg4[%mul3A_300] : memref<33554432xf32, #tpu.memory_space<hbm>> -> memref<16384xf32, #tpu.memory_space<hbm>>
    tpu.enqueue_dma source(%arg5 : memref<16384xf32, #tpu.memory_space<vmem>>) target(%dma_start3A_302 : memref<16384xf32, #tpu.memory_space<hbm>>) target_semaphore(%arg13 : memref<!tpu.dma_semaphore, #tpu.memory_space<semaphore_mem>>)
    %dma_wait3A_303 = tpu.memref_slice %arg4[%mul3A_272] : memref<33554432xf32, #tpu.memory_space<hbm>> -> memref<16384xf32, #tpu.memory_space<hbm>>
    %dma_wait3A_304 = tpu.memref_slice %arg4[%mul3A_272] : memref<33554432xf32, #tpu.memory_space<hbm>> -> memref<16384xf32, #tpu.memory_space<hbm>>
    tpu.wait_dma2 semaphore(%arg15 : memref<!tpu.dma_semaphore, #tpu.memory_space<semaphore_mem>>) src(%arg7 : memref<16384xf32, #tpu.memory_space<vmem>>) dst(%dma_wait3A_304 : memref<16384xf32, #tpu.memory_space<hbm>>)
    %add3A_305 = arith.constant 16384 : i32
    %add3A_306 = arith.addi %add3A_305, %mul3A_2 : i32
    %add3A_307 = arith.constant 48 : i32
    %add3A_308 = arith.addi %add3A_306, %add3A_307 : i32
    %mul3A_309 = arith.constant 1024 : i32
    %mul3A_310 = arith.muli %add3A_308, %mul3A_309 : i32
    %dma_start3A_311 = tpu.memref_slice %arg2[%mul3A_310] : memref<33554432xf32, #tpu.memory_space<hbm>> -> memref<16384xf32, #tpu.memory_space<hbm>>
    %dma_start3A_312 = tpu.memref_slice %arg2[%mul3A_310] : memref<33554432xf32, #tpu.memory_space<hbm>> -> memref<16384xf32, #tpu.memory_space<hbm>>
    tpu.enqueue_dma source(%dma_start3A_312 : memref<16384xf32, #tpu.memory_space<hbm>>) target(%arg7 : memref<16384xf32, #tpu.memory_space<vmem>>) target_semaphore(%arg12 : memref<!tpu.dma_semaphore, #tpu.memory_space<semaphore_mem>>)
    %dma_wait3A_313 = tpu.memref_slice %arg2[%mul3A_288] : memref<33554432xf32, #tpu.memory_space<hbm>> -> memref<16384xf32, #tpu.memory_space<hbm>>
    %dma_wait3A_314 = tpu.memref_slice %arg2[%mul3A_288] : memref<33554432xf32, #tpu.memory_space<hbm>> -> memref<16384xf32, #tpu.memory_space<hbm>>
    tpu.wait_dma2 semaphore(%arg11 : memref<!tpu.dma_semaphore, #tpu.memory_space<semaphore_mem>>) src(%dma_wait3A_314 : memref<16384xf32, #tpu.memory_space<hbm>>) dst(%arg6 : memref<16384xf32, #tpu.memory_space<vmem>>)
    %add3A_315 = arith.constant 8192 : i32
    %add3A_316 = arith.addi %add3A_315, %mul3A_2 : i32
    %add3A_317 = arith.constant 48 : i32
    %add3A_318 = arith.addi %add3A_316, %add3A_317 : i32
    %mul3A_319 = arith.constant 1024 : i32
    %mul3A_320 = arith.muli %add3A_318, %mul3A_319 : i32
    %dma_start3A_321 = tpu.memref_slice %arg4[%mul3A_320] : memref<33554432xf32, #tpu.memory_space<hbm>> -> memref<16384xf32, #tpu.memory_space<hbm>>
    %dma_start3A_322 = tpu.memref_slice %arg4[%mul3A_320] : memref<33554432xf32, #tpu.memory_space<hbm>> -> memref<16384xf32, #tpu.memory_space<hbm>>
    tpu.enqueue_dma source(%arg6 : memref<16384xf32, #tpu.memory_space<vmem>>) target(%dma_start3A_322 : memref<16384xf32, #tpu.memory_space<hbm>>) target_semaphore(%arg14 : memref<!tpu.dma_semaphore, #tpu.memory_space<semaphore_mem>>)
    %dma_wait3A_323 = tpu.memref_slice %arg4[%mul3A_300] : memref<33554432xf32, #tpu.memory_space<hbm>> -> memref<16384xf32, #tpu.memory_space<hbm>>
    %dma_wait3A_324 = tpu.memref_slice %arg4[%mul3A_300] : memref<33554432xf32, #tpu.memory_space<hbm>> -> memref<16384xf32, #tpu.memory_space<hbm>>
    tpu.wait_dma2 semaphore(%arg13 : memref<!tpu.dma_semaphore, #tpu.memory_space<semaphore_mem>>) src(%arg5 : memref<16384xf32, #tpu.memory_space<vmem>>) dst(%dma_wait3A_324 : memref<16384xf32, #tpu.memory_space<hbm>>)
    %add3A_325 = arith.constant 24576 : i32
    %add3A_326 = arith.addi %add3A_325, %mul3A_2 : i32
    %add3A_327 = arith.constant 48 : i32
    %add3A_328 = arith.addi %add3A_326, %add3A_327 : i32
    %mul3A_329 = arith.constant 1024 : i32
    %mul3A_330 = arith.muli %add3A_328, %mul3A_329 : i32
    %dma_start3A_331 = tpu.memref_slice %arg2[%mul3A_330] : memref<33554432xf32, #tpu.memory_space<hbm>> -> memref<16384xf32, #tpu.memory_space<hbm>>
    %dma_start3A_332 = tpu.memref_slice %arg2[%mul3A_330] : memref<33554432xf32, #tpu.memory_space<hbm>> -> memref<16384xf32, #tpu.memory_space<hbm>>
    tpu.enqueue_dma source(%dma_start3A_332 : memref<16384xf32, #tpu.memory_space<hbm>>) target(%arg5 : memref<16384xf32, #tpu.memory_space<vmem>>) target_semaphore(%arg10 : memref<!tpu.dma_semaphore, #tpu.memory_space<semaphore_mem>>)
    %dma_wait3A_333 = tpu.memref_slice %arg2[%mul3A_310] : memref<33554432xf32, #tpu.memory_space<hbm>> -> memref<16384xf32, #tpu.memory_space<hbm>>
    %dma_wait3A_334 = tpu.memref_slice %arg2[%mul3A_310] : memref<33554432xf32, #tpu.memory_space<hbm>> -> memref<16384xf32, #tpu.memory_space<hbm>>
    tpu.wait_dma2 semaphore(%arg12 : memref<!tpu.dma_semaphore, #tpu.memory_space<semaphore_mem>>) src(%dma_wait3A_334 : memref<16384xf32, #tpu.memory_space<hbm>>) dst(%arg7 : memref<16384xf32, #tpu.memory_space<vmem>>)
    %add3A_335 = arith.constant 16384 : i32
    %add3A_336 = arith.addi %add3A_335, %mul3A_2 : i32
    %add3A_337 = arith.constant 48 : i32
    %add3A_338 = arith.addi %add3A_336, %add3A_337 : i32
    %mul3A_339 = arith.constant 1024 : i32
    %mul3A_340 = arith.muli %add3A_338, %mul3A_339 : i32
    %dma_start3A_341 = tpu.memref_slice %arg4[%mul3A_340] : memref<33554432xf32, #tpu.memory_space<hbm>> -> memref<16384xf32, #tpu.memory_space<hbm>>
    %dma_start3A_342 = tpu.memref_slice %arg4[%mul3A_340] : memref<33554432xf32, #tpu.memory_space<hbm>> -> memref<16384xf32, #tpu.memory_space<hbm>>
    tpu.enqueue_dma source(%arg7 : memref<16384xf32, #tpu.memory_space<vmem>>) target(%dma_start3A_342 : memref<16384xf32, #tpu.memory_space<hbm>>) target_semaphore(%arg15 : memref<!tpu.dma_semaphore, #tpu.memory_space<semaphore_mem>>)
    %dma_wait3A_343 = tpu.memref_slice %arg4[%mul3A_320] : memref<33554432xf32, #tpu.memory_space<hbm>> -> memref<16384xf32, #tpu.memory_space<hbm>>
    %dma_wait3A_344 = tpu.memref_slice %arg4[%mul3A_320] : memref<33554432xf32, #tpu.memory_space<hbm>> -> memref<16384xf32, #tpu.memory_space<hbm>>
    tpu.wait_dma2 semaphore(%arg14 : memref<!tpu.dma_semaphore, #tpu.memory_space<semaphore_mem>>) src(%arg6 : memref<16384xf32, #tpu.memory_space<vmem>>) dst(%dma_wait3A_344 : memref<16384xf32, #tpu.memory_space<hbm>>)
    %add3A_345 = arith.constant 0 : i32
    %add3A_346 = arith.addi %add3A_345, %mul3A_2 : i32
    %add3A_347 = arith.constant 64 : i32
    %add3A_348 = arith.addi %add3A_346, %add3A_347 : i32
    %mul3A_349 = arith.constant 1024 : i32
    %mul3A_350 = arith.muli %add3A_348, %mul3A_349 : i32
    %dma_start3A_351 = tpu.memref_slice %arg2[%mul3A_350] : memref<33554432xf32, #tpu.memory_space<hbm>> -> memref<16384xf32, #tpu.memory_space<hbm>>
    %dma_start3A_352 = tpu.memref_slice %arg2[%mul3A_350] : memref<33554432xf32, #tpu.memory_space<hbm>> -> memref<16384xf32, #tpu.memory_space<hbm>>
    tpu.enqueue_dma source(%dma_start3A_352 : memref<16384xf32, #tpu.memory_space<hbm>>) target(%arg6 : memref<16384xf32, #tpu.memory_space<vmem>>) target_semaphore(%arg11 : memref<!tpu.dma_semaphore, #tpu.memory_space<semaphore_mem>>)
    %dma_wait3A_353 = tpu.memref_slice %arg2[%mul3A_330] : memref<33554432xf32, #tpu.memory_space<hbm>> -> memref<16384xf32, #tpu.memory_space<hbm>>
    %dma_wait3A_354 = tpu.memref_slice %arg2[%mul3A_330] : memref<33554432xf32, #tpu.memory_space<hbm>> -> memref<16384xf32, #tpu.memory_space<hbm>>
    tpu.wait_dma2 semaphore(%arg10 : memref<!tpu.dma_semaphore, #tpu.memory_space<semaphore_mem>>) src(%dma_wait3A_354 : memref<16384xf32, #tpu.memory_space<hbm>>) dst(%arg5 : memref<16384xf32, #tpu.memory_space<vmem>>)
    %add3A_355 = arith.constant 24576 : i32
    %add3A_356 = arith.addi %add3A_355, %mul3A_2 : i32
    %add3A_357 = arith.constant 48 : i32
    %add3A_358 = arith.addi %add3A_356, %add3A_357 : i32
    %mul3A_359 = arith.constant 1024 : i32
    %mul3A_360 = arith.muli %add3A_358, %mul3A_359 : i32
    %dma_start3A_361 = tpu.memref_slice %arg4[%mul3A_360] : memref<33554432xf32, #tpu.memory_space<hbm>> -> memref<16384xf32, #tpu.memory_space<hbm>>
    %dma_start3A_362 = tpu.memref_slice %arg4[%mul3A_360] : memref<33554432xf32, #tpu.memory_space<hbm>> -> memref<16384xf32, #tpu.memory_space<hbm>>
    tpu.enqueue_dma source(%arg5 : memref<16384xf32, #tpu.memory_space<vmem>>) target(%dma_start3A_362 : memref<16384xf32, #tpu.memory_space<hbm>>) target_semaphore(%arg13 : memref<!tpu.dma_semaphore, #tpu.memory_space<semaphore_mem>>)
    %add3A_363 = arith.constant 80 : i32
    %add3A_364 = arith.addi %mul3A_2, %add3A_363 : i32
    %mul3A_365 = arith.constant 1024 : i32
    %mul3A_366 = arith.muli %add3A_364, %mul3A_365 : i32
    %dma_start3A_367 = tpu.memref_slice %arg3[%mul3A_366] : memref<8388608xf32, #tpu.memory_space<hbm>> -> memref<16384xf32, #tpu.memory_space<hbm>>
    %dma_start3A_368 = tpu.memref_slice %arg3[%mul3A_366] : memref<8388608xf32, #tpu.memory_space<hbm>> -> memref<16384xf32, #tpu.memory_space<hbm>>
    tpu.enqueue_dma source(%dma_start3A_368 : memref<16384xf32, #tpu.memory_space<hbm>>) target(%arg9 : memref<16384xf32, #tpu.memory_space<vmem>>) target_semaphore(%arg17 : memref<!tpu.dma_semaphore, #tpu.memory_space<semaphore_mem>>)
    %dma_wait3A_369 = tpu.memref_slice %arg4[%mul3A_340] : memref<33554432xf32, #tpu.memory_space<hbm>> -> memref<16384xf32, #tpu.memory_space<hbm>>
    %dma_wait3A_370 = tpu.memref_slice %arg4[%mul3A_340] : memref<33554432xf32, #tpu.memory_space<hbm>> -> memref<16384xf32, #tpu.memory_space<hbm>>
    tpu.wait_dma2 semaphore(%arg15 : memref<!tpu.dma_semaphore, #tpu.memory_space<semaphore_mem>>) src(%arg7 : memref<16384xf32, #tpu.memory_space<vmem>>) dst(%dma_wait3A_370 : memref<16384xf32, #tpu.memory_space<hbm>>)
    %add3A_371 = arith.constant 8192 : i32
    %add3A_372 = arith.addi %add3A_371, %mul3A_2 : i32
    %add3A_373 = arith.constant 64 : i32
    %add3A_374 = arith.addi %add3A_372, %add3A_373 : i32
    %mul3A_375 = arith.constant 1024 : i32
    %mul3A_376 = arith.muli %add3A_374, %mul3A_375 : i32
    %dma_start3A_377 = tpu.memref_slice %arg2[%mul3A_376] : memref<33554432xf32, #tpu.memory_space<hbm>> -> memref<16384xf32, #tpu.memory_space<hbm>>
    %dma_start3A_378 = tpu.memref_slice %arg2[%mul3A_376] : memref<33554432xf32, #tpu.memory_space<hbm>> -> memref<16384xf32, #tpu.memory_space<hbm>>
    tpu.enqueue_dma source(%dma_start3A_378 : memref<16384xf32, #tpu.memory_space<hbm>>) target(%arg7 : memref<16384xf32, #tpu.memory_space<vmem>>) target_semaphore(%arg12 : memref<!tpu.dma_semaphore, #tpu.memory_space<semaphore_mem>>)
    %dma_wait3A_379 = tpu.memref_slice %arg2[%mul3A_350] : memref<33554432xf32, #tpu.memory_space<hbm>> -> memref<16384xf32, #tpu.memory_space<hbm>>
    %dma_wait3A_380 = tpu.memref_slice %arg2[%mul3A_350] : memref<33554432xf32, #tpu.memory_space<hbm>> -> memref<16384xf32, #tpu.memory_space<hbm>>
    tpu.wait_dma2 semaphore(%arg11 : memref<!tpu.dma_semaphore, #tpu.memory_space<semaphore_mem>>) src(%dma_wait3A_380 : memref<16384xf32, #tpu.memory_space<hbm>>) dst(%arg6 : memref<16384xf32, #tpu.memory_space<vmem>>)
    %dma_wait3A_381 = tpu.memref_slice %arg3[%mul3A_278] : memref<8388608xf32, #tpu.memory_space<hbm>> -> memref<16384xf32, #tpu.memory_space<hbm>>
    %dma_wait3A_382 = tpu.memref_slice %arg3[%mul3A_278] : memref<8388608xf32, #tpu.memory_space<hbm>> -> memref<16384xf32, #tpu.memory_space<hbm>>
    tpu.wait_dma2 semaphore(%arg16 : memref<!tpu.dma_semaphore, #tpu.memory_space<semaphore_mem>>) src(%dma_wait3A_382 : memref<16384xf32, #tpu.memory_space<hbm>>) dst(%arg8 : memref<16384xf32, #tpu.memory_space<vmem>>)
    %add3A_383 = arith.constant 0 : i32
    %add3A_384 = arith.addi %add3A_383, %mul3A_2 : i32
    %add3A_385 = arith.constant 64 : i32
    %add3A_386 = arith.addi %add3A_384, %add3A_385 : i32
    %mul3A_387 = arith.constant 1024 : i32
    %mul3A_388 = arith.muli %add3A_386, %mul3A_387 : i32
    %dma_start3A_389 = tpu.memref_slice %arg4[%mul3A_388] : memref<33554432xf32, #tpu.memory_space<hbm>> -> memref<16384xf32, #tpu.memory_space<hbm>>
    %dma_start3A_390 = tpu.memref_slice %arg4[%mul3A_388] : memref<33554432xf32, #tpu.memory_space<hbm>> -> memref<16384xf32, #tpu.memory_space<hbm>>
    tpu.enqueue_dma source(%arg6 : memref<16384xf32, #tpu.memory_space<vmem>>) target(%dma_start3A_390 : memref<16384xf32, #tpu.memory_space<hbm>>) target_semaphore(%arg14 : memref<!tpu.dma_semaphore, #tpu.memory_space<semaphore_mem>>)
    %dma_wait3A_391 = tpu.memref_slice %arg4[%mul3A_360] : memref<33554432xf32, #tpu.memory_space<hbm>> -> memref<16384xf32, #tpu.memory_space<hbm>>
    %dma_wait3A_392 = tpu.memref_slice %arg4[%mul3A_360] : memref<33554432xf32, #tpu.memory_space<hbm>> -> memref<16384xf32, #tpu.memory_space<hbm>>
    tpu.wait_dma2 semaphore(%arg13 : memref<!tpu.dma_semaphore, #tpu.memory_space<semaphore_mem>>) src(%arg5 : memref<16384xf32, #tpu.memory_space<vmem>>) dst(%dma_wait3A_392 : memref<16384xf32, #tpu.memory_space<hbm>>)
    %add3A_393 = arith.constant 16384 : i32
    %add3A_394 = arith.addi %add3A_393, %mul3A_2 : i32
    %add3A_395 = arith.constant 64 : i32
    %add3A_396 = arith.addi %add3A_394, %add3A_395 : i32
    %mul3A_397 = arith.constant 1024 : i32
    %mul3A_398 = arith.muli %add3A_396, %mul3A_397 : i32
    %dma_start3A_399 = tpu.memref_slice %arg2[%mul3A_398] : memref<33554432xf32, #tpu.memory_space<hbm>> -> memref<16384xf32, #tpu.memory_space<hbm>>
    %dma_start3A_400 = tpu.memref_slice %arg2[%mul3A_398] : memref<33554432xf32, #tpu.memory_space<hbm>> -> memref<16384xf32, #tpu.memory_space<hbm>>
    tpu.enqueue_dma source(%dma_start3A_400 : memref<16384xf32, #tpu.memory_space<hbm>>) target(%arg5 : memref<16384xf32, #tpu.memory_space<vmem>>) target_semaphore(%arg10 : memref<!tpu.dma_semaphore, #tpu.memory_space<semaphore_mem>>)
    %dma_wait3A_401 = tpu.memref_slice %arg2[%mul3A_376] : memref<33554432xf32, #tpu.memory_space<hbm>> -> memref<16384xf32, #tpu.memory_space<hbm>>
    %dma_wait3A_402 = tpu.memref_slice %arg2[%mul3A_376] : memref<33554432xf32, #tpu.memory_space<hbm>> -> memref<16384xf32, #tpu.memory_space<hbm>>
    tpu.wait_dma2 semaphore(%arg12 : memref<!tpu.dma_semaphore, #tpu.memory_space<semaphore_mem>>) src(%dma_wait3A_402 : memref<16384xf32, #tpu.memory_space<hbm>>) dst(%arg7 : memref<16384xf32, #tpu.memory_space<vmem>>)
    %add3A_403 = arith.constant 8192 : i32
    %add3A_404 = arith.addi %add3A_403, %mul3A_2 : i32
    %add3A_405 = arith.constant 64 : i32
    %add3A_406 = arith.addi %add3A_404, %add3A_405 : i32
    %mul3A_407 = arith.constant 1024 : i32
    %mul3A_408 = arith.muli %add3A_406, %mul3A_407 : i32
    %dma_start3A_409 = tpu.memref_slice %arg4[%mul3A_408] : memref<33554432xf32, #tpu.memory_space<hbm>> -> memref<16384xf32, #tpu.memory_space<hbm>>
    %dma_start3A_410 = tpu.memref_slice %arg4[%mul3A_408] : memref<33554432xf32, #tpu.memory_space<hbm>> -> memref<16384xf32, #tpu.memory_space<hbm>>
    tpu.enqueue_dma source(%arg7 : memref<16384xf32, #tpu.memory_space<vmem>>) target(%dma_start3A_410 : memref<16384xf32, #tpu.memory_space<hbm>>) target_semaphore(%arg15 : memref<!tpu.dma_semaphore, #tpu.memory_space<semaphore_mem>>)
    %dma_wait3A_411 = tpu.memref_slice %arg4[%mul3A_388] : memref<33554432xf32, #tpu.memory_space<hbm>> -> memref<16384xf32, #tpu.memory_space<hbm>>
    %dma_wait3A_412 = tpu.memref_slice %arg4[%mul3A_388] : memref<33554432xf32, #tpu.memory_space<hbm>> -> memref<16384xf32, #tpu.memory_space<hbm>>
    tpu.wait_dma2 semaphore(%arg14 : memref<!tpu.dma_semaphore, #tpu.memory_space<semaphore_mem>>) src(%arg6 : memref<16384xf32, #tpu.memory_space<vmem>>) dst(%dma_wait3A_412 : memref<16384xf32, #tpu.memory_space<hbm>>)
    %add3A_413 = arith.constant 24576 : i32
    %add3A_414 = arith.addi %add3A_413, %mul3A_2 : i32
    %add3A_415 = arith.constant 64 : i32
    %add3A_416 = arith.addi %add3A_414, %add3A_415 : i32
    %mul3A_417 = arith.constant 1024 : i32
    %mul3A_418 = arith.muli %add3A_416, %mul3A_417 : i32
    %dma_start3A_419 = tpu.memref_slice %arg2[%mul3A_418] : memref<33554432xf32, #tpu.memory_space<hbm>> -> memref<16384xf32, #tpu.memory_space<hbm>>
    %dma_start3A_420 = tpu.memref_slice %arg2[%mul3A_418] : memref<33554432xf32, #tpu.memory_space<hbm>> -> memref<16384xf32, #tpu.memory_space<hbm>>
    tpu.enqueue_dma source(%dma_start3A_420 : memref<16384xf32, #tpu.memory_space<hbm>>) target(%arg6 : memref<16384xf32, #tpu.memory_space<vmem>>) target_semaphore(%arg11 : memref<!tpu.dma_semaphore, #tpu.memory_space<semaphore_mem>>)
    %dma_wait3A_421 = tpu.memref_slice %arg2[%mul3A_398] : memref<33554432xf32, #tpu.memory_space<hbm>> -> memref<16384xf32, #tpu.memory_space<hbm>>
    %dma_wait3A_422 = tpu.memref_slice %arg2[%mul3A_398] : memref<33554432xf32, #tpu.memory_space<hbm>> -> memref<16384xf32, #tpu.memory_space<hbm>>
    tpu.wait_dma2 semaphore(%arg10 : memref<!tpu.dma_semaphore, #tpu.memory_space<semaphore_mem>>) src(%dma_wait3A_422 : memref<16384xf32, #tpu.memory_space<hbm>>) dst(%arg5 : memref<16384xf32, #tpu.memory_space<vmem>>)
    %add3A_423 = arith.constant 16384 : i32
    %add3A_424 = arith.addi %add3A_423, %mul3A_2 : i32
    %add3A_425 = arith.constant 64 : i32
    %add3A_426 = arith.addi %add3A_424, %add3A_425 : i32
    %mul3A_427 = arith.constant 1024 : i32
    %mul3A_428 = arith.muli %add3A_426, %mul3A_427 : i32
    %dma_start3A_429 = tpu.memref_slice %arg4[%mul3A_428] : memref<33554432xf32, #tpu.memory_space<hbm>> -> memref<16384xf32, #tpu.memory_space<hbm>>
    %dma_start3A_430 = tpu.memref_slice %arg4[%mul3A_428] : memref<33554432xf32, #tpu.memory_space<hbm>> -> memref<16384xf32, #tpu.memory_space<hbm>>
    tpu.enqueue_dma source(%arg5 : memref<16384xf32, #tpu.memory_space<vmem>>) target(%dma_start3A_430 : memref<16384xf32, #tpu.memory_space<hbm>>) target_semaphore(%arg13 : memref<!tpu.dma_semaphore, #tpu.memory_space<semaphore_mem>>)
    %dma_wait3A_431 = tpu.memref_slice %arg4[%mul3A_408] : memref<33554432xf32, #tpu.memory_space<hbm>> -> memref<16384xf32, #tpu.memory_space<hbm>>
    %dma_wait3A_432 = tpu.memref_slice %arg4[%mul3A_408] : memref<33554432xf32, #tpu.memory_space<hbm>> -> memref<16384xf32, #tpu.memory_space<hbm>>
    tpu.wait_dma2 semaphore(%arg15 : memref<!tpu.dma_semaphore, #tpu.memory_space<semaphore_mem>>) src(%arg7 : memref<16384xf32, #tpu.memory_space<vmem>>) dst(%dma_wait3A_432 : memref<16384xf32, #tpu.memory_space<hbm>>)
    %add3A_433 = arith.constant 0 : i32
    %add3A_434 = arith.addi %add3A_433, %mul3A_2 : i32
    %add3A_435 = arith.constant 80 : i32
    %add3A_436 = arith.addi %add3A_434, %add3A_435 : i32
    %mul3A_437 = arith.constant 1024 : i32
    %mul3A_438 = arith.muli %add3A_436, %mul3A_437 : i32
    %dma_start3A_439 = tpu.memref_slice %arg2[%mul3A_438] : memref<33554432xf32, #tpu.memory_space<hbm>> -> memref<16384xf32, #tpu.memory_space<hbm>>
    %dma_start3A_440 = tpu.memref_slice %arg2[%mul3A_438] : memref<33554432xf32, #tpu.memory_space<hbm>> -> memref<16384xf32, #tpu.memory_space<hbm>>
    tpu.enqueue_dma source(%dma_start3A_440 : memref<16384xf32, #tpu.memory_space<hbm>>) target(%arg7 : memref<16384xf32, #tpu.memory_space<vmem>>) target_semaphore(%arg12 : memref<!tpu.dma_semaphore, #tpu.memory_space<semaphore_mem>>)
    %dma_wait3A_441 = tpu.memref_slice %arg2[%mul3A_418] : memref<33554432xf32, #tpu.memory_space<hbm>> -> memref<16384xf32, #tpu.memory_space<hbm>>
    %dma_wait3A_442 = tpu.memref_slice %arg2[%mul3A_418] : memref<33554432xf32, #tpu.memory_space<hbm>> -> memref<16384xf32, #tpu.memory_space<hbm>>
    tpu.wait_dma2 semaphore(%arg11 : memref<!tpu.dma_semaphore, #tpu.memory_space<semaphore_mem>>) src(%dma_wait3A_442 : memref<16384xf32, #tpu.memory_space<hbm>>) dst(%arg6 : memref<16384xf32, #tpu.memory_space<vmem>>)
    %add3A_443 = arith.constant 24576 : i32
    %add3A_444 = arith.addi %add3A_443, %mul3A_2 : i32
    %add3A_445 = arith.constant 64 : i32
    %add3A_446 = arith.addi %add3A_444, %add3A_445 : i32
    %mul3A_447 = arith.constant 1024 : i32
    %mul3A_448 = arith.muli %add3A_446, %mul3A_447 : i32
    %dma_start3A_449 = tpu.memref_slice %arg4[%mul3A_448] : memref<33554432xf32, #tpu.memory_space<hbm>> -> memref<16384xf32, #tpu.memory_space<hbm>>
    %dma_start3A_450 = tpu.memref_slice %arg4[%mul3A_448] : memref<33554432xf32, #tpu.memory_space<hbm>> -> memref<16384xf32, #tpu.memory_space<hbm>>
    tpu.enqueue_dma source(%arg6 : memref<16384xf32, #tpu.memory_space<vmem>>) target(%dma_start3A_450 : memref<16384xf32, #tpu.memory_space<hbm>>) target_semaphore(%arg14 : memref<!tpu.dma_semaphore, #tpu.memory_space<semaphore_mem>>)
    %add3A_451 = arith.constant 96 : i32
    %add3A_452 = arith.addi %mul3A_2, %add3A_451 : i32
    %mul3A_453 = arith.constant 1024 : i32
    %mul3A_454 = arith.muli %add3A_452, %mul3A_453 : i32
    %dma_start3A_455 = tpu.memref_slice %arg3[%mul3A_454] : memref<8388608xf32, #tpu.memory_space<hbm>> -> memref<16384xf32, #tpu.memory_space<hbm>>
    %dma_start3A_456 = tpu.memref_slice %arg3[%mul3A_454] : memref<8388608xf32, #tpu.memory_space<hbm>> -> memref<16384xf32, #tpu.memory_space<hbm>>
    tpu.enqueue_dma source(%dma_start3A_456 : memref<16384xf32, #tpu.memory_space<hbm>>) target(%arg8 : memref<16384xf32, #tpu.memory_space<vmem>>) target_semaphore(%arg16 : memref<!tpu.dma_semaphore, #tpu.memory_space<semaphore_mem>>)
    %dma_wait3A_457 = tpu.memref_slice %arg4[%mul3A_428] : memref<33554432xf32, #tpu.memory_space<hbm>> -> memref<16384xf32, #tpu.memory_space<hbm>>
    %dma_wait3A_458 = tpu.memref_slice %arg4[%mul3A_428] : memref<33554432xf32, #tpu.memory_space<hbm>> -> memref<16384xf32, #tpu.memory_space<hbm>>
    tpu.wait_dma2 semaphore(%arg13 : memref<!tpu.dma_semaphore, #tpu.memory_space<semaphore_mem>>) src(%arg5 : memref<16384xf32, #tpu.memory_space<vmem>>) dst(%dma_wait3A_458 : memref<16384xf32, #tpu.memory_space<hbm>>)
    %add3A_459 = arith.constant 8192 : i32
    %add3A_460 = arith.addi %add3A_459, %mul3A_2 : i32
    %add3A_461 = arith.constant 80 : i32
    %add3A_462 = arith.addi %add3A_460, %add3A_461 : i32
    %mul3A_463 = arith.constant 1024 : i32
    %mul3A_464 = arith.muli %add3A_462, %mul3A_463 : i32
    %dma_start3A_465 = tpu.memref_slice %arg2[%mul3A_464] : memref<33554432xf32, #tpu.memory_space<hbm>> -> memref<16384xf32, #tpu.memory_space<hbm>>
    %dma_start3A_466 = tpu.memref_slice %arg2[%mul3A_464] : memref<33554432xf32, #tpu.memory_space<hbm>> -> memref<16384xf32, #tpu.memory_space<hbm>>
    tpu.enqueue_dma source(%dma_start3A_466 : memref<16384xf32, #tpu.memory_space<hbm>>) target(%arg5 : memref<16384xf32, #tpu.memory_space<vmem>>) target_semaphore(%arg10 : memref<!tpu.dma_semaphore, #tpu.memory_space<semaphore_mem>>)
    %dma_wait3A_467 = tpu.memref_slice %arg2[%mul3A_438] : memref<33554432xf32, #tpu.memory_space<hbm>> -> memref<16384xf32, #tpu.memory_space<hbm>>
    %dma_wait3A_468 = tpu.memref_slice %arg2[%mul3A_438] : memref<33554432xf32, #tpu.memory_space<hbm>> -> memref<16384xf32, #tpu.memory_space<hbm>>
    tpu.wait_dma2 semaphore(%arg12 : memref<!tpu.dma_semaphore, #tpu.memory_space<semaphore_mem>>) src(%dma_wait3A_468 : memref<16384xf32, #tpu.memory_space<hbm>>) dst(%arg7 : memref<16384xf32, #tpu.memory_space<vmem>>)
    %dma_wait3A_469 = tpu.memref_slice %arg3[%mul3A_366] : memref<8388608xf32, #tpu.memory_space<hbm>> -> memref<16384xf32, #tpu.memory_space<hbm>>
    %dma_wait3A_470 = tpu.memref_slice %arg3[%mul3A_366] : memref<8388608xf32, #tpu.memory_space<hbm>> -> memref<16384xf32, #tpu.memory_space<hbm>>
    tpu.wait_dma2 semaphore(%arg17 : memref<!tpu.dma_semaphore, #tpu.memory_space<semaphore_mem>>) src(%dma_wait3A_470 : memref<16384xf32, #tpu.memory_space<hbm>>) dst(%arg9 : memref<16384xf32, #tpu.memory_space<vmem>>)
    %add3A_471 = arith.constant 0 : i32
    %add3A_472 = arith.addi %add3A_471, %mul3A_2 : i32
    %add3A_473 = arith.constant 80 : i32
    %add3A_474 = arith.addi %add3A_472, %add3A_473 : i32
    %mul3A_475 = arith.constant 1024 : i32
    %mul3A_476 = arith.muli %add3A_474, %mul3A_475 : i32
    %dma_start3A_477 = tpu.memref_slice %arg4[%mul3A_476] : memref<33554432xf32, #tpu.memory_space<hbm>> -> memref<16384xf32, #tpu.memory_space<hbm>>
    %dma_start3A_478 = tpu.memref_slice %arg4[%mul3A_476] : memref<33554432xf32, #tpu.memory_space<hbm>> -> memref<16384xf32, #tpu.memory_space<hbm>>
    tpu.enqueue_dma source(%arg7 : memref<16384xf32, #tpu.memory_space<vmem>>) target(%dma_start3A_478 : memref<16384xf32, #tpu.memory_space<hbm>>) target_semaphore(%arg15 : memref<!tpu.dma_semaphore, #tpu.memory_space<semaphore_mem>>)
    %dma_wait3A_479 = tpu.memref_slice %arg4[%mul3A_448] : memref<33554432xf32, #tpu.memory_space<hbm>> -> memref<16384xf32, #tpu.memory_space<hbm>>
    %dma_wait3A_480 = tpu.memref_slice %arg4[%mul3A_448] : memref<33554432xf32, #tpu.memory_space<hbm>> -> memref<16384xf32, #tpu.memory_space<hbm>>
    tpu.wait_dma2 semaphore(%arg14 : memref<!tpu.dma_semaphore, #tpu.memory_space<semaphore_mem>>) src(%arg6 : memref<16384xf32, #tpu.memory_space<vmem>>) dst(%dma_wait3A_480 : memref<16384xf32, #tpu.memory_space<hbm>>)
    %add3A_481 = arith.constant 16384 : i32
    %add3A_482 = arith.addi %add3A_481, %mul3A_2 : i32
    %add3A_483 = arith.constant 80 : i32
    %add3A_484 = arith.addi %add3A_482, %add3A_483 : i32
    %mul3A_485 = arith.constant 1024 : i32
    %mul3A_486 = arith.muli %add3A_484, %mul3A_485 : i32
    %dma_start3A_487 = tpu.memref_slice %arg2[%mul3A_486] : memref<33554432xf32, #tpu.memory_space<hbm>> -> memref<16384xf32, #tpu.memory_space<hbm>>
    %dma_start3A_488 = tpu.memref_slice %arg2[%mul3A_486] : memref<33554432xf32, #tpu.memory_space<hbm>> -> memref<16384xf32, #tpu.memory_space<hbm>>
    tpu.enqueue_dma source(%dma_start3A_488 : memref<16384xf32, #tpu.memory_space<hbm>>) target(%arg6 : memref<16384xf32, #tpu.memory_space<vmem>>) target_semaphore(%arg11 : memref<!tpu.dma_semaphore, #tpu.memory_space<semaphore_mem>>)
    %dma_wait3A_489 = tpu.memref_slice %arg2[%mul3A_464] : memref<33554432xf32, #tpu.memory_space<hbm>> -> memref<16384xf32, #tpu.memory_space<hbm>>
    %dma_wait3A_490 = tpu.memref_slice %arg2[%mul3A_464] : memref<33554432xf32, #tpu.memory_space<hbm>> -> memref<16384xf32, #tpu.memory_space<hbm>>
    tpu.wait_dma2 semaphore(%arg10 : memref<!tpu.dma_semaphore, #tpu.memory_space<semaphore_mem>>) src(%dma_wait3A_490 : memref<16384xf32, #tpu.memory_space<hbm>>) dst(%arg5 : memref<16384xf32, #tpu.memory_space<vmem>>)
    %add3A_491 = arith.constant 8192 : i32
    %add3A_492 = arith.addi %add3A_491, %mul3A_2 : i32
    %add3A_493 = arith.constant 80 : i32
    %add3A_494 = arith.addi %add3A_492, %add3A_493 : i32
    %mul3A_495 = arith.constant 1024 : i32
    %mul3A_496 = arith.muli %add3A_494, %mul3A_495 : i32
    %dma_start3A_497 = tpu.memref_slice %arg4[%mul3A_496] : memref<33554432xf32, #tpu.memory_space<hbm>> -> memref<16384xf32, #tpu.memory_space<hbm>>
    %dma_start3A_498 = tpu.memref_slice %arg4[%mul3A_496] : memref<33554432xf32, #tpu.memory_space<hbm>> -> memref<16384xf32, #tpu.memory_space<hbm>>
    tpu.enqueue_dma source(%arg5 : memref<16384xf32, #tpu.memory_space<vmem>>) target(%dma_start3A_498 : memref<16384xf32, #tpu.memory_space<hbm>>) target_semaphore(%arg13 : memref<!tpu.dma_semaphore, #tpu.memory_space<semaphore_mem>>)
    %dma_wait3A_499 = tpu.memref_slice %arg4[%mul3A_476] : memref<33554432xf32, #tpu.memory_space<hbm>> -> memref<16384xf32, #tpu.memory_space<hbm>>
    %dma_wait3A_500 = tpu.memref_slice %arg4[%mul3A_476] : memref<33554432xf32, #tpu.memory_space<hbm>> -> memref<16384xf32, #tpu.memory_space<hbm>>
    tpu.wait_dma2 semaphore(%arg15 : memref<!tpu.dma_semaphore, #tpu.memory_space<semaphore_mem>>) src(%arg7 : memref<16384xf32, #tpu.memory_space<vmem>>) dst(%dma_wait3A_500 : memref<16384xf32, #tpu.memory_space<hbm>>)
    %add3A_501 = arith.constant 24576 : i32
    %add3A_502 = arith.addi %add3A_501, %mul3A_2 : i32
    %add3A_503 = arith.constant 80 : i32
    %add3A_504 = arith.addi %add3A_502, %add3A_503 : i32
    %mul3A_505 = arith.constant 1024 : i32
    %mul3A_506 = arith.muli %add3A_504, %mul3A_505 : i32
    %dma_start3A_507 = tpu.memref_slice %arg2[%mul3A_506] : memref<33554432xf32, #tpu.memory_space<hbm>> -> memref<16384xf32, #tpu.memory_space<hbm>>
    %dma_start3A_508 = tpu.memref_slice %arg2[%mul3A_506] : memref<33554432xf32, #tpu.memory_space<hbm>> -> memref<16384xf32, #tpu.memory_space<hbm>>
    tpu.enqueue_dma source(%dma_start3A_508 : memref<16384xf32, #tpu.memory_space<hbm>>) target(%arg7 : memref<16384xf32, #tpu.memory_space<vmem>>) target_semaphore(%arg12 : memref<!tpu.dma_semaphore, #tpu.memory_space<semaphore_mem>>)
    %dma_wait3A_509 = tpu.memref_slice %arg2[%mul3A_486] : memref<33554432xf32, #tpu.memory_space<hbm>> -> memref<16384xf32, #tpu.memory_space<hbm>>
    %dma_wait3A_510 = tpu.memref_slice %arg2[%mul3A_486] : memref<33554432xf32, #tpu.memory_space<hbm>> -> memref<16384xf32, #tpu.memory_space<hbm>>
    tpu.wait_dma2 semaphore(%arg11 : memref<!tpu.dma_semaphore, #tpu.memory_space<semaphore_mem>>) src(%dma_wait3A_510 : memref<16384xf32, #tpu.memory_space<hbm>>) dst(%arg6 : memref<16384xf32, #tpu.memory_space<vmem>>)
    %add3A_511 = arith.constant 16384 : i32
    %add3A_512 = arith.addi %add3A_511, %mul3A_2 : i32
    %add3A_513 = arith.constant 80 : i32
    %add3A_514 = arith.addi %add3A_512, %add3A_513 : i32
    %mul3A_515 = arith.constant 1024 : i32
    %mul3A_516 = arith.muli %add3A_514, %mul3A_515 : i32
    %dma_start3A_517 = tpu.memref_slice %arg4[%mul3A_516] : memref<33554432xf32, #tpu.memory_space<hbm>> -> memref<16384xf32, #tpu.memory_space<hbm>>
    %dma_start3A_518 = tpu.memref_slice %arg4[%mul3A_516] : memref<33554432xf32, #tpu.memory_space<hbm>> -> memref<16384xf32, #tpu.memory_space<hbm>>
    tpu.enqueue_dma source(%arg6 : memref<16384xf32, #tpu.memory_space<vmem>>) target(%dma_start3A_518 : memref<16384xf32, #tpu.memory_space<hbm>>) target_semaphore(%arg14 : memref<!tpu.dma_semaphore, #tpu.memory_space<semaphore_mem>>)
    %dma_wait3A_519 = tpu.memref_slice %arg4[%mul3A_496] : memref<33554432xf32, #tpu.memory_space<hbm>> -> memref<16384xf32, #tpu.memory_space<hbm>>
    %dma_wait3A_520 = tpu.memref_slice %arg4[%mul3A_496] : memref<33554432xf32, #tpu.memory_space<hbm>> -> memref<16384xf32, #tpu.memory_space<hbm>>
    tpu.wait_dma2 semaphore(%arg13 : memref<!tpu.dma_semaphore, #tpu.memory_space<semaphore_mem>>) src(%arg5 : memref<16384xf32, #tpu.memory_space<vmem>>) dst(%dma_wait3A_520 : memref<16384xf32, #tpu.memory_space<hbm>>)
    %add3A_521 = arith.constant 0 : i32
    %add3A_522 = arith.addi %add3A_521, %mul3A_2 : i32
    %add3A_523 = arith.constant 96 : i32
    %add3A_524 = arith.addi %add3A_522, %add3A_523 : i32
    %mul3A_525 = arith.constant 1024 : i32
    %mul3A_526 = arith.muli %add3A_524, %mul3A_525 : i32
    %dma_start3A_527 = tpu.memref_slice %arg2[%mul3A_526] : memref<33554432xf32, #tpu.memory_space<hbm>> -> memref<16384xf32, #tpu.memory_space<hbm>>
    %dma_start3A_528 = tpu.memref_slice %arg2[%mul3A_526] : memref<33554432xf32, #tpu.memory_space<hbm>> -> memref<16384xf32, #tpu.memory_space<hbm>>
    tpu.enqueue_dma source(%dma_start3A_528 : memref<16384xf32, #tpu.memory_space<hbm>>) target(%arg5 : memref<16384xf32, #tpu.memory_space<vmem>>) target_semaphore(%arg10 : memref<!tpu.dma_semaphore, #tpu.memory_space<semaphore_mem>>)
    %dma_wait3A_529 = tpu.memref_slice %arg2[%mul3A_506] : memref<33554432xf32, #tpu.memory_space<hbm>> -> memref<16384xf32, #tpu.memory_space<hbm>>
    %dma_wait3A_530 = tpu.memref_slice %arg2[%mul3A_506] : memref<33554432xf32, #tpu.memory_space<hbm>> -> memref<16384xf32, #tpu.memory_space<hbm>>
    tpu.wait_dma2 semaphore(%arg12 : memref<!tpu.dma_semaphore, #tpu.memory_space<semaphore_mem>>) src(%dma_wait3A_530 : memref<16384xf32, #tpu.memory_space<hbm>>) dst(%arg7 : memref<16384xf32, #tpu.memory_space<vmem>>)
    %add3A_531 = arith.constant 24576 : i32
    %add3A_532 = arith.addi %add3A_531, %mul3A_2 : i32
    %add3A_533 = arith.constant 80 : i32
    %add3A_534 = arith.addi %add3A_532, %add3A_533 : i32
    %mul3A_535 = arith.constant 1024 : i32
    %mul3A_536 = arith.muli %add3A_534, %mul3A_535 : i32
    %dma_start3A_537 = tpu.memref_slice %arg4[%mul3A_536] : memref<33554432xf32, #tpu.memory_space<hbm>> -> memref<16384xf32, #tpu.memory_space<hbm>>
    %dma_start3A_538 = tpu.memref_slice %arg4[%mul3A_536] : memref<33554432xf32, #tpu.memory_space<hbm>> -> memref<16384xf32, #tpu.memory_space<hbm>>
    tpu.enqueue_dma source(%arg7 : memref<16384xf32, #tpu.memory_space<vmem>>) target(%dma_start3A_538 : memref<16384xf32, #tpu.memory_space<hbm>>) target_semaphore(%arg15 : memref<!tpu.dma_semaphore, #tpu.memory_space<semaphore_mem>>)
    %add3A_539 = arith.constant 112 : i32
    %add3A_540 = arith.addi %mul3A_2, %add3A_539 : i32
    %mul3A_541 = arith.constant 1024 : i32
    %mul3A_542 = arith.muli %add3A_540, %mul3A_541 : i32
    %dma_start3A_543 = tpu.memref_slice %arg3[%mul3A_542] : memref<8388608xf32, #tpu.memory_space<hbm>> -> memref<16384xf32, #tpu.memory_space<hbm>>
    %dma_start3A_544 = tpu.memref_slice %arg3[%mul3A_542] : memref<8388608xf32, #tpu.memory_space<hbm>> -> memref<16384xf32, #tpu.memory_space<hbm>>
    tpu.enqueue_dma source(%dma_start3A_544 : memref<16384xf32, #tpu.memory_space<hbm>>) target(%arg9 : memref<16384xf32, #tpu.memory_space<vmem>>) target_semaphore(%arg17 : memref<!tpu.dma_semaphore, #tpu.memory_space<semaphore_mem>>)
    %dma_wait3A_545 = tpu.memref_slice %arg4[%mul3A_516] : memref<33554432xf32, #tpu.memory_space<hbm>> -> memref<16384xf32, #tpu.memory_space<hbm>>
    %dma_wait3A_546 = tpu.memref_slice %arg4[%mul3A_516] : memref<33554432xf32, #tpu.memory_space<hbm>> -> memref<16384xf32, #tpu.memory_space<hbm>>
    tpu.wait_dma2 semaphore(%arg14 : memref<!tpu.dma_semaphore, #tpu.memory_space<semaphore_mem>>) src(%arg6 : memref<16384xf32, #tpu.memory_space<vmem>>) dst(%dma_wait3A_546 : memref<16384xf32, #tpu.memory_space<hbm>>)
    %add3A_547 = arith.constant 8192 : i32
    %add3A_548 = arith.addi %add3A_547, %mul3A_2 : i32
    %add3A_549 = arith.constant 96 : i32
    %add3A_550 = arith.addi %add3A_548, %add3A_549 : i32
    %mul3A_551 = arith.constant 1024 : i32
    %mul3A_552 = arith.muli %add3A_550, %mul3A_551 : i32
    %dma_start3A_553 = tpu.memref_slice %arg2[%mul3A_552] : memref<33554432xf32, #tpu.memory_space<hbm>> -> memref<16384xf32, #tpu.memory_space<hbm>>
    %dma_start3A_554 = tpu.memref_slice %arg2[%mul3A_552] : memref<33554432xf32, #tpu.memory_space<hbm>> -> memref<16384xf32, #tpu.memory_space<hbm>>
    tpu.enqueue_dma source(%dma_start3A_554 : memref<16384xf32, #tpu.memory_space<hbm>>) target(%arg6 : memref<16384xf32, #tpu.memory_space<vmem>>) target_semaphore(%arg11 : memref<!tpu.dma_semaphore, #tpu.memory_space<semaphore_mem>>)
    %dma_wait3A_555 = tpu.memref_slice %arg2[%mul3A_526] : memref<33554432xf32, #tpu.memory_space<hbm>> -> memref<16384xf32, #tpu.memory_space<hbm>>
    %dma_wait3A_556 = tpu.memref_slice %arg2[%mul3A_526] : memref<33554432xf32, #tpu.memory_space<hbm>> -> memref<16384xf32, #tpu.memory_space<hbm>>
    tpu.wait_dma2 semaphore(%arg10 : memref<!tpu.dma_semaphore, #tpu.memory_space<semaphore_mem>>) src(%dma_wait3A_556 : memref<16384xf32, #tpu.memory_space<hbm>>) dst(%arg5 : memref<16384xf32, #tpu.memory_space<vmem>>)
    %dma_wait3A_557 = tpu.memref_slice %arg3[%mul3A_454] : memref<8388608xf32, #tpu.memory_space<hbm>> -> memref<16384xf32, #tpu.memory_space<hbm>>
    %dma_wait3A_558 = tpu.memref_slice %arg3[%mul3A_454] : memref<8388608xf32, #tpu.memory_space<hbm>> -> memref<16384xf32, #tpu.memory_space<hbm>>
    tpu.wait_dma2 semaphore(%arg16 : memref<!tpu.dma_semaphore, #tpu.memory_space<semaphore_mem>>) src(%dma_wait3A_558 : memref<16384xf32, #tpu.memory_space<hbm>>) dst(%arg8 : memref<16384xf32, #tpu.memory_space<vmem>>)
    %add3A_559 = arith.constant 0 : i32
    %add3A_560 = arith.addi %add3A_559, %mul3A_2 : i32
    %add3A_561 = arith.constant 96 : i32
    %add3A_562 = arith.addi %add3A_560, %add3A_561 : i32
    %mul3A_563 = arith.constant 1024 : i32
    %mul3A_564 = arith.muli %add3A_562, %mul3A_563 : i32
    %dma_start3A_565 = tpu.memref_slice %arg4[%mul3A_564] : memref<33554432xf32, #tpu.memory_space<hbm>> -> memref<16384xf32, #tpu.memory_space<hbm>>
    %dma_start3A_566 = tpu.memref_slice %arg4[%mul3A_564] : memref<33554432xf32, #tpu.memory_space<hbm>> -> memref<16384xf32, #tpu.memory_space<hbm>>
    tpu.enqueue_dma source(%arg5 : memref<16384xf32, #tpu.memory_space<vmem>>) target(%dma_start3A_566 : memref<16384xf32, #tpu.memory_space<hbm>>) target_semaphore(%arg13 : memref<!tpu.dma_semaphore, #tpu.memory_space<semaphore_mem>>)
    %dma_wait3A_567 = tpu.memref_slice %arg4[%mul3A_536] : memref<33554432xf32, #tpu.memory_space<hbm>> -> memref<16384xf32, #tpu.memory_space<hbm>>
    %dma_wait3A_568 = tpu.memref_slice %arg4[%mul3A_536] : memref<33554432xf32, #tpu.memory_space<hbm>> -> memref<16384xf32, #tpu.memory_space<hbm>>
    tpu.wait_dma2 semaphore(%arg15 : memref<!tpu.dma_semaphore, #tpu.memory_space<semaphore_mem>>) src(%arg7 : memref<16384xf32, #tpu.memory_space<vmem>>) dst(%dma_wait3A_568 : memref<16384xf32, #tpu.memory_space<hbm>>)
    %add3A_569 = arith.constant 16384 : i32
    %add3A_570 = arith.addi %add3A_569, %mul3A_2 : i32
    %add3A_571 = arith.constant 96 : i32
    %add3A_572 = arith.addi %add3A_570, %add3A_571 : i32
    %mul3A_573 = arith.constant 1024 : i32
    %mul3A_574 = arith.muli %add3A_572, %mul3A_573 : i32
    %dma_start3A_575 = tpu.memref_slice %arg2[%mul3A_574] : memref<33554432xf32, #tpu.memory_space<hbm>> -> memref<16384xf32, #tpu.memory_space<hbm>>
    %dma_start3A_576 = tpu.memref_slice %arg2[%mul3A_574] : memref<33554432xf32, #tpu.memory_space<hbm>> -> memref<16384xf32, #tpu.memory_space<hbm>>
    tpu.enqueue_dma source(%dma_start3A_576 : memref<16384xf32, #tpu.memory_space<hbm>>) target(%arg7 : memref<16384xf32, #tpu.memory_space<vmem>>) target_semaphore(%arg12 : memref<!tpu.dma_semaphore, #tpu.memory_space<semaphore_mem>>)
    %dma_wait3A_577 = tpu.memref_slice %arg2[%mul3A_552] : memref<33554432xf32, #tpu.memory_space<hbm>> -> memref<16384xf32, #tpu.memory_space<hbm>>
    %dma_wait3A_578 = tpu.memref_slice %arg2[%mul3A_552] : memref<33554432xf32, #tpu.memory_space<hbm>> -> memref<16384xf32, #tpu.memory_space<hbm>>
    tpu.wait_dma2 semaphore(%arg11 : memref<!tpu.dma_semaphore, #tpu.memory_space<semaphore_mem>>) src(%dma_wait3A_578 : memref<16384xf32, #tpu.memory_space<hbm>>) dst(%arg6 : memref<16384xf32, #tpu.memory_space<vmem>>)
    %add3A_579 = arith.constant 8192 : i32
    %add3A_580 = arith.addi %add3A_579, %mul3A_2 : i32
    %add3A_581 = arith.constant 96 : i32
    %add3A_582 = arith.addi %add3A_580, %add3A_581 : i32
    %mul3A_583 = arith.constant 1024 : i32
    %mul3A_584 = arith.muli %add3A_582, %mul3A_583 : i32
    %dma_start3A_585 = tpu.memref_slice %arg4[%mul3A_584] : memref<33554432xf32, #tpu.memory_space<hbm>> -> memref<16384xf32, #tpu.memory_space<hbm>>
    %dma_start3A_586 = tpu.memref_slice %arg4[%mul3A_584] : memref<33554432xf32, #tpu.memory_space<hbm>> -> memref<16384xf32, #tpu.memory_space<hbm>>
    tpu.enqueue_dma source(%arg6 : memref<16384xf32, #tpu.memory_space<vmem>>) target(%dma_start3A_586 : memref<16384xf32, #tpu.memory_space<hbm>>) target_semaphore(%arg14 : memref<!tpu.dma_semaphore, #tpu.memory_space<semaphore_mem>>)
    %dma_wait3A_587 = tpu.memref_slice %arg4[%mul3A_564] : memref<33554432xf32, #tpu.memory_space<hbm>> -> memref<16384xf32, #tpu.memory_space<hbm>>
    %dma_wait3A_588 = tpu.memref_slice %arg4[%mul3A_564] : memref<33554432xf32, #tpu.memory_space<hbm>> -> memref<16384xf32, #tpu.memory_space<hbm>>
    tpu.wait_dma2 semaphore(%arg13 : memref<!tpu.dma_semaphore, #tpu.memory_space<semaphore_mem>>) src(%arg5 : memref<16384xf32, #tpu.memory_space<vmem>>) dst(%dma_wait3A_588 : memref<16384xf32, #tpu.memory_space<hbm>>)
    %add3A_589 = arith.constant 24576 : i32
    %add3A_590 = arith.addi %add3A_589, %mul3A_2 : i32
    %add3A_591 = arith.constant 96 : i32
    %add3A_592 = arith.addi %add3A_590, %add3A_591 : i32
    %mul3A_593 = arith.constant 1024 : i32
    %mul3A_594 = arith.muli %add3A_592, %mul3A_593 : i32
    %dma_start3A_595 = tpu.memref_slice %arg2[%mul3A_594] : memref<33554432xf32, #tpu.memory_space<hbm>> -> memref<16384xf32, #tpu.memory_space<hbm>>
    %dma_start3A_596 = tpu.memref_slice %arg2[%mul3A_594] : memref<33554432xf32, #tpu.memory_space<hbm>> -> memref<16384xf32, #tpu.memory_space<hbm>>
    tpu.enqueue_dma source(%dma_start3A_596 : memref<16384xf32, #tpu.memory_space<hbm>>) target(%arg5 : memref<16384xf32, #tpu.memory_space<vmem>>) target_semaphore(%arg10 : memref<!tpu.dma_semaphore, #tpu.memory_space<semaphore_mem>>)
    %dma_wait3A_597 = tpu.memref_slice %arg2[%mul3A_574] : memref<33554432xf32, #tpu.memory_space<hbm>> -> memref<16384xf32, #tpu.memory_space<hbm>>
    %dma_wait3A_598 = tpu.memref_slice %arg2[%mul3A_574] : memref<33554432xf32, #tpu.memory_space<hbm>> -> memref<16384xf32, #tpu.memory_space<hbm>>
    tpu.wait_dma2 semaphore(%arg12 : memref<!tpu.dma_semaphore, #tpu.memory_space<semaphore_mem>>) src(%dma_wait3A_598 : memref<16384xf32, #tpu.memory_space<hbm>>) dst(%arg7 : memref<16384xf32, #tpu.memory_space<vmem>>)
    %add3A_599 = arith.constant 16384 : i32
    %add3A_600 = arith.addi %add3A_599, %mul3A_2 : i32
    %add3A_601 = arith.constant 96 : i32
    %add3A_602 = arith.addi %add3A_600, %add3A_601 : i32
    %mul3A_603 = arith.constant 1024 : i32
    %mul3A_604 = arith.muli %add3A_602, %mul3A_603 : i32
    %dma_start3A_605 = tpu.memref_slice %arg4[%mul3A_604] : memref<33554432xf32, #tpu.memory_space<hbm>> -> memref<16384xf32, #tpu.memory_space<hbm>>
    %dma_start3A_606 = tpu.memref_slice %arg4[%mul3A_604] : memref<33554432xf32, #tpu.memory_space<hbm>> -> memref<16384xf32, #tpu.memory_space<hbm>>
    tpu.enqueue_dma source(%arg7 : memref<16384xf32, #tpu.memory_space<vmem>>) target(%dma_start3A_606 : memref<16384xf32, #tpu.memory_space<hbm>>) target_semaphore(%arg15 : memref<!tpu.dma_semaphore, #tpu.memory_space<semaphore_mem>>)
    %dma_wait3A_607 = tpu.memref_slice %arg4[%mul3A_584] : memref<33554432xf32, #tpu.memory_space<hbm>> -> memref<16384xf32, #tpu.memory_space<hbm>>
    %dma_wait3A_608 = tpu.memref_slice %arg4[%mul3A_584] : memref<33554432xf32, #tpu.memory_space<hbm>> -> memref<16384xf32, #tpu.memory_space<hbm>>
    tpu.wait_dma2 semaphore(%arg14 : memref<!tpu.dma_semaphore, #tpu.memory_space<semaphore_mem>>) src(%arg6 : memref<16384xf32, #tpu.memory_space<vmem>>) dst(%dma_wait3A_608 : memref<16384xf32, #tpu.memory_space<hbm>>)
    %add3A_609 = arith.constant 0 : i32
    %add3A_610 = arith.addi %add3A_609, %mul3A_2 : i32
    %add3A_611 = arith.constant 112 : i32
    %add3A_612 = arith.addi %add3A_610, %add3A_611 : i32
    %mul3A_613 = arith.constant 1024 : i32
    %mul3A_614 = arith.muli %add3A_612, %mul3A_613 : i32
    %dma_start3A_615 = tpu.memref_slice %arg2[%mul3A_614] : memref<33554432xf32, #tpu.memory_space<hbm>> -> memref<16384xf32, #tpu.memory_space<hbm>>
    %dma_start3A_616 = tpu.memref_slice %arg2[%mul3A_614] : memref<33554432xf32, #tpu.memory_space<hbm>> -> memref<16384xf32, #tpu.memory_space<hbm>>
    tpu.enqueue_dma source(%dma_start3A_616 : memref<16384xf32, #tpu.memory_space<hbm>>) target(%arg6 : memref<16384xf32, #tpu.memory_space<vmem>>) target_semaphore(%arg11 : memref<!tpu.dma_semaphore, #tpu.memory_space<semaphore_mem>>)
    %dma_wait3A_617 = tpu.memref_slice %arg2[%mul3A_594] : memref<33554432xf32, #tpu.memory_space<hbm>> -> memref<16384xf32, #tpu.memory_space<hbm>>
    %dma_wait3A_618 = tpu.memref_slice %arg2[%mul3A_594] : memref<33554432xf32, #tpu.memory_space<hbm>> -> memref<16384xf32, #tpu.memory_space<hbm>>
    tpu.wait_dma2 semaphore(%arg10 : memref<!tpu.dma_semaphore, #tpu.memory_space<semaphore_mem>>) src(%dma_wait3A_618 : memref<16384xf32, #tpu.memory_space<hbm>>) dst(%arg5 : memref<16384xf32, #tpu.memory_space<vmem>>)
    %add3A_619 = arith.constant 24576 : i32
    %add3A_620 = arith.addi %add3A_619, %mul3A_2 : i32
    %add3A_621 = arith.constant 96 : i32
    %add3A_622 = arith.addi %add3A_620, %add3A_621 : i32
    %mul3A_623 = arith.constant 1024 : i32
    %mul3A_624 = arith.muli %add3A_622, %mul3A_623 : i32
    %dma_start3A_625 = tpu.memref_slice %arg4[%mul3A_624] : memref<33554432xf32, #tpu.memory_space<hbm>> -> memref<16384xf32, #tpu.memory_space<hbm>>
    %dma_start3A_626 = tpu.memref_slice %arg4[%mul3A_624] : memref<33554432xf32, #tpu.memory_space<hbm>> -> memref<16384xf32, #tpu.memory_space<hbm>>
    tpu.enqueue_dma source(%arg5 : memref<16384xf32, #tpu.memory_space<vmem>>) target(%dma_start3A_626 : memref<16384xf32, #tpu.memory_space<hbm>>) target_semaphore(%arg13 : memref<!tpu.dma_semaphore, #tpu.memory_space<semaphore_mem>>)
    %add3A_627 = arith.constant 128 : i32
    %add3A_628 = arith.addi %mul3A_2, %add3A_627 : i32
    %mul3A_629 = arith.constant 1024 : i32
    %mul3A_630 = arith.muli %add3A_628, %mul3A_629 : i32
    %dma_start3A_631 = tpu.memref_slice %arg3[%mul3A_630] : memref<8388608xf32, #tpu.memory_space<hbm>> -> memref<16384xf32, #tpu.memory_space<hbm>>
    %dma_start3A_632 = tpu.memref_slice %arg3[%mul3A_630] : memref<8388608xf32, #tpu.memory_space<hbm>> -> memref<16384xf32, #tpu.memory_space<hbm>>
    tpu.enqueue_dma source(%dma_start3A_632 : memref<16384xf32, #tpu.memory_space<hbm>>) target(%arg8 : memref<16384xf32, #tpu.memory_space<vmem>>) target_semaphore(%arg16 : memref<!tpu.dma_semaphore, #tpu.memory_space<semaphore_mem>>)
    %dma_wait3A_633 = tpu.memref_slice %arg4[%mul3A_604] : memref<33554432xf32, #tpu.memory_space<hbm>> -> memref<16384xf32, #tpu.memory_space<hbm>>
    %dma_wait3A_634 = tpu.memref_slice %arg4[%mul3A_604] : memref<33554432xf32, #tpu.memory_space<hbm>> -> memref<16384xf32, #tpu.memory_space<hbm>>
    tpu.wait_dma2 semaphore(%arg15 : memref<!tpu.dma_semaphore, #tpu.memory_space<semaphore_mem>>) src(%arg7 : memref<16384xf32, #tpu.memory_space<vmem>>) dst(%dma_wait3A_634 : memref<16384xf32, #tpu.memory_space<hbm>>)
    %add3A_635 = arith.constant 8192 : i32
    %add3A_636 = arith.addi %add3A_635, %mul3A_2 : i32
    %add3A_637 = arith.constant 112 : i32
    %add3A_638 = arith.addi %add3A_636, %add3A_637 : i32
    %mul3A_639 = arith.constant 1024 : i32
    %mul3A_640 = arith.muli %add3A_638, %mul3A_639 : i32
    %dma_start3A_641 = tpu.memref_slice %arg2[%mul3A_640] : memref<33554432xf32, #tpu.memory_space<hbm>> -> memref<16384xf32, #tpu.memory_space<hbm>>
    %dma_start3A_642 = tpu.memref_slice %arg2[%mul3A_640] : memref<33554432xf32, #tpu.memory_space<hbm>> -> memref<16384xf32, #tpu.memory_space<hbm>>
    tpu.enqueue_dma source(%dma_start3A_642 : memref<16384xf32, #tpu.memory_space<hbm>>) target(%arg7 : memref<16384xf32, #tpu.memory_space<vmem>>) target_semaphore(%arg12 : memref<!tpu.dma_semaphore, #tpu.memory_space<semaphore_mem>>)
    %dma_wait3A_643 = tpu.memref_slice %arg2[%mul3A_614] : memref<33554432xf32, #tpu.memory_space<hbm>> -> memref<16384xf32, #tpu.memory_space<hbm>>
    %dma_wait3A_644 = tpu.memref_slice %arg2[%mul3A_614] : memref<33554432xf32, #tpu.memory_space<hbm>> -> memref<16384xf32, #tpu.memory_space<hbm>>
    tpu.wait_dma2 semaphore(%arg11 : memref<!tpu.dma_semaphore, #tpu.memory_space<semaphore_mem>>) src(%dma_wait3A_644 : memref<16384xf32, #tpu.memory_space<hbm>>) dst(%arg6 : memref<16384xf32, #tpu.memory_space<vmem>>)
    %dma_wait3A_645 = tpu.memref_slice %arg3[%mul3A_542] : memref<8388608xf32, #tpu.memory_space<hbm>> -> memref<16384xf32, #tpu.memory_space<hbm>>
    %dma_wait3A_646 = tpu.memref_slice %arg3[%mul3A_542] : memref<8388608xf32, #tpu.memory_space<hbm>> -> memref<16384xf32, #tpu.memory_space<hbm>>
    tpu.wait_dma2 semaphore(%arg17 : memref<!tpu.dma_semaphore, #tpu.memory_space<semaphore_mem>>) src(%dma_wait3A_646 : memref<16384xf32, #tpu.memory_space<hbm>>) dst(%arg9 : memref<16384xf32, #tpu.memory_space<vmem>>)
    %add3A_647 = arith.constant 0 : i32
    %add3A_648 = arith.addi %add3A_647, %mul3A_2 : i32
    %add3A_649 = arith.constant 112 : i32
    %add3A_650 = arith.addi %add3A_648, %add3A_649 : i32
    %mul3A_651 = arith.constant 1024 : i32
    %mul3A_652 = arith.muli %add3A_650, %mul3A_651 : i32
    %dma_start3A_653 = tpu.memref_slice %arg4[%mul3A_652] : memref<33554432xf32, #tpu.memory_space<hbm>> -> memref<16384xf32, #tpu.memory_space<hbm>>
    %dma_start3A_654 = tpu.memref_slice %arg4[%mul3A_652] : memref<33554432xf32, #tpu.memory_space<hbm>> -> memref<16384xf32, #tpu.memory_space<hbm>>
    tpu.enqueue_dma source(%arg6 : memref<16384xf32, #tpu.memory_space<vmem>>) target(%dma_start3A_654 : memref<16384xf32, #tpu.memory_space<hbm>>) target_semaphore(%arg14 : memref<!tpu.dma_semaphore, #tpu.memory_space<semaphore_mem>>)
    %dma_wait3A_655 = tpu.memref_slice %arg4[%mul3A_624] : memref<33554432xf32, #tpu.memory_space<hbm>> -> memref<16384xf32, #tpu.memory_space<hbm>>
    %dma_wait3A_656 = tpu.memref_slice %arg4[%mul3A_624] : memref<33554432xf32, #tpu.memory_space<hbm>> -> memref<16384xf32, #tpu.memory_space<hbm>>
    tpu.wait_dma2 semaphore(%arg13 : memref<!tpu.dma_semaphore, #tpu.memory_space<semaphore_mem>>) src(%arg5 : memref<16384xf32, #tpu.memory_space<vmem>>) dst(%dma_wait3A_656 : memref<16384xf32, #tpu.memory_space<hbm>>)
    %add3A_657 = arith.constant 16384 : i32
    %add3A_658 = arith.addi %add3A_657, %mul3A_2 : i32
    %add3A_659 = arith.constant 112 : i32
    %add3A_660 = arith.addi %add3A_658, %add3A_659 : i32
    %mul3A_661 = arith.constant 1024 : i32
    %mul3A_662 = arith.muli %add3A_660, %mul3A_661 : i32
    %dma_start3A_663 = tpu.memref_slice %arg2[%mul3A_662] : memref<33554432xf32, #tpu.memory_space<hbm>> -> memref<16384xf32, #tpu.memory_space<hbm>>
    %dma_start3A_664 = tpu.memref_slice %arg2[%mul3A_662] : memref<33554432xf32, #tpu.memory_space<hbm>> -> memref<16384xf32, #tpu.memory_space<hbm>>
    tpu.enqueue_dma source(%dma_start3A_664 : memref<16384xf32, #tpu.memory_space<hbm>>) target(%arg5 : memref<16384xf32, #tpu.memory_space<vmem>>) target_semaphore(%arg10 : memref<!tpu.dma_semaphore, #tpu.memory_space<semaphore_mem>>)
    %dma_wait3A_665 = tpu.memref_slice %arg2[%mul3A_640] : memref<33554432xf32, #tpu.memory_space<hbm>> -> memref<16384xf32, #tpu.memory_space<hbm>>
    %dma_wait3A_666 = tpu.memref_slice %arg2[%mul3A_640] : memref<33554432xf32, #tpu.memory_space<hbm>> -> memref<16384xf32, #tpu.memory_space<hbm>>
    tpu.wait_dma2 semaphore(%arg12 : memref<!tpu.dma_semaphore, #tpu.memory_space<semaphore_mem>>) src(%dma_wait3A_666 : memref<16384xf32, #tpu.memory_space<hbm>>) dst(%arg7 : memref<16384xf32, #tpu.memory_space<vmem>>)
    %add3A_667 = arith.constant 8192 : i32
    %add3A_668 = arith.addi %add3A_667, %mul3A_2 : i32
    %add3A_669 = arith.constant 112 : i32
    %add3A_670 = arith.addi %add3A_668, %add3A_669 : i32
    %mul3A_671 = arith.constant 1024 : i32
    %mul3A_672 = arith.muli %add3A_670, %mul3A_671 : i32
    %dma_start3A_673 = tpu.memref_slice %arg4[%mul3A_672] : memref<33554432xf32, #tpu.memory_space<hbm>> -> memref<16384xf32, #tpu.memory_space<hbm>>
    %dma_start3A_674 = tpu.memref_slice %arg4[%mul3A_672] : memref<33554432xf32, #tpu.memory_space<hbm>> -> memref<16384xf32, #tpu.memory_space<hbm>>
    tpu.enqueue_dma source(%arg7 : memref<16384xf32, #tpu.memory_space<vmem>>) target(%dma_start3A_674 : memref<16384xf32, #tpu.memory_space<hbm>>) target_semaphore(%arg15 : memref<!tpu.dma_semaphore, #tpu.memory_space<semaphore_mem>>)
    %dma_wait3A_675 = tpu.memref_slice %arg4[%mul3A_652] : memref<33554432xf32, #tpu.memory_space<hbm>> -> memref<16384xf32, #tpu.memory_space<hbm>>
    %dma_wait3A_676 = tpu.memref_slice %arg4[%mul3A_652] : memref<33554432xf32, #tpu.memory_space<hbm>> -> memref<16384xf32, #tpu.memory_space<hbm>>
    tpu.wait_dma2 semaphore(%arg14 : memref<!tpu.dma_semaphore, #tpu.memory_space<semaphore_mem>>) src(%arg6 : memref<16384xf32, #tpu.memory_space<vmem>>) dst(%dma_wait3A_676 : memref<16384xf32, #tpu.memory_space<hbm>>)
    %add3A_677 = arith.constant 24576 : i32
    %add3A_678 = arith.addi %add3A_677, %mul3A_2 : i32
    %add3A_679 = arith.constant 112 : i32
    %add3A_680 = arith.addi %add3A_678, %add3A_679 : i32
    %mul3A_681 = arith.constant 1024 : i32
    %mul3A_682 = arith.muli %add3A_680, %mul3A_681 : i32
    %dma_start3A_683 = tpu.memref_slice %arg2[%mul3A_682] : memref<33554432xf32, #tpu.memory_space<hbm>> -> memref<16384xf32, #tpu.memory_space<hbm>>
    %dma_start3A_684 = tpu.memref_slice %arg2[%mul3A_682] : memref<33554432xf32, #tpu.memory_space<hbm>> -> memref<16384xf32, #tpu.memory_space<hbm>>
    tpu.enqueue_dma source(%dma_start3A_684 : memref<16384xf32, #tpu.memory_space<hbm>>) target(%arg6 : memref<16384xf32, #tpu.memory_space<vmem>>) target_semaphore(%arg11 : memref<!tpu.dma_semaphore, #tpu.memory_space<semaphore_mem>>)
    %dma_wait3A_685 = tpu.memref_slice %arg2[%mul3A_662] : memref<33554432xf32, #tpu.memory_space<hbm>> -> memref<16384xf32, #tpu.memory_space<hbm>>
    %dma_wait3A_686 = tpu.memref_slice %arg2[%mul3A_662] : memref<33554432xf32, #tpu.memory_space<hbm>> -> memref<16384xf32, #tpu.memory_space<hbm>>
    tpu.wait_dma2 semaphore(%arg10 : memref<!tpu.dma_semaphore, #tpu.memory_space<semaphore_mem>>) src(%dma_wait3A_686 : memref<16384xf32, #tpu.memory_space<hbm>>) dst(%arg5 : memref<16384xf32, #tpu.memory_space<vmem>>)
    %add3A_687 = arith.constant 16384 : i32
    %add3A_688 = arith.addi %add3A_687, %mul3A_2 : i32
    %add3A_689 = arith.constant 112 : i32
    %add3A_690 = arith.addi %add3A_688, %add3A_689 : i32
    %mul3A_691 = arith.constant 1024 : i32
    %mul3A_692 = arith.muli %add3A_690, %mul3A_691 : i32
    %dma_start3A_693 = tpu.memref_slice %arg4[%mul3A_692] : memref<33554432xf32, #tpu.memory_space<hbm>> -> memref<16384xf32, #tpu.memory_space<hbm>>
    %dma_start3A_694 = tpu.memref_slice %arg4[%mul3A_692] : memref<33554432xf32, #tpu.memory_space<hbm>> -> memref<16384xf32, #tpu.memory_space<hbm>>
    tpu.enqueue_dma source(%arg5 : memref<16384xf32, #tpu.memory_space<vmem>>) target(%dma_start3A_694 : memref<16384xf32, #tpu.memory_space<hbm>>) target_semaphore(%arg13 : memref<!tpu.dma_semaphore, #tpu.memory_space<semaphore_mem>>)
    %dma_wait3A_695 = tpu.memref_slice %arg4[%mul3A_672] : memref<33554432xf32, #tpu.memory_space<hbm>> -> memref<16384xf32, #tpu.memory_space<hbm>>
    %dma_wait3A_696 = tpu.memref_slice %arg4[%mul3A_672] : memref<33554432xf32, #tpu.memory_space<hbm>> -> memref<16384xf32, #tpu.memory_space<hbm>>
    tpu.wait_dma2 semaphore(%arg15 : memref<!tpu.dma_semaphore, #tpu.memory_space<semaphore_mem>>) src(%arg7 : memref<16384xf32, #tpu.memory_space<vmem>>) dst(%dma_wait3A_696 : memref<16384xf32, #tpu.memory_space<hbm>>)
    %add3A_697 = arith.constant 0 : i32
    %add3A_698 = arith.addi %add3A_697, %mul3A_2 : i32
    %add3A_699 = arith.constant 128 : i32
    %add3A_700 = arith.addi %add3A_698, %add3A_699 : i32
    %mul3A_701 = arith.constant 1024 : i32
    %mul3A_702 = arith.muli %add3A_700, %mul3A_701 : i32
    %dma_start3A_703 = tpu.memref_slice %arg2[%mul3A_702] : memref<33554432xf32, #tpu.memory_space<hbm>> -> memref<16384xf32, #tpu.memory_space<hbm>>
    %dma_start3A_704 = tpu.memref_slice %arg2[%mul3A_702] : memref<33554432xf32, #tpu.memory_space<hbm>> -> memref<16384xf32, #tpu.memory_space<hbm>>
    tpu.enqueue_dma source(%dma_start3A_704 : memref<16384xf32, #tpu.memory_space<hbm>>) target(%arg7 : memref<16384xf32, #tpu.memory_space<vmem>>) target_semaphore(%arg12 : memref<!tpu.dma_semaphore, #tpu.memory_space<semaphore_mem>>)
    %dma_wait3A_705 = tpu.memref_slice %arg2[%mul3A_682] : memref<33554432xf32, #tpu.memory_space<hbm>> -> memref<16384xf32, #tpu.memory_space<hbm>>
    %dma_wait3A_706 = tpu.memref_slice %arg2[%mul3A_682] : memref<33554432xf32, #tpu.memory_space<hbm>> -> memref<16384xf32, #tpu.memory_space<hbm>>
    tpu.wait_dma2 semaphore(%arg11 : memref<!tpu.dma_semaphore, #tpu.memory_space<semaphore_mem>>) src(%dma_wait3A_706 : memref<16384xf32, #tpu.memory_space<hbm>>) dst(%arg6 : memref<16384xf32, #tpu.memory_space<vmem>>)
    %add3A_707 = arith.constant 24576 : i32
    %add3A_708 = arith.addi %add3A_707, %mul3A_2 : i32
    %add3A_709 = arith.constant 112 : i32
    %add3A_710 = arith.addi %add3A_708, %add3A_709 : i32
    %mul3A_711 = arith.constant 1024 : i32
    %mul3A_712 = arith.muli %add3A_710, %mul3A_711 : i32
    %dma_start3A_713 = tpu.memref_slice %arg4[%mul3A_712] : memref<33554432xf32, #tpu.memory_space<hbm>> -> memref<16384xf32, #tpu.memory_space<hbm>>
    %dma_start3A_714 = tpu.memref_slice %arg4[%mul3A_712] : memref<33554432xf32, #tpu.memory_space<hbm>> -> memref<16384xf32, #tpu.memory_space<hbm>>
    tpu.enqueue_dma source(%arg6 : memref<16384xf32, #tpu.memory_space<vmem>>) target(%dma_start3A_714 : memref<16384xf32, #tpu.memory_space<hbm>>) target_semaphore(%arg14 : memref<!tpu.dma_semaphore, #tpu.memory_space<semaphore_mem>>)
    %add3A_715 = arith.constant 144 : i32
    %add3A_716 = arith.addi %mul3A_2, %add3A_715 : i32
    %mul3A_717 = arith.constant 1024 : i32
    %mul3A_718 = arith.muli %add3A_716, %mul3A_717 : i32
    %dma_start3A_719 = tpu.memref_slice %arg3[%mul3A_718] : memref<8388608xf32, #tpu.memory_space<hbm>> -> memref<16384xf32, #tpu.memory_space<hbm>>
    %dma_start3A_720 = tpu.memref_slice %arg3[%mul3A_718] : memref<8388608xf32, #tpu.memory_space<hbm>> -> memref<16384xf32, #tpu.memory_space<hbm>>
    tpu.enqueue_dma source(%dma_start3A_720 : memref<16384xf32, #tpu.memory_space<hbm>>) target(%arg9 : memref<16384xf32, #tpu.memory_space<vmem>>) target_semaphore(%arg17 : memref<!tpu.dma_semaphore, #tpu.memory_space<semaphore_mem>>)
    %dma_wait3A_721 = tpu.memref_slice %arg4[%mul3A_692] : memref<33554432xf32, #tpu.memory_space<hbm>> -> memref<16384xf32, #tpu.memory_space<hbm>>
    %dma_wait3A_722 = tpu.memref_slice %arg4[%mul3A_692] : memref<33554432xf32, #tpu.memory_space<hbm>> -> memref<16384xf32, #tpu.memory_space<hbm>>
    tpu.wait_dma2 semaphore(%arg13 : memref<!tpu.dma_semaphore, #tpu.memory_space<semaphore_mem>>) src(%arg5 : memref<16384xf32, #tpu.memory_space<vmem>>) dst(%dma_wait3A_722 : memref<16384xf32, #tpu.memory_space<hbm>>)
    %add3A_723 = arith.constant 8192 : i32
    %add3A_724 = arith.addi %add3A_723, %mul3A_2 : i32
    %add3A_725 = arith.constant 128 : i32
    %add3A_726 = arith.addi %add3A_724, %add3A_725 : i32
    %mul3A_727 = arith.constant 1024 : i32
    %mul3A_728 = arith.muli %add3A_726, %mul3A_727 : i32
    %dma_start3A_729 = tpu.memref_slice %arg2[%mul3A_728] : memref<33554432xf32, #tpu.memory_space<hbm>> -> memref<16384xf32, #tpu.memory_space<hbm>>
    %dma_start3A_730 = tpu.memref_slice %arg2[%mul3A_728] : memref<33554432xf32, #tpu.memory_space<hbm>> -> memref<16384xf32, #tpu.memory_space<hbm>>
    tpu.enqueue_dma source(%dma_start3A_730 : memref<16384xf32, #tpu.memory_space<hbm>>) target(%arg5 : memref<16384xf32, #tpu.memory_space<vmem>>) target_semaphore(%arg10 : memref<!tpu.dma_semaphore, #tpu.memory_space<semaphore_mem>>)
    %dma_wait3A_731 = tpu.memref_slice %arg2[%mul3A_702] : memref<33554432xf32, #tpu.memory_space<hbm>> -> memref<16384xf32, #tpu.memory_space<hbm>>
    %dma_wait3A_732 = tpu.memref_slice %arg2[%mul3A_702] : memref<33554432xf32, #tpu.memory_space<hbm>> -> memref<16384xf32, #tpu.memory_space<hbm>>
    tpu.wait_dma2 semaphore(%arg12 : memref<!tpu.dma_semaphore, #tpu.memory_space<semaphore_mem>>) src(%dma_wait3A_732 : memref<16384xf32, #tpu.memory_space<hbm>>) dst(%arg7 : memref<16384xf32, #tpu.memory_space<vmem>>)
    %dma_wait3A_733 = tpu.memref_slice %arg3[%mul3A_630] : memref<8388608xf32, #tpu.memory_space<hbm>> -> memref<16384xf32, #tpu.memory_space<hbm>>
    %dma_wait3A_734 = tpu.memref_slice %arg3[%mul3A_630] : memref<8388608xf32, #tpu.memory_space<hbm>> -> memref<16384xf32, #tpu.memory_space<hbm>>
    tpu.wait_dma2 semaphore(%arg16 : memref<!tpu.dma_semaphore, #tpu.memory_space<semaphore_mem>>) src(%dma_wait3A_734 : memref<16384xf32, #tpu.memory_space<hbm>>) dst(%arg8 : memref<16384xf32, #tpu.memory_space<vmem>>)
    %add3A_735 = arith.constant 0 : i32
    %add3A_736 = arith.addi %add3A_735, %mul3A_2 : i32
    %add3A_737 = arith.constant 128 : i32
    %add3A_738 = arith.addi %add3A_736, %add3A_737 : i32
    %mul3A_739 = arith.constant 1024 : i32
    %mul3A_740 = arith.muli %add3A_738, %mul3A_739 : i32
    %dma_start3A_741 = tpu.memref_slice %arg4[%mul3A_740] : memref<33554432xf32, #tpu.memory_space<hbm>> -> memref<16384xf32, #tpu.memory_space<hbm>>
    %dma_start3A_742 = tpu.memref_slice %arg4[%mul3A_740] : memref<33554432xf32, #tpu.memory_space<hbm>> -> memref<16384xf32, #tpu.memory_space<hbm>>
    tpu.enqueue_dma source(%arg7 : memref<16384xf32, #tpu.memory_space<vmem>>) target(%dma_start3A_742 : memref<16384xf32, #tpu.memory_space<hbm>>) target_semaphore(%arg15 : memref<!tpu.dma_semaphore, #tpu.memory_space<semaphore_mem>>)
    %dma_wait3A_743 = tpu.memref_slice %arg4[%mul3A_712] : memref<33554432xf32, #tpu.memory_space<hbm>> -> memref<16384xf32, #tpu.memory_space<hbm>>
    %dma_wait3A_744 = tpu.memref_slice %arg4[%mul3A_712] : memref<33554432xf32, #tpu.memory_space<hbm>> -> memref<16384xf32, #tpu.memory_space<hbm>>
    tpu.wait_dma2 semaphore(%arg14 : memref<!tpu.dma_semaphore, #tpu.memory_space<semaphore_mem>>) src(%arg6 : memref<16384xf32, #tpu.memory_space<vmem>>) dst(%dma_wait3A_744 : memref<16384xf32, #tpu.memory_space<hbm>>)
    %add3A_745 = arith.constant 16384 : i32
    %add3A_746 = arith.addi %add3A_745, %mul3A_2 : i32
    %add3A_747 = arith.constant 128 : i32
    %add3A_748 = arith.addi %add3A_746, %add3A_747 : i32
    %mul3A_749 = arith.constant 1024 : i32
    %mul3A_750 = arith.muli %add3A_748, %mul3A_749 : i32
    %dma_start3A_751 = tpu.memref_slice %arg2[%mul3A_750] : memref<33554432xf32, #tpu.memory_space<hbm>> -> memref<16384xf32, #tpu.memory_space<hbm>>
    %dma_start3A_752 = tpu.memref_slice %arg2[%mul3A_750] : memref<33554432xf32, #tpu.memory_space<hbm>> -> memref<16384xf32, #tpu.memory_space<hbm>>
    tpu.enqueue_dma source(%dma_start3A_752 : memref<16384xf32, #tpu.memory_space<hbm>>) target(%arg6 : memref<16384xf32, #tpu.memory_space<vmem>>) target_semaphore(%arg11 : memref<!tpu.dma_semaphore, #tpu.memory_space<semaphore_mem>>)
    %dma_wait3A_753 = tpu.memref_slice %arg2[%mul3A_728] : memref<33554432xf32, #tpu.memory_space<hbm>> -> memref<16384xf32, #tpu.memory_space<hbm>>
    %dma_wait3A_754 = tpu.memref_slice %arg2[%mul3A_728] : memref<33554432xf32, #tpu.memory_space<hbm>> -> memref<16384xf32, #tpu.memory_space<hbm>>
    tpu.wait_dma2 semaphore(%arg10 : memref<!tpu.dma_semaphore, #tpu.memory_space<semaphore_mem>>) src(%dma_wait3A_754 : memref<16384xf32, #tpu.memory_space<hbm>>) dst(%arg5 : memref<16384xf32, #tpu.memory_space<vmem>>)
    %add3A_755 = arith.constant 8192 : i32
    %add3A_756 = arith.addi %add3A_755, %mul3A_2 : i32
    %add3A_757 = arith.constant 128 : i32
    %add3A_758 = arith.addi %add3A_756, %add3A_757 : i32
    %mul3A_759 = arith.constant 1024 : i32
    %mul3A_760 = arith.muli %add3A_758, %mul3A_759 : i32
    %dma_start3A_761 = tpu.memref_slice %arg4[%mul3A_760] : memref<33554432xf32, #tpu.memory_space<hbm>> -> memref<16384xf32, #tpu.memory_space<hbm>>
    %dma_start3A_762 = tpu.memref_slice %arg4[%mul3A_760] : memref<33554432xf32, #tpu.memory_space<hbm>> -> memref<16384xf32, #tpu.memory_space<hbm>>
    tpu.enqueue_dma source(%arg5 : memref<16384xf32, #tpu.memory_space<vmem>>) target(%dma_start3A_762 : memref<16384xf32, #tpu.memory_space<hbm>>) target_semaphore(%arg13 : memref<!tpu.dma_semaphore, #tpu.memory_space<semaphore_mem>>)
    %dma_wait3A_763 = tpu.memref_slice %arg4[%mul3A_740] : memref<33554432xf32, #tpu.memory_space<hbm>> -> memref<16384xf32, #tpu.memory_space<hbm>>
    %dma_wait3A_764 = tpu.memref_slice %arg4[%mul3A_740] : memref<33554432xf32, #tpu.memory_space<hbm>> -> memref<16384xf32, #tpu.memory_space<hbm>>
    tpu.wait_dma2 semaphore(%arg15 : memref<!tpu.dma_semaphore, #tpu.memory_space<semaphore_mem>>) src(%arg7 : memref<16384xf32, #tpu.memory_space<vmem>>) dst(%dma_wait3A_764 : memref<16384xf32, #tpu.memory_space<hbm>>)
    %add3A_765 = arith.constant 24576 : i32
    %add3A_766 = arith.addi %add3A_765, %mul3A_2 : i32
    %add3A_767 = arith.constant 128 : i32
    %add3A_768 = arith.addi %add3A_766, %add3A_767 : i32
    %mul3A_769 = arith.constant 1024 : i32
    %mul3A_770 = arith.muli %add3A_768, %mul3A_769 : i32
    %dma_start3A_771 = tpu.memref_slice %arg2[%mul3A_770] : memref<33554432xf32, #tpu.memory_space<hbm>> -> memref<16384xf32, #tpu.memory_space<hbm>>
    %dma_start3A_772 = tpu.memref_slice %arg2[%mul3A_770] : memref<33554432xf32, #tpu.memory_space<hbm>> -> memref<16384xf32, #tpu.memory_space<hbm>>
    tpu.enqueue_dma source(%dma_start3A_772 : memref<16384xf32, #tpu.memory_space<hbm>>) target(%arg7 : memref<16384xf32, #tpu.memory_space<vmem>>) target_semaphore(%arg12 : memref<!tpu.dma_semaphore, #tpu.memory_space<semaphore_mem>>)
    %dma_wait3A_773 = tpu.memref_slice %arg2[%mul3A_750] : memref<33554432xf32, #tpu.memory_space<hbm>> -> memref<16384xf32, #tpu.memory_space<hbm>>
    %dma_wait3A_774 = tpu.memref_slice %arg2[%mul3A_750] : memref<33554432xf32, #tpu.memory_space<hbm>> -> memref<16384xf32, #tpu.memory_space<hbm>>
    tpu.wait_dma2 semaphore(%arg11 : memref<!tpu.dma_semaphore, #tpu.memory_space<semaphore_mem>>) src(%dma_wait3A_774 : memref<16384xf32, #tpu.memory_space<hbm>>) dst(%arg6 : memref<16384xf32, #tpu.memory_space<vmem>>)
    %add3A_775 = arith.constant 16384 : i32
    %add3A_776 = arith.addi %add3A_775, %mul3A_2 : i32
    %add3A_777 = arith.constant 128 : i32
    %add3A_778 = arith.addi %add3A_776, %add3A_777 : i32
    %mul3A_779 = arith.constant 1024 : i32
    %mul3A_780 = arith.muli %add3A_778, %mul3A_779 : i32
    %dma_start3A_781 = tpu.memref_slice %arg4[%mul3A_780] : memref<33554432xf32, #tpu.memory_space<hbm>> -> memref<16384xf32, #tpu.memory_space<hbm>>
    %dma_start3A_782 = tpu.memref_slice %arg4[%mul3A_780] : memref<33554432xf32, #tpu.memory_space<hbm>> -> memref<16384xf32, #tpu.memory_space<hbm>>
    tpu.enqueue_dma source(%arg6 : memref<16384xf32, #tpu.memory_space<vmem>>) target(%dma_start3A_782 : memref<16384xf32, #tpu.memory_space<hbm>>) target_semaphore(%arg14 : memref<!tpu.dma_semaphore, #tpu.memory_space<semaphore_mem>>)
    %dma_wait3A_783 = tpu.memref_slice %arg4[%mul3A_760] : memref<33554432xf32, #tpu.memory_space<hbm>> -> memref<16384xf32, #tpu.memory_space<hbm>>
    %dma_wait3A_784 = tpu.memref_slice %arg4[%mul3A_760] : memref<33554432xf32, #tpu.memory_space<hbm>> -> memref<16384xf32, #tpu.memory_space<hbm>>
    tpu.wait_dma2 semaphore(%arg13 : memref<!tpu.dma_semaphore, #tpu.memory_space<semaphore_mem>>) src(%arg5 : memref<16384xf32, #tpu.memory_space<vmem>>) dst(%dma_wait3A_784 : memref<16384xf32, #tpu.memory_space<hbm>>)
    %add3A_785 = arith.constant 0 : i32
    %add3A_786 = arith.addi %add3A_785, %mul3A_2 : i32
    %add3A_787 = arith.constant 144 : i32
    %add3A_788 = arith.addi %add3A_786, %add3A_787 : i32
    %mul3A_789 = arith.constant 1024 : i32
    %mul3A_790 = arith.muli %add3A_788, %mul3A_789 : i32
    %dma_start3A_791 = tpu.memref_slice %arg2[%mul3A_790] : memref<33554432xf32, #tpu.memory_space<hbm>> -> memref<16384xf32, #tpu.memory_space<hbm>>
    %dma_start3A_792 = tpu.memref_slice %arg2[%mul3A_790] : memref<33554432xf32, #tpu.memory_space<hbm>> -> memref<16384xf32, #tpu.memory_space<hbm>>
    tpu.enqueue_dma source(%dma_start3A_792 : memref<16384xf32, #tpu.memory_space<hbm>>) target(%arg5 : memref<16384xf32, #tpu.memory_space<vmem>>) target_semaphore(%arg10 : memref<!tpu.dma_semaphore, #tpu.memory_space<semaphore_mem>>)
    %dma_wait3A_793 = tpu.memref_slice %arg2[%mul3A_770] : memref<33554432xf32, #tpu.memory_space<hbm>> -> memref<16384xf32, #tpu.memory_space<hbm>>
    %dma_wait3A_794 = tpu.memref_slice %arg2[%mul3A_770] : memref<33554432xf32, #tpu.memory_space<hbm>> -> memref<16384xf32, #tpu.memory_space<hbm>>
    tpu.wait_dma2 semaphore(%arg12 : memref<!tpu.dma_semaphore, #tpu.memory_space<semaphore_mem>>) src(%dma_wait3A_794 : memref<16384xf32, #tpu.memory_space<hbm>>) dst(%arg7 : memref<16384xf32, #tpu.memory_space<vmem>>)
    %add3A_795 = arith.constant 24576 : i32
    %add3A_796 = arith.addi %add3A_795, %mul3A_2 : i32
    %add3A_797 = arith.constant 128 : i32
    %add3A_798 = arith.addi %add3A_796, %add3A_797 : i32
    %mul3A_799 = arith.constant 1024 : i32
    %mul3A_800 = arith.muli %add3A_798, %mul3A_799 : i32
    %dma_start3A_801 = tpu.memref_slice %arg4[%mul3A_800] : memref<33554432xf32, #tpu.memory_space<hbm>> -> memref<16384xf32, #tpu.memory_space<hbm>>
    %dma_start3A_802 = tpu.memref_slice %arg4[%mul3A_800] : memref<33554432xf32, #tpu.memory_space<hbm>> -> memref<16384xf32, #tpu.memory_space<hbm>>
    tpu.enqueue_dma source(%arg7 : memref<16384xf32, #tpu.memory_space<vmem>>) target(%dma_start3A_802 : memref<16384xf32, #tpu.memory_space<hbm>>) target_semaphore(%arg15 : memref<!tpu.dma_semaphore, #tpu.memory_space<semaphore_mem>>)
    %add3A_803 = arith.constant 160 : i32
    %add3A_804 = arith.addi %mul3A_2, %add3A_803 : i32
    %mul3A_805 = arith.constant 1024 : i32
    %mul3A_806 = arith.muli %add3A_804, %mul3A_805 : i32
    %dma_start3A_807 = tpu.memref_slice %arg3[%mul3A_806] : memref<8388608xf32, #tpu.memory_space<hbm>> -> memref<16384xf32, #tpu.memory_space<hbm>>
    %dma_start3A_808 = tpu.memref_slice %arg3[%mul3A_806] : memref<8388608xf32, #tpu.memory_space<hbm>> -> memref<16384xf32, #tpu.memory_space<hbm>>
    tpu.enqueue_dma source(%dma_start3A_808 : memref<16384xf32, #tpu.memory_space<hbm>>) target(%arg8 : memref<16384xf32, #tpu.memory_space<vmem>>) target_semaphore(%arg16 : memref<!tpu.dma_semaphore, #tpu.memory_space<semaphore_mem>>)
    %dma_wait3A_809 = tpu.memref_slice %arg4[%mul3A_780] : memref<33554432xf32, #tpu.memory_space<hbm>> -> memref<16384xf32, #tpu.memory_space<hbm>>
    %dma_wait3A_810 = tpu.memref_slice %arg4[%mul3A_780] : memref<33554432xf32, #tpu.memory_space<hbm>> -> memref<16384xf32, #tpu.memory_space<hbm>>
    tpu.wait_dma2 semaphore(%arg14 : memref<!tpu.dma_semaphore, #tpu.memory_space<semaphore_mem>>) src(%arg6 : memref<16384xf32, #tpu.memory_space<vmem>>) dst(%dma_wait3A_810 : memref<16384xf32, #tpu.memory_space<hbm>>)
    %add3A_811 = arith.constant 8192 : i32
    %add3A_812 = arith.addi %add3A_811, %mul3A_2 : i32
    %add3A_813 = arith.constant 144 : i32
    %add3A_814 = arith.addi %add3A_812, %add3A_813 : i32
    %mul3A_815 = arith.constant 1024 : i32
    %mul3A_816 = arith.muli %add3A_814, %mul3A_815 : i32
    %dma_start3A_817 = tpu.memref_slice %arg2[%mul3A_816] : memref<33554432xf32, #tpu.memory_space<hbm>> -> memref<16384xf32, #tpu.memory_space<hbm>>
    %dma_start3A_818 = tpu.memref_slice %arg2[%mul3A_816] : memref<33554432xf32, #tpu.memory_space<hbm>> -> memref<16384xf32, #tpu.memory_space<hbm>>
    tpu.enqueue_dma source(%dma_start3A_818 : memref<16384xf32, #tpu.memory_space<hbm>>) target(%arg6 : memref<16384xf32, #tpu.memory_space<vmem>>) target_semaphore(%arg11 : memref<!tpu.dma_semaphore, #tpu.memory_space<semaphore_mem>>)
    %dma_wait3A_819 = tpu.memref_slice %arg2[%mul3A_790] : memref<33554432xf32, #tpu.memory_space<hbm>> -> memref<16384xf32, #tpu.memory_space<hbm>>
    %dma_wait3A_820 = tpu.memref_slice %arg2[%mul3A_790] : memref<33554432xf32, #tpu.memory_space<hbm>> -> memref<16384xf32, #tpu.memory_space<hbm>>
    tpu.wait_dma2 semaphore(%arg10 : memref<!tpu.dma_semaphore, #tpu.memory_space<semaphore_mem>>) src(%dma_wait3A_820 : memref<16384xf32, #tpu.memory_space<hbm>>) dst(%arg5 : memref<16384xf32, #tpu.memory_space<vmem>>)
    %dma_wait3A_821 = tpu.memref_slice %arg3[%mul3A_718] : memref<8388608xf32, #tpu.memory_space<hbm>> -> memref<16384xf32, #tpu.memory_space<hbm>>
    %dma_wait3A_822 = tpu.memref_slice %arg3[%mul3A_718] : memref<8388608xf32, #tpu.memory_space<hbm>> -> memref<16384xf32, #tpu.memory_space<hbm>>
    tpu.wait_dma2 semaphore(%arg17 : memref<!tpu.dma_semaphore, #tpu.memory_space<semaphore_mem>>) src(%dma_wait3A_822 : memref<16384xf32, #tpu.memory_space<hbm>>) dst(%arg9 : memref<16384xf32, #tpu.memory_space<vmem>>)
    %add3A_823 = arith.constant 0 : i32
    %add3A_824 = arith.addi %add3A_823, %mul3A_2 : i32
    %add3A_825 = arith.constant 144 : i32
    %add3A_826 = arith.addi %add3A_824, %add3A_825 : i32
    %mul3A_827 = arith.constant 1024 : i32
    %mul3A_828 = arith.muli %add3A_826, %mul3A_827 : i32
    %dma_start3A_829 = tpu.memref_slice %arg4[%mul3A_828] : memref<33554432xf32, #tpu.memory_space<hbm>> -> memref<16384xf32, #tpu.memory_space<hbm>>
    %dma_start3A_830 = tpu.memref_slice %arg4[%mul3A_828] : memref<33554432xf32, #tpu.memory_space<hbm>> -> memref<16384xf32, #tpu.memory_space<hbm>>
    tpu.enqueue_dma source(%arg5 : memref<16384xf32, #tpu.memory_space<vmem>>) target(%dma_start3A_830 : memref<16384xf32, #tpu.memory_space<hbm>>) target_semaphore(%arg13 : memref<!tpu.dma_semaphore, #tpu.memory_space<semaphore_mem>>)
    %dma_wait3A_831 = tpu.memref_slice %arg4[%mul3A_800] : memref<33554432xf32, #tpu.memory_space<hbm>> -> memref<16384xf32, #tpu.memory_space<hbm>>
    %dma_wait3A_832 = tpu.memref_slice %arg4[%mul3A_800] : memref<33554432xf32, #tpu.memory_space<hbm>> -> memref<16384xf32, #tpu.memory_space<hbm>>
    tpu.wait_dma2 semaphore(%arg15 : memref<!tpu.dma_semaphore, #tpu.memory_space<semaphore_mem>>) src(%arg7 : memref<16384xf32, #tpu.memory_space<vmem>>) dst(%dma_wait3A_832 : memref<16384xf32, #tpu.memory_space<hbm>>)
    %add3A_833 = arith.constant 16384 : i32
    %add3A_834 = arith.addi %add3A_833, %mul3A_2 : i32
    %add3A_835 = arith.constant 144 : i32
    %add3A_836 = arith.addi %add3A_834, %add3A_835 : i32
    %mul3A_837 = arith.constant 1024 : i32
    %mul3A_838 = arith.muli %add3A_836, %mul3A_837 : i32
    %dma_start3A_839 = tpu.memref_slice %arg2[%mul3A_838] : memref<33554432xf32, #tpu.memory_space<hbm>> -> memref<16384xf32, #tpu.memory_space<hbm>>
    %dma_start3A_840 = tpu.memref_slice %arg2[%mul3A_838] : memref<33554432xf32, #tpu.memory_space<hbm>> -> memref<16384xf32, #tpu.memory_space<hbm>>
    tpu.enqueue_dma source(%dma_start3A_840 : memref<16384xf32, #tpu.memory_space<hbm>>) target(%arg7 : memref<16384xf32, #tpu.memory_space<vmem>>) target_semaphore(%arg12 : memref<!tpu.dma_semaphore, #tpu.memory_space<semaphore_mem>>)
    %dma_wait3A_841 = tpu.memref_slice %arg2[%mul3A_816] : memref<33554432xf32, #tpu.memory_space<hbm>> -> memref<16384xf32, #tpu.memory_space<hbm>>
    %dma_wait3A_842 = tpu.memref_slice %arg2[%mul3A_816] : memref<33554432xf32, #tpu.memory_space<hbm>> -> memref<16384xf32, #tpu.memory_space<hbm>>
    tpu.wait_dma2 semaphore(%arg11 : memref<!tpu.dma_semaphore, #tpu.memory_space<semaphore_mem>>) src(%dma_wait3A_842 : memref<16384xf32, #tpu.memory_space<hbm>>) dst(%arg6 : memref<16384xf32, #tpu.memory_space<vmem>>)
    %add3A_843 = arith.constant 8192 : i32
    %add3A_844 = arith.addi %add3A_843, %mul3A_2 : i32
    %add3A_845 = arith.constant 144 : i32
    %add3A_846 = arith.addi %add3A_844, %add3A_845 : i32
    %mul3A_847 = arith.constant 1024 : i32
    %mul3A_848 = arith.muli %add3A_846, %mul3A_847 : i32
    %dma_start3A_849 = tpu.memref_slice %arg4[%mul3A_848] : memref<33554432xf32, #tpu.memory_space<hbm>> -> memref<16384xf32, #tpu.memory_space<hbm>>
    %dma_start3A_850 = tpu.memref_slice %arg4[%mul3A_848] : memref<33554432xf32, #tpu.memory_space<hbm>> -> memref<16384xf32, #tpu.memory_space<hbm>>
    tpu.enqueue_dma source(%arg6 : memref<16384xf32, #tpu.memory_space<vmem>>) target(%dma_start3A_850 : memref<16384xf32, #tpu.memory_space<hbm>>) target_semaphore(%arg14 : memref<!tpu.dma_semaphore, #tpu.memory_space<semaphore_mem>>)
    %dma_wait3A_851 = tpu.memref_slice %arg4[%mul3A_828] : memref<33554432xf32, #tpu.memory_space<hbm>> -> memref<16384xf32, #tpu.memory_space<hbm>>
    %dma_wait3A_852 = tpu.memref_slice %arg4[%mul3A_828] : memref<33554432xf32, #tpu.memory_space<hbm>> -> memref<16384xf32, #tpu.memory_space<hbm>>
    tpu.wait_dma2 semaphore(%arg13 : memref<!tpu.dma_semaphore, #tpu.memory_space<semaphore_mem>>) src(%arg5 : memref<16384xf32, #tpu.memory_space<vmem>>) dst(%dma_wait3A_852 : memref<16384xf32, #tpu.memory_space<hbm>>)
    %add3A_853 = arith.constant 24576 : i32
    %add3A_854 = arith.addi %add3A_853, %mul3A_2 : i32
    %add3A_855 = arith.constant 144 : i32
    %add3A_856 = arith.addi %add3A_854, %add3A_855 : i32
    %mul3A_857 = arith.constant 1024 : i32
    %mul3A_858 = arith.muli %add3A_856, %mul3A_857 : i32
    %dma_start3A_859 = tpu.memref_slice %arg2[%mul3A_858] : memref<33554432xf32, #tpu.memory_space<hbm>> -> memref<16384xf32, #tpu.memory_space<hbm>>
    %dma_start3A_860 = tpu.memref_slice %arg2[%mul3A_858] : memref<33554432xf32, #tpu.memory_space<hbm>> -> memref<16384xf32, #tpu.memory_space<hbm>>
    tpu.enqueue_dma source(%dma_start3A_860 : memref<16384xf32, #tpu.memory_space<hbm>>) target(%arg5 : memref<16384xf32, #tpu.memory_space<vmem>>) target_semaphore(%arg10 : memref<!tpu.dma_semaphore, #tpu.memory_space<semaphore_mem>>)
    %dma_wait3A_861 = tpu.memref_slice %arg2[%mul3A_838] : memref<33554432xf32, #tpu.memory_space<hbm>> -> memref<16384xf32, #tpu.memory_space<hbm>>
    %dma_wait3A_862 = tpu.memref_slice %arg2[%mul3A_838] : memref<33554432xf32, #tpu.memory_space<hbm>> -> memref<16384xf32, #tpu.memory_space<hbm>>
    tpu.wait_dma2 semaphore(%arg12 : memref<!tpu.dma_semaphore, #tpu.memory_space<semaphore_mem>>) src(%dma_wait3A_862 : memref<16384xf32, #tpu.memory_space<hbm>>) dst(%arg7 : memref<16384xf32, #tpu.memory_space<vmem>>)
    %add3A_863 = arith.constant 16384 : i32
    %add3A_864 = arith.addi %add3A_863, %mul3A_2 : i32
    %add3A_865 = arith.constant 144 : i32
    %add3A_866 = arith.addi %add3A_864, %add3A_865 : i32
    %mul3A_867 = arith.constant 1024 : i32
    %mul3A_868 = arith.muli %add3A_866, %mul3A_867 : i32
    %dma_start3A_869 = tpu.memref_slice %arg4[%mul3A_868] : memref<33554432xf32, #tpu.memory_space<hbm>> -> memref<16384xf32, #tpu.memory_space<hbm>>
    %dma_start3A_870 = tpu.memref_slice %arg4[%mul3A_868] : memref<33554432xf32, #tpu.memory_space<hbm>> -> memref<16384xf32, #tpu.memory_space<hbm>>
    tpu.enqueue_dma source(%arg7 : memref<16384xf32, #tpu.memory_space<vmem>>) target(%dma_start3A_870 : memref<16384xf32, #tpu.memory_space<hbm>>) target_semaphore(%arg15 : memref<!tpu.dma_semaphore, #tpu.memory_space<semaphore_mem>>)
    %dma_wait3A_871 = tpu.memref_slice %arg4[%mul3A_848] : memref<33554432xf32, #tpu.memory_space<hbm>> -> memref<16384xf32, #tpu.memory_space<hbm>>
    %dma_wait3A_872 = tpu.memref_slice %arg4[%mul3A_848] : memref<33554432xf32, #tpu.memory_space<hbm>> -> memref<16384xf32, #tpu.memory_space<hbm>>
    tpu.wait_dma2 semaphore(%arg14 : memref<!tpu.dma_semaphore, #tpu.memory_space<semaphore_mem>>) src(%arg6 : memref<16384xf32, #tpu.memory_space<vmem>>) dst(%dma_wait3A_872 : memref<16384xf32, #tpu.memory_space<hbm>>)
    %add3A_873 = arith.constant 0 : i32
    %add3A_874 = arith.addi %add3A_873, %mul3A_2 : i32
    %add3A_875 = arith.constant 160 : i32
    %add3A_876 = arith.addi %add3A_874, %add3A_875 : i32
    %mul3A_877 = arith.constant 1024 : i32
    %mul3A_878 = arith.muli %add3A_876, %mul3A_877 : i32
    %dma_start3A_879 = tpu.memref_slice %arg2[%mul3A_878] : memref<33554432xf32, #tpu.memory_space<hbm>> -> memref<16384xf32, #tpu.memory_space<hbm>>
    %dma_start3A_880 = tpu.memref_slice %arg2[%mul3A_878] : memref<33554432xf32, #tpu.memory_space<hbm>> -> memref<16384xf32, #tpu.memory_space<hbm>>
    tpu.enqueue_dma source(%dma_start3A_880 : memref<16384xf32, #tpu.memory_space<hbm>>) target(%arg6 : memref<16384xf32, #tpu.memory_space<vmem>>) target_semaphore(%arg11 : memref<!tpu.dma_semaphore, #tpu.memory_space<semaphore_mem>>)
    %dma_wait3A_881 = tpu.memref_slice %arg2[%mul3A_858] : memref<33554432xf32, #tpu.memory_space<hbm>> -> memref<16384xf32, #tpu.memory_space<hbm>>
    %dma_wait3A_882 = tpu.memref_slice %arg2[%mul3A_858] : memref<33554432xf32, #tpu.memory_space<hbm>> -> memref<16384xf32, #tpu.memory_space<hbm>>
    tpu.wait_dma2 semaphore(%arg10 : memref<!tpu.dma_semaphore, #tpu.memory_space<semaphore_mem>>) src(%dma_wait3A_882 : memref<16384xf32, #tpu.memory_space<hbm>>) dst(%arg5 : memref<16384xf32, #tpu.memory_space<vmem>>)
    %add3A_883 = arith.constant 24576 : i32
    %add3A_884 = arith.addi %add3A_883, %mul3A_2 : i32
    %add3A_885 = arith.constant 144 : i32
    %add3A_886 = arith.addi %add3A_884, %add3A_885 : i32
    %mul3A_887 = arith.constant 1024 : i32
    %mul3A_888 = arith.muli %add3A_886, %mul3A_887 : i32
    %dma_start3A_889 = tpu.memref_slice %arg4[%mul3A_888] : memref<33554432xf32, #tpu.memory_space<hbm>> -> memref<16384xf32, #tpu.memory_space<hbm>>
    %dma_start3A_890 = tpu.memref_slice %arg4[%mul3A_888] : memref<33554432xf32, #tpu.memory_space<hbm>> -> memref<16384xf32, #tpu.memory_space<hbm>>
    tpu.enqueue_dma source(%arg5 : memref<16384xf32, #tpu.memory_space<vmem>>) target(%dma_start3A_890 : memref<16384xf32, #tpu.memory_space<hbm>>) target_semaphore(%arg13 : memref<!tpu.dma_semaphore, #tpu.memory_space<semaphore_mem>>)
    %add3A_891 = arith.constant 176 : i32
    %add3A_892 = arith.addi %mul3A_2, %add3A_891 : i32
    %mul3A_893 = arith.constant 1024 : i32
    %mul3A_894 = arith.muli %add3A_892, %mul3A_893 : i32
    %dma_start3A_895 = tpu.memref_slice %arg3[%mul3A_894] : memref<8388608xf32, #tpu.memory_space<hbm>> -> memref<16384xf32, #tpu.memory_space<hbm>>
    %dma_start3A_896 = tpu.memref_slice %arg3[%mul3A_894] : memref<8388608xf32, #tpu.memory_space<hbm>> -> memref<16384xf32, #tpu.memory_space<hbm>>
    tpu.enqueue_dma source(%dma_start3A_896 : memref<16384xf32, #tpu.memory_space<hbm>>) target(%arg9 : memref<16384xf32, #tpu.memory_space<vmem>>) target_semaphore(%arg17 : memref<!tpu.dma_semaphore, #tpu.memory_space<semaphore_mem>>)
    %dma_wait3A_897 = tpu.memref_slice %arg4[%mul3A_868] : memref<33554432xf32, #tpu.memory_space<hbm>> -> memref<16384xf32, #tpu.memory_space<hbm>>
    %dma_wait3A_898 = tpu.memref_slice %arg4[%mul3A_868] : memref<33554432xf32, #tpu.memory_space<hbm>> -> memref<16384xf32, #tpu.memory_space<hbm>>
    tpu.wait_dma2 semaphore(%arg15 : memref<!tpu.dma_semaphore, #tpu.memory_space<semaphore_mem>>) src(%arg7 : memref<16384xf32, #tpu.memory_space<vmem>>) dst(%dma_wait3A_898 : memref<16384xf32, #tpu.memory_space<hbm>>)
    %add3A_899 = arith.constant 8192 : i32
    %add3A_900 = arith.addi %add3A_899, %mul3A_2 : i32
    %add3A_901 = arith.constant 160 : i32
    %add3A_902 = arith.addi %add3A_900, %add3A_901 : i32
    %mul3A_903 = arith.constant 1024 : i32
    %mul3A_904 = arith.muli %add3A_902, %mul3A_903 : i32
    %dma_start3A_905 = tpu.memref_slice %arg2[%mul3A_904] : memref<33554432xf32, #tpu.memory_space<hbm>> -> memref<16384xf32, #tpu.memory_space<hbm>>
    %dma_start3A_906 = tpu.memref_slice %arg2[%mul3A_904] : memref<33554432xf32, #tpu.memory_space<hbm>> -> memref<16384xf32, #tpu.memory_space<hbm>>
    tpu.enqueue_dma source(%dma_start3A_906 : memref<16384xf32, #tpu.memory_space<hbm>>) target(%arg7 : memref<16384xf32, #tpu.memory_space<vmem>>) target_semaphore(%arg12 : memref<!tpu.dma_semaphore, #tpu.memory_space<semaphore_mem>>)
    %dma_wait3A_907 = tpu.memref_slice %arg2[%mul3A_878] : memref<33554432xf32, #tpu.memory_space<hbm>> -> memref<16384xf32, #tpu.memory_space<hbm>>
    %dma_wait3A_908 = tpu.memref_slice %arg2[%mul3A_878] : memref<33554432xf32, #tpu.memory_space<hbm>> -> memref<16384xf32, #tpu.memory_space<hbm>>
    tpu.wait_dma2 semaphore(%arg11 : memref<!tpu.dma_semaphore, #tpu.memory_space<semaphore_mem>>) src(%dma_wait3A_908 : memref<16384xf32, #tpu.memory_space<hbm>>) dst(%arg6 : memref<16384xf32, #tpu.memory_space<vmem>>)
    %dma_wait3A_909 = tpu.memref_slice %arg3[%mul3A_806] : memref<8388608xf32, #tpu.memory_space<hbm>> -> memref<16384xf32, #tpu.memory_space<hbm>>
    %dma_wait3A_910 = tpu.memref_slice %arg3[%mul3A_806] : memref<8388608xf32, #tpu.memory_space<hbm>> -> memref<16384xf32, #tpu.memory_space<hbm>>
    tpu.wait_dma2 semaphore(%arg16 : memref<!tpu.dma_semaphore, #tpu.memory_space<semaphore_mem>>) src(%dma_wait3A_910 : memref<16384xf32, #tpu.memory_space<hbm>>) dst(%arg8 : memref<16384xf32, #tpu.memory_space<vmem>>)
    %add3A_911 = arith.constant 0 : i32
    %add3A_912 = arith.addi %add3A_911, %mul3A_2 : i32
    %add3A_913 = arith.constant 160 : i32
    %add3A_914 = arith.addi %add3A_912, %add3A_913 : i32
    %mul3A_915 = arith.constant 1024 : i32
    %mul3A_916 = arith.muli %add3A_914, %mul3A_915 : i32
    %dma_start3A_917 = tpu.memref_slice %arg4[%mul3A_916] : memref<33554432xf32, #tpu.memory_space<hbm>> -> memref<16384xf32, #tpu.memory_space<hbm>>
    %dma_start3A_918 = tpu.memref_slice %arg4[%mul3A_916] : memref<33554432xf32, #tpu.memory_space<hbm>> -> memref<16384xf32, #tpu.memory_space<hbm>>
    tpu.enqueue_dma source(%arg6 : memref<16384xf32, #tpu.memory_space<vmem>>) target(%dma_start3A_918 : memref<16384xf32, #tpu.memory_space<hbm>>) target_semaphore(%arg14 : memref<!tpu.dma_semaphore, #tpu.memory_space<semaphore_mem>>)
    %dma_wait3A_919 = tpu.memref_slice %arg4[%mul3A_888] : memref<33554432xf32, #tpu.memory_space<hbm>> -> memref<16384xf32, #tpu.memory_space<hbm>>
    %dma_wait3A_920 = tpu.memref_slice %arg4[%mul3A_888] : memref<33554432xf32, #tpu.memory_space<hbm>> -> memref<16384xf32, #tpu.memory_space<hbm>>
    tpu.wait_dma2 semaphore(%arg13 : memref<!tpu.dma_semaphore, #tpu.memory_space<semaphore_mem>>) src(%arg5 : memref<16384xf32, #tpu.memory_space<vmem>>) dst(%dma_wait3A_920 : memref<16384xf32, #tpu.memory_space<hbm>>)
    %add3A_921 = arith.constant 16384 : i32
    %add3A_922 = arith.addi %add3A_921, %mul3A_2 : i32
    %add3A_923 = arith.constant 160 : i32
    %add3A_924 = arith.addi %add3A_922, %add3A_923 : i32
    %mul3A_925 = arith.constant 1024 : i32
    %mul3A_926 = arith.muli %add3A_924, %mul3A_925 : i32
    %dma_start3A_927 = tpu.memref_slice %arg2[%mul3A_926] : memref<33554432xf32, #tpu.memory_space<hbm>> -> memref<16384xf32, #tpu.memory_space<hbm>>
    %dma_start3A_928 = tpu.memref_slice %arg2[%mul3A_926] : memref<33554432xf32, #tpu.memory_space<hbm>> -> memref<16384xf32, #tpu.memory_space<hbm>>
    tpu.enqueue_dma source(%dma_start3A_928 : memref<16384xf32, #tpu.memory_space<hbm>>) target(%arg5 : memref<16384xf32, #tpu.memory_space<vmem>>) target_semaphore(%arg10 : memref<!tpu.dma_semaphore, #tpu.memory_space<semaphore_mem>>)
    %dma_wait3A_929 = tpu.memref_slice %arg2[%mul3A_904] : memref<33554432xf32, #tpu.memory_space<hbm>> -> memref<16384xf32, #tpu.memory_space<hbm>>
    %dma_wait3A_930 = tpu.memref_slice %arg2[%mul3A_904] : memref<33554432xf32, #tpu.memory_space<hbm>> -> memref<16384xf32, #tpu.memory_space<hbm>>
    tpu.wait_dma2 semaphore(%arg12 : memref<!tpu.dma_semaphore, #tpu.memory_space<semaphore_mem>>) src(%dma_wait3A_930 : memref<16384xf32, #tpu.memory_space<hbm>>) dst(%arg7 : memref<16384xf32, #tpu.memory_space<vmem>>)
    %add3A_931 = arith.constant 8192 : i32
    %add3A_932 = arith.addi %add3A_931, %mul3A_2 : i32
    %add3A_933 = arith.constant 160 : i32
    %add3A_934 = arith.addi %add3A_932, %add3A_933 : i32
    %mul3A_935 = arith.constant 1024 : i32
    %mul3A_936 = arith.muli %add3A_934, %mul3A_935 : i32
    %dma_start3A_937 = tpu.memref_slice %arg4[%mul3A_936] : memref<33554432xf32, #tpu.memory_space<hbm>> -> memref<16384xf32, #tpu.memory_space<hbm>>
    %dma_start3A_938 = tpu.memref_slice %arg4[%mul3A_936] : memref<33554432xf32, #tpu.memory_space<hbm>> -> memref<16384xf32, #tpu.memory_space<hbm>>
    tpu.enqueue_dma source(%arg7 : memref<16384xf32, #tpu.memory_space<vmem>>) target(%dma_start3A_938 : memref<16384xf32, #tpu.memory_space<hbm>>) target_semaphore(%arg15 : memref<!tpu.dma_semaphore, #tpu.memory_space<semaphore_mem>>)
    %dma_wait3A_939 = tpu.memref_slice %arg4[%mul3A_916] : memref<33554432xf32, #tpu.memory_space<hbm>> -> memref<16384xf32, #tpu.memory_space<hbm>>
    %dma_wait3A_940 = tpu.memref_slice %arg4[%mul3A_916] : memref<33554432xf32, #tpu.memory_space<hbm>> -> memref<16384xf32, #tpu.memory_space<hbm>>
    tpu.wait_dma2 semaphore(%arg14 : memref<!tpu.dma_semaphore, #tpu.memory_space<semaphore_mem>>) src(%arg6 : memref<16384xf32, #tpu.memory_space<vmem>>) dst(%dma_wait3A_940 : memref<16384xf32, #tpu.memory_space<hbm>>)
    %add3A_941 = arith.constant 24576 : i32
    %add3A_942 = arith.addi %add3A_941, %mul3A_2 : i32
    %add3A_943 = arith.constant 160 : i32
    %add3A_944 = arith.addi %add3A_942, %add3A_943 : i32
    %mul3A_945 = arith.constant 1024 : i32
    %mul3A_946 = arith.muli %add3A_944, %mul3A_945 : i32
    %dma_start3A_947 = tpu.memref_slice %arg2[%mul3A_946] : memref<33554432xf32, #tpu.memory_space<hbm>> -> memref<16384xf32, #tpu.memory_space<hbm>>
    %dma_start3A_948 = tpu.memref_slice %arg2[%mul3A_946] : memref<33554432xf32, #tpu.memory_space<hbm>> -> memref<16384xf32, #tpu.memory_space<hbm>>
    tpu.enqueue_dma source(%dma_start3A_948 : memref<16384xf32, #tpu.memory_space<hbm>>) target(%arg6 : memref<16384xf32, #tpu.memory_space<vmem>>) target_semaphore(%arg11 : memref<!tpu.dma_semaphore, #tpu.memory_space<semaphore_mem>>)
    %dma_wait3A_949 = tpu.memref_slice %arg2[%mul3A_926] : memref<33554432xf32, #tpu.memory_space<hbm>> -> memref<16384xf32, #tpu.memory_space<hbm>>
    %dma_wait3A_950 = tpu.memref_slice %arg2[%mul3A_926] : memref<33554432xf32, #tpu.memory_space<hbm>> -> memref<16384xf32, #tpu.memory_space<hbm>>
    tpu.wait_dma2 semaphore(%arg10 : memref<!tpu.dma_semaphore, #tpu.memory_space<semaphore_mem>>) src(%dma_wait3A_950 : memref<16384xf32, #tpu.memory_space<hbm>>) dst(%arg5 : memref<16384xf32, #tpu.memory_space<vmem>>)
    %add3A_951 = arith.constant 16384 : i32
    %add3A_952 = arith.addi %add3A_951, %mul3A_2 : i32
    %add3A_953 = arith.constant 160 : i32
    %add3A_954 = arith.addi %add3A_952, %add3A_953 : i32
    %mul3A_955 = arith.constant 1024 : i32
    %mul3A_956 = arith.muli %add3A_954, %mul3A_955 : i32
    %dma_start3A_957 = tpu.memref_slice %arg4[%mul3A_956] : memref<33554432xf32, #tpu.memory_space<hbm>> -> memref<16384xf32, #tpu.memory_space<hbm>>
    %dma_start3A_958 = tpu.memref_slice %arg4[%mul3A_956] : memref<33554432xf32, #tpu.memory_space<hbm>> -> memref<16384xf32, #tpu.memory_space<hbm>>
    tpu.enqueue_dma source(%arg5 : memref<16384xf32, #tpu.memory_space<vmem>>) target(%dma_start3A_958 : memref<16384xf32, #tpu.memory_space<hbm>>) target_semaphore(%arg13 : memref<!tpu.dma_semaphore, #tpu.memory_space<semaphore_mem>>)
    %dma_wait3A_959 = tpu.memref_slice %arg4[%mul3A_936] : memref<33554432xf32, #tpu.memory_space<hbm>> -> memref<16384xf32, #tpu.memory_space<hbm>>
    %dma_wait3A_960 = tpu.memref_slice %arg4[%mul3A_936] : memref<33554432xf32, #tpu.memory_space<hbm>> -> memref<16384xf32, #tpu.memory_space<hbm>>
    tpu.wait_dma2 semaphore(%arg15 : memref<!tpu.dma_semaphore, #tpu.memory_space<semaphore_mem>>) src(%arg7 : memref<16384xf32, #tpu.memory_space<vmem>>) dst(%dma_wait3A_960 : memref<16384xf32, #tpu.memory_space<hbm>>)
    %add3A_961 = arith.constant 0 : i32
    %add3A_962 = arith.addi %add3A_961, %mul3A_2 : i32
    %add3A_963 = arith.constant 176 : i32
    %add3A_964 = arith.addi %add3A_962, %add3A_963 : i32
    %mul3A_965 = arith.constant 1024 : i32
    %mul3A_966 = arith.muli %add3A_964, %mul3A_965 : i32
    %dma_start3A_967 = tpu.memref_slice %arg2[%mul3A_966] : memref<33554432xf32, #tpu.memory_space<hbm>> -> memref<16384xf32, #tpu.memory_space<hbm>>
    %dma_start3A_968 = tpu.memref_slice %arg2[%mul3A_966] : memref<33554432xf32, #tpu.memory_space<hbm>> -> memref<16384xf32, #tpu.memory_space<hbm>>
    tpu.enqueue_dma source(%dma_start3A_968 : memref<16384xf32, #tpu.memory_space<hbm>>) target(%arg7 : memref<16384xf32, #tpu.memory_space<vmem>>) target_semaphore(%arg12 : memref<!tpu.dma_semaphore, #tpu.memory_space<semaphore_mem>>)
    %dma_wait3A_969 = tpu.memref_slice %arg2[%mul3A_946] : memref<33554432xf32, #tpu.memory_space<hbm>> -> memref<16384xf32, #tpu.memory_space<hbm>>
    %dma_wait3A_970 = tpu.memref_slice %arg2[%mul3A_946] : memref<33554432xf32, #tpu.memory_space<hbm>> -> memref<16384xf32, #tpu.memory_space<hbm>>
    tpu.wait_dma2 semaphore(%arg11 : memref<!tpu.dma_semaphore, #tpu.memory_space<semaphore_mem>>) src(%dma_wait3A_970 : memref<16384xf32, #tpu.memory_space<hbm>>) dst(%arg6 : memref<16384xf32, #tpu.memory_space<vmem>>)
    %add3A_971 = arith.constant 24576 : i32
    %add3A_972 = arith.addi %add3A_971, %mul3A_2 : i32
    %add3A_973 = arith.constant 160 : i32
    %add3A_974 = arith.addi %add3A_972, %add3A_973 : i32
    %mul3A_975 = arith.constant 1024 : i32
    %mul3A_976 = arith.muli %add3A_974, %mul3A_975 : i32
    %dma_start3A_977 = tpu.memref_slice %arg4[%mul3A_976] : memref<33554432xf32, #tpu.memory_space<hbm>> -> memref<16384xf32, #tpu.memory_space<hbm>>
    %dma_start3A_978 = tpu.memref_slice %arg4[%mul3A_976] : memref<33554432xf32, #tpu.memory_space<hbm>> -> memref<16384xf32, #tpu.memory_space<hbm>>
    tpu.enqueue_dma source(%arg6 : memref<16384xf32, #tpu.memory_space<vmem>>) target(%dma_start3A_978 : memref<16384xf32, #tpu.memory_space<hbm>>) target_semaphore(%arg14 : memref<!tpu.dma_semaphore, #tpu.memory_space<semaphore_mem>>)
    %add3A_979 = arith.constant 192 : i32
    %add3A_980 = arith.addi %mul3A_2, %add3A_979 : i32
    %mul3A_981 = arith.constant 1024 : i32
    %mul3A_982 = arith.muli %add3A_980, %mul3A_981 : i32
    %dma_start3A_983 = tpu.memref_slice %arg3[%mul3A_982] : memref<8388608xf32, #tpu.memory_space<hbm>> -> memref<16384xf32, #tpu.memory_space<hbm>>
    %dma_start3A_984 = tpu.memref_slice %arg3[%mul3A_982] : memref<8388608xf32, #tpu.memory_space<hbm>> -> memref<16384xf32, #tpu.memory_space<hbm>>
    tpu.enqueue_dma source(%dma_start3A_984 : memref<16384xf32, #tpu.memory_space<hbm>>) target(%arg8 : memref<16384xf32, #tpu.memory_space<vmem>>) target_semaphore(%arg16 : memref<!tpu.dma_semaphore, #tpu.memory_space<semaphore_mem>>)
    %dma_wait3A_985 = tpu.memref_slice %arg4[%mul3A_956] : memref<33554432xf32, #tpu.memory_space<hbm>> -> memref<16384xf32, #tpu.memory_space<hbm>>
    %dma_wait3A_986 = tpu.memref_slice %arg4[%mul3A_956] : memref<33554432xf32, #tpu.memory_space<hbm>> -> memref<16384xf32, #tpu.memory_space<hbm>>
    tpu.wait_dma2 semaphore(%arg13 : memref<!tpu.dma_semaphore, #tpu.memory_space<semaphore_mem>>) src(%arg5 : memref<16384xf32, #tpu.memory_space<vmem>>) dst(%dma_wait3A_986 : memref<16384xf32, #tpu.memory_space<hbm>>)
    %add3A_987 = arith.constant 8192 : i32
    %add3A_988 = arith.addi %add3A_987, %mul3A_2 : i32
    %add3A_989 = arith.constant 176 : i32
    %add3A_990 = arith.addi %add3A_988, %add3A_989 : i32
    %mul3A_991 = arith.constant 1024 : i32
    %mul3A_992 = arith.muli %add3A_990, %mul3A_991 : i32
    %dma_start3A_993 = tpu.memref_slice %arg2[%mul3A_992] : memref<33554432xf32, #tpu.memory_space<hbm>> -> memref<16384xf32, #tpu.memory_space<hbm>>
    %dma_start3A_994 = tpu.memref_slice %arg2[%mul3A_992] : memref<33554432xf32, #tpu.memory_space<hbm>> -> memref<16384xf32, #tpu.memory_space<hbm>>
    tpu.enqueue_dma source(%dma_start3A_994 : memref<16384xf32, #tpu.memory_space<hbm>>) target(%arg5 : memref<16384xf32, #tpu.memory_space<vmem>>) target_semaphore(%arg10 : memref<!tpu.dma_semaphore, #tpu.memory_space<semaphore_mem>>)
    %dma_wait3A_995 = tpu.memref_slice %arg2[%mul3A_966] : memref<33554432xf32, #tpu.memory_space<hbm>> -> memref<16384xf32, #tpu.memory_space<hbm>>
    %dma_wait3A_996 = tpu.memref_slice %arg2[%mul3A_966] : memref<33554432xf32, #tpu.memory_space<hbm>> -> memref<16384xf32, #tpu.memory_space<hbm>>
    tpu.wait_dma2 semaphore(%arg12 : memref<!tpu.dma_semaphore, #tpu.memory_space<semaphore_mem>>) src(%dma_wait3A_996 : memref<16384xf32, #tpu.memory_space<hbm>>) dst(%arg7 : memref<16384xf32, #tpu.memory_space<vmem>>)
    %dma_wait3A_997 = tpu.memref_slice %arg3[%mul3A_894] : memref<8388608xf32, #tpu.memory_space<hbm>> -> memref<16384xf32, #tpu.memory_space<hbm>>
    %dma_wait3A_998 = tpu.memref_slice %arg3[%mul3A_894] : memref<8388608xf32, #tpu.memory_space<hbm>> -> memref<16384xf32, #tpu.memory_space<hbm>>
    tpu.wait_dma2 semaphore(%arg17 : memref<!tpu.dma_semaphore, #tpu.memory_space<semaphore_mem>>) src(%dma_wait3A_998 : memref<16384xf32, #tpu.memory_space<hbm>>) dst(%arg9 : memref<16384xf32, #tpu.memory_space<vmem>>)
    %add3A_999 = arith.constant 0 : i32
    %add3A_1000 = arith.addi %add3A_999, %mul3A_2 : i32
    %add3A_1001 = arith.constant 176 : i32
    %add3A_1002 = arith.addi %add3A_1000, %add3A_1001 : i32
    %mul3A_1003 = arith.constant 1024 : i32
    %mul3A_1004 = arith.muli %add3A_1002, %mul3A_1003 : i32
    %dma_start3A_1005 = tpu.memref_slice %arg4[%mul3A_1004] : memref<33554432xf32, #tpu.memory_space<hbm>> -> memref<16384xf32, #tpu.memory_space<hbm>>
    %dma_start3A_1006 = tpu.memref_slice %arg4[%mul3A_1004] : memref<33554432xf32, #tpu.memory_space<hbm>> -> memref<16384xf32, #tpu.memory_space<hbm>>
    tpu.enqueue_dma source(%arg7 : memref<16384xf32, #tpu.memory_space<vmem>>) target(%dma_start3A_1006 : memref<16384xf32, #tpu.memory_space<hbm>>) target_semaphore(%arg15 : memref<!tpu.dma_semaphore, #tpu.memory_space<semaphore_mem>>)
    %dma_wait3A_1007 = tpu.memref_slice %arg4[%mul3A_976] : memref<33554432xf32, #tpu.memory_space<hbm>> -> memref<16384xf32, #tpu.memory_space<hbm>>
    %dma_wait3A_1008 = tpu.memref_slice %arg4[%mul3A_976] : memref<33554432xf32, #tpu.memory_space<hbm>> -> memref<16384xf32, #tpu.memory_space<hbm>>
    tpu.wait_dma2 semaphore(%arg14 : memref<!tpu.dma_semaphore, #tpu.memory_space<semaphore_mem>>) src(%arg6 : memref<16384xf32, #tpu.memory_space<vmem>>) dst(%dma_wait3A_1008 : memref<16384xf32, #tpu.memory_space<hbm>>)
    %add3A_1009 = arith.constant 16384 : i32
    %add3A_1010 = arith.addi %add3A_1009, %mul3A_2 : i32
    %add3A_1011 = arith.constant 176 : i32
    %add3A_1012 = arith.addi %add3A_1010, %add3A_1011 : i32
    %mul3A_1013 = arith.constant 1024 : i32
    %mul3A_1014 = arith.muli %add3A_1012, %mul3A_1013 : i32
    %dma_start3A_1015 = tpu.memref_slice %arg2[%mul3A_1014] : memref<33554432xf32, #tpu.memory_space<hbm>> -> memref<16384xf32, #tpu.memory_space<hbm>>
    %dma_start3A_1016 = tpu.memref_slice %arg2[%mul3A_1014] : memref<33554432xf32, #tpu.memory_space<hbm>> -> memref<16384xf32, #tpu.memory_space<hbm>>
    tpu.enqueue_dma source(%dma_start3A_1016 : memref<16384xf32, #tpu.memory_space<hbm>>) target(%arg6 : memref<16384xf32, #tpu.memory_space<vmem>>) target_semaphore(%arg11 : memref<!tpu.dma_semaphore, #tpu.memory_space<semaphore_mem>>)
    %dma_wait3A_1017 = tpu.memref_slice %arg2[%mul3A_992] : memref<33554432xf32, #tpu.memory_space<hbm>> -> memref<16384xf32, #tpu.memory_space<hbm>>
    %dma_wait3A_1018 = tpu.memref_slice %arg2[%mul3A_992] : memref<33554432xf32, #tpu.memory_space<hbm>> -> memref<16384xf32, #tpu.memory_space<hbm>>
    tpu.wait_dma2 semaphore(%arg10 : memref<!tpu.dma_semaphore, #tpu.memory_space<semaphore_mem>>) src(%dma_wait3A_1018 : memref<16384xf32, #tpu.memory_space<hbm>>) dst(%arg5 : memref<16384xf32, #tpu.memory_space<vmem>>)
    %add3A_1019 = arith.constant 8192 : i32
    %add3A_1020 = arith.addi %add3A_1019, %mul3A_2 : i32
    %add3A_1021 = arith.constant 176 : i32
    %add3A_1022 = arith.addi %add3A_1020, %add3A_1021 : i32
    %mul3A_1023 = arith.constant 1024 : i32
    %mul3A_1024 = arith.muli %add3A_1022, %mul3A_1023 : i32
    %dma_start3A_1025 = tpu.memref_slice %arg4[%mul3A_1024] : memref<33554432xf32, #tpu.memory_space<hbm>> -> memref<16384xf32, #tpu.memory_space<hbm>>
    %dma_start3A_1026 = tpu.memref_slice %arg4[%mul3A_1024] : memref<33554432xf32, #tpu.memory_space<hbm>> -> memref<16384xf32, #tpu.memory_space<hbm>>
    tpu.enqueue_dma source(%arg5 : memref<16384xf32, #tpu.memory_space<vmem>>) target(%dma_start3A_1026 : memref<16384xf32, #tpu.memory_space<hbm>>) target_semaphore(%arg13 : memref<!tpu.dma_semaphore, #tpu.memory_space<semaphore_mem>>)
    %dma_wait3A_1027 = tpu.memref_slice %arg4[%mul3A_1004] : memref<33554432xf32, #tpu.memory_space<hbm>> -> memref<16384xf32, #tpu.memory_space<hbm>>
    %dma_wait3A_1028 = tpu.memref_slice %arg4[%mul3A_1004] : memref<33554432xf32, #tpu.memory_space<hbm>> -> memref<16384xf32, #tpu.memory_space<hbm>>
    tpu.wait_dma2 semaphore(%arg15 : memref<!tpu.dma_semaphore, #tpu.memory_space<semaphore_mem>>) src(%arg7 : memref<16384xf32, #tpu.memory_space<vmem>>) dst(%dma_wait3A_1028 : memref<16384xf32, #tpu.memory_space<hbm>>)
    %add3A_1029 = arith.constant 24576 : i32
    %add3A_1030 = arith.addi %add3A_1029, %mul3A_2 : i32
    %add3A_1031 = arith.constant 176 : i32
    %add3A_1032 = arith.addi %add3A_1030, %add3A_1031 : i32
    %mul3A_1033 = arith.constant 1024 : i32
    %mul3A_1034 = arith.muli %add3A_1032, %mul3A_1033 : i32
    %dma_start3A_1035 = tpu.memref_slice %arg2[%mul3A_1034] : memref<33554432xf32, #tpu.memory_space<hbm>> -> memref<16384xf32, #tpu.memory_space<hbm>>
    %dma_start3A_1036 = tpu.memref_slice %arg2[%mul3A_1034] : memref<33554432xf32, #tpu.memory_space<hbm>> -> memref<16384xf32, #tpu.memory_space<hbm>>
    tpu.enqueue_dma source(%dma_start3A_1036 : memref<16384xf32, #tpu.memory_space<hbm>>) target(%arg7 : memref<16384xf32, #tpu.memory_space<vmem>>) target_semaphore(%arg12 : memref<!tpu.dma_semaphore, #tpu.memory_space<semaphore_mem>>)
    %dma_wait3A_1037 = tpu.memref_slice %arg2[%mul3A_1014] : memref<33554432xf32, #tpu.memory_space<hbm>> -> memref<16384xf32, #tpu.memory_space<hbm>>
    %dma_wait3A_1038 = tpu.memref_slice %arg2[%mul3A_1014] : memref<33554432xf32, #tpu.memory_space<hbm>> -> memref<16384xf32, #tpu.memory_space<hbm>>
    tpu.wait_dma2 semaphore(%arg11 : memref<!tpu.dma_semaphore, #tpu.memory_space<semaphore_mem>>) src(%dma_wait3A_1038 : memref<16384xf32, #tpu.memory_space<hbm>>) dst(%arg6 : memref<16384xf32, #tpu.memory_space<vmem>>)
    %add3A_1039 = arith.constant 16384 : i32
    %add3A_1040 = arith.addi %add3A_1039, %mul3A_2 : i32
    %add3A_1041 = arith.constant 176 : i32
    %add3A_1042 = arith.addi %add3A_1040, %add3A_1041 : i32
    %mul3A_1043 = arith.constant 1024 : i32
    %mul3A_1044 = arith.muli %add3A_1042, %mul3A_1043 : i32
    %dma_start3A_1045 = tpu.memref_slice %arg4[%mul3A_1044] : memref<33554432xf32, #tpu.memory_space<hbm>> -> memref<16384xf32, #tpu.memory_space<hbm>>
    %dma_start3A_1046 = tpu.memref_slice %arg4[%mul3A_1044] : memref<33554432xf32, #tpu.memory_space<hbm>> -> memref<16384xf32, #tpu.memory_space<hbm>>
    tpu.enqueue_dma source(%arg6 : memref<16384xf32, #tpu.memory_space<vmem>>) target(%dma_start3A_1046 : memref<16384xf32, #tpu.memory_space<hbm>>) target_semaphore(%arg14 : memref<!tpu.dma_semaphore, #tpu.memory_space<semaphore_mem>>)
    %dma_wait3A_1047 = tpu.memref_slice %arg4[%mul3A_1024] : memref<33554432xf32, #tpu.memory_space<hbm>> -> memref<16384xf32, #tpu.memory_space<hbm>>
    %dma_wait3A_1048 = tpu.memref_slice %arg4[%mul3A_1024] : memref<33554432xf32, #tpu.memory_space<hbm>> -> memref<16384xf32, #tpu.memory_space<hbm>>
    tpu.wait_dma2 semaphore(%arg13 : memref<!tpu.dma_semaphore, #tpu.memory_space<semaphore_mem>>) src(%arg5 : memref<16384xf32, #tpu.memory_space<vmem>>) dst(%dma_wait3A_1048 : memref<16384xf32, #tpu.memory_space<hbm>>)
    %add3A_1049 = arith.constant 0 : i32
    %add3A_1050 = arith.addi %add3A_1049, %mul3A_2 : i32
    %add3A_1051 = arith.constant 192 : i32
    %add3A_1052 = arith.addi %add3A_1050, %add3A_1051 : i32
    %mul3A_1053 = arith.constant 1024 : i32
    %mul3A_1054 = arith.muli %add3A_1052, %mul3A_1053 : i32
    %dma_start3A_1055 = tpu.memref_slice %arg2[%mul3A_1054] : memref<33554432xf32, #tpu.memory_space<hbm>> -> memref<16384xf32, #tpu.memory_space<hbm>>
    %dma_start3A_1056 = tpu.memref_slice %arg2[%mul3A_1054] : memref<33554432xf32, #tpu.memory_space<hbm>> -> memref<16384xf32, #tpu.memory_space<hbm>>
    tpu.enqueue_dma source(%dma_start3A_1056 : memref<16384xf32, #tpu.memory_space<hbm>>) target(%arg5 : memref<16384xf32, #tpu.memory_space<vmem>>) target_semaphore(%arg10 : memref<!tpu.dma_semaphore, #tpu.memory_space<semaphore_mem>>)
    %dma_wait3A_1057 = tpu.memref_slice %arg2[%mul3A_1034] : memref<33554432xf32, #tpu.memory_space<hbm>> -> memref<16384xf32, #tpu.memory_space<hbm>>
    %dma_wait3A_1058 = tpu.memref_slice %arg2[%mul3A_1034] : memref<33554432xf32, #tpu.memory_space<hbm>> -> memref<16384xf32, #tpu.memory_space<hbm>>
    tpu.wait_dma2 semaphore(%arg12 : memref<!tpu.dma_semaphore, #tpu.memory_space<semaphore_mem>>) src(%dma_wait3A_1058 : memref<16384xf32, #tpu.memory_space<hbm>>) dst(%arg7 : memref<16384xf32, #tpu.memory_space<vmem>>)
    %add3A_1059 = arith.constant 24576 : i32
    %add3A_1060 = arith.addi %add3A_1059, %mul3A_2 : i32
    %add3A_1061 = arith.constant 176 : i32
    %add3A_1062 = arith.addi %add3A_1060, %add3A_1061 : i32
    %mul3A_1063 = arith.constant 1024 : i32
    %mul3A_1064 = arith.muli %add3A_1062, %mul3A_1063 : i32
    %dma_start3A_1065 = tpu.memref_slice %arg4[%mul3A_1064] : memref<33554432xf32, #tpu.memory_space<hbm>> -> memref<16384xf32, #tpu.memory_space<hbm>>
    %dma_start3A_1066 = tpu.memref_slice %arg4[%mul3A_1064] : memref<33554432xf32, #tpu.memory_space<hbm>> -> memref<16384xf32, #tpu.memory_space<hbm>>
    tpu.enqueue_dma source(%arg7 : memref<16384xf32, #tpu.memory_space<vmem>>) target(%dma_start3A_1066 : memref<16384xf32, #tpu.memory_space<hbm>>) target_semaphore(%arg15 : memref<!tpu.dma_semaphore, #tpu.memory_space<semaphore_mem>>)
    %add3A_1067 = arith.constant 208 : i32
    %add3A_1068 = arith.addi %mul3A_2, %add3A_1067 : i32
    %mul3A_1069 = arith.constant 1024 : i32
    %mul3A_1070 = arith.muli %add3A_1068, %mul3A_1069 : i32
    %dma_start3A_1071 = tpu.memref_slice %arg3[%mul3A_1070] : memref<8388608xf32, #tpu.memory_space<hbm>> -> memref<16384xf32, #tpu.memory_space<hbm>>
    %dma_start3A_1072 = tpu.memref_slice %arg3[%mul3A_1070] : memref<8388608xf32, #tpu.memory_space<hbm>> -> memref<16384xf32, #tpu.memory_space<hbm>>
    tpu.enqueue_dma source(%dma_start3A_1072 : memref<16384xf32, #tpu.memory_space<hbm>>) target(%arg9 : memref<16384xf32, #tpu.memory_space<vmem>>) target_semaphore(%arg17 : memref<!tpu.dma_semaphore, #tpu.memory_space<semaphore_mem>>)
    %dma_wait3A_1073 = tpu.memref_slice %arg4[%mul3A_1044] : memref<33554432xf32, #tpu.memory_space<hbm>> -> memref<16384xf32, #tpu.memory_space<hbm>>
    %dma_wait3A_1074 = tpu.memref_slice %arg4[%mul3A_1044] : memref<33554432xf32, #tpu.memory_space<hbm>> -> memref<16384xf32, #tpu.memory_space<hbm>>
    tpu.wait_dma2 semaphore(%arg14 : memref<!tpu.dma_semaphore, #tpu.memory_space<semaphore_mem>>) src(%arg6 : memref<16384xf32, #tpu.memory_space<vmem>>) dst(%dma_wait3A_1074 : memref<16384xf32, #tpu.memory_space<hbm>>)
    %add3A_1075 = arith.constant 8192 : i32
    %add3A_1076 = arith.addi %add3A_1075, %mul3A_2 : i32
    %add3A_1077 = arith.constant 192 : i32
    %add3A_1078 = arith.addi %add3A_1076, %add3A_1077 : i32
    %mul3A_1079 = arith.constant 1024 : i32
    %mul3A_1080 = arith.muli %add3A_1078, %mul3A_1079 : i32
    %dma_start3A_1081 = tpu.memref_slice %arg2[%mul3A_1080] : memref<33554432xf32, #tpu.memory_space<hbm>> -> memref<16384xf32, #tpu.memory_space<hbm>>
    %dma_start3A_1082 = tpu.memref_slice %arg2[%mul3A_1080] : memref<33554432xf32, #tpu.memory_space<hbm>> -> memref<16384xf32, #tpu.memory_space<hbm>>
    tpu.enqueue_dma source(%dma_start3A_1082 : memref<16384xf32, #tpu.memory_space<hbm>>) target(%arg6 : memref<16384xf32, #tpu.memory_space<vmem>>) target_semaphore(%arg11 : memref<!tpu.dma_semaphore, #tpu.memory_space<semaphore_mem>>)
    %dma_wait3A_1083 = tpu.memref_slice %arg2[%mul3A_1054] : memref<33554432xf32, #tpu.memory_space<hbm>> -> memref<16384xf32, #tpu.memory_space<hbm>>
    %dma_wait3A_1084 = tpu.memref_slice %arg2[%mul3A_1054] : memref<33554432xf32, #tpu.memory_space<hbm>> -> memref<16384xf32, #tpu.memory_space<hbm>>
    tpu.wait_dma2 semaphore(%arg10 : memref<!tpu.dma_semaphore, #tpu.memory_space<semaphore_mem>>) src(%dma_wait3A_1084 : memref<16384xf32, #tpu.memory_space<hbm>>) dst(%arg5 : memref<16384xf32, #tpu.memory_space<vmem>>)
    %dma_wait3A_1085 = tpu.memref_slice %arg3[%mul3A_982] : memref<8388608xf32, #tpu.memory_space<hbm>> -> memref<16384xf32, #tpu.memory_space<hbm>>
    %dma_wait3A_1086 = tpu.memref_slice %arg3[%mul3A_982] : memref<8388608xf32, #tpu.memory_space<hbm>> -> memref<16384xf32, #tpu.memory_space<hbm>>
    tpu.wait_dma2 semaphore(%arg16 : memref<!tpu.dma_semaphore, #tpu.memory_space<semaphore_mem>>) src(%dma_wait3A_1086 : memref<16384xf32, #tpu.memory_space<hbm>>) dst(%arg8 : memref<16384xf32, #tpu.memory_space<vmem>>)
    %add3A_1087 = arith.constant 0 : i32
    %add3A_1088 = arith.addi %add3A_1087, %mul3A_2 : i32
    %add3A_1089 = arith.constant 192 : i32
    %add3A_1090 = arith.addi %add3A_1088, %add3A_1089 : i32
    %mul3A_1091 = arith.constant 1024 : i32
    %mul3A_1092 = arith.muli %add3A_1090, %mul3A_1091 : i32
    %dma_start3A_1093 = tpu.memref_slice %arg4[%mul3A_1092] : memref<33554432xf32, #tpu.memory_space<hbm>> -> memref<16384xf32, #tpu.memory_space<hbm>>
    %dma_start3A_1094 = tpu.memref_slice %arg4[%mul3A_1092] : memref<33554432xf32, #tpu.memory_space<hbm>> -> memref<16384xf32, #tpu.memory_space<hbm>>
    tpu.enqueue_dma source(%arg5 : memref<16384xf32, #tpu.memory_space<vmem>>) target(%dma_start3A_1094 : memref<16384xf32, #tpu.memory_space<hbm>>) target_semaphore(%arg13 : memref<!tpu.dma_semaphore, #tpu.memory_space<semaphore_mem>>)
    %dma_wait3A_1095 = tpu.memref_slice %arg4[%mul3A_1064] : memref<33554432xf32, #tpu.memory_space<hbm>> -> memref<16384xf32, #tpu.memory_space<hbm>>
    %dma_wait3A_1096 = tpu.memref_slice %arg4[%mul3A_1064] : memref<33554432xf32, #tpu.memory_space<hbm>> -> memref<16384xf32, #tpu.memory_space<hbm>>
    tpu.wait_dma2 semaphore(%arg15 : memref<!tpu.dma_semaphore, #tpu.memory_space<semaphore_mem>>) src(%arg7 : memref<16384xf32, #tpu.memory_space<vmem>>) dst(%dma_wait3A_1096 : memref<16384xf32, #tpu.memory_space<hbm>>)
    %add3A_1097 = arith.constant 16384 : i32
    %add3A_1098 = arith.addi %add3A_1097, %mul3A_2 : i32
    %add3A_1099 = arith.constant 192 : i32
    %add3A_1100 = arith.addi %add3A_1098, %add3A_1099 : i32
    %mul3A_1101 = arith.constant 1024 : i32
    %mul3A_1102 = arith.muli %add3A_1100, %mul3A_1101 : i32
    %dma_start3A_1103 = tpu.memref_slice %arg2[%mul3A_1102] : memref<33554432xf32, #tpu.memory_space<hbm>> -> memref<16384xf32, #tpu.memory_space<hbm>>
    %dma_start3A_1104 = tpu.memref_slice %arg2[%mul3A_1102] : memref<33554432xf32, #tpu.memory_space<hbm>> -> memref<16384xf32, #tpu.memory_space<hbm>>
    tpu.enqueue_dma source(%dma_start3A_1104 : memref<16384xf32, #tpu.memory_space<hbm>>) target(%arg7 : memref<16384xf32, #tpu.memory_space<vmem>>) target_semaphore(%arg12 : memref<!tpu.dma_semaphore, #tpu.memory_space<semaphore_mem>>)
    %dma_wait3A_1105 = tpu.memref_slice %arg2[%mul3A_1080] : memref<33554432xf32, #tpu.memory_space<hbm>> -> memref<16384xf32, #tpu.memory_space<hbm>>
    %dma_wait3A_1106 = tpu.memref_slice %arg2[%mul3A_1080] : memref<33554432xf32, #tpu.memory_space<hbm>> -> memref<16384xf32, #tpu.memory_space<hbm>>
    tpu.wait_dma2 semaphore(%arg11 : memref<!tpu.dma_semaphore, #tpu.memory_space<semaphore_mem>>) src(%dma_wait3A_1106 : memref<16384xf32, #tpu.memory_space<hbm>>) dst(%arg6 : memref<16384xf32, #tpu.memory_space<vmem>>)
    %add3A_1107 = arith.constant 8192 : i32
    %add3A_1108 = arith.addi %add3A_1107, %mul3A_2 : i32
    %add3A_1109 = arith.constant 192 : i32
    %add3A_1110 = arith.addi %add3A_1108, %add3A_1109 : i32
    %mul3A_1111 = arith.constant 1024 : i32
    %mul3A_1112 = arith.muli %add3A_1110, %mul3A_1111 : i32
    %dma_start3A_1113 = tpu.memref_slice %arg4[%mul3A_1112] : memref<33554432xf32, #tpu.memory_space<hbm>> -> memref<16384xf32, #tpu.memory_space<hbm>>
    %dma_start3A_1114 = tpu.memref_slice %arg4[%mul3A_1112] : memref<33554432xf32, #tpu.memory_space<hbm>> -> memref<16384xf32, #tpu.memory_space<hbm>>
    tpu.enqueue_dma source(%arg6 : memref<16384xf32, #tpu.memory_space<vmem>>) target(%dma_start3A_1114 : memref<16384xf32, #tpu.memory_space<hbm>>) target_semaphore(%arg14 : memref<!tpu.dma_semaphore, #tpu.memory_space<semaphore_mem>>)
    %dma_wait3A_1115 = tpu.memref_slice %arg4[%mul3A_1092] : memref<33554432xf32, #tpu.memory_space<hbm>> -> memref<16384xf32, #tpu.memory_space<hbm>>
    %dma_wait3A_1116 = tpu.memref_slice %arg4[%mul3A_1092] : memref<33554432xf32, #tpu.memory_space<hbm>> -> memref<16384xf32, #tpu.memory_space<hbm>>
    tpu.wait_dma2 semaphore(%arg13 : memref<!tpu.dma_semaphore, #tpu.memory_space<semaphore_mem>>) src(%arg5 : memref<16384xf32, #tpu.memory_space<vmem>>) dst(%dma_wait3A_1116 : memref<16384xf32, #tpu.memory_space<hbm>>)
    %add3A_1117 = arith.constant 24576 : i32
    %add3A_1118 = arith.addi %add3A_1117, %mul3A_2 : i32
    %add3A_1119 = arith.constant 192 : i32
    %add3A_1120 = arith.addi %add3A_1118, %add3A_1119 : i32
    %mul3A_1121 = arith.constant 1024 : i32
    %mul3A_1122 = arith.muli %add3A_1120, %mul3A_1121 : i32
    %dma_start3A_1123 = tpu.memref_slice %arg2[%mul3A_1122] : memref<33554432xf32, #tpu.memory_space<hbm>> -> memref<16384xf32, #tpu.memory_space<hbm>>
    %dma_start3A_1124 = tpu.memref_slice %arg2[%mul3A_1122] : memref<33554432xf32, #tpu.memory_space<hbm>> -> memref<16384xf32, #tpu.memory_space<hbm>>
    tpu.enqueue_dma source(%dma_start3A_1124 : memref<16384xf32, #tpu.memory_space<hbm>>) target(%arg5 : memref<16384xf32, #tpu.memory_space<vmem>>) target_semaphore(%arg10 : memref<!tpu.dma_semaphore, #tpu.memory_space<semaphore_mem>>)
    %dma_wait3A_1125 = tpu.memref_slice %arg2[%mul3A_1102] : memref<33554432xf32, #tpu.memory_space<hbm>> -> memref<16384xf32, #tpu.memory_space<hbm>>
    %dma_wait3A_1126 = tpu.memref_slice %arg2[%mul3A_1102] : memref<33554432xf32, #tpu.memory_space<hbm>> -> memref<16384xf32, #tpu.memory_space<hbm>>
    tpu.wait_dma2 semaphore(%arg12 : memref<!tpu.dma_semaphore, #tpu.memory_space<semaphore_mem>>) src(%dma_wait3A_1126 : memref<16384xf32, #tpu.memory_space<hbm>>) dst(%arg7 : memref<16384xf32, #tpu.memory_space<vmem>>)
    %add3A_1127 = arith.constant 16384 : i32
    %add3A_1128 = arith.addi %add3A_1127, %mul3A_2 : i32
    %add3A_1129 = arith.constant 192 : i32
    %add3A_1130 = arith.addi %add3A_1128, %add3A_1129 : i32
    %mul3A_1131 = arith.constant 1024 : i32
    %mul3A_1132 = arith.muli %add3A_1130, %mul3A_1131 : i32
    %dma_start3A_1133 = tpu.memref_slice %arg4[%mul3A_1132] : memref<33554432xf32, #tpu.memory_space<hbm>> -> memref<16384xf32, #tpu.memory_space<hbm>>
    %dma_start3A_1134 = tpu.memref_slice %arg4[%mul3A_1132] : memref<33554432xf32, #tpu.memory_space<hbm>> -> memref<16384xf32, #tpu.memory_space<hbm>>
    tpu.enqueue_dma source(%arg7 : memref<16384xf32, #tpu.memory_space<vmem>>) target(%dma_start3A_1134 : memref<16384xf32, #tpu.memory_space<hbm>>) target_semaphore(%arg15 : memref<!tpu.dma_semaphore, #tpu.memory_space<semaphore_mem>>)
    %dma_wait3A_1135 = tpu.memref_slice %arg4[%mul3A_1112] : memref<33554432xf32, #tpu.memory_space<hbm>> -> memref<16384xf32, #tpu.memory_space<hbm>>
    %dma_wait3A_1136 = tpu.memref_slice %arg4[%mul3A_1112] : memref<33554432xf32, #tpu.memory_space<hbm>> -> memref<16384xf32, #tpu.memory_space<hbm>>
    tpu.wait_dma2 semaphore(%arg14 : memref<!tpu.dma_semaphore, #tpu.memory_space<semaphore_mem>>) src(%arg6 : memref<16384xf32, #tpu.memory_space<vmem>>) dst(%dma_wait3A_1136 : memref<16384xf32, #tpu.memory_space<hbm>>)
    %add3A_1137 = arith.constant 0 : i32
    %add3A_1138 = arith.addi %add3A_1137, %mul3A_2 : i32
    %add3A_1139 = arith.constant 208 : i32
    %add3A_1140 = arith.addi %add3A_1138, %add3A_1139 : i32
    %mul3A_1141 = arith.constant 1024 : i32
    %mul3A_1142 = arith.muli %add3A_1140, %mul3A_1141 : i32
    %dma_start3A_1143 = tpu.memref_slice %arg2[%mul3A_1142] : memref<33554432xf32, #tpu.memory_space<hbm>> -> memref<16384xf32, #tpu.memory_space<hbm>>
    %dma_start3A_1144 = tpu.memref_slice %arg2[%mul3A_1142] : memref<33554432xf32, #tpu.memory_space<hbm>> -> memref<16384xf32, #tpu.memory_space<hbm>>
    tpu.enqueue_dma source(%dma_start3A_1144 : memref<16384xf32, #tpu.memory_space<hbm>>) target(%arg6 : memref<16384xf32, #tpu.memory_space<vmem>>) target_semaphore(%arg11 : memref<!tpu.dma_semaphore, #tpu.memory_space<semaphore_mem>>)
    %dma_wait3A_1145 = tpu.memref_slice %arg2[%mul3A_1122] : memref<33554432xf32, #tpu.memory_space<hbm>> -> memref<16384xf32, #tpu.memory_space<hbm>>
    %dma_wait3A_1146 = tpu.memref_slice %arg2[%mul3A_1122] : memref<33554432xf32, #tpu.memory_space<hbm>> -> memref<16384xf32, #tpu.memory_space<hbm>>
    tpu.wait_dma2 semaphore(%arg10 : memref<!tpu.dma_semaphore, #tpu.memory_space<semaphore_mem>>) src(%dma_wait3A_1146 : memref<16384xf32, #tpu.memory_space<hbm>>) dst(%arg5 : memref<16384xf32, #tpu.memory_space<vmem>>)
    %add3A_1147 = arith.constant 24576 : i32
    %add3A_1148 = arith.addi %add3A_1147, %mul3A_2 : i32
    %add3A_1149 = arith.constant 192 : i32
    %add3A_1150 = arith.addi %add3A_1148, %add3A_1149 : i32
    %mul3A_1151 = arith.constant 1024 : i32
    %mul3A_1152 = arith.muli %add3A_1150, %mul3A_1151 : i32
    %dma_start3A_1153 = tpu.memref_slice %arg4[%mul3A_1152] : memref<33554432xf32, #tpu.memory_space<hbm>> -> memref<16384xf32, #tpu.memory_space<hbm>>
    %dma_start3A_1154 = tpu.memref_slice %arg4[%mul3A_1152] : memref<33554432xf32, #tpu.memory_space<hbm>> -> memref<16384xf32, #tpu.memory_space<hbm>>
    tpu.enqueue_dma source(%arg5 : memref<16384xf32, #tpu.memory_space<vmem>>) target(%dma_start3A_1154 : memref<16384xf32, #tpu.memory_space<hbm>>) target_semaphore(%arg13 : memref<!tpu.dma_semaphore, #tpu.memory_space<semaphore_mem>>)
    %add3A_1155 = arith.constant 224 : i32
    %add3A_1156 = arith.addi %mul3A_2, %add3A_1155 : i32
    %mul3A_1157 = arith.constant 1024 : i32
    %mul3A_1158 = arith.muli %add3A_1156, %mul3A_1157 : i32
    %dma_start3A_1159 = tpu.memref_slice %arg3[%mul3A_1158] : memref<8388608xf32, #tpu.memory_space<hbm>> -> memref<16384xf32, #tpu.memory_space<hbm>>
    %dma_start3A_1160 = tpu.memref_slice %arg3[%mul3A_1158] : memref<8388608xf32, #tpu.memory_space<hbm>> -> memref<16384xf32, #tpu.memory_space<hbm>>
    tpu.enqueue_dma source(%dma_start3A_1160 : memref<16384xf32, #tpu.memory_space<hbm>>) target(%arg8 : memref<16384xf32, #tpu.memory_space<vmem>>) target_semaphore(%arg16 : memref<!tpu.dma_semaphore, #tpu.memory_space<semaphore_mem>>)
    %dma_wait3A_1161 = tpu.memref_slice %arg4[%mul3A_1132] : memref<33554432xf32, #tpu.memory_space<hbm>> -> memref<16384xf32, #tpu.memory_space<hbm>>
    %dma_wait3A_1162 = tpu.memref_slice %arg4[%mul3A_1132] : memref<33554432xf32, #tpu.memory_space<hbm>> -> memref<16384xf32, #tpu.memory_space<hbm>>
    tpu.wait_dma2 semaphore(%arg15 : memref<!tpu.dma_semaphore, #tpu.memory_space<semaphore_mem>>) src(%arg7 : memref<16384xf32, #tpu.memory_space<vmem>>) dst(%dma_wait3A_1162 : memref<16384xf32, #tpu.memory_space<hbm>>)
    %add3A_1163 = arith.constant 8192 : i32
    %add3A_1164 = arith.addi %add3A_1163, %mul3A_2 : i32
    %add3A_1165 = arith.constant 208 : i32
    %add3A_1166 = arith.addi %add3A_1164, %add3A_1165 : i32
    %mul3A_1167 = arith.constant 1024 : i32
    %mul3A_1168 = arith.muli %add3A_1166, %mul3A_1167 : i32
    %dma_start3A_1169 = tpu.memref_slice %arg2[%mul3A_1168] : memref<33554432xf32, #tpu.memory_space<hbm>> -> memref<16384xf32, #tpu.memory_space<hbm>>
    %dma_start3A_1170 = tpu.memref_slice %arg2[%mul3A_1168] : memref<33554432xf32, #tpu.memory_space<hbm>> -> memref<16384xf32, #tpu.memory_space<hbm>>
    tpu.enqueue_dma source(%dma_start3A_1170 : memref<16384xf32, #tpu.memory_space<hbm>>) target(%arg7 : memref<16384xf32, #tpu.memory_space<vmem>>) target_semaphore(%arg12 : memref<!tpu.dma_semaphore, #tpu.memory_space<semaphore_mem>>)
    %dma_wait3A_1171 = tpu.memref_slice %arg2[%mul3A_1142] : memref<33554432xf32, #tpu.memory_space<hbm>> -> memref<16384xf32, #tpu.memory_space<hbm>>
    %dma_wait3A_1172 = tpu.memref_slice %arg2[%mul3A_1142] : memref<33554432xf32, #tpu.memory_space<hbm>> -> memref<16384xf32, #tpu.memory_space<hbm>>
    tpu.wait_dma2 semaphore(%arg11 : memref<!tpu.dma_semaphore, #tpu.memory_space<semaphore_mem>>) src(%dma_wait3A_1172 : memref<16384xf32, #tpu.memory_space<hbm>>) dst(%arg6 : memref<16384xf32, #tpu.memory_space<vmem>>)
    %dma_wait3A_1173 = tpu.memref_slice %arg3[%mul3A_1070] : memref<8388608xf32, #tpu.memory_space<hbm>> -> memref<16384xf32, #tpu.memory_space<hbm>>
    %dma_wait3A_1174 = tpu.memref_slice %arg3[%mul3A_1070] : memref<8388608xf32, #tpu.memory_space<hbm>> -> memref<16384xf32, #tpu.memory_space<hbm>>
    tpu.wait_dma2 semaphore(%arg17 : memref<!tpu.dma_semaphore, #tpu.memory_space<semaphore_mem>>) src(%dma_wait3A_1174 : memref<16384xf32, #tpu.memory_space<hbm>>) dst(%arg9 : memref<16384xf32, #tpu.memory_space<vmem>>)
    %add3A_1175 = arith.constant 0 : i32
    %add3A_1176 = arith.addi %add3A_1175, %mul3A_2 : i32
    %add3A_1177 = arith.constant 208 : i32
    %add3A_1178 = arith.addi %add3A_1176, %add3A_1177 : i32
    %mul3A_1179 = arith.constant 1024 : i32
    %mul3A_1180 = arith.muli %add3A_1178, %mul3A_1179 : i32
    %dma_start3A_1181 = tpu.memref_slice %arg4[%mul3A_1180] : memref<33554432xf32, #tpu.memory_space<hbm>> -> memref<16384xf32, #tpu.memory_space<hbm>>
    %dma_start3A_1182 = tpu.memref_slice %arg4[%mul3A_1180] : memref<33554432xf32, #tpu.memory_space<hbm>> -> memref<16384xf32, #tpu.memory_space<hbm>>
    tpu.enqueue_dma source(%arg6 : memref<16384xf32, #tpu.memory_space<vmem>>) target(%dma_start3A_1182 : memref<16384xf32, #tpu.memory_space<hbm>>) target_semaphore(%arg14 : memref<!tpu.dma_semaphore, #tpu.memory_space<semaphore_mem>>)
    %dma_wait3A_1183 = tpu.memref_slice %arg4[%mul3A_1152] : memref<33554432xf32, #tpu.memory_space<hbm>> -> memref<16384xf32, #tpu.memory_space<hbm>>
    %dma_wait3A_1184 = tpu.memref_slice %arg4[%mul3A_1152] : memref<33554432xf32, #tpu.memory_space<hbm>> -> memref<16384xf32, #tpu.memory_space<hbm>>
    tpu.wait_dma2 semaphore(%arg13 : memref<!tpu.dma_semaphore, #tpu.memory_space<semaphore_mem>>) src(%arg5 : memref<16384xf32, #tpu.memory_space<vmem>>) dst(%dma_wait3A_1184 : memref<16384xf32, #tpu.memory_space<hbm>>)
    %add3A_1185 = arith.constant 16384 : i32
    %add3A_1186 = arith.addi %add3A_1185, %mul3A_2 : i32
    %add3A_1187 = arith.constant 208 : i32
    %add3A_1188 = arith.addi %add3A_1186, %add3A_1187 : i32
    %mul3A_1189 = arith.constant 1024 : i32
    %mul3A_1190 = arith.muli %add3A_1188, %mul3A_1189 : i32
    %dma_start3A_1191 = tpu.memref_slice %arg2[%mul3A_1190] : memref<33554432xf32, #tpu.memory_space<hbm>> -> memref<16384xf32, #tpu.memory_space<hbm>>
    %dma_start3A_1192 = tpu.memref_slice %arg2[%mul3A_1190] : memref<33554432xf32, #tpu.memory_space<hbm>> -> memref<16384xf32, #tpu.memory_space<hbm>>
    tpu.enqueue_dma source(%dma_start3A_1192 : memref<16384xf32, #tpu.memory_space<hbm>>) target(%arg5 : memref<16384xf32, #tpu.memory_space<vmem>>) target_semaphore(%arg10 : memref<!tpu.dma_semaphore, #tpu.memory_space<semaphore_mem>>)
    %dma_wait3A_1193 = tpu.memref_slice %arg2[%mul3A_1168] : memref<33554432xf32, #tpu.memory_space<hbm>> -> memref<16384xf32, #tpu.memory_space<hbm>>
    %dma_wait3A_1194 = tpu.memref_slice %arg2[%mul3A_1168] : memref<33554432xf32, #tpu.memory_space<hbm>> -> memref<16384xf32, #tpu.memory_space<hbm>>
    tpu.wait_dma2 semaphore(%arg12 : memref<!tpu.dma_semaphore, #tpu.memory_space<semaphore_mem>>) src(%dma_wait3A_1194 : memref<16384xf32, #tpu.memory_space<hbm>>) dst(%arg7 : memref<16384xf32, #tpu.memory_space<vmem>>)
    %add3A_1195 = arith.constant 8192 : i32
    %add3A_1196 = arith.addi %add3A_1195, %mul3A_2 : i32
    %add3A_1197 = arith.constant 208 : i32
    %add3A_1198 = arith.addi %add3A_1196, %add3A_1197 : i32
    %mul3A_1199 = arith.constant 1024 : i32
    %mul3A_1200 = arith.muli %add3A_1198, %mul3A_1199 : i32
    %dma_start3A_1201 = tpu.memref_slice %arg4[%mul3A_1200] : memref<33554432xf32, #tpu.memory_space<hbm>> -> memref<16384xf32, #tpu.memory_space<hbm>>
    %dma_start3A_1202 = tpu.memref_slice %arg4[%mul3A_1200] : memref<33554432xf32, #tpu.memory_space<hbm>> -> memref<16384xf32, #tpu.memory_space<hbm>>
    tpu.enqueue_dma source(%arg7 : memref<16384xf32, #tpu.memory_space<vmem>>) target(%dma_start3A_1202 : memref<16384xf32, #tpu.memory_space<hbm>>) target_semaphore(%arg15 : memref<!tpu.dma_semaphore, #tpu.memory_space<semaphore_mem>>)
    %dma_wait3A_1203 = tpu.memref_slice %arg4[%mul3A_1180] : memref<33554432xf32, #tpu.memory_space<hbm>> -> memref<16384xf32, #tpu.memory_space<hbm>>
    %dma_wait3A_1204 = tpu.memref_slice %arg4[%mul3A_1180] : memref<33554432xf32, #tpu.memory_space<hbm>> -> memref<16384xf32, #tpu.memory_space<hbm>>
    tpu.wait_dma2 semaphore(%arg14 : memref<!tpu.dma_semaphore, #tpu.memory_space<semaphore_mem>>) src(%arg6 : memref<16384xf32, #tpu.memory_space<vmem>>) dst(%dma_wait3A_1204 : memref<16384xf32, #tpu.memory_space<hbm>>)
    %add3A_1205 = arith.constant 24576 : i32
    %add3A_1206 = arith.addi %add3A_1205, %mul3A_2 : i32
    %add3A_1207 = arith.constant 208 : i32
    %add3A_1208 = arith.addi %add3A_1206, %add3A_1207 : i32
    %mul3A_1209 = arith.constant 1024 : i32
    %mul3A_1210 = arith.muli %add3A_1208, %mul3A_1209 : i32
    %dma_start3A_1211 = tpu.memref_slice %arg2[%mul3A_1210] : memref<33554432xf32, #tpu.memory_space<hbm>> -> memref<16384xf32, #tpu.memory_space<hbm>>
    %dma_start3A_1212 = tpu.memref_slice %arg2[%mul3A_1210] : memref<33554432xf32, #tpu.memory_space<hbm>> -> memref<16384xf32, #tpu.memory_space<hbm>>
    tpu.enqueue_dma source(%dma_start3A_1212 : memref<16384xf32, #tpu.memory_space<hbm>>) target(%arg6 : memref<16384xf32, #tpu.memory_space<vmem>>) target_semaphore(%arg11 : memref<!tpu.dma_semaphore, #tpu.memory_space<semaphore_mem>>)
    %dma_wait3A_1213 = tpu.memref_slice %arg2[%mul3A_1190] : memref<33554432xf32, #tpu.memory_space<hbm>> -> memref<16384xf32, #tpu.memory_space<hbm>>
    %dma_wait3A_1214 = tpu.memref_slice %arg2[%mul3A_1190] : memref<33554432xf32, #tpu.memory_space<hbm>> -> memref<16384xf32, #tpu.memory_space<hbm>>
    tpu.wait_dma2 semaphore(%arg10 : memref<!tpu.dma_semaphore, #tpu.memory_space<semaphore_mem>>) src(%dma_wait3A_1214 : memref<16384xf32, #tpu.memory_space<hbm>>) dst(%arg5 : memref<16384xf32, #tpu.memory_space<vmem>>)
    %add3A_1215 = arith.constant 16384 : i32
    %add3A_1216 = arith.addi %add3A_1215, %mul3A_2 : i32
    %add3A_1217 = arith.constant 208 : i32
    %add3A_1218 = arith.addi %add3A_1216, %add3A_1217 : i32
    %mul3A_1219 = arith.constant 1024 : i32
    %mul3A_1220 = arith.muli %add3A_1218, %mul3A_1219 : i32
    %dma_start3A_1221 = tpu.memref_slice %arg4[%mul3A_1220] : memref<33554432xf32, #tpu.memory_space<hbm>> -> memref<16384xf32, #tpu.memory_space<hbm>>
    %dma_start3A_1222 = tpu.memref_slice %arg4[%mul3A_1220] : memref<33554432xf32, #tpu.memory_space<hbm>> -> memref<16384xf32, #tpu.memory_space<hbm>>
    tpu.enqueue_dma source(%arg5 : memref<16384xf32, #tpu.memory_space<vmem>>) target(%dma_start3A_1222 : memref<16384xf32, #tpu.memory_space<hbm>>) target_semaphore(%arg13 : memref<!tpu.dma_semaphore, #tpu.memory_space<semaphore_mem>>)
    %dma_wait3A_1223 = tpu.memref_slice %arg4[%mul3A_1200] : memref<33554432xf32, #tpu.memory_space<hbm>> -> memref<16384xf32, #tpu.memory_space<hbm>>
    %dma_wait3A_1224 = tpu.memref_slice %arg4[%mul3A_1200] : memref<33554432xf32, #tpu.memory_space<hbm>> -> memref<16384xf32, #tpu.memory_space<hbm>>
    tpu.wait_dma2 semaphore(%arg15 : memref<!tpu.dma_semaphore, #tpu.memory_space<semaphore_mem>>) src(%arg7 : memref<16384xf32, #tpu.memory_space<vmem>>) dst(%dma_wait3A_1224 : memref<16384xf32, #tpu.memory_space<hbm>>)
    %add3A_1225 = arith.constant 0 : i32
    %add3A_1226 = arith.addi %add3A_1225, %mul3A_2 : i32
    %add3A_1227 = arith.constant 224 : i32
    %add3A_1228 = arith.addi %add3A_1226, %add3A_1227 : i32
    %mul3A_1229 = arith.constant 1024 : i32
    %mul3A_1230 = arith.muli %add3A_1228, %mul3A_1229 : i32
    %dma_start3A_1231 = tpu.memref_slice %arg2[%mul3A_1230] : memref<33554432xf32, #tpu.memory_space<hbm>> -> memref<16384xf32, #tpu.memory_space<hbm>>
    %dma_start3A_1232 = tpu.memref_slice %arg2[%mul3A_1230] : memref<33554432xf32, #tpu.memory_space<hbm>> -> memref<16384xf32, #tpu.memory_space<hbm>>
    tpu.enqueue_dma source(%dma_start3A_1232 : memref<16384xf32, #tpu.memory_space<hbm>>) target(%arg7 : memref<16384xf32, #tpu.memory_space<vmem>>) target_semaphore(%arg12 : memref<!tpu.dma_semaphore, #tpu.memory_space<semaphore_mem>>)
    %dma_wait3A_1233 = tpu.memref_slice %arg2[%mul3A_1210] : memref<33554432xf32, #tpu.memory_space<hbm>> -> memref<16384xf32, #tpu.memory_space<hbm>>
    %dma_wait3A_1234 = tpu.memref_slice %arg2[%mul3A_1210] : memref<33554432xf32, #tpu.memory_space<hbm>> -> memref<16384xf32, #tpu.memory_space<hbm>>
    tpu.wait_dma2 semaphore(%arg11 : memref<!tpu.dma_semaphore, #tpu.memory_space<semaphore_mem>>) src(%dma_wait3A_1234 : memref<16384xf32, #tpu.memory_space<hbm>>) dst(%arg6 : memref<16384xf32, #tpu.memory_space<vmem>>)
    %add3A_1235 = arith.constant 24576 : i32
    %add3A_1236 = arith.addi %add3A_1235, %mul3A_2 : i32
    %add3A_1237 = arith.constant 208 : i32
    %add3A_1238 = arith.addi %add3A_1236, %add3A_1237 : i32
    %mul3A_1239 = arith.constant 1024 : i32
    %mul3A_1240 = arith.muli %add3A_1238, %mul3A_1239 : i32
    %dma_start3A_1241 = tpu.memref_slice %arg4[%mul3A_1240] : memref<33554432xf32, #tpu.memory_space<hbm>> -> memref<16384xf32, #tpu.memory_space<hbm>>
    %dma_start3A_1242 = tpu.memref_slice %arg4[%mul3A_1240] : memref<33554432xf32, #tpu.memory_space<hbm>> -> memref<16384xf32, #tpu.memory_space<hbm>>
    tpu.enqueue_dma source(%arg6 : memref<16384xf32, #tpu.memory_space<vmem>>) target(%dma_start3A_1242 : memref<16384xf32, #tpu.memory_space<hbm>>) target_semaphore(%arg14 : memref<!tpu.dma_semaphore, #tpu.memory_space<semaphore_mem>>)
    %add3A_1243 = arith.constant 240 : i32
    %add3A_1244 = arith.addi %mul3A_2, %add3A_1243 : i32
    %mul3A_1245 = arith.constant 1024 : i32
    %mul3A_1246 = arith.muli %add3A_1244, %mul3A_1245 : i32
    %dma_start3A_1247 = tpu.memref_slice %arg3[%mul3A_1246] : memref<8388608xf32, #tpu.memory_space<hbm>> -> memref<16384xf32, #tpu.memory_space<hbm>>
    %dma_start3A_1248 = tpu.memref_slice %arg3[%mul3A_1246] : memref<8388608xf32, #tpu.memory_space<hbm>> -> memref<16384xf32, #tpu.memory_space<hbm>>
    tpu.enqueue_dma source(%dma_start3A_1248 : memref<16384xf32, #tpu.memory_space<hbm>>) target(%arg9 : memref<16384xf32, #tpu.memory_space<vmem>>) target_semaphore(%arg17 : memref<!tpu.dma_semaphore, #tpu.memory_space<semaphore_mem>>)
    %dma_wait3A_1249 = tpu.memref_slice %arg4[%mul3A_1220] : memref<33554432xf32, #tpu.memory_space<hbm>> -> memref<16384xf32, #tpu.memory_space<hbm>>
    %dma_wait3A_1250 = tpu.memref_slice %arg4[%mul3A_1220] : memref<33554432xf32, #tpu.memory_space<hbm>> -> memref<16384xf32, #tpu.memory_space<hbm>>
    tpu.wait_dma2 semaphore(%arg13 : memref<!tpu.dma_semaphore, #tpu.memory_space<semaphore_mem>>) src(%arg5 : memref<16384xf32, #tpu.memory_space<vmem>>) dst(%dma_wait3A_1250 : memref<16384xf32, #tpu.memory_space<hbm>>)
    %add3A_1251 = arith.constant 8192 : i32
    %add3A_1252 = arith.addi %add3A_1251, %mul3A_2 : i32
    %add3A_1253 = arith.constant 224 : i32
    %add3A_1254 = arith.addi %add3A_1252, %add3A_1253 : i32
    %mul3A_1255 = arith.constant 1024 : i32
    %mul3A_1256 = arith.muli %add3A_1254, %mul3A_1255 : i32
    %dma_start3A_1257 = tpu.memref_slice %arg2[%mul3A_1256] : memref<33554432xf32, #tpu.memory_space<hbm>> -> memref<16384xf32, #tpu.memory_space<hbm>>
    %dma_start3A_1258 = tpu.memref_slice %arg2[%mul3A_1256] : memref<33554432xf32, #tpu.memory_space<hbm>> -> memref<16384xf32, #tpu.memory_space<hbm>>
    tpu.enqueue_dma source(%dma_start3A_1258 : memref<16384xf32, #tpu.memory_space<hbm>>) target(%arg5 : memref<16384xf32, #tpu.memory_space<vmem>>) target_semaphore(%arg10 : memref<!tpu.dma_semaphore, #tpu.memory_space<semaphore_mem>>)
    %dma_wait3A_1259 = tpu.memref_slice %arg2[%mul3A_1230] : memref<33554432xf32, #tpu.memory_space<hbm>> -> memref<16384xf32, #tpu.memory_space<hbm>>
    %dma_wait3A_1260 = tpu.memref_slice %arg2[%mul3A_1230] : memref<33554432xf32, #tpu.memory_space<hbm>> -> memref<16384xf32, #tpu.memory_space<hbm>>
    tpu.wait_dma2 semaphore(%arg12 : memref<!tpu.dma_semaphore, #tpu.memory_space<semaphore_mem>>) src(%dma_wait3A_1260 : memref<16384xf32, #tpu.memory_space<hbm>>) dst(%arg7 : memref<16384xf32, #tpu.memory_space<vmem>>)
    %dma_wait3A_1261 = tpu.memref_slice %arg3[%mul3A_1158] : memref<8388608xf32, #tpu.memory_space<hbm>> -> memref<16384xf32, #tpu.memory_space<hbm>>
    %dma_wait3A_1262 = tpu.memref_slice %arg3[%mul3A_1158] : memref<8388608xf32, #tpu.memory_space<hbm>> -> memref<16384xf32, #tpu.memory_space<hbm>>
    tpu.wait_dma2 semaphore(%arg16 : memref<!tpu.dma_semaphore, #tpu.memory_space<semaphore_mem>>) src(%dma_wait3A_1262 : memref<16384xf32, #tpu.memory_space<hbm>>) dst(%arg8 : memref<16384xf32, #tpu.memory_space<vmem>>)
    %add3A_1263 = arith.constant 0 : i32
    %add3A_1264 = arith.addi %add3A_1263, %mul3A_2 : i32
    %add3A_1265 = arith.constant 224 : i32
    %add3A_1266 = arith.addi %add3A_1264, %add3A_1265 : i32
    %mul3A_1267 = arith.constant 1024 : i32
    %mul3A_1268 = arith.muli %add3A_1266, %mul3A_1267 : i32
    %dma_start3A_1269 = tpu.memref_slice %arg4[%mul3A_1268] : memref<33554432xf32, #tpu.memory_space<hbm>> -> memref<16384xf32, #tpu.memory_space<hbm>>
    %dma_start3A_1270 = tpu.memref_slice %arg4[%mul3A_1268] : memref<33554432xf32, #tpu.memory_space<hbm>> -> memref<16384xf32, #tpu.memory_space<hbm>>
    tpu.enqueue_dma source(%arg7 : memref<16384xf32, #tpu.memory_space<vmem>>) target(%dma_start3A_1270 : memref<16384xf32, #tpu.memory_space<hbm>>) target_semaphore(%arg15 : memref<!tpu.dma_semaphore, #tpu.memory_space<semaphore_mem>>)
    %dma_wait3A_1271 = tpu.memref_slice %arg4[%mul3A_1240] : memref<33554432xf32, #tpu.memory_space<hbm>> -> memref<16384xf32, #tpu.memory_space<hbm>>
    %dma_wait3A_1272 = tpu.memref_slice %arg4[%mul3A_1240] : memref<33554432xf32, #tpu.memory_space<hbm>> -> memref<16384xf32, #tpu.memory_space<hbm>>
    tpu.wait_dma2 semaphore(%arg14 : memref<!tpu.dma_semaphore, #tpu.memory_space<semaphore_mem>>) src(%arg6 : memref<16384xf32, #tpu.memory_space<vmem>>) dst(%dma_wait3A_1272 : memref<16384xf32, #tpu.memory_space<hbm>>)
    %add3A_1273 = arith.constant 16384 : i32
    %add3A_1274 = arith.addi %add3A_1273, %mul3A_2 : i32
    %add3A_1275 = arith.constant 224 : i32
    %add3A_1276 = arith.addi %add3A_1274, %add3A_1275 : i32
    %mul3A_1277 = arith.constant 1024 : i32
    %mul3A_1278 = arith.muli %add3A_1276, %mul3A_1277 : i32
    %dma_start3A_1279 = tpu.memref_slice %arg2[%mul3A_1278] : memref<33554432xf32, #tpu.memory_space<hbm>> -> memref<16384xf32, #tpu.memory_space<hbm>>
    %dma_start3A_1280 = tpu.memref_slice %arg2[%mul3A_1278] : memref<33554432xf32, #tpu.memory_space<hbm>> -> memref<16384xf32, #tpu.memory_space<hbm>>
    tpu.enqueue_dma source(%dma_start3A_1280 : memref<16384xf32, #tpu.memory_space<hbm>>) target(%arg6 : memref<16384xf32, #tpu.memory_space<vmem>>) target_semaphore(%arg11 : memref<!tpu.dma_semaphore, #tpu.memory_space<semaphore_mem>>)
    %dma_wait3A_1281 = tpu.memref_slice %arg2[%mul3A_1256] : memref<33554432xf32, #tpu.memory_space<hbm>> -> memref<16384xf32, #tpu.memory_space<hbm>>
    %dma_wait3A_1282 = tpu.memref_slice %arg2[%mul3A_1256] : memref<33554432xf32, #tpu.memory_space<hbm>> -> memref<16384xf32, #tpu.memory_space<hbm>>
    tpu.wait_dma2 semaphore(%arg10 : memref<!tpu.dma_semaphore, #tpu.memory_space<semaphore_mem>>) src(%dma_wait3A_1282 : memref<16384xf32, #tpu.memory_space<hbm>>) dst(%arg5 : memref<16384xf32, #tpu.memory_space<vmem>>)
    %add3A_1283 = arith.constant 8192 : i32
    %add3A_1284 = arith.addi %add3A_1283, %mul3A_2 : i32
    %add3A_1285 = arith.constant 224 : i32
    %add3A_1286 = arith.addi %add3A_1284, %add3A_1285 : i32
    %mul3A_1287 = arith.constant 1024 : i32
    %mul3A_1288 = arith.muli %add3A_1286, %mul3A_1287 : i32
    %dma_start3A_1289 = tpu.memref_slice %arg4[%mul3A_1288] : memref<33554432xf32, #tpu.memory_space<hbm>> -> memref<16384xf32, #tpu.memory_space<hbm>>
    %dma_start3A_1290 = tpu.memref_slice %arg4[%mul3A_1288] : memref<33554432xf32, #tpu.memory_space<hbm>> -> memref<16384xf32, #tpu.memory_space<hbm>>
    tpu.enqueue_dma source(%arg5 : memref<16384xf32, #tpu.memory_space<vmem>>) target(%dma_start3A_1290 : memref<16384xf32, #tpu.memory_space<hbm>>) target_semaphore(%arg13 : memref<!tpu.dma_semaphore, #tpu.memory_space<semaphore_mem>>)
    %dma_wait3A_1291 = tpu.memref_slice %arg4[%mul3A_1268] : memref<33554432xf32, #tpu.memory_space<hbm>> -> memref<16384xf32, #tpu.memory_space<hbm>>
    %dma_wait3A_1292 = tpu.memref_slice %arg4[%mul3A_1268] : memref<33554432xf32, #tpu.memory_space<hbm>> -> memref<16384xf32, #tpu.memory_space<hbm>>
    tpu.wait_dma2 semaphore(%arg15 : memref<!tpu.dma_semaphore, #tpu.memory_space<semaphore_mem>>) src(%arg7 : memref<16384xf32, #tpu.memory_space<vmem>>) dst(%dma_wait3A_1292 : memref<16384xf32, #tpu.memory_space<hbm>>)
    %add3A_1293 = arith.constant 24576 : i32
    %add3A_1294 = arith.addi %add3A_1293, %mul3A_2 : i32
    %add3A_1295 = arith.constant 224 : i32
    %add3A_1296 = arith.addi %add3A_1294, %add3A_1295 : i32
    %mul3A_1297 = arith.constant 1024 : i32
    %mul3A_1298 = arith.muli %add3A_1296, %mul3A_1297 : i32
    %dma_start3A_1299 = tpu.memref_slice %arg2[%mul3A_1298] : memref<33554432xf32, #tpu.memory_space<hbm>> -> memref<16384xf32, #tpu.memory_space<hbm>>
    %dma_start3A_1300 = tpu.memref_slice %arg2[%mul3A_1298] : memref<33554432xf32, #tpu.memory_space<hbm>> -> memref<16384xf32, #tpu.memory_space<hbm>>
    tpu.enqueue_dma source(%dma_start3A_1300 : memref<16384xf32, #tpu.memory_space<hbm>>) target(%arg7 : memref<16384xf32, #tpu.memory_space<vmem>>) target_semaphore(%arg12 : memref<!tpu.dma_semaphore, #tpu.memory_space<semaphore_mem>>)
    %dma_wait3A_1301 = tpu.memref_slice %arg2[%mul3A_1278] : memref<33554432xf32, #tpu.memory_space<hbm>> -> memref<16384xf32, #tpu.memory_space<hbm>>
    %dma_wait3A_1302 = tpu.memref_slice %arg2[%mul3A_1278] : memref<33554432xf32, #tpu.memory_space<hbm>> -> memref<16384xf32, #tpu.memory_space<hbm>>
    tpu.wait_dma2 semaphore(%arg11 : memref<!tpu.dma_semaphore, #tpu.memory_space<semaphore_mem>>) src(%dma_wait3A_1302 : memref<16384xf32, #tpu.memory_space<hbm>>) dst(%arg6 : memref<16384xf32, #tpu.memory_space<vmem>>)
    %add3A_1303 = arith.constant 16384 : i32
    %add3A_1304 = arith.addi %add3A_1303, %mul3A_2 : i32
    %add3A_1305 = arith.constant 224 : i32
    %add3A_1306 = arith.addi %add3A_1304, %add3A_1305 : i32
    %mul3A_1307 = arith.constant 1024 : i32
    %mul3A_1308 = arith.muli %add3A_1306, %mul3A_1307 : i32
    %dma_start3A_1309 = tpu.memref_slice %arg4[%mul3A_1308] : memref<33554432xf32, #tpu.memory_space<hbm>> -> memref<16384xf32, #tpu.memory_space<hbm>>
    %dma_start3A_1310 = tpu.memref_slice %arg4[%mul3A_1308] : memref<33554432xf32, #tpu.memory_space<hbm>> -> memref<16384xf32, #tpu.memory_space<hbm>>
    tpu.enqueue_dma source(%arg6 : memref<16384xf32, #tpu.memory_space<vmem>>) target(%dma_start3A_1310 : memref<16384xf32, #tpu.memory_space<hbm>>) target_semaphore(%arg14 : memref<!tpu.dma_semaphore, #tpu.memory_space<semaphore_mem>>)
    %dma_wait3A_1311 = tpu.memref_slice %arg4[%mul3A_1288] : memref<33554432xf32, #tpu.memory_space<hbm>> -> memref<16384xf32, #tpu.memory_space<hbm>>
    %dma_wait3A_1312 = tpu.memref_slice %arg4[%mul3A_1288] : memref<33554432xf32, #tpu.memory_space<hbm>> -> memref<16384xf32, #tpu.memory_space<hbm>>
    tpu.wait_dma2 semaphore(%arg13 : memref<!tpu.dma_semaphore, #tpu.memory_space<semaphore_mem>>) src(%arg5 : memref<16384xf32, #tpu.memory_space<vmem>>) dst(%dma_wait3A_1312 : memref<16384xf32, #tpu.memory_space<hbm>>)
    %add3A_1313 = arith.constant 0 : i32
    %add3A_1314 = arith.addi %add3A_1313, %mul3A_2 : i32
    %add3A_1315 = arith.constant 240 : i32
    %add3A_1316 = arith.addi %add3A_1314, %add3A_1315 : i32
    %mul3A_1317 = arith.constant 1024 : i32
    %mul3A_1318 = arith.muli %add3A_1316, %mul3A_1317 : i32
    %dma_start3A_1319 = tpu.memref_slice %arg2[%mul3A_1318] : memref<33554432xf32, #tpu.memory_space<hbm>> -> memref<16384xf32, #tpu.memory_space<hbm>>
    %dma_start3A_1320 = tpu.memref_slice %arg2[%mul3A_1318] : memref<33554432xf32, #tpu.memory_space<hbm>> -> memref<16384xf32, #tpu.memory_space<hbm>>
    tpu.enqueue_dma source(%dma_start3A_1320 : memref<16384xf32, #tpu.memory_space<hbm>>) target(%arg5 : memref<16384xf32, #tpu.memory_space<vmem>>) target_semaphore(%arg10 : memref<!tpu.dma_semaphore, #tpu.memory_space<semaphore_mem>>)
    %dma_wait3A_1321 = tpu.memref_slice %arg2[%mul3A_1298] : memref<33554432xf32, #tpu.memory_space<hbm>> -> memref<16384xf32, #tpu.memory_space<hbm>>
    %dma_wait3A_1322 = tpu.memref_slice %arg2[%mul3A_1298] : memref<33554432xf32, #tpu.memory_space<hbm>> -> memref<16384xf32, #tpu.memory_space<hbm>>
    tpu.wait_dma2 semaphore(%arg12 : memref<!tpu.dma_semaphore, #tpu.memory_space<semaphore_mem>>) src(%dma_wait3A_1322 : memref<16384xf32, #tpu.memory_space<hbm>>) dst(%arg7 : memref<16384xf32, #tpu.memory_space<vmem>>)
    %add3A_1323 = arith.constant 24576 : i32
    %add3A_1324 = arith.addi %add3A_1323, %mul3A_2 : i32
    %add3A_1325 = arith.constant 224 : i32
    %add3A_1326 = arith.addi %add3A_1324, %add3A_1325 : i32
    %mul3A_1327 = arith.constant 1024 : i32
    %mul3A_1328 = arith.muli %add3A_1326, %mul3A_1327 : i32
    %dma_start3A_1329 = tpu.memref_slice %arg4[%mul3A_1328] : memref<33554432xf32, #tpu.memory_space<hbm>> -> memref<16384xf32, #tpu.memory_space<hbm>>
    %dma_start3A_1330 = tpu.memref_slice %arg4[%mul3A_1328] : memref<33554432xf32, #tpu.memory_space<hbm>> -> memref<16384xf32, #tpu.memory_space<hbm>>
    tpu.enqueue_dma source(%arg7 : memref<16384xf32, #tpu.memory_space<vmem>>) target(%dma_start3A_1330 : memref<16384xf32, #tpu.memory_space<hbm>>) target_semaphore(%arg15 : memref<!tpu.dma_semaphore, #tpu.memory_space<semaphore_mem>>)
    %dma_wait3A_1331 = tpu.memref_slice %arg4[%mul3A_1308] : memref<33554432xf32, #tpu.memory_space<hbm>> -> memref<16384xf32, #tpu.memory_space<hbm>>
    %dma_wait3A_1332 = tpu.memref_slice %arg4[%mul3A_1308] : memref<33554432xf32, #tpu.memory_space<hbm>> -> memref<16384xf32, #tpu.memory_space<hbm>>
    tpu.wait_dma2 semaphore(%arg14 : memref<!tpu.dma_semaphore, #tpu.memory_space<semaphore_mem>>) src(%arg6 : memref<16384xf32, #tpu.memory_space<vmem>>) dst(%dma_wait3A_1332 : memref<16384xf32, #tpu.memory_space<hbm>>)
    %add3A_1333 = arith.constant 8192 : i32
    %add3A_1334 = arith.addi %add3A_1333, %mul3A_2 : i32
    %add3A_1335 = arith.constant 240 : i32
    %add3A_1336 = arith.addi %add3A_1334, %add3A_1335 : i32
    %mul3A_1337 = arith.constant 1024 : i32
    %mul3A_1338 = arith.muli %add3A_1336, %mul3A_1337 : i32
    %dma_start3A_1339 = tpu.memref_slice %arg2[%mul3A_1338] : memref<33554432xf32, #tpu.memory_space<hbm>> -> memref<16384xf32, #tpu.memory_space<hbm>>
    %dma_start3A_1340 = tpu.memref_slice %arg2[%mul3A_1338] : memref<33554432xf32, #tpu.memory_space<hbm>> -> memref<16384xf32, #tpu.memory_space<hbm>>
    tpu.enqueue_dma source(%dma_start3A_1340 : memref<16384xf32, #tpu.memory_space<hbm>>) target(%arg6 : memref<16384xf32, #tpu.memory_space<vmem>>) target_semaphore(%arg11 : memref<!tpu.dma_semaphore, #tpu.memory_space<semaphore_mem>>)
    %dma_wait3A_1341 = tpu.memref_slice %arg2[%mul3A_1318] : memref<33554432xf32, #tpu.memory_space<hbm>> -> memref<16384xf32, #tpu.memory_space<hbm>>
    %dma_wait3A_1342 = tpu.memref_slice %arg2[%mul3A_1318] : memref<33554432xf32, #tpu.memory_space<hbm>> -> memref<16384xf32, #tpu.memory_space<hbm>>
    tpu.wait_dma2 semaphore(%arg10 : memref<!tpu.dma_semaphore, #tpu.memory_space<semaphore_mem>>) src(%dma_wait3A_1342 : memref<16384xf32, #tpu.memory_space<hbm>>) dst(%arg5 : memref<16384xf32, #tpu.memory_space<vmem>>)
    %dma_wait3A_1343 = tpu.memref_slice %arg3[%mul3A_1246] : memref<8388608xf32, #tpu.memory_space<hbm>> -> memref<16384xf32, #tpu.memory_space<hbm>>
    %dma_wait3A_1344 = tpu.memref_slice %arg3[%mul3A_1246] : memref<8388608xf32, #tpu.memory_space<hbm>> -> memref<16384xf32, #tpu.memory_space<hbm>>
    tpu.wait_dma2 semaphore(%arg17 : memref<!tpu.dma_semaphore, #tpu.memory_space<semaphore_mem>>) src(%dma_wait3A_1344 : memref<16384xf32, #tpu.memory_space<hbm>>) dst(%arg9 : memref<16384xf32, #tpu.memory_space<vmem>>)
    %add3A_1345 = arith.constant 0 : i32
    %add3A_1346 = arith.addi %add3A_1345, %mul3A_2 : i32
    %add3A_1347 = arith.constant 240 : i32
    %add3A_1348 = arith.addi %add3A_1346, %add3A_1347 : i32
    %mul3A_1349 = arith.constant 1024 : i32
    %mul3A_1350 = arith.muli %add3A_1348, %mul3A_1349 : i32
    %dma_start3A_1351 = tpu.memref_slice %arg4[%mul3A_1350] : memref<33554432xf32, #tpu.memory_space<hbm>> -> memref<16384xf32, #tpu.memory_space<hbm>>
    %dma_start3A_1352 = tpu.memref_slice %arg4[%mul3A_1350] : memref<33554432xf32, #tpu.memory_space<hbm>> -> memref<16384xf32, #tpu.memory_space<hbm>>
    tpu.enqueue_dma source(%arg5 : memref<16384xf32, #tpu.memory_space<vmem>>) target(%dma_start3A_1352 : memref<16384xf32, #tpu.memory_space<hbm>>) target_semaphore(%arg13 : memref<!tpu.dma_semaphore, #tpu.memory_space<semaphore_mem>>)
    %dma_wait3A_1353 = tpu.memref_slice %arg4[%mul3A_1328] : memref<33554432xf32, #tpu.memory_space<hbm>> -> memref<16384xf32, #tpu.memory_space<hbm>>
    %dma_wait3A_1354 = tpu.memref_slice %arg4[%mul3A_1328] : memref<33554432xf32, #tpu.memory_space<hbm>> -> memref<16384xf32, #tpu.memory_space<hbm>>
    tpu.wait_dma2 semaphore(%arg15 : memref<!tpu.dma_semaphore, #tpu.memory_space<semaphore_mem>>) src(%arg7 : memref<16384xf32, #tpu.memory_space<vmem>>) dst(%dma_wait3A_1354 : memref<16384xf32, #tpu.memory_space<hbm>>)
    %add3A_1355 = arith.constant 16384 : i32
    %add3A_1356 = arith.addi %add3A_1355, %mul3A_2 : i32
    %add3A_1357 = arith.constant 240 : i32
    %add3A_1358 = arith.addi %add3A_1356, %add3A_1357 : i32
    %mul3A_1359 = arith.constant 1024 : i32
    %mul3A_1360 = arith.muli %add3A_1358, %mul3A_1359 : i32
    %dma_start3A_1361 = tpu.memref_slice %arg2[%mul3A_1360] : memref<33554432xf32, #tpu.memory_space<hbm>> -> memref<16384xf32, #tpu.memory_space<hbm>>
    %dma_start3A_1362 = tpu.memref_slice %arg2[%mul3A_1360] : memref<33554432xf32, #tpu.memory_space<hbm>> -> memref<16384xf32, #tpu.memory_space<hbm>>
    tpu.enqueue_dma source(%dma_start3A_1362 : memref<16384xf32, #tpu.memory_space<hbm>>) target(%arg7 : memref<16384xf32, #tpu.memory_space<vmem>>) target_semaphore(%arg12 : memref<!tpu.dma_semaphore, #tpu.memory_space<semaphore_mem>>)
    %dma_wait3A_1363 = tpu.memref_slice %arg2[%mul3A_1338] : memref<33554432xf32, #tpu.memory_space<hbm>> -> memref<16384xf32, #tpu.memory_space<hbm>>
    %dma_wait3A_1364 = tpu.memref_slice %arg2[%mul3A_1338] : memref<33554432xf32, #tpu.memory_space<hbm>> -> memref<16384xf32, #tpu.memory_space<hbm>>
    tpu.wait_dma2 semaphore(%arg11 : memref<!tpu.dma_semaphore, #tpu.memory_space<semaphore_mem>>) src(%dma_wait3A_1364 : memref<16384xf32, #tpu.memory_space<hbm>>) dst(%arg6 : memref<16384xf32, #tpu.memory_space<vmem>>)
    %add3A_1365 = arith.constant 8192 : i32
    %add3A_1366 = arith.addi %add3A_1365, %mul3A_2 : i32
    %add3A_1367 = arith.constant 240 : i32
    %add3A_1368 = arith.addi %add3A_1366, %add3A_1367 : i32
    %mul3A_1369 = arith.constant 1024 : i32
    %mul3A_1370 = arith.muli %add3A_1368, %mul3A_1369 : i32
    %dma_start3A_1371 = tpu.memref_slice %arg4[%mul3A_1370] : memref<33554432xf32, #tpu.memory_space<hbm>> -> memref<16384xf32, #tpu.memory_space<hbm>>
    %dma_start3A_1372 = tpu.memref_slice %arg4[%mul3A_1370] : memref<33554432xf32, #tpu.memory_space<hbm>> -> memref<16384xf32, #tpu.memory_space<hbm>>
    tpu.enqueue_dma source(%arg6 : memref<16384xf32, #tpu.memory_space<vmem>>) target(%dma_start3A_1372 : memref<16384xf32, #tpu.memory_space<hbm>>) target_semaphore(%arg14 : memref<!tpu.dma_semaphore, #tpu.memory_space<semaphore_mem>>)
    %dma_wait3A_1373 = tpu.memref_slice %arg4[%mul3A_1350] : memref<33554432xf32, #tpu.memory_space<hbm>> -> memref<16384xf32, #tpu.memory_space<hbm>>
    %dma_wait3A_1374 = tpu.memref_slice %arg4[%mul3A_1350] : memref<33554432xf32, #tpu.memory_space<hbm>> -> memref<16384xf32, #tpu.memory_space<hbm>>
    tpu.wait_dma2 semaphore(%arg13 : memref<!tpu.dma_semaphore, #tpu.memory_space<semaphore_mem>>) src(%arg5 : memref<16384xf32, #tpu.memory_space<vmem>>) dst(%dma_wait3A_1374 : memref<16384xf32, #tpu.memory_space<hbm>>)
    %add3A_1375 = arith.constant 24576 : i32
    %add3A_1376 = arith.addi %add3A_1375, %mul3A_2 : i32
    %add3A_1377 = arith.constant 240 : i32
    %add3A_1378 = arith.addi %add3A_1376, %add3A_1377 : i32
    %mul3A_1379 = arith.constant 1024 : i32
    %mul3A_1380 = arith.muli %add3A_1378, %mul3A_1379 : i32
    %dma_start3A_1381 = tpu.memref_slice %arg2[%mul3A_1380] : memref<33554432xf32, #tpu.memory_space<hbm>> -> memref<16384xf32, #tpu.memory_space<hbm>>
    %dma_start3A_1382 = tpu.memref_slice %arg2[%mul3A_1380] : memref<33554432xf32, #tpu.memory_space<hbm>> -> memref<16384xf32, #tpu.memory_space<hbm>>
    tpu.enqueue_dma source(%dma_start3A_1382 : memref<16384xf32, #tpu.memory_space<hbm>>) target(%arg5 : memref<16384xf32, #tpu.memory_space<vmem>>) target_semaphore(%arg10 : memref<!tpu.dma_semaphore, #tpu.memory_space<semaphore_mem>>)
    %dma_wait3A_1383 = tpu.memref_slice %arg2[%mul3A_1360] : memref<33554432xf32, #tpu.memory_space<hbm>> -> memref<16384xf32, #tpu.memory_space<hbm>>
    %dma_wait3A_1384 = tpu.memref_slice %arg2[%mul3A_1360] : memref<33554432xf32, #tpu.memory_space<hbm>> -> memref<16384xf32, #tpu.memory_space<hbm>>
    tpu.wait_dma2 semaphore(%arg12 : memref<!tpu.dma_semaphore, #tpu.memory_space<semaphore_mem>>) src(%dma_wait3A_1384 : memref<16384xf32, #tpu.memory_space<hbm>>) dst(%arg7 : memref<16384xf32, #tpu.memory_space<vmem>>)
    %add3A_1385 = arith.constant 16384 : i32
    %add3A_1386 = arith.addi %add3A_1385, %mul3A_2 : i32
    %add3A_1387 = arith.constant 240 : i32
    %add3A_1388 = arith.addi %add3A_1386, %add3A_1387 : i32
    %mul3A_1389 = arith.constant 1024 : i32
    %mul3A_1390 = arith.muli %add3A_1388, %mul3A_1389 : i32
    %dma_start3A_1391 = tpu.memref_slice %arg4[%mul3A_1390] : memref<33554432xf32, #tpu.memory_space<hbm>> -> memref<16384xf32, #tpu.memory_space<hbm>>
    %dma_start3A_1392 = tpu.memref_slice %arg4[%mul3A_1390] : memref<33554432xf32, #tpu.memory_space<hbm>> -> memref<16384xf32, #tpu.memory_space<hbm>>
    tpu.enqueue_dma source(%arg7 : memref<16384xf32, #tpu.memory_space<vmem>>) target(%dma_start3A_1392 : memref<16384xf32, #tpu.memory_space<hbm>>) target_semaphore(%arg15 : memref<!tpu.dma_semaphore, #tpu.memory_space<semaphore_mem>>)
    %dma_wait3A_1393 = tpu.memref_slice %arg4[%mul3A_1370] : memref<33554432xf32, #tpu.memory_space<hbm>> -> memref<16384xf32, #tpu.memory_space<hbm>>
    %dma_wait3A_1394 = tpu.memref_slice %arg4[%mul3A_1370] : memref<33554432xf32, #tpu.memory_space<hbm>> -> memref<16384xf32, #tpu.memory_space<hbm>>
    tpu.wait_dma2 semaphore(%arg14 : memref<!tpu.dma_semaphore, #tpu.memory_space<semaphore_mem>>) src(%arg6 : memref<16384xf32, #tpu.memory_space<vmem>>) dst(%dma_wait3A_1394 : memref<16384xf32, #tpu.memory_space<hbm>>)
    %dma_wait3A_1395 = tpu.memref_slice %arg2[%mul3A_1380] : memref<33554432xf32, #tpu.memory_space<hbm>> -> memref<16384xf32, #tpu.memory_space<hbm>>
    %dma_wait3A_1396 = tpu.memref_slice %arg2[%mul3A_1380] : memref<33554432xf32, #tpu.memory_space<hbm>> -> memref<16384xf32, #tpu.memory_space<hbm>>
    tpu.wait_dma2 semaphore(%arg10 : memref<!tpu.dma_semaphore, #tpu.memory_space<semaphore_mem>>) src(%dma_wait3A_1396 : memref<16384xf32, #tpu.memory_space<hbm>>) dst(%arg5 : memref<16384xf32, #tpu.memory_space<vmem>>)
    %add3A_1397 = arith.constant 24576 : i32
    %add3A_1398 = arith.addi %add3A_1397, %mul3A_2 : i32
    %add3A_1399 = arith.constant 240 : i32
    %add3A_1400 = arith.addi %add3A_1398, %add3A_1399 : i32
    %mul3A_1401 = arith.constant 1024 : i32
    %mul3A_1402 = arith.muli %add3A_1400, %mul3A_1401 : i32
    %dma_start3A_1403 = tpu.memref_slice %arg4[%mul3A_1402] : memref<33554432xf32, #tpu.memory_space<hbm>> -> memref<16384xf32, #tpu.memory_space<hbm>>
    %dma_start3A_1404 = tpu.memref_slice %arg4[%mul3A_1402] : memref<33554432xf32, #tpu.memory_space<hbm>> -> memref<16384xf32, #tpu.memory_space<hbm>>
    tpu.enqueue_dma source(%arg5 : memref<16384xf32, #tpu.memory_space<vmem>>) target(%dma_start3A_1404 : memref<16384xf32, #tpu.memory_space<hbm>>) target_semaphore(%arg13 : memref<!tpu.dma_semaphore, #tpu.memory_space<semaphore_mem>>)
    %dma_wait3A_1405 = tpu.memref_slice %arg4[%mul3A_1390] : memref<33554432xf32, #tpu.memory_space<hbm>> -> memref<16384xf32, #tpu.memory_space<hbm>>
    %dma_wait3A_1406 = tpu.memref_slice %arg4[%mul3A_1390] : memref<33554432xf32, #tpu.memory_space<hbm>> -> memref<16384xf32, #tpu.memory_space<hbm>>
    tpu.wait_dma2 semaphore(%arg15 : memref<!tpu.dma_semaphore, #tpu.memory_space<semaphore_mem>>) src(%arg7 : memref<16384xf32, #tpu.memory_space<vmem>>) dst(%dma_wait3A_1406 : memref<16384xf32, #tpu.memory_space<hbm>>)
    %dma_wait3A_1407 = tpu.memref_slice %arg4[%mul3A_1402] : memref<33554432xf32, #tpu.memory_space<hbm>> -> memref<16384xf32, #tpu.memory_space<hbm>>
    %dma_wait3A_1408 = tpu.memref_slice %arg4[%mul3A_1402] : memref<33554432xf32, #tpu.memory_space<hbm>> -> memref<16384xf32, #tpu.memory_space<hbm>>
    tpu.wait_dma2 semaphore(%arg13 : memref<!tpu.dma_semaphore, #tpu.memory_space<semaphore_mem>>) src(%arg5 : memref<16384xf32, #tpu.memory_space<vmem>>) dst(%dma_wait3A_1408 : memref<16384xf32, #tpu.memory_space<hbm>>)
    return
  }
}

</mosaic_0001>

<sc_bundles>
// kernel: kernel.3.cloned.1.call-start
scs
__scs_entry_jumppad:
0x0: {  	(pc) =	sbr.rel $0x88, $3  }
0x1: {  	(tag) =	ssettag $0x0;
	lr =	simm.s32 $0x1  }
0x2: {  	[smem:$0x3F9F] =	sst lr;
	_ =	strace $0xD0000000  }
0x3: {  	_ = 	snop  }
0x4: {  	_ = 	snop  }
0x5: {  	_ = 	snop  }
0x6: {  	_ = 	snop  }
0x7: {  	_ = 	snop  }
__scs_overlays_trampoline_lowered:
0x8: {  	[smem:$0x3FAE] =	sst s0  }
0x9: {  	[smem:$0x3FAF] =	sst s1  }
0xa: {  	[smem:$0x3FB0] =	sst s2  }
0xb: {  	[smem:$0x3FB1] =	sst s3  }
0xc: {  	[smem:$0x3FB2] =	sst s4  }
0xd: {  	[smem:$0x3FB3] =	sst s5  }
0xe: {  	[smem:$0x3FB4] =	sst s6  }
0xf: {  	[smem:$0x3FB5] =	sst s7  }
0x10: {  	[smem:$0x3FB6] =	sst s8  }
0x11: {  	[smem:$0x3FB7] =	sst s9;
	s0 =	simm.s32 @!p0 $0x0  }
0x12: {  	s1 =	sld [smem:$0x3F9D];
	s0 =	simm.s32 @p0 $0x1  }
0x13: {  	[smem:$0x3FB8] =	sst s0;
	s0 =	simm.s32 @!p1 $0x0  }
0x14: {  	s2 =	sld [smem:$0x3F9C];
	s0 =	simm.s32 @p1 $0x1  }
0x15: {  	[smem:$0x3FB9] =	sst s0;
	s0 =	simm.s32 @!p2 $0x0  }
0x16: {  	s3 =	sld [smem:$0x3FDB];
	s0 =	simm.s32 @p2 $0x1  }
0x17: {  	s4 =	simm.s32 $0x1BF5;
	[smem:$0x3FBB] =	sst s0  }
0x18: {  	s0 =	sld [smem:$0x3F9E];
	_ =	swait.ge [sflag:s4], $0x0  }
0x19: {  	s7 =	sld [smem:$0x3F9F]  }
0x1a: {  	s8 =	sadd.s32 $0xFFFFE003, lr  }
0x1b: {  	s9 =	sadd.s32 $0xFFFFFEF7, lr;
	s5 =	simm.s32 $0xFFFFFFFF;
	p2 =	slt.u32 s8, $0xFFFFF086  }
0x1c: {  	p1 =	slt.u32 s9, $0xF7A;
	s5 =	simm.s32 @!p2 $0x0  }
0x1d: {  	s5 =	simm.s32 @p1 $0x1;
	p0 =	seq.s32 s7, s2  }
0x1e: {  	s7 =	smul.u32 @!p0 $0xF7A, s2;
	p2 =	seq.s32 @!p0 s5, $0x0  }
0x1f: {  	s9 =	smul.u32 $0xF7A, s1;
	s8 =	simm.s32 @!p0 $0x1BF5;
	p2 =	por !p2, p0  }
0x20: {  	[sflag:s8] =	ssyncset.s32 @!p0 $0xFFFFF086;
	s6 =	sadd.s32 @!p0 s3, s7;
	s7 =	simm.s32 @!p0 $0x108  }
0x21: {  	s3 =	sadd.s32 s3, s9;
	s6 =	sadd.s32 @!p0 $0x88, s6;
	s7 =	simm.s32 @p2 $0x1082  }
0x22: {  	[simem:s7], [sflag:s8] =	dma.local @!p0 [hbm:s6], $0xF7A  }
0x23: {  	s9 =	sor.u32 $0xD0000000, s2;
	s6 =	simm.s32 $0x108;
	_ =	swait.ge @!p0 [sflag:s8], $0x0  }
0x24: {  	s3 =	sadd.s32 $0x88, s3;
	s6 =	simm.s32 @!p1 $0x1082;
	[sflag:s4] =	ssyncset.s32 $0xFFFFF086  }
0x25: {  	[simem:s6], [sflag:s4] =	dma.local [hbm:s3], $0xF7A  }
0x26: {  	[smem:$0x3F9F] =	sst s1;
	(tag) =	ssettag s2;
	_ =	strace s9  }
0x27: {  	s1 =	sld [smem:$0x3FAF]  }
0x28: {  	s2 =	sld [smem:$0x3FB0]  }
0x29: {  	s4 =	sld [smem:$0x3FB2]  }
0x2a: {  	p0 =	seq.s32 s5, $0x0;
	s5 =	sld [smem:$0x3FB3]  }
0x2b: {  	s6 =	sld [smem:$0x3FB4]  }
0x2c: {  	s7 =	sld [smem:$0x3FB5]  }
0x2d: {  	s3 =	simm.s32 $0x108;
	s8 =	sld [smem:$0x3FB6]  }
0x2e: {  	s3 =	simm.s32 @!p0 $0x1082;
	s9 =	sld [smem:$0x3FB7]  }
0x2f: {  	lr =	sadd.s32 s0, s3;
	s0 =	sld [smem:$0x3FAE]  }
0x30: {  	s3 =	sld [smem:$0x3FB1]  }
0x31: {  	[smem:$0x3FBA] =	sst s10  }
0x32: {  	s10 =	sld [smem:$0x3FB8];
	_ =	sdelay $0x3  }
0x33: {  	p0 =	seq.s32 s10, $0x1;
	s10 =	sld [smem:$0x3FBA];
	_ =	sdelay $0x3  }
0x34: {  	[smem:$0x3FBA] =	sst s10  }
0x35: {  	s10 =	sld [smem:$0x3FB9];
	_ =	sdelay $0x3  }
0x36: {  	p1 =	seq.s32 s10, $0x1;
	s10 =	sld [smem:$0x3FBA];
	_ =	sdelay $0x3  }
0x37: {  	[smem:$0x3FBA] =	sst s10  }
0x38: {  	s10 =	sld [smem:$0x3FBB]  }
0x39: {  	_ = 	snop;
	(pc) =	sbr.ind lr, $3  }
0x3a: {  	_ = 	snop  }
0x3b: {  	_ = 	snop  }
0x3c: {  	p2 =	seq.s32 s10, $0x1;
	s10 =	sld [smem:$0x3FBA]  }
0x3d: {  	_ =	shalt  }
0x3e: {  	_ =	shalt  }
0x3f: {  	_ =	shalt  }
0x40: {  	_ =	shalt  }
0x41: {  	_ =	shalt  }
0x42: {  	_ =	shalt  }
0x43: {  	_ =	shalt  }
0x44: {  	_ =	shalt  }
0x45: {  	_ =	shalt  }
0x46: {  	_ =	shalt  }
0x47: {  	_ =	shalt  }
0x48: {  	_ =	shalt  }
0x49: {  	_ =	shalt  }
0x4a: {  	_ =	shalt  }
0x4b: {  	_ =	shalt  }
0x4c: {  	_ =	shalt  }
0x4d: {  	_ =	shalt  }
0x4e: {  	_ =	shalt  }
0x4f: {  	_ =	shalt  }
0x50: {  	_ =	shalt  }
0x51: {  	_ =	shalt  }
0x52: {  	_ =	shalt  }
0x53: {  	_ =	shalt  }
0x54: {  	_ =	shalt  }
0x55: {  	_ =	shalt  }
0x56: {  	_ =	shalt  }
0x57: {  	_ =	shalt  }
0x58: {  	_ =	shalt  }
0x59: {  	_ =	shalt  }
0x5a: {  	_ =	shalt  }
0x5b: {  	_ =	shalt  }
0x5c: {  	_ =	shalt  }
0x5d: {  	_ =	shalt  }
0x5e: {  	_ =	shalt  }
0x5f: {  	_ =	shalt  }
0x60: {  	_ =	shalt  }
0x61: {  	_ =	shalt  }
0x62: {  	_ =	shalt  }
0x63: {  	_ =	shalt  }
0x64: {  	_ =	shalt  }
0x65: {  	_ =	shalt  }
0x66: {  	_ =	shalt  }
0x67: {  	_ =	shalt  }
0x68: {  	_ =	shalt  }
0x69: {  	_ =	shalt  }
0x6a: {  	_ =	shalt  }
0x6b: {  	_ =	shalt  }
0x6c: {  	_ =	shalt  }
0x6d: {  	_ =	shalt  }
0x6e: {  	_ =	shalt  }
0x6f: {  	_ =	shalt  }
0x70: {  	_ =	shalt  }
0x71: {  	_ =	shalt  }
0x72: {  	_ =	shalt  }
0x73: {  	_ =	shalt  }
0x74: {  	_ =	shalt  }
0x75: {  	_ =	shalt  }
0x76: {  	_ =	shalt  }
0x77: {  	_ =	shalt  }
0x78: {  	_ =	shalt  }
0x79: {  	_ =	shalt  }
0x7a: {  	_ =	shalt  }
0x7b: {  	_ =	shalt  }
0x7c: {  	_ =	shalt  }
0x7d: {  	_ =	shalt  }
0x7e: {  	_ =	shalt  }
0x7f: {  	_ =	shalt  }
0x80: {  	_ =	shalt  }
0x81: {  	_ =	shalt  }
0x82: {  	_ =	shalt  }
0x83: {  	_ =	shalt  }
0x84: {  	_ =	shalt  }
0x85: {  	_ =	shalt  }
0x86: {  	_ =	shalt  }
0x87: {  	_ =	shalt  }
.Lfunc_end0:
.L_simem_size_0:
called_computation.2_lowered:
.L_overlay_start_0:
0x88: {  	s2 =	sld [smem:$0x3FD9]  }
0x89: {  	s3 =	sld [smem:$0x3FFE];
	_ =	sdelay $0x1  }
0x8a: {  	s1 =	srdreg.scid  }
0x8b: {  	s0 =	sand.u32 $0x1, s1  }
0x8c: {  	s17 =	sshll.u32 s0, $0xA;
	s2 =	sadd.s32 s3, s2  }
0x8d: {  	s2 =	sadd.s32 s2, s17  }
0x8e: {  	[smem:$0x3FC6] =	sst s2  }
0x8f: {  	_ = 	snop  }
0x90: {  	s2 =	sld [smem:$0x3FD0];
	(tm) =	ssettm $0x1  }
0x91: {  	s18 =	sld [smem:$0x3FFB];
	_ =	sdelay $0x3  }
0x92: {  	_ =	strace s18  }
0x93: {  	s3 =	sld [smem:$0x3FFC];
	_ =	sdelay $0x3  }
0x94: {  	_ =	strace s3  }
0x95: {  	s3 =	sld [smem:$0x3FFD];
	_ =	sdelay $0x3  }
0x96: {  	_ =	strace s3  }
0x97: {  	_ =	strace $0x8FFFFFFF  }
0x98: {  	s19 =	sld [smem:$0x3FDB];
	_ =	sdelay $0x1  }
0x99: {  	s4 =	simm.s32 $_scs_section_size  }
0x9a: {  	s5 =	simm.s32 $_size__tile_overlayer_lowered;
	s6 =	simm.s32 $_tile_overlayer_lowered  }
0x9b: {  	s22 =	simm.s32 $0x1BFF;
	s21 =	sshll.u32 s6, $0x1;
	s3 =	sadd.s32 s4, s19  }
0x9c: {  	s7 =	simm.s32 $0x0;
	s20 =	sshll.u32 s5, $0x1;
	s5 =	sadd.s32 s21, s3  }
0x9d: {  	[timem:s7], [sflag:s22] =	dma.local [hbm:s5], s20  }
0x9e: {  	_ =	swait.ge [sflag:s22], s20  }
0x9f: {  	s4 =	ssub.s32 $0x0, s20;
	[sflag:s22] =	ssyncset.done $0x0  }
0xa0: {  	[sflag:s22] =	ssyncadd.s32 s4;
	_ =	sdelay $0x1  }
0xa1: {  	s23 =	simm.s32 $0x1B8B  }
0xa2: {  	_ =	swait.ge [sflag:s23], $0x1  }
0xa3: {  	[sflag:s23] =	ssyncset.done $0x0  }
0xa4: {  	s25 =	simm.s32 $0x1B8E;
	s24 =	sld [smem:$0x3FFE];
	[sflag:s23] =	ssyncadd.s32 $0xFFFFFFFF  }
0xa5: {  	s26 =	simm.s32 $execute0_lowered;
	[smem:$0x3FD2] =	sst s25  }
0xa6: {  	s5 =	sshll.u32 s26, $0x1;
	_ =	strace $0x8000004C;
	[dreg:$0x1] =	wrdreg $0xFFFFFFFF  }
0xa7: {  	s28 =	simm.s32 $_size_execute0_lowered;
	s3 =	sadd.s32 s3, s5;
	[dreg:$0x0] =	wrdreg $0x0  }
0xa8: {  	s5 =	sshll.u32 s28, $0x1;
	[dreg:$0x2] =	wrdreg s3  }
0xa9: {  	[dreg:$0x3] =	wrdreg s5  }
0xaa: {  	[dreg:$0x4] =	wrdreg $0xC0  }
0xab: {  	_ =	task [dreg:s7], $0x5FFFF  }
0xac: {  	[dreg:$0x1] =	wrdreg $0xFFFFFFFF  }
0xad: {  	[dreg:$0x0] =	wrdreg $0x60  }
0xae: {  	[dreg:$0x2] =	wrdreg s2  }
0xaf: {  	[dreg:$0x3] =	wrdreg s24  }
0xb0: {  	[dreg:$0x4] =	wrdreg $0x9  }
0xb1: {  	_ =	task.clear_ibuf [dreg:s7], $0x5FFFF;
	_ =	strace $0x9000004C  }
0xb2: {  	s29 =	simm.s32 $0x9;
	_ =	strace $0x8000004E  }
0xb3: {  	_ =	swait.ge [sflag:s29], $0x1  }
0xb4: {  	[sflag:s29] =	ssyncadd.s32 $0xFFFFFFFF  }
0xb5: {  	_ =	strace $0x9000004E  }
0xb6: {  	_ =	sfence  }
0xb7: {  	s30 =	sld [smem:$0x0];
	_ =	sdelay $0x2  }
0xb8: {  	s31 =	sshll.u32 s1, $0xD;
	s1 =	sshrl.u32 s1, $0x2  }
0xb9: {  	s3 =	sand.u32 $0x4000, s31;
	s1 =	sadd.s32 s1, s30  }
0xba: {  	s0 =	sor.u32 s3, s0;
	s1 =	sshll.u32 s1, $0x11  }
0xbb: {  	s0 =	sor.u32 s1, s0  }
0xbc: {  	s0 =	sadd.s32 $0x8F2B, s0  }
0xbd: {  	[sflag:s0] =	ssyncadd.remote.s32 $0x1  }
0xbe: {  	_ =	sfence.sel $0xFFFF  }
0xbf: {  	[dreg:$0x0] =	wrdreg $0xFFFFFFFF;
	(pc) =	sbr.abs _section_cstart, $3  }
0xc0: {  	[dreg:$0x1] =	wrdreg $0xFFFFFFFF  }
0xc1: {  	_ =	task.clear_ibuf [dreg:s7], $0x2FFFF;
	_ =	strace $0x9FFFFFFF  }
0xc2: {  	(tm) =	ssettm $0x7FFFFFFF  }
0xc3: {  	_ =	shalt  }
tec
execute0_lowered:
.L_overlay_start_1:
0x0: {  	(tag) =	ssettag $0x1  }
0x1: {  	s2 =	srdreg.scid  }
0x2: {  	s1 =	rddreg [dreg:$0x1];
	s3 =	stileid.u32;
	s6 =	sand.u32 $0x1, s2  }
0x3: {  	s2 =	simm.s32 $0x0;
	s3 =	sshll.u32 s3, $0x10;
	s5 =	sshll.u32 s6, $0xF  }
0x4: {  	s4 =	sadd.s32 $0xC00, s1;
	[smem:$0x7FF] =	sst s2;
	s3 =	sor.u32 s5, s3  }
0x5: {  	s0 =	rddreg [dreg:$0x0];
	_ =	strace $0x8000004D;
	s5 =	sadd.s32 s4, s3  }
0x6: {  	s22 =	sadd.s32 s0, s3;
	s7 =	sor.u32 $0x800, s3;
	[dreg:$0x3] =	wrdreg s5  }
0x7: {  	s9 =	sor.u32 $0x100000, s3;
	[dreg:$0x4] =	wrdreg s22;
	s8 =	sadd.s32 s4, s7  }
0x8: {  	s25 =	sor.u32 $0x200000, s3;
	s23 =	sadd.s32 s0, s9;
	[dreg:$0x5] =	wrdreg s8  }
0x9: {  	s11 =	sor.u32 $0x300000, s3;
	s26 =	sadd.s32 s0, s25;
	[dreg:$0x6] =	wrdreg s23  }
0xa: {  	s12 =	sadd.s32 s0, s11;
	[dreg:$0x8] =	wrdreg s26  }
0xb: {  	s16 =	sor.u32 $0x1000, s3;
	s14 =	sadd.s32 s0, s7;
	[dreg:$0xa] =	wrdreg s12  }
0xc: {  	s18 =	sor.u32 $0x100800, s3;
	s17 =	sadd.s32 s4, s16;
	[dreg:$0xc] =	wrdreg s14  }
0xd: {  	s21 =	sor.u32 $0x200800, s3;
	s19 =	sadd.s32 s0, s18;
	[dreg:$0xe] =	wrdreg s17  }
0xe: {  	s22 =	sadd.s32 s0, s21;
	[dreg:$0xf] =	wrdreg s19  }
0xf: {  	s5 =	sadd.s32 $0x100C00, s1;
	[dreg:$0x11] =	wrdreg s22  }
0x10: {  	s24 =	sadd.s32 s5, s3;
	s1 =	rddreg [dreg:$0x3]  }
0x11: {  	s10 =	sadd.s32 s5, s9;
	[dreg:$0x7] =	wrdreg s24  }
0x12: {  	s13 =	sadd.s32 s5, s25;
	[dreg:$0x9] =	wrdreg s10  }
0x13: {  	s15 =	sadd.s32 s5, s11;
	[dreg:$0xb] =	wrdreg s13  }
0x14: {  	s20 =	sadd.s32 s5, s7;
	[dreg:$0xd] =	wrdreg s15  }
0x15: {  	s23 =	sadd.s32 s5, s18;
	[dreg:$0x10] =	wrdreg s20  }
0x16: {  	s26 =	sadd.s32 s5, s21;
	[dreg:$0x12] =	wrdreg s23  }
0x17: {  	s7 =	sadd.s32 s0, s16;
	s11 =	sor.u32 $0x1800, s3;
	[dreg:$0x14] =	wrdreg s26  }
0x18: {  	[dreg:$0x15] =	wrdreg s7;
	s12 =	sadd.s32 s4, s11  }
0x19: {  	s19 =	sor.u32 $0x301000, s3;
	s15 =	sadd.s32 s5, s16;
	[dreg:$0x17] =	wrdreg s12  }
0x1a: {  	s20 =	sadd.s32 s0, s19;
	[dreg:$0x19] =	wrdreg s15  }
0x1b: {  	s22 =	sadd.s32 s0, s11;
	[dreg:$0x1c] =	wrdreg s20  }
0x1c: {  	s23 =	sadd.s32 s5, s19;
	[dreg:$0x1e] =	wrdreg s22  }
0x1d: {  	s24 =	sor.u32 $0x300800, s3;
	s11 =	sadd.s32 s5, s11;
	[dreg:$0x1f] =	wrdreg s23  }
0x1e: {  	s25 =	sadd.s32 s0, s24;
	[smem:$0x79D] =	sst s11  }
0x1f: {  	s13 =	sor.u32 $0x101000, s3;
	s10 =	sadd.s32 s5, s24;
	[dreg:$0x13] =	wrdreg s25  }
0x20: {  	s16 =	sor.u32 $0x201000, s3;
	s14 =	sadd.s32 s0, s13;
	[dreg:$0x16] =	wrdreg s10  }
0x21: {  	s17 =	sadd.s32 s0, s16;
	[dreg:$0x18] =	wrdreg s14  }
0x22: {  	s18 =	sadd.s32 s5, s13;
	[dreg:$0x1a] =	wrdreg s17  }
0x23: {  	s21 =	sadd.s32 s5, s16;
	s24 =	sor.u32 $0x2000, s3;
	[dreg:$0x1b] =	wrdreg s18  }
0x24: {  	s26 =	sor.u32 $0x101800, s3;
	[dreg:$0x1d] =	wrdreg s21;
	s25 =	sadd.s32 s4, s24  }
0x25: {  	s12 =	sor.u32 $0x201800, s3;
	s10 =	sadd.s32 s0, s26;
	[smem:$0x79B] =	sst s25  }
0x26: {  	s13 =	sadd.s32 s0, s12;
	[smem:$0x79C] =	sst s10  }
0x27: {  	s15 =	sor.u32 $0x301800, s3;
	s14 =	sadd.s32 s5, s26;
	[smem:$0x79E] =	sst s13  }
0x28: {  	s16 =	sadd.s32 s0, s15;
	[smem:$0x79F] =	sst s14  }
0x29: {  	s17 =	sadd.s32 s5, s12;
	[smem:$0x7A0] =	sst s16  }
0x2a: {  	s18 =	sadd.s32 s0, s24;
	[smem:$0x7A1] =	sst s17  }
0x2b: {  	s20 =	sor.u32 $0x2800, s3;
	s19 =	sadd.s32 s5, s15;
	[smem:$0x7A2] =	sst s18  }
0x2c: {  	s22 =	sor.u32 $0x102000, s3;
	s21 =	sadd.s32 s4, s20;
	[smem:$0x7A3] =	sst s19  }
0x2d: {  	s23 =	sadd.s32 s0, s22;
	[smem:$0x7A4] =	sst s21  }
0x2e: {  	s11 =	sor.u32 $0x302000, s3;
	s24 =	sadd.s32 s5, s24;
	[smem:$0x7A5] =	sst s23  }
0x2f: {  	s12 =	sadd.s32 s0, s11;
	[smem:$0x7A6] =	sst s24  }
0x30: {  	s15 =	sadd.s32 s5, s11;
	[smem:$0x7A9] =	sst s12  }
0x31: {  	s10 =	sadd.s32 s5, s22;
	[smem:$0x7AC] =	sst s15  }
0x32: {  	s14 =	sadd.s32 s0, s20;
	[smem:$0x7A8] =	sst s10  }
0x33: {  	s11 =	sor.u32 $0x3800, s3;
	s20 =	sadd.s32 s5, s20;
	[smem:$0x7AB] =	sst s14  }
0x34: {  	s25 =	sor.u32 $0x202000, s3;
	s12 =	sadd.s32 s4, s11;
	[smem:$0x7AF] =	sst s20  }
0x35: {  	s26 =	sadd.s32 s0, s25;
	[smem:$0x7B6] =	sst s12  }
0x36: {  	s16 =	sor.u32 $0x3000, s3;
	s13 =	sadd.s32 s5, s25;
	[smem:$0x7A7] =	sst s26  }
0x37: {  	s18 =	sor.u32 $0x102800, s3;
	s17 =	sadd.s32 s4, s16;
	[smem:$0x7AA] =	sst s13  }
0x38: {  	s21 =	sor.u32 $0x202800, s3;
	s19 =	sadd.s32 s0, s18;
	[smem:$0x7AD] =	sst s17  }
0x39: {  	s22 =	sadd.s32 s0, s21;
	[smem:$0x7AE] =	sst s19  }
0x3a: {  	s24 =	sor.u32 $0x302800, s3;
	s23 =	sadd.s32 s5, s18;
	[smem:$0x7B0] =	sst s22  }
0x3b: {  	s25 =	sadd.s32 s0, s24;
	[smem:$0x7B1] =	sst s23  }
0x3c: {  	s7 =	sadd.s32 s0, s16;
	[smem:$0x7B2] =	sst s25  }
0x3d: {  	s10 =	sadd.s32 s5, s24;
	[smem:$0x7B4] =	sst s7  }
0x3e: {  	s15 =	sadd.s32 s5, s16;
	[smem:$0x7B5] =	sst s10  }
0x3f: {  	s16 =	sor.u32 $0x203000, s3;
	s26 =	sadd.s32 s5, s21;
	[smem:$0x7B8] =	sst s15  }
0x40: {  	s17 =	sadd.s32 s0, s16;
	[smem:$0x7B3] =	sst s26  }
0x41: {  	s21 =	sadd.s32 s5, s16;
	[smem:$0x7B9] =	sst s17  }
0x42: {  	s24 =	sor.u32 $0x4000, s3;
	s22 =	sadd.s32 s0, s11;
	[smem:$0x7BC] =	sst s21  }
0x43: {  	s25 =	sadd.s32 s4, s24;
	[smem:$0x7BD] =	sst s22  }
0x44: {  	s13 =	sor.u32 $0x103000, s3;
	s11 =	sadd.s32 s5, s11;
	[smem:$0x7BF] =	sst s25  }
0x45: {  	s14 =	sadd.s32 s0, s13;
	[smem:$0x7C1] =	sst s11  }
0x46: {  	s19 =	sor.u32 $0x303000, s3;
	s18 =	sadd.s32 s5, s13;
	[smem:$0x7B7] =	sst s14  }
0x47: {  	s20 =	sadd.s32 s0, s19;
	[smem:$0x7BA] =	sst s18  }
0x48: {  	s12 =	sor.u32 $0x203800, s3;
	s23 =	sadd.s32 s5, s19;
	[smem:$0x7BB] =	sst s20  }
0x49: {  	s15 =	sor.u32 $0x303800, s3;
	s13 =	sadd.s32 s0, s12;
	[smem:$0x7BE] =	sst s23  }
0x4a: {  	s16 =	sadd.s32 s0, s15;
	[smem:$0x7C2] =	sst s13  }
0x4b: {  	s17 =	sadd.s32 s5, s12;
	[smem:$0x7C4] =	sst s16  }
0x4c: {  	s26 =	sor.u32 $0x103800, s3;
	s19 =	sadd.s32 s5, s15;
	[smem:$0x7C5] =	sst s17  }
0x4d: {  	s10 =	sadd.s32 s0, s26;
	[smem:$0x7C7] =	sst s19  }
0x4e: {  	s14 =	sadd.s32 s5, s26;
	[smem:$0x7C0] =	sst s10  }
0x4f: {  	s22 =	sor.u32 $0x104000, s3;
	s18 =	sadd.s32 s0, s24;
	[smem:$0x7C3] =	sst s14  }
0x50: {  	s23 =	sadd.s32 s0, s22;
	[smem:$0x7C6] =	sst s18  }
0x51: {  	s25 =	sor.u32 $0x204000, s3;
	s24 =	sadd.s32 s5, s24;
	[smem:$0x7C9] =	sst s23  }
0x52: {  	s11 =	sor.u32 $0x304000, s3;
	s26 =	sadd.s32 s0, s25;
	[smem:$0x7CA] =	sst s24  }
0x53: {  	s12 =	sadd.s32 s0, s11;
	[smem:$0x7CB] =	sst s26  }
0x54: {  	s13 =	sadd.s32 s5, s25;
	[smem:$0x7CD] =	sst s12  }
0x55: {  	s20 =	sor.u32 $0x4800, s3;
	s15 =	sadd.s32 s5, s11;
	[smem:$0x7CE] =	sst s13  }
0x56: {  	s21 =	sadd.s32 s4, s20;
	[smem:$0x7D0] =	sst s15  }
0x57: {  	s10 =	sadd.s32 s5, s22;
	[smem:$0x7C8] =	sst s21  }
0x58: {  	s16 =	sor.u32 $0x5000, s3;
	s14 =	sadd.s32 s0, s20;
	[smem:$0x7CC] =	sst s10  }
0x59: {  	s17 =	sadd.s32 s4, s16;
	[smem:$0x7CF] =	sst s14  }
0x5a: {  	s20 =	sadd.s32 s5, s20;
	[smem:$0x7D1] =	sst s17  }
0x5b: {  	s18 =	sor.u32 $0x104800, s3;
	s7 =	sadd.s32 s0, s16;
	[smem:$0x7D3] =	sst s20  }
0x5c: {  	s19 =	sadd.s32 s0, s18;
	[smem:$0x7D8] =	sst s7  }
0x5d: {  	s24 =	sor.u32 $0x304800, s3;
	s23 =	sadd.s32 s5, s18;
	[smem:$0x7D2] =	sst s19  }
0x5e: {  	s25 =	sadd.s32 s0, s24;
	[smem:$0x7D5] =	sst s23  }
0x5f: {  	s12 =	sor.u32 $0x105000, s3;
	s9 =	sadd.s32 s5, s24;
	[smem:$0x7D6] =	sst s25  }
0x60: {  	s13 =	sadd.s32 s0, s12;
	[smem:$0x7D9] =	sst s9  }
0x61: {  	s15 =	sor.u32 $0x205000, s3;
	s14 =	sadd.s32 s5, s16;
	[smem:$0x7DB] =	sst s13  }
0x62: {  	s16 =	sadd.s32 s0, s15;
	[smem:$0x7DC] =	sst s14  }
0x63: {  	s17 =	sadd.s32 s5, s12;
	[smem:$0x7DD] =	sst s16  }
0x64: {  	s21 =	sor.u32 $0x204800, s3;
	s20 =	sadd.s32 s5, s15;
	[smem:$0x7DE] =	sst s17  }
0x65: {  	s22 =	sadd.s32 s0, s21;
	[smem:$0x7E0] =	sst s20  }
0x66: {  	s10 =	sor.u32 $0x5800, s3;
	s26 =	sadd.s32 s5, s21;
	[smem:$0x7D4] =	sst s22  }
0x67: {  	s18 =	sor.u32 $0x305000, s3;
	s11 =	sadd.s32 s4, s10;
	[smem:$0x7D7] =	sst s26  }
0x68: {  	s19 =	sadd.s32 s0, s18;
	[smem:$0x7DA] =	sst s11  }
0x69: {  	s21 =	sadd.s32 s0, s10;
	[smem:$0x7DF] =	sst s19  }
0x6a: {  	s7 =	sadd.s32 s5, s10;
	[smem:$0x7E1] =	sst s21  }
0x6b: {  	s23 =	sor.u32 $0x6000, s3;
	s22 =	sadd.s32 s5, s18;
	[smem:$0x7E5] =	sst s7  }
0x6c: {  	s25 =	sor.u32 $0x105800, s3;
	s24 =	sadd.s32 s4, s23;
	[smem:$0x7E2] =	sst s22  }
0x6d: {  	s10 =	sor.u32 $0x205800, s3;
	s26 =	sadd.s32 s0, s25;
	[smem:$0x7E3] =	sst s24  }
0x6e: {  	s11 =	sadd.s32 s0, s10;
	[smem:$0x7E4] =	sst s26  }
0x6f: {  	s13 =	sor.u32 $0x305800, s3;
	s12 =	sadd.s32 s5, s25;
	[smem:$0x7E6] =	sst s11  }
0x70: {  	s31 =	simm.s32 $0xC000;
	s14 =	sadd.s32 s0, s13;
	[smem:$0x7E7] =	sst s12  }
0x71: {  	s29 =	simm.s32 $0x7;
	s15 =	sadd.s32 s5, s10;
	[smem:$0x7E8] =	sst s14  }
0x72: {  	p0 =	por $0x0, $0x0;
	s16 =	sadd.s32 s0, s23;
	[smem:$0x7E9] =	sst s15  }
0x73: {  	s20 =	sor.u32 $0x106000, s3;
	s17 =	sadd.s32 s5, s13;
	[smem:$0x7EA] =	sst s16  }
0x74: {  	s6 =	ssub.s32 $0x2, s6;
	s21 =	sadd.s32 s0, s20;
	[smem:$0x7EB] =	sst s17  }
0x75: {  	s18 =	sor.u32 $0x6800, s3;
	s25 =	sadd.s32 s5, s20;
	[smem:$0x7ED] =	sst s21  }
0x76: {  	s9 =	simm.s32 $0x6;
	s19 =	sadd.s32 s4, s18;
	[smem:$0x7F0] =	sst s25  }
0x77: {  	s22 =	sadd.s32 s5, s23;
	s23 =	sor.u32 $0x206000, s3;
	[smem:$0x7EC] =	sst s19  }
0x78: {  	s26 =	sor.u32 $0x306000, s3;
	s12 =	sadd.s32 s0, s18;
	[smem:$0x7EE] =	sst s22  }
0x79: {  	s14 =	sor.u32 $0x7000, s3;
	s18 =	sadd.s32 s5, s18;
	[smem:$0x7F3] =	sst s12  }
0x7a: {  	s16 =	sor.u32 $0x106800, s3;
	s24 =	sadd.s32 s0, s23;
	[smem:$0x7F7] =	sst s18  }
0x7b: {  	s25 =	sshrl.u32 s6, $0x1;
	s10 =	sadd.s32 s0, s26;
	[smem:$0x7EF] =	sst s24  }
0x7c: {  	s11 =	sadd.s32 s5, s23;
	s13 =	sadd.s32 s5, s26;
	[smem:$0x7F1] =	sst s10  }
0x7d: {  	s15 =	sadd.s32 s4, s14;
	s17 =	sadd.s32 s0, s16;
	[smem:$0x7F2] =	sst s11  }
0x7e: {  	s19 =	sor.u32 $0x206800, s3;
	s21 =	sadd.s32 s5, s16;
	[smem:$0x7F4] =	sst s13  }
0x7f: {  	s22 =	sor.u32 $0x306800, s3;
	s26 =	sadd.s32 s0, s14;
	[smem:$0x7F5] =	sst s15  }
0x80: {  	s6 =	ssub.s32 s6, s25;
	s12 =	sor.u32 $0x107000, s3;
	[smem:$0x7F6] =	sst s17  }
0x81: {  	s20 =	sadd.s32 s0, s19;
	[smem:$0x7F9] =	sst s21;
	s23 =	sadd.s32 s0, s22  }
0x82: {  	s24 =	sadd.s32 s5, s19;
	[smem:$0x7FC] =	sst s26;
	s10 =	sadd.s32 s5, s22  }
0x83: {  	s11 =	sor.u32 $0x7800, s3;
	s26 =	sadd.s32 s0, s12;
	[smem:$0x7F8] =	sst s20  }
0x84: {  	s13 =	sor.u32 $0x207000, s3;
	s15 =	sor.u32 $0x107800, s3;
	[smem:$0x7FA] =	sst s23  }
0x85: {  	s22 =	sadd.s32 s5, s12;
	s19 =	sor.u32 $0x207800, s3;
	[smem:$0x7FB] =	sst s24  }
0x86: {  	s25 =	smax.u32 s6, $0x1;
	s6 =	simm.s32 $0x4;
	[smem:$0x7FD] =	sst s10  }
0x87: {  	s28 =	sadd.s32 s4, s11;
	s24 =	sadd.s32 s5, s14;
	s14 =	sor.u32 $0x307000, s3  }
0x88: {  	s23 =	sadd.s32 s0, s13;
	s20 =	sadd.s32 s5, s13;
	s18 =	sadd.s32 s0, s11  }
0x89: {  	s16 =	sadd.s32 s0, s15;
	s12 =	sadd.s32 s5, s11;
	s10 =	sadd.s32 s0, s19  }
0x8a: {  	s3 =	sor.u32 $0x307800, s3;
	s8 =	sadd.s32 s5, s15;
	p1 =	sne.s32 s25, $0x1  }
.Ltmp0:
0x8b: {  	s30 =	sadd.s32 s5, s19;
	s4 =	simm.s32 $0x10000;
	(pc) =	sbr.rel @!p1 .LBB2_3-.Ltmp0, $4  }
0x8c: {  	s11 =	simm.s32 $0x8000;
	s19 =	simm.s32 $0x2;
	s15 =	simm.s32 $0x3  }
0x8d: {  	s13 =	simm.s32 $0x5;
	s21 =	sadd.s32 s0, s14;
	s17 =	sadd.s32 s5, s14  }
0x8e: {  	s7 =	sadd.s32 s0, s3;
	s3 =	sadd.s32 s5, s3;
	s14 =	simm.s32 $0x4000  }
0x8f: {  	s5 =	simm.s32 $0x1;
	s0 =	sadd.s32 $0xFFFFFFFF, s25;
	s25 =	simm.s32 $0x8  }
0x90: {  	[smem:$0x799] =	sst s0  }
0x91: {  	[tilespmem:s31], [sflag:$0x7] =	stream.linear.gather [hbm4b:s1+s2], $0x4000, $0x38;
	[tilespmem:$0x14000] =	vst v63  }
0x92: {  	s0 =	rddreg [dreg:$0x4]  }
0x93: {  	[tilespmem:s2], [sflag:$0x1] =	stream.linear.gather [hbm4b:s0+s2], $0x4000, $0x38;
	[tilespmem:$0x14000] =	vst v63  }
0x94: {  	s1 =	rddreg [dreg:$0x5]  }
0x95: {  	[tilespmem:s4], [sflag:$0x8] =	stream.linear.gather [hbm4b:s1+s2], $0x4000, $0x38;
	[tilespmem:$0x14000] =	vst v63  }
0x96: {  	s0 =	rddreg [dreg:$0x6]  }
0x97: {  	[tilespmem:s14], [sflag:$0x2] =	stream.linear.gather [hbm4b:s0+s2], $0x4000, $0x38;
	[tilespmem:$0x14000] =	vst v63  }
0x98: {  	_ =	swait.ge [sflag:s5], $0x4000  }
0x99: {  	[sflag:s5] =	ssyncset.done $0x0  }
0x9a: {  	[sflag:s5] =	ssyncadd.s32 $0xFFFFC000  }
0x9b: {  	_ =	swait.ge [sflag:s29], $0x4000  }
0x9c: {  	[sflag:s29] =	ssyncset.done $0x0  }
0x9d: {  	s0 =	rddreg [dreg:$0x7];
	[sflag:s29] =	ssyncadd.s32 $0xFFFFC000  }
0x9e: {  	[hbm4b:s0+s2] =	stream.linear.scatter [tilespmem:s2], [sflag:$0x4], $0x4000, $0x38;
	[tilespmem:$0x14000] =	vst v63  }
0x9f: {  	s1 =	rddreg [dreg:$0x8]  }
0xa0: {  	[tilespmem:s11], [sflag:$0x3] =	stream.linear.gather [hbm4b:s1+s2], $0x4000, $0x38;
	[tilespmem:$0x14000] =	vst v63  }
0xa1: {  	_ =	swait.ge [sflag:s19], $0x4000  }
0xa2: {  	[sflag:s19] =	ssyncset.done $0x0  }
0xa3: {  	s1 =	rddreg [dreg:$0x9];
	[sflag:s19] =	ssyncadd.s32 $0xFFFFC000  }
0xa4: {  	[hbm4b:s1+s2] =	stream.linear.scatter [tilespmem:s14], [sflag:$0x5], $0x4000, $0x38;
	[tilespmem:$0x14000] =	vst v63  }
0xa5: {  	_ =	swait.ge [sflag:s6], $0x4000  }
0xa6: {  	[sflag:s6] =	ssyncset.done $0x0  }
0xa7: {  	s1 =	rddreg [dreg:$0xa];
	[sflag:s6] =	ssyncadd.s32 $0xFFFFC000  }
0xa8: {  	[tilespmem:s2], [sflag:$0x1] =	stream.linear.gather [hbm4b:s1+s2], $0x4000, $0x38;
	[tilespmem:$0x14000] =	vst v63  }
0xa9: {  	_ =	swait.ge [sflag:s15], $0x4000  }
0xaa: {  	[sflag:s15] =	ssyncset.done $0x0  }
0xab: {  	s1 =	rddreg [dreg:$0xb];
	[sflag:s15] =	ssyncadd.s32 $0xFFFFC000  }
0xac: {  	[hbm4b:s1+s2] =	stream.linear.scatter [tilespmem:s11], [sflag:$0x6], $0x4000, $0x38;
	[tilespmem:$0x14000] =	vst v63  }
0xad: {  	_ =	swait.ge [sflag:s13], $0x4000  }
0xae: {  	[sflag:s13] =	ssyncset.done $0x0  }
0xaf: {  	s1 =	rddreg [dreg:$0xc];
	[sflag:s13] =	ssyncadd.s32 $0xFFFFC000  }
0xb0: {  	[tilespmem:s14], [sflag:$0x2] =	stream.linear.gather [hbm4b:s1+s2], $0x4000, $0x38;
	[tilespmem:$0x14000] =	vst v63  }
0xb1: {  	_ =	swait.ge [sflag:s5], $0x4000  }
0xb2: {  	[sflag:s5] =	ssyncset.done $0x0  }
0xb3: {  	s0 =	rddreg [dreg:$0xd];
	[sflag:s5] =	ssyncadd.s32 $0xFFFFC000  }
0xb4: {  	[hbm4b:s0+s2] =	stream.linear.scatter [tilespmem:s2], [sflag:$0x4], $0x4000, $0x38;
	[tilespmem:$0x14000] =	vst v63  }
0xb5: {  	s1 =	rddreg [dreg:$0xe]  }
0xb6: {  	[tilespmem:s31], [sflag:$0x7] =	stream.linear.gather [hbm4b:s1+s2], $0x4000, $0x38;
	[tilespmem:$0x14000] =	vst v63  }
0xb7: {  	_ =	swait.ge [sflag:s9], $0x4000  }
0xb8: {  	[sflag:s9] =	ssyncset.done $0x0  }
0xb9: {  	s1 =	rddreg [dreg:$0xf];
	[sflag:s9] =	ssyncadd.s32 $0xFFFFC000  }
0xba: {  	[tilespmem:s11], [sflag:$0x3] =	stream.linear.gather [hbm4b:s1+s2], $0x4000, $0x38;
	[tilespmem:$0x14000] =	vst v63  }
0xbb: {  	_ =	swait.ge [sflag:s19], $0x4000  }
0xbc: {  	[sflag:s19] =	ssyncset.done $0x0  }
0xbd: {  	[sflag:s19] =	ssyncadd.s32 $0xFFFFC000  }
0xbe: {  	_ =	swait.ge [sflag:s25], $0x4000  }
0xbf: {  	[sflag:s25] =	ssyncset.done $0x0  }
0xc0: {  	s1 =	rddreg [dreg:$0x10];
	[sflag:s25] =	ssyncadd.s32 $0xFFFFC000  }
0xc1: {  	[hbm4b:s1+s2] =	stream.linear.scatter [tilespmem:s14], [sflag:$0x5], $0x4000, $0x38;
	[tilespmem:$0x14000] =	vst v63  }
0xc2: {  	_ =	swait.ge [sflag:s6], $0x4000  }
0xc3: {  	[sflag:s6] =	ssyncset.done $0x0  }
0xc4: {  	s1 =	rddreg [dreg:$0x11];
	[sflag:s6] =	ssyncadd.s32 $0xFFFFC000  }
0xc5: {  	[tilespmem:s2], [sflag:$0x1] =	stream.linear.gather [hbm4b:s1+s2], $0x4000, $0x38;
	[tilespmem:$0x14000] =	vst v63  }
0xc6: {  	_ =	swait.ge [sflag:s15], $0x4000  }
0xc7: {  	[sflag:s15] =	ssyncset.done $0x0  }
0xc8: {  	s1 =	rddreg [dreg:$0x12];
	[sflag:s15] =	ssyncadd.s32 $0xFFFFC000  }
0xc9: {  	[hbm4b:s1+s2] =	stream.linear.scatter [tilespmem:s11], [sflag:$0x6], $0x4000, $0x38;
	[tilespmem:$0x14000] =	vst v63  }
0xca: {  	_ =	swait.ge [sflag:s13], $0x4000  }
0xcb: {  	[sflag:s13] =	ssyncset.done $0x0  }
0xcc: {  	s1 =	rddreg [dreg:$0x13];
	[sflag:s13] =	ssyncadd.s32 $0xFFFFC000  }
0xcd: {  	[tilespmem:s14], [sflag:$0x2] =	stream.linear.gather [hbm4b:s1+s2], $0x4000, $0x38;
	[tilespmem:$0x14000] =	vst v63  }
0xce: {  	_ =	swait.ge [sflag:s5], $0x4000  }
0xcf: {  	[sflag:s5] =	ssyncset.done $0x0  }
0xd0: {  	s1 =	rddreg [dreg:$0x14];
	[sflag:s5] =	ssyncadd.s32 $0xFFFFC000  }
0xd1: {  	[hbm4b:s1+s2] =	stream.linear.scatter [tilespmem:s2], [sflag:$0x4], $0x4000, $0x38;
	[tilespmem:$0x14000] =	vst v63  }
0xd2: {  	_ =	swait.ge [sflag:s9], $0x4000  }
0xd3: {  	[sflag:s9] =	ssyncset.done $0x0  }
0xd4: {  	s1 =	rddreg [dreg:$0x15];
	[sflag:s9] =	ssyncadd.s32 $0xFFFFC000  }
0xd5: {  	[tilespmem:s11], [sflag:$0x3] =	stream.linear.gather [hbm4b:s1+s2], $0x4000, $0x38;
	[tilespmem:$0x14000] =	vst v63  }
0xd6: {  	_ =	swait.ge [sflag:s19], $0x4000  }
0xd7: {  	[sflag:s19] =	ssyncset.done $0x0  }
0xd8: {  	s0 =	rddreg [dreg:$0x16];
	[sflag:s19] =	ssyncadd.s32 $0xFFFFC000  }
0xd9: {  	[hbm4b:s0+s2] =	stream.linear.scatter [tilespmem:s14], [sflag:$0x5], $0x4000, $0x38;
	[tilespmem:$0x14000] =	vst v63  }
0xda: {  	s1 =	rddreg [dreg:$0x17]  }
0xdb: {  	[tilespmem:s4], [sflag:$0x8] =	stream.linear.gather [hbm4b:s1+s2], $0x4000, $0x38;
	[tilespmem:$0x14000] =	vst v63  }
0xdc: {  	_ =	swait.ge [sflag:s6], $0x4000  }
0xdd: {  	[sflag:s6] =	ssyncset.done $0x0  }
0xde: {  	s1 =	rddreg [dreg:$0x18];
	[sflag:s6] =	ssyncadd.s32 $0xFFFFC000  }
0xdf: {  	[tilespmem:s2], [sflag:$0x1] =	stream.linear.gather [hbm4b:s1+s2], $0x4000, $0x38;
	[tilespmem:$0x14000] =	vst v63  }
0xe0: {  	_ =	swait.ge [sflag:s15], $0x4000  }
0xe1: {  	[sflag:s15] =	ssyncset.done $0x0  }
0xe2: {  	[sflag:s15] =	ssyncadd.s32 $0xFFFFC000  }
0xe3: {  	_ =	swait.ge [sflag:s29], $0x4000  }
0xe4: {  	[sflag:s29] =	ssyncset.done $0x0  }
0xe5: {  	s1 =	rddreg [dreg:$0x19];
	[sflag:s29] =	ssyncadd.s32 $0xFFFFC000  }
0xe6: {  	[hbm4b:s1+s2] =	stream.linear.scatter [tilespmem:s11], [sflag:$0x6], $0x4000, $0x38;
	[tilespmem:$0x14000] =	vst v63  }
0xe7: {  	_ =	swait.ge [sflag:s13], $0x4000  }
0xe8: {  	[sflag:s13] =	ssyncset.done $0x0  }
0xe9: {  	s1 =	rddreg [dreg:$0x1a];
	[sflag:s13] =	ssyncadd.s32 $0xFFFFC000  }
0xea: {  	[tilespmem:s14], [sflag:$0x2] =	stream.linear.gather [hbm4b:s1+s2], $0x4000, $0x38;
	[tilespmem:$0x14000] =	vst v63  }
0xeb: {  	_ =	swait.ge [sflag:s5], $0x4000  }
0xec: {  	[sflag:s5] =	ssyncset.done $0x0  }
0xed: {  	s1 =	rddreg [dreg:$0x1b];
	[sflag:s5] =	ssyncadd.s32 $0xFFFFC000  }
0xee: {  	[hbm4b:s1+s2] =	stream.linear.scatter [tilespmem:s2], [sflag:$0x4], $0x4000, $0x38;
	[tilespmem:$0x14000] =	vst v63  }
0xef: {  	_ =	swait.ge [sflag:s9], $0x4000  }
0xf0: {  	[sflag:s9] =	ssyncset.done $0x0  }
0xf1: {  	s1 =	rddreg [dreg:$0x1c];
	[sflag:s9] =	ssyncadd.s32 $0xFFFFC000  }
0xf2: {  	[tilespmem:s11], [sflag:$0x3] =	stream.linear.gather [hbm4b:s1+s2], $0x4000, $0x38;
	[tilespmem:$0x14000] =	vst v63  }
0xf3: {  	_ =	swait.ge [sflag:s19], $0x4000  }
0xf4: {  	[sflag:s19] =	ssyncset.done $0x0  }
0xf5: {  	s1 =	rddreg [dreg:$0x1d];
	[sflag:s19] =	ssyncadd.s32 $0xFFFFC000  }
0xf6: {  	[hbm4b:s1+s2] =	stream.linear.scatter [tilespmem:s14], [sflag:$0x5], $0x4000, $0x38;
	[tilespmem:$0x14000] =	vst v63  }
0xf7: {  	_ =	swait.ge [sflag:s6], $0x4000  }
0xf8: {  	[sflag:s6] =	ssyncset.done $0x0  }
0xf9: {  	s1 =	rddreg [dreg:$0x1e];
	[sflag:s6] =	ssyncadd.s32 $0xFFFFC000  }
0xfa: {  	[tilespmem:s2], [sflag:$0x1] =	stream.linear.gather [hbm4b:s1+s2], $0x4000, $0x38;
	[tilespmem:$0x14000] =	vst v63  }
0xfb: {  	_ =	swait.ge [sflag:s15], $0x4000  }
0xfc: {  	s0 =	rddreg [dreg:$0x1f];
	[sflag:s15] =	ssyncset.done $0x0  }
0xfd: {  	s1 =	sld [smem:$0x79B];
	[sflag:s15] =	ssyncadd.s32 $0xFFFFC000  }
0xfe: {  	[hbm4b:s0+s2] =	stream.linear.scatter [tilespmem:s11], [sflag:$0x6], $0x4000, $0x38;
	[tilespmem:$0x14000] =	vst v63  }
0xff: {  	_ = 	snop  }
0x100: {  	[tilespmem:s31], [sflag:$0x7] =	stream.linear.gather [hbm4b:s1+s2], $0x4000, $0x38;
	[tilespmem:$0x14000] =	vst v63  }
0x101: {  	_ =	swait.ge [sflag:s13], $0x4000  }
0x102: {  	s1 =	sld [smem:$0x79C]  }
0x103: {  	[sflag:s13] =	ssyncset.done $0x0  }
0x104: {  	[sflag:s13] =	ssyncadd.s32 $0xFFFFC000  }
0x105: {  	[tilespmem:s14], [sflag:$0x2] =	stream.linear.gather [hbm4b:s1+s2], $0x4000, $0x38;
	[tilespmem:$0x14000] =	vst v63  }
0x106: {  	_ =	swait.ge [sflag:s5], $0x4000  }
0x107: {  	[sflag:s5] =	ssyncset.done $0x0  }
0x108: {  	[sflag:s5] =	ssyncadd.s32 $0xFFFFC000  }
0x109: {  	_ =	swait.ge [sflag:s25], $0x4000  }
0x10a: {  	s1 =	sld [smem:$0x79D]  }
0x10b: {  	[sflag:s25] =	ssyncset.done $0x0  }
0x10c: {  	[sflag:s25] =	ssyncadd.s32 $0xFFFFC000  }
0x10d: {  	[hbm4b:s1+s2] =	stream.linear.scatter [tilespmem:s2], [sflag:$0x4], $0x4000, $0x38;
	[tilespmem:$0x14000] =	vst v63  }
0x10e: {  	_ =	swait.ge [sflag:s9], $0x4000  }
0x10f: {  	s1 =	sld [smem:$0x79E]  }
0x110: {  	[sflag:s9] =	ssyncset.done $0x0  }
0x111: {  	[sflag:s9] =	ssyncadd.s32 $0xFFFFC000  }
0x112: {  	[tilespmem:s11], [sflag:$0x3] =	stream.linear.gather [hbm4b:s1+s2], $0x4000, $0x38;
	[tilespmem:$0x14000] =	vst v63  }
0x113: {  	_ =	swait.ge [sflag:s19], $0x4000  }
0x114: {  	s1 =	sld [smem:$0x79F]  }
0x115: {  	[sflag:s19] =	ssyncset.done $0x0  }
0x116: {  	[sflag:s19] =	ssyncadd.s32 $0xFFFFC000  }
0x117: {  	[hbm4b:s1+s2] =	stream.linear.scatter [tilespmem:s14], [sflag:$0x5], $0x4000, $0x38;
	[tilespmem:$0x14000] =	vst v63  }
0x118: {  	_ =	swait.ge [sflag:s6], $0x4000  }
0x119: {  	s1 =	sld [smem:$0x7A0]  }
0x11a: {  	[sflag:s6] =	ssyncset.done $0x0  }
0x11b: {  	[sflag:s6] =	ssyncadd.s32 $0xFFFFC000  }
0x11c: {  	[tilespmem:s2], [sflag:$0x1] =	stream.linear.gather [hbm4b:s1+s2], $0x4000, $0x38;
	[tilespmem:$0x14000] =	vst v63  }
0x11d: {  	_ =	swait.ge [sflag:s15], $0x4000  }
0x11e: {  	s1 =	sld [smem:$0x7A1]  }
0x11f: {  	[sflag:s15] =	ssyncset.done $0x0  }
0x120: {  	[sflag:s15] =	ssyncadd.s32 $0xFFFFC000  }
0x121: {  	[hbm4b:s1+s2] =	stream.linear.scatter [tilespmem:s11], [sflag:$0x6], $0x4000, $0x38;
	[tilespmem:$0x14000] =	vst v63  }
0x122: {  	_ =	swait.ge [sflag:s13], $0x4000  }
0x123: {  	s1 =	sld [smem:$0x7A2]  }
0x124: {  	[sflag:s13] =	ssyncset.done $0x0  }
0x125: {  	[sflag:s13] =	ssyncadd.s32 $0xFFFFC000  }
0x126: {  	[tilespmem:s14], [sflag:$0x2] =	stream.linear.gather [hbm4b:s1+s2], $0x4000, $0x38;
	[tilespmem:$0x14000] =	vst v63  }
0x127: {  	_ =	swait.ge [sflag:s5], $0x4000  }
0x128: {  	s0 =	sld [smem:$0x7A3]  }
0x129: {  	[sflag:s5] =	ssyncset.done $0x0  }
0x12a: {  	s1 =	sld [smem:$0x7A4];
	[sflag:s5] =	ssyncadd.s32 $0xFFFFC000  }
0x12b: {  	[hbm4b:s0+s2] =	stream.linear.scatter [tilespmem:s2], [sflag:$0x4], $0x4000, $0x38;
	[tilespmem:$0x14000] =	vst v63  }
0x12c: {  	_ = 	snop  }
0x12d: {  	[tilespmem:s4], [sflag:$0x8] =	stream.linear.gather [hbm4b:s1+s2], $0x4000, $0x38;
	[tilespmem:$0x14000] =	vst v63  }
0x12e: {  	_ =	swait.ge [sflag:s9], $0x4000  }
0x12f: {  	s1 =	sld [smem:$0x7A5]  }
0x130: {  	[sflag:s9] =	ssyncset.done $0x0  }
0x131: {  	[sflag:s9] =	ssyncadd.s32 $0xFFFFC000  }
0x132: {  	[tilespmem:s11], [sflag:$0x3] =	stream.linear.gather [hbm4b:s1+s2], $0x4000, $0x38;
	[tilespmem:$0x14000] =	vst v63  }
0x133: {  	_ =	swait.ge [sflag:s19], $0x4000  }
0x134: {  	[sflag:s19] =	ssyncset.done $0x0  }
0x135: {  	[sflag:s19] =	ssyncadd.s32 $0xFFFFC000  }
0x136: {  	_ =	swait.ge [sflag:s29], $0x4000  }
0x137: {  	s1 =	sld [smem:$0x7A6]  }
0x138: {  	[sflag:s29] =	ssyncset.done $0x0  }
0x139: {  	[sflag:s29] =	ssyncadd.s32 $0xFFFFC000  }
0x13a: {  	[hbm4b:s1+s2] =	stream.linear.scatter [tilespmem:s14], [sflag:$0x5], $0x4000, $0x38;
	[tilespmem:$0x14000] =	vst v63  }
0x13b: {  	_ =	swait.ge [sflag:s6], $0x4000  }
0x13c: {  	s1 =	sld [smem:$0x7A7]  }
0x13d: {  	[sflag:s6] =	ssyncset.done $0x0  }
0x13e: {  	[sflag:s6] =	ssyncadd.s32 $0xFFFFC000  }
0x13f: {  	[tilespmem:s2], [sflag:$0x1] =	stream.linear.gather [hbm4b:s1+s2], $0x4000, $0x38;
	[tilespmem:$0x14000] =	vst v63  }
0x140: {  	_ =	swait.ge [sflag:s15], $0x4000  }
0x141: {  	s1 =	sld [smem:$0x7A8]  }
0x142: {  	[sflag:s15] =	ssyncset.done $0x0  }
0x143: {  	[sflag:s15] =	ssyncadd.s32 $0xFFFFC000  }
0x144: {  	[hbm4b:s1+s2] =	stream.linear.scatter [tilespmem:s11], [sflag:$0x6], $0x4000, $0x38;
	[tilespmem:$0x14000] =	vst v63  }
0x145: {  	_ =	swait.ge [sflag:s13], $0x4000  }
0x146: {  	s1 =	sld [smem:$0x7A9]  }
0x147: {  	[sflag:s13] =	ssyncset.done $0x0  }
0x148: {  	[sflag:s13] =	ssyncadd.s32 $0xFFFFC000  }
0x149: {  	[tilespmem:s14], [sflag:$0x2] =	stream.linear.gather [hbm4b:s1+s2], $0x4000, $0x38;
	[tilespmem:$0x14000] =	vst v63  }
0x14a: {  	_ =	swait.ge [sflag:s5], $0x4000  }
0x14b: {  	s1 =	sld [smem:$0x7AA]  }
0x14c: {  	[sflag:s5] =	ssyncset.done $0x0  }
0x14d: {  	[sflag:s5] =	ssyncadd.s32 $0xFFFFC000  }
0x14e: {  	[hbm4b:s1+s2] =	stream.linear.scatter [tilespmem:s2], [sflag:$0x4], $0x4000, $0x38;
	[tilespmem:$0x14000] =	vst v63  }
0x14f: {  	_ =	swait.ge [sflag:s9], $0x4000  }
0x150: {  	s1 =	sld [smem:$0x7AB]  }
0x151: {  	[sflag:s9] =	ssyncset.done $0x0  }
0x152: {  	[sflag:s9] =	ssyncadd.s32 $0xFFFFC000  }
0x153: {  	[tilespmem:s11], [sflag:$0x3] =	stream.linear.gather [hbm4b:s1+s2], $0x4000, $0x38;
	[tilespmem:$0x14000] =	vst v63  }
0x154: {  	_ =	swait.ge [sflag:s19], $0x4000  }
0x155: {  	s0 =	sld [smem:$0x7AC]  }
0x156: {  	[sflag:s19] =	ssyncset.done $0x0  }
0x157: {  	s1 =	sld [smem:$0x7AD];
	[sflag:s19] =	ssyncadd.s32 $0xFFFFC000  }
0x158: {  	[hbm4b:s0+s2] =	stream.linear.scatter [tilespmem:s14], [sflag:$0x5], $0x4000, $0x38;
	[tilespmem:$0x14000] =	vst v63  }
0x159: {  	_ = 	snop  }
0x15a: {  	[tilespmem:s31], [sflag:$0x7] =	stream.linear.gather [hbm4b:s1+s2], $0x4000, $0x38;
	[tilespmem:$0x14000] =	vst v63  }
0x15b: {  	_ =	swait.ge [sflag:s6], $0x4000  }
0x15c: {  	s1 =	sld [smem:$0x7AE]  }
0x15d: {  	[sflag:s6] =	ssyncset.done $0x0  }
0x15e: {  	[sflag:s6] =	ssyncadd.s32 $0xFFFFC000  }
0x15f: {  	[tilespmem:s2], [sflag:$0x1] =	stream.linear.gather [hbm4b:s1+s2], $0x4000, $0x38;
	[tilespmem:$0x14000] =	vst v63  }
0x160: {  	_ =	swait.ge [sflag:s15], $0x4000  }
0x161: {  	[sflag:s15] =	ssyncset.done $0x0  }
0x162: {  	[sflag:s15] =	ssyncadd.s32 $0xFFFFC000  }
0x163: {  	_ =	swait.ge [sflag:s25], $0x4000  }
0x164: {  	s1 =	sld [smem:$0x7AF]  }
0x165: {  	[sflag:s25] =	ssyncset.done $0x0  }
0x166: {  	[sflag:s25] =	ssyncadd.s32 $0xFFFFC000  }
0x167: {  	[hbm4b:s1+s2] =	stream.linear.scatter [tilespmem:s11], [sflag:$0x6], $0x4000, $0x38;
	[tilespmem:$0x14000] =	vst v63  }
0x168: {  	_ =	swait.ge [sflag:s13], $0x4000  }
0x169: {  	s1 =	sld [smem:$0x7B0]  }
0x16a: {  	[sflag:s13] =	ssyncset.done $0x0  }
0x16b: {  	[sflag:s13] =	ssyncadd.s32 $0xFFFFC000  }
0x16c: {  	[tilespmem:s14], [sflag:$0x2] =	stream.linear.gather [hbm4b:s1+s2], $0x4000, $0x38;
	[tilespmem:$0x14000] =	vst v63  }
0x16d: {  	_ =	swait.ge [sflag:s5], $0x4000  }
0x16e: {  	s1 =	sld [smem:$0x7B1]  }
0x16f: {  	[sflag:s5] =	ssyncset.done $0x0  }
0x170: {  	[sflag:s5] =	ssyncadd.s32 $0xFFFFC000  }
0x171: {  	[hbm4b:s1+s2] =	stream.linear.scatter [tilespmem:s2], [sflag:$0x4], $0x4000, $0x38;
	[tilespmem:$0x14000] =	vst v63  }
0x172: {  	_ =	swait.ge [sflag:s9], $0x4000  }
0x173: {  	s1 =	sld [smem:$0x7B2]  }
0x174: {  	[sflag:s9] =	ssyncset.done $0x0  }
0x175: {  	[sflag:s9] =	ssyncadd.s32 $0xFFFFC000  }
0x176: {  	[tilespmem:s11], [sflag:$0x3] =	stream.linear.gather [hbm4b:s1+s2], $0x4000, $0x38;
	[tilespmem:$0x14000] =	vst v63  }
0x177: {  	_ =	swait.ge [sflag:s19], $0x4000  }
0x178: {  	s1 =	sld [smem:$0x7B3]  }
0x179: {  	[sflag:s19] =	ssyncset.done $0x0  }
0x17a: {  	[sflag:s19] =	ssyncadd.s32 $0xFFFFC000  }
0x17b: {  	[hbm4b:s1+s2] =	stream.linear.scatter [tilespmem:s14], [sflag:$0x5], $0x4000, $0x38;
	[tilespmem:$0x14000] =	vst v63  }
0x17c: {  	_ =	swait.ge [sflag:s6], $0x4000  }
0x17d: {  	s1 =	sld [smem:$0x7B4]  }
0x17e: {  	[sflag:s6] =	ssyncset.done $0x0  }
0x17f: {  	[sflag:s6] =	ssyncadd.s32 $0xFFFFC000  }
0x180: {  	[tilespmem:s2], [sflag:$0x1] =	stream.linear.gather [hbm4b:s1+s2], $0x4000, $0x38;
	[tilespmem:$0x14000] =	vst v63  }
0x181: {  	_ =	swait.ge [sflag:s15], $0x4000  }
0x182: {  	s0 =	sld [smem:$0x7B5]  }
0x183: {  	[sflag:s15] =	ssyncset.done $0x0  }
0x184: {  	s1 =	sld [smem:$0x7B6];
	[sflag:s15] =	ssyncadd.s32 $0xFFFFC000  }
0x185: {  	[hbm4b:s0+s2] =	stream.linear.scatter [tilespmem:s11], [sflag:$0x6], $0x4000, $0x38;
	[tilespmem:$0x14000] =	vst v63  }
0x186: {  	_ = 	snop  }
0x187: {  	[tilespmem:s4], [sflag:$0x8] =	stream.linear.gather [hbm4b:s1+s2], $0x4000, $0x38;
	[tilespmem:$0x14000] =	vst v63  }
0x188: {  	_ =	swait.ge [sflag:s13], $0x4000  }
0x189: {  	s1 =	sld [smem:$0x7B7]  }
0x18a: {  	[sflag:s13] =	ssyncset.done $0x0  }
0x18b: {  	[sflag:s13] =	ssyncadd.s32 $0xFFFFC000  }
0x18c: {  	[tilespmem:s14], [sflag:$0x2] =	stream.linear.gather [hbm4b:s1+s2], $0x4000, $0x38;
	[tilespmem:$0x14000] =	vst v63  }
0x18d: {  	_ =	swait.ge [sflag:s5], $0x4000  }
0x18e: {  	[sflag:s5] =	ssyncset.done $0x0  }
0x18f: {  	[sflag:s5] =	ssyncadd.s32 $0xFFFFC000  }
0x190: {  	_ =	swait.ge [sflag:s29], $0x4000  }
0x191: {  	s1 =	sld [smem:$0x7B8]  }
0x192: {  	[sflag:s29] =	ssyncset.done $0x0  }
0x193: {  	[sflag:s29] =	ssyncadd.s32 $0xFFFFC000  }
0x194: {  	[hbm4b:s1+s2] =	stream.linear.scatter [tilespmem:s2], [sflag:$0x4], $0x4000, $0x38;
	[tilespmem:$0x14000] =	vst v63  }
0x195: {  	_ =	swait.ge [sflag:s9], $0x4000  }
0x196: {  	s1 =	sld [smem:$0x7B9]  }
0x197: {  	[sflag:s9] =	ssyncset.done $0x0  }
0x198: {  	[sflag:s9] =	ssyncadd.s32 $0xFFFFC000  }
0x199: {  	[tilespmem:s11], [sflag:$0x3] =	stream.linear.gather [hbm4b:s1+s2], $0x4000, $0x38;
	[tilespmem:$0x14000] =	vst v63  }
0x19a: {  	_ =	swait.ge [sflag:s19], $0x4000  }
0x19b: {  	s1 =	sld [smem:$0x7BA]  }
0x19c: {  	[sflag:s19] =	ssyncset.done $0x0  }
0x19d: {  	[sflag:s19] =	ssyncadd.s32 $0xFFFFC000  }
0x19e: {  	[hbm4b:s1+s2] =	stream.linear.scatter [tilespmem:s14], [sflag:$0x5], $0x4000, $0x38;
	[tilespmem:$0x14000] =	vst v63  }
0x19f: {  	_ =	swait.ge [sflag:s6], $0x4000  }
0x1a0: {  	s1 =	sld [smem:$0x7BB]  }
0x1a1: {  	[sflag:s6] =	ssyncset.done $0x0  }
0x1a2: {  	[sflag:s6] =	ssyncadd.s32 $0xFFFFC000  }
0x1a3: {  	[tilespmem:s2], [sflag:$0x1] =	stream.linear.gather [hbm4b:s1+s2], $0x4000, $0x38;
	[tilespmem:$0x14000] =	vst v63  }
0x1a4: {  	_ =	swait.ge [sflag:s15], $0x4000  }
0x1a5: {  	s1 =	sld [smem:$0x7BC]  }
0x1a6: {  	[sflag:s15] =	ssyncset.done $0x0  }
0x1a7: {  	[sflag:s15] =	ssyncadd.s32 $0xFFFFC000  }
0x1a8: {  	[hbm4b:s1+s2] =	stream.linear.scatter [tilespmem:s11], [sflag:$0x6], $0x4000, $0x38;
	[tilespmem:$0x14000] =	vst v63  }
0x1a9: {  	_ =	swait.ge [sflag:s13], $0x4000  }
0x1aa: {  	s1 =	sld [smem:$0x7BD]  }
0x1ab: {  	[sflag:s13] =	ssyncset.done $0x0  }
0x1ac: {  	[sflag:s13] =	ssyncadd.s32 $0xFFFFC000  }
0x1ad: {  	[tilespmem:s14], [sflag:$0x2] =	stream.linear.gather [hbm4b:s1+s2], $0x4000, $0x38;
	[tilespmem:$0x14000] =	vst v63  }
0x1ae: {  	_ =	swait.ge [sflag:s5], $0x4000  }
0x1af: {  	s0 =	sld [smem:$0x7BE]  }
0x1b0: {  	[sflag:s5] =	ssyncset.done $0x0  }
0x1b1: {  	s1 =	sld [smem:$0x7BF];
	[sflag:s5] =	ssyncadd.s32 $0xFFFFC000  }
0x1b2: {  	[hbm4b:s0+s2] =	stream.linear.scatter [tilespmem:s2], [sflag:$0x4], $0x4000, $0x38;
	[tilespmem:$0x14000] =	vst v63  }
0x1b3: {  	_ = 	snop  }
0x1b4: {  	[tilespmem:s31], [sflag:$0x7] =	stream.linear.gather [hbm4b:s1+s2], $0x4000, $0x38;
	[tilespmem:$0x14000] =	vst v63  }
0x1b5: {  	_ =	swait.ge [sflag:s9], $0x4000  }
0x1b6: {  	s1 =	sld [smem:$0x7C0]  }
0x1b7: {  	[sflag:s9] =	ssyncset.done $0x0  }
0x1b8: {  	[sflag:s9] =	ssyncadd.s32 $0xFFFFC000  }
0x1b9: {  	[tilespmem:s11], [sflag:$0x3] =	stream.linear.gather [hbm4b:s1+s2], $0x4000, $0x38;
	[tilespmem:$0x14000] =	vst v63  }
0x1ba: {  	_ =	swait.ge [sflag:s19], $0x4000  }
0x1bb: {  	[sflag:s19] =	ssyncset.done $0x0  }
0x1bc: {  	[sflag:s19] =	ssyncadd.s32 $0xFFFFC000  }
0x1bd: {  	_ =	swait.ge [sflag:s25], $0x4000  }
0x1be: {  	s1 =	sld [smem:$0x7C1]  }
0x1bf: {  	[sflag:s25] =	ssyncset.done $0x0  }
0x1c0: {  	[sflag:s25] =	ssyncadd.s32 $0xFFFFC000  }
0x1c1: {  	[hbm4b:s1+s2] =	stream.linear.scatter [tilespmem:s14], [sflag:$0x5], $0x4000, $0x38;
	[tilespmem:$0x14000] =	vst v63  }
0x1c2: {  	_ =	swait.ge [sflag:s6], $0x4000  }
0x1c3: {  	s1 =	sld [smem:$0x7C2]  }
0x1c4: {  	[sflag:s6] =	ssyncset.done $0x0  }
0x1c5: {  	[sflag:s6] =	ssyncadd.s32 $0xFFFFC000  }
0x1c6: {  	[tilespmem:s2], [sflag:$0x1] =	stream.linear.gather [hbm4b:s1+s2], $0x4000, $0x38;
	[tilespmem:$0x14000] =	vst v63  }
0x1c7: {  	_ =	swait.ge [sflag:s15], $0x4000  }
0x1c8: {  	s1 =	sld [smem:$0x7C3]  }
0x1c9: {  	[sflag:s15] =	ssyncset.done $0x0  }
0x1ca: {  	[sflag:s15] =	ssyncadd.s32 $0xFFFFC000  }
0x1cb: {  	[hbm4b:s1+s2] =	stream.linear.scatter [tilespmem:s11], [sflag:$0x6], $0x4000, $0x38;
	[tilespmem:$0x14000] =	vst v63  }
0x1cc: {  	_ =	swait.ge [sflag:s13], $0x4000  }
0x1cd: {  	s1 =	sld [smem:$0x7C4]  }
0x1ce: {  	[sflag:s13] =	ssyncset.done $0x0  }
0x1cf: {  	[sflag:s13] =	ssyncadd.s32 $0xFFFFC000  }
0x1d0: {  	[tilespmem:s14], [sflag:$0x2] =	stream.linear.gather [hbm4b:s1+s2], $0x4000, $0x38;
	[tilespmem:$0x14000] =	vst v63  }
0x1d1: {  	_ =	swait.ge [sflag:s5], $0x4000  }
0x1d2: {  	s1 =	sld [smem:$0x7C5]  }
0x1d3: {  	[sflag:s5] =	ssyncset.done $0x0  }
0x1d4: {  	[sflag:s5] =	ssyncadd.s32 $0xFFFFC000  }
0x1d5: {  	[hbm4b:s1+s2] =	stream.linear.scatter [tilespmem:s2], [sflag:$0x4], $0x4000, $0x38;
	[tilespmem:$0x14000] =	vst v63  }
0x1d6: {  	_ =	swait.ge [sflag:s9], $0x4000  }
0x1d7: {  	s1 =	sld [smem:$0x7C6]  }
0x1d8: {  	[sflag:s9] =	ssyncset.done $0x0  }
0x1d9: {  	[sflag:s9] =	ssyncadd.s32 $0xFFFFC000  }
0x1da: {  	[tilespmem:s11], [sflag:$0x3] =	stream.linear.gather [hbm4b:s1+s2], $0x4000, $0x38;
	[tilespmem:$0x14000] =	vst v63  }
0x1db: {  	_ =	swait.ge [sflag:s19], $0x4000  }
0x1dc: {  	s0 =	sld [smem:$0x7C7]  }
0x1dd: {  	[sflag:s19] =	ssyncset.done $0x0  }
0x1de: {  	s1 =	sld [smem:$0x7C8];
	[sflag:s19] =	ssyncadd.s32 $0xFFFFC000  }
0x1df: {  	[hbm4b:s0+s2] =	stream.linear.scatter [tilespmem:s14], [sflag:$0x5], $0x4000, $0x38;
	[tilespmem:$0x14000] =	vst v63  }
0x1e0: {  	_ = 	snop  }
0x1e1: {  	[tilespmem:s4], [sflag:$0x8] =	stream.linear.gather [hbm4b:s1+s2], $0x4000, $0x38;
	[tilespmem:$0x14000] =	vst v63  }
0x1e2: {  	_ =	swait.ge [sflag:s6], $0x4000  }
0x1e3: {  	s1 =	sld [smem:$0x7C9]  }
0x1e4: {  	[sflag:s6] =	ssyncset.done $0x0  }
0x1e5: {  	[sflag:s6] =	ssyncadd.s32 $0xFFFFC000  }
0x1e6: {  	[tilespmem:s2], [sflag:$0x1] =	stream.linear.gather [hbm4b:s1+s2], $0x4000, $0x38;
	[tilespmem:$0x14000] =	vst v63  }
0x1e7: {  	_ =	swait.ge [sflag:s15], $0x4000  }
0x1e8: {  	[sflag:s15] =	ssyncset.done $0x0  }
0x1e9: {  	[sflag:s15] =	ssyncadd.s32 $0xFFFFC000  }
0x1ea: {  	_ =	swait.ge [sflag:s29], $0x4000  }
0x1eb: {  	s1 =	sld [smem:$0x7CA]  }
0x1ec: {  	[sflag:s29] =	ssyncset.done $0x0  }
0x1ed: {  	[sflag:s29] =	ssyncadd.s32 $0xFFFFC000  }
0x1ee: {  	[hbm4b:s1+s2] =	stream.linear.scatter [tilespmem:s11], [sflag:$0x6], $0x4000, $0x38;
	[tilespmem:$0x14000] =	vst v63  }
0x1ef: {  	_ =	swait.ge [sflag:s13], $0x4000  }
0x1f0: {  	s1 =	sld [smem:$0x7CB]  }
0x1f1: {  	[sflag:s13] =	ssyncset.done $0x0  }
0x1f2: {  	[sflag:s13] =	ssyncadd.s32 $0xFFFFC000  }
0x1f3: {  	[tilespmem:s14], [sflag:$0x2] =	stream.linear.gather [hbm4b:s1+s2], $0x4000, $0x38;
	[tilespmem:$0x14000] =	vst v63  }
0x1f4: {  	_ =	swait.ge [sflag:s5], $0x4000  }
0x1f5: {  	s1 =	sld [smem:$0x7CC]  }
0x1f6: {  	[sflag:s5] =	ssyncset.done $0x0  }
0x1f7: {  	[sflag:s5] =	ssyncadd.s32 $0xFFFFC000  }
0x1f8: {  	[hbm4b:s1+s2] =	stream.linear.scatter [tilespmem:s2], [sflag:$0x4], $0x4000, $0x38;
	[tilespmem:$0x14000] =	vst v63  }
0x1f9: {  	_ =	swait.ge [sflag:s9], $0x4000  }
0x1fa: {  	s1 =	sld [smem:$0x7CD]  }
0x1fb: {  	[sflag:s9] =	ssyncset.done $0x0  }
0x1fc: {  	[sflag:s9] =	ssyncadd.s32 $0xFFFFC000  }
0x1fd: {  	[tilespmem:s11], [sflag:$0x3] =	stream.linear.gather [hbm4b:s1+s2], $0x4000, $0x38;
	[tilespmem:$0x14000] =	vst v63  }
0x1fe: {  	_ =	swait.ge [sflag:s19], $0x4000  }
0x1ff: {  	s1 =	sld [smem:$0x7CE]  }
0x200: {  	[sflag:s19] =	ssyncset.done $0x0  }
0x201: {  	[sflag:s19] =	ssyncadd.s32 $0xFFFFC000  }
0x202: {  	[hbm4b:s1+s2] =	stream.linear.scatter [tilespmem:s14], [sflag:$0x5], $0x4000, $0x38;
	[tilespmem:$0x14000] =	vst v63  }
0x203: {  	_ =	swait.ge [sflag:s6], $0x4000  }
0x204: {  	s1 =	sld [smem:$0x7CF]  }
0x205: {  	[sflag:s6] =	ssyncset.done $0x0  }
0x206: {  	[sflag:s6] =	ssyncadd.s32 $0xFFFFC000  }
0x207: {  	[tilespmem:s2], [sflag:$0x1] =	stream.linear.gather [hbm4b:s1+s2], $0x4000, $0x38;
	[tilespmem:$0x14000] =	vst v63  }
0x208: {  	_ =	swait.ge [sflag:s15], $0x4000  }
0x209: {  	s0 =	sld [smem:$0x7D0]  }
0x20a: {  	[sflag:s15] =	ssyncset.done $0x0  }
0x20b: {  	s1 =	sld [smem:$0x7D1];
	[sflag:s15] =	ssyncadd.s32 $0xFFFFC000  }
0x20c: {  	[hbm4b:s0+s2] =	stream.linear.scatter [tilespmem:s11], [sflag:$0x6], $0x4000, $0x38;
	[tilespmem:$0x14000] =	vst v63  }
0x20d: {  	_ = 	snop  }
0x20e: {  	[tilespmem:s31], [sflag:$0x7] =	stream.linear.gather [hbm4b:s1+s2], $0x4000, $0x38;
	[tilespmem:$0x14000] =	vst v63  }
0x20f: {  	_ =	swait.ge [sflag:s13], $0x4000  }
0x210: {  	s1 =	sld [smem:$0x7D2]  }
0x211: {  	[sflag:s13] =	ssyncset.done $0x0  }
0x212: {  	[sflag:s13] =	ssyncadd.s32 $0xFFFFC000  }
0x213: {  	[tilespmem:s14], [sflag:$0x2] =	stream.linear.gather [hbm4b:s1+s2], $0x4000, $0x38;
	[tilespmem:$0x14000] =	vst v63  }
0x214: {  	_ =	swait.ge [sflag:s5], $0x4000  }
0x215: {  	[sflag:s5] =	ssyncset.done $0x0  }
0x216: {  	[sflag:s5] =	ssyncadd.s32 $0xFFFFC000  }
0x217: {  	_ =	swait.ge [sflag:s25], $0x4000  }
0x218: {  	s1 =	sld [smem:$0x7D3]  }
0x219: {  	[sflag:s25] =	ssyncset.done $0x0  }
0x21a: {  	[sflag:s25] =	ssyncadd.s32 $0xFFFFC000  }
0x21b: {  	[hbm4b:s1+s2] =	stream.linear.scatter [tilespmem:s2], [sflag:$0x4], $0x4000, $0x38;
	[tilespmem:$0x14000] =	vst v63  }
0x21c: {  	_ =	swait.ge [sflag:s9], $0x4000  }
0x21d: {  	s1 =	sld [smem:$0x7D4]  }
0x21e: {  	[sflag:s9] =	ssyncset.done $0x0  }
0x21f: {  	[sflag:s9] =	ssyncadd.s32 $0xFFFFC000  }
0x220: {  	[tilespmem:s11], [sflag:$0x3] =	stream.linear.gather [hbm4b:s1+s2], $0x4000, $0x38;
	[tilespmem:$0x14000] =	vst v63  }
0x221: {  	_ =	swait.ge [sflag:s19], $0x4000  }
0x222: {  	s1 =	sld [smem:$0x7D5]  }
0x223: {  	[sflag:s19] =	ssyncset.done $0x0  }
0x224: {  	[sflag:s19] =	ssyncadd.s32 $0xFFFFC000  }
0x225: {  	[hbm4b:s1+s2] =	stream.linear.scatter [tilespmem:s14], [sflag:$0x5], $0x4000, $0x38;
	[tilespmem:$0x14000] =	vst v63  }
0x226: {  	_ =	swait.ge [sflag:s6], $0x4000  }
0x227: {  	s1 =	sld [smem:$0x7D6]  }
0x228: {  	[sflag:s6] =	ssyncset.done $0x0  }
0x229: {  	[sflag:s6] =	ssyncadd.s32 $0xFFFFC000  }
0x22a: {  	[tilespmem:s2], [sflag:$0x1] =	stream.linear.gather [hbm4b:s1+s2], $0x4000, $0x38;
	[tilespmem:$0x14000] =	vst v63  }
0x22b: {  	_ =	swait.ge [sflag:s15], $0x4000  }
0x22c: {  	s1 =	sld [smem:$0x7D7]  }
0x22d: {  	[sflag:s15] =	ssyncset.done $0x0  }
0x22e: {  	[sflag:s15] =	ssyncadd.s32 $0xFFFFC000  }
0x22f: {  	[hbm4b:s1+s2] =	stream.linear.scatter [tilespmem:s11], [sflag:$0x6], $0x4000, $0x38;
	[tilespmem:$0x14000] =	vst v63  }
0x230: {  	_ =	swait.ge [sflag:s13], $0x4000  }
0x231: {  	s1 =	sld [smem:$0x7D8]  }
0x232: {  	[sflag:s13] =	ssyncset.done $0x0  }
0x233: {  	[sflag:s13] =	ssyncadd.s32 $0xFFFFC000  }
0x234: {  	[tilespmem:s14], [sflag:$0x2] =	stream.linear.gather [hbm4b:s1+s2], $0x4000, $0x38;
	[tilespmem:$0x14000] =	vst v63  }
0x235: {  	_ =	swait.ge [sflag:s5], $0x4000  }
0x236: {  	s0 =	sld [smem:$0x7D9]  }
0x237: {  	[sflag:s5] =	ssyncset.done $0x0  }
0x238: {  	s1 =	sld [smem:$0x7DA];
	[sflag:s5] =	ssyncadd.s32 $0xFFFFC000  }
0x239: {  	[hbm4b:s0+s2] =	stream.linear.scatter [tilespmem:s2], [sflag:$0x4], $0x4000, $0x38;
	[tilespmem:$0x14000] =	vst v63  }
0x23a: {  	_ = 	snop  }
0x23b: {  	[tilespmem:s4], [sflag:$0x8] =	stream.linear.gather [hbm4b:s1+s2], $0x4000, $0x38;
	[tilespmem:$0x14000] =	vst v63  }
0x23c: {  	_ =	swait.ge [sflag:s9], $0x4000  }
0x23d: {  	s1 =	sld [smem:$0x7DB]  }
0x23e: {  	[sflag:s9] =	ssyncset.done $0x0  }
0x23f: {  	[sflag:s9] =	ssyncadd.s32 $0xFFFFC000  }
0x240: {  	[tilespmem:s11], [sflag:$0x3] =	stream.linear.gather [hbm4b:s1+s2], $0x4000, $0x38;
	[tilespmem:$0x14000] =	vst v63  }
0x241: {  	_ =	swait.ge [sflag:s19], $0x4000  }
0x242: {  	[sflag:s19] =	ssyncset.done $0x0  }
0x243: {  	[sflag:s19] =	ssyncadd.s32 $0xFFFFC000  }
0x244: {  	_ =	swait.ge [sflag:s29], $0x4000  }
0x245: {  	s1 =	sld [smem:$0x7DC]  }
0x246: {  	[sflag:s29] =	ssyncset.done $0x0  }
0x247: {  	[sflag:s29] =	ssyncadd.s32 $0xFFFFC000  }
0x248: {  	[hbm4b:s1+s2] =	stream.linear.scatter [tilespmem:s14], [sflag:$0x5], $0x4000, $0x38;
	[tilespmem:$0x14000] =	vst v63  }
0x249: {  	_ =	swait.ge [sflag:s6], $0x4000  }
0x24a: {  	s1 =	sld [smem:$0x7DD]  }
0x24b: {  	[sflag:s6] =	ssyncset.done $0x0  }
0x24c: {  	[sflag:s6] =	ssyncadd.s32 $0xFFFFC000  }
0x24d: {  	[tilespmem:s2], [sflag:$0x1] =	stream.linear.gather [hbm4b:s1+s2], $0x4000, $0x38;
	[tilespmem:$0x14000] =	vst v63  }
0x24e: {  	_ =	swait.ge [sflag:s15], $0x4000  }
0x24f: {  	s1 =	sld [smem:$0x7DE]  }
0x250: {  	[sflag:s15] =	ssyncset.done $0x0  }
0x251: {  	[sflag:s15] =	ssyncadd.s32 $0xFFFFC000  }
0x252: {  	[hbm4b:s1+s2] =	stream.linear.scatter [tilespmem:s11], [sflag:$0x6], $0x4000, $0x38;
	[tilespmem:$0x14000] =	vst v63  }
0x253: {  	_ =	swait.ge [sflag:s13], $0x4000  }
0x254: {  	s1 =	sld [smem:$0x7DF]  }
0x255: {  	[sflag:s13] =	ssyncset.done $0x0  }
0x256: {  	[sflag:s13] =	ssyncadd.s32 $0xFFFFC000  }
0x257: {  	[tilespmem:s14], [sflag:$0x2] =	stream.linear.gather [hbm4b:s1+s2], $0x4000, $0x38;
	[tilespmem:$0x14000] =	vst v63  }
0x258: {  	_ =	swait.ge [sflag:s5], $0x4000  }
0x259: {  	s1 =	sld [smem:$0x7E0]  }
0x25a: {  	[sflag:s5] =	ssyncset.done $0x0  }
0x25b: {  	[sflag:s5] =	ssyncadd.s32 $0xFFFFC000  }
0x25c: {  	[hbm4b:s1+s2] =	stream.linear.scatter [tilespmem:s2], [sflag:$0x4], $0x4000, $0x38;
	[tilespmem:$0x14000] =	vst v63  }
0x25d: {  	_ =	swait.ge [sflag:s9], $0x4000  }
0x25e: {  	s1 =	sld [smem:$0x7E1]  }
0x25f: {  	[sflag:s9] =	ssyncset.done $0x0  }
0x260: {  	[sflag:s9] =	ssyncadd.s32 $0xFFFFC000  }
0x261: {  	[tilespmem:s11], [sflag:$0x3] =	stream.linear.gather [hbm4b:s1+s2], $0x4000, $0x38;
	[tilespmem:$0x14000] =	vst v63  }
0x262: {  	_ =	swait.ge [sflag:s19], $0x4000  }
0x263: {  	s0 =	sld [smem:$0x7E2]  }
0x264: {  	[sflag:s19] =	ssyncset.done $0x0  }
0x265: {  	s1 =	sld [smem:$0x7E3];
	[sflag:s19] =	ssyncadd.s32 $0xFFFFC000  }
0x266: {  	[hbm4b:s0+s2] =	stream.linear.scatter [tilespmem:s14], [sflag:$0x5], $0x4000, $0x38;
	[tilespmem:$0x14000] =	vst v63  }
0x267: {  	_ = 	snop  }
0x268: {  	[tilespmem:s31], [sflag:$0x7] =	stream.linear.gather [hbm4b:s1+s2], $0x4000, $0x38;
	[tilespmem:$0x14000] =	vst v63  }
0x269: {  	_ =	swait.ge [sflag:s6], $0x4000  }
0x26a: {  	s1 =	sld [smem:$0x7E4]  }
0x26b: {  	[sflag:s6] =	ssyncset.done $0x0  }
0x26c: {  	[sflag:s6] =	ssyncadd.s32 $0xFFFFC000  }
0x26d: {  	[tilespmem:s2], [sflag:$0x1] =	stream.linear.gather [hbm4b:s1+s2], $0x4000, $0x38;
	[tilespmem:$0x14000] =	vst v63  }
0x26e: {  	_ =	swait.ge [sflag:s15], $0x4000  }
0x26f: {  	[sflag:s15] =	ssyncset.done $0x0  }
0x270: {  	[sflag:s15] =	ssyncadd.s32 $0xFFFFC000  }
0x271: {  	_ =	swait.ge [sflag:s25], $0x4000  }
0x272: {  	s1 =	sld [smem:$0x7E5]  }
0x273: {  	[sflag:s25] =	ssyncset.done $0x0  }
0x274: {  	[sflag:s25] =	ssyncadd.s32 $0xFFFFC000  }
0x275: {  	[hbm4b:s1+s2] =	stream.linear.scatter [tilespmem:s11], [sflag:$0x6], $0x4000, $0x38;
	[tilespmem:$0x14000] =	vst v63  }
0x276: {  	_ =	swait.ge [sflag:s13], $0x4000  }
0x277: {  	s1 =	sld [smem:$0x7E6]  }
0x278: {  	[sflag:s13] =	ssyncset.done $0x0  }
0x279: {  	[sflag:s13] =	ssyncadd.s32 $0xFFFFC000  }
0x27a: {  	[tilespmem:s14], [sflag:$0x2] =	stream.linear.gather [hbm4b:s1+s2], $0x4000, $0x38;
	[tilespmem:$0x14000] =	vst v63  }
0x27b: {  	_ =	swait.ge [sflag:s5], $0x4000  }
0x27c: {  	s1 =	sld [smem:$0x7E7]  }
0x27d: {  	[sflag:s5] =	ssyncset.done $0x0  }
0x27e: {  	[sflag:s5] =	ssyncadd.s32 $0xFFFFC000  }
0x27f: {  	[hbm4b:s1+s2] =	stream.linear.scatter [tilespmem:s2], [sflag:$0x4], $0x4000, $0x38;
	[tilespmem:$0x14000] =	vst v63  }
0x280: {  	_ =	swait.ge [sflag:s9], $0x4000  }
0x281: {  	s1 =	sld [smem:$0x7E8]  }
0x282: {  	[sflag:s9] =	ssyncset.done $0x0  }
0x283: {  	[sflag:s9] =	ssyncadd.s32 $0xFFFFC000  }
0x284: {  	[tilespmem:s11], [sflag:$0x3] =	stream.linear.gather [hbm4b:s1+s2], $0x4000, $0x38;
	[tilespmem:$0x14000] =	vst v63  }
0x285: {  	_ =	swait.ge [sflag:s19], $0x4000  }
0x286: {  	s1 =	sld [smem:$0x7E9]  }
0x287: {  	[sflag:s19] =	ssyncset.done $0x0  }
0x288: {  	[sflag:s19] =	ssyncadd.s32 $0xFFFFC000  }
0x289: {  	[hbm4b:s1+s2] =	stream.linear.scatter [tilespmem:s14], [sflag:$0x5], $0x4000, $0x38;
	[tilespmem:$0x14000] =	vst v63  }
0x28a: {  	_ =	swait.ge [sflag:s6], $0x4000  }
0x28b: {  	s1 =	sld [smem:$0x7EA]  }
0x28c: {  	[sflag:s6] =	ssyncset.done $0x0  }
0x28d: {  	[sflag:s6] =	ssyncadd.s32 $0xFFFFC000  }
0x28e: {  	[tilespmem:s2], [sflag:$0x1] =	stream.linear.gather [hbm4b:s1+s2], $0x4000, $0x38;
	[tilespmem:$0x14000] =	vst v63  }
0x28f: {  	_ =	swait.ge [sflag:s15], $0x4000  }
0x290: {  	s0 =	sld [smem:$0x7EB]  }
0x291: {  	[sflag:s15] =	ssyncset.done $0x0  }
0x292: {  	s1 =	sld [smem:$0x7EC];
	[sflag:s15] =	ssyncadd.s32 $0xFFFFC000  }
0x293: {  	[hbm4b:s0+s2] =	stream.linear.scatter [tilespmem:s11], [sflag:$0x6], $0x4000, $0x38;
	[tilespmem:$0x14000] =	vst v63  }
0x294: {  	_ = 	snop  }
0x295: {  	[tilespmem:s4], [sflag:$0x8] =	stream.linear.gather [hbm4b:s1+s2], $0x4000, $0x38;
	[tilespmem:$0x14000] =	vst v63  }
0x296: {  	_ =	swait.ge [sflag:s13], $0x4000  }
0x297: {  	s1 =	sld [smem:$0x7ED]  }
0x298: {  	[sflag:s13] =	ssyncset.done $0x0  }
0x299: {  	[sflag:s13] =	ssyncadd.s32 $0xFFFFC000  }
0x29a: {  	[tilespmem:s14], [sflag:$0x2] =	stream.linear.gather [hbm4b:s1+s2], $0x4000, $0x38;
	[tilespmem:$0x14000] =	vst v63  }
0x29b: {  	_ =	swait.ge [sflag:s5], $0x4000  }
0x29c: {  	[sflag:s5] =	ssyncset.done $0x0  }
0x29d: {  	[sflag:s5] =	ssyncadd.s32 $0xFFFFC000  }
0x29e: {  	_ =	swait.ge [sflag:s29], $0x4000  }
0x29f: {  	s1 =	sld [smem:$0x7EE]  }
0x2a0: {  	[sflag:s29] =	ssyncset.done $0x0  }
0x2a1: {  	[sflag:s29] =	ssyncadd.s32 $0xFFFFC000  }
0x2a2: {  	[hbm4b:s1+s2] =	stream.linear.scatter [tilespmem:s2], [sflag:$0x4], $0x4000, $0x38;
	[tilespmem:$0x14000] =	vst v63  }
0x2a3: {  	_ =	swait.ge [sflag:s9], $0x4000  }
0x2a4: {  	s1 =	sld [smem:$0x7EF]  }
0x2a5: {  	[sflag:s9] =	ssyncset.done $0x0  }
0x2a6: {  	[sflag:s9] =	ssyncadd.s32 $0xFFFFC000  }
0x2a7: {  	[tilespmem:s11], [sflag:$0x3] =	stream.linear.gather [hbm4b:s1+s2], $0x4000, $0x38;
	[tilespmem:$0x14000] =	vst v63  }
0x2a8: {  	_ =	swait.ge [sflag:s19], $0x4000  }
0x2a9: {  	s1 =	sld [smem:$0x7F0]  }
0x2aa: {  	[sflag:s19] =	ssyncset.done $0x0  }
0x2ab: {  	[sflag:s19] =	ssyncadd.s32 $0xFFFFC000  }
0x2ac: {  	[hbm4b:s1+s2] =	stream.linear.scatter [tilespmem:s14], [sflag:$0x5], $0x4000, $0x38;
	[tilespmem:$0x14000] =	vst v63  }
0x2ad: {  	_ =	swait.ge [sflag:s6], $0x4000  }
0x2ae: {  	s1 =	sld [smem:$0x7F1]  }
0x2af: {  	[sflag:s6] =	ssyncset.done $0x0  }
0x2b0: {  	[sflag:s6] =	ssyncadd.s32 $0xFFFFC000  }
0x2b1: {  	[tilespmem:s2], [sflag:$0x1] =	stream.linear.gather [hbm4b:s1+s2], $0x4000, $0x38;
	[tilespmem:$0x14000] =	vst v63  }
0x2b2: {  	_ =	swait.ge [sflag:s15], $0x4000  }
0x2b3: {  	s1 =	sld [smem:$0x7F2]  }
0x2b4: {  	[sflag:s15] =	ssyncset.done $0x0  }
0x2b5: {  	[sflag:s15] =	ssyncadd.s32 $0xFFFFC000  }
0x2b6: {  	[hbm4b:s1+s2] =	stream.linear.scatter [tilespmem:s11], [sflag:$0x6], $0x4000, $0x38;
	[tilespmem:$0x14000] =	vst v63  }
0x2b7: {  	_ =	swait.ge [sflag:s13], $0x4000  }
0x2b8: {  	s1 =	sld [smem:$0x7F3]  }
0x2b9: {  	[sflag:s13] =	ssyncset.done $0x0  }
0x2ba: {  	[sflag:s13] =	ssyncadd.s32 $0xFFFFC000  }
0x2bb: {  	[tilespmem:s14], [sflag:$0x2] =	stream.linear.gather [hbm4b:s1+s2], $0x4000, $0x38;
	[tilespmem:$0x14000] =	vst v63  }
0x2bc: {  	_ =	swait.ge [sflag:s5], $0x4000  }
0x2bd: {  	s0 =	sld [smem:$0x7F4]  }
0x2be: {  	[sflag:s5] =	ssyncset.done $0x0  }
0x2bf: {  	s1 =	sld [smem:$0x7F5];
	[sflag:s5] =	ssyncadd.s32 $0xFFFFC000  }
0x2c0: {  	[hbm4b:s0+s2] =	stream.linear.scatter [tilespmem:s2], [sflag:$0x4], $0x4000, $0x38;
	[tilespmem:$0x14000] =	vst v63  }
0x2c1: {  	_ = 	snop  }
0x2c2: {  	[tilespmem:s31], [sflag:$0x7] =	stream.linear.gather [hbm4b:s1+s2], $0x4000, $0x38;
	[tilespmem:$0x14000] =	vst v63  }
0x2c3: {  	_ =	swait.ge [sflag:s9], $0x4000  }
0x2c4: {  	s1 =	sld [smem:$0x7F6]  }
0x2c5: {  	[sflag:s9] =	ssyncset.done $0x0  }
0x2c6: {  	[sflag:s9] =	ssyncadd.s32 $0xFFFFC000  }
0x2c7: {  	[tilespmem:s11], [sflag:$0x3] =	stream.linear.gather [hbm4b:s1+s2], $0x4000, $0x38;
	[tilespmem:$0x14000] =	vst v63  }
0x2c8: {  	_ =	swait.ge [sflag:s19], $0x4000  }
0x2c9: {  	[sflag:s19] =	ssyncset.done $0x0  }
0x2ca: {  	[sflag:s19] =	ssyncadd.s32 $0xFFFFC000  }
0x2cb: {  	_ =	swait.ge [sflag:s25], $0x4000  }
0x2cc: {  	s1 =	sld [smem:$0x7F7]  }
0x2cd: {  	[sflag:s25] =	ssyncset.done $0x0  }
0x2ce: {  	[sflag:s25] =	ssyncadd.s32 $0xFFFFC000  }
0x2cf: {  	[hbm4b:s1+s2] =	stream.linear.scatter [tilespmem:s14], [sflag:$0x5], $0x4000, $0x38;
	[tilespmem:$0x14000] =	vst v63  }
0x2d0: {  	_ =	swait.ge [sflag:s6], $0x4000  }
0x2d1: {  	s1 =	sld [smem:$0x7F8]  }
0x2d2: {  	[sflag:s6] =	ssyncset.done $0x0  }
0x2d3: {  	[sflag:s6] =	ssyncadd.s32 $0xFFFFC000  }
0x2d4: {  	[tilespmem:s2], [sflag:$0x1] =	stream.linear.gather [hbm4b:s1+s2], $0x4000, $0x38;
	[tilespmem:$0x14000] =	vst v63  }
0x2d5: {  	_ =	swait.ge [sflag:s15], $0x4000  }
0x2d6: {  	s1 =	sld [smem:$0x7F9]  }
0x2d7: {  	[sflag:s15] =	ssyncset.done $0x0  }
0x2d8: {  	[sflag:s15] =	ssyncadd.s32 $0xFFFFC000  }
0x2d9: {  	[hbm4b:s1+s2] =	stream.linear.scatter [tilespmem:s11], [sflag:$0x6], $0x4000, $0x38;
	[tilespmem:$0x14000] =	vst v63  }
0x2da: {  	_ =	swait.ge [sflag:s13], $0x4000  }
0x2db: {  	s1 =	sld [smem:$0x7FA]  }
0x2dc: {  	[sflag:s13] =	ssyncset.done $0x0  }
0x2dd: {  	[sflag:s13] =	ssyncadd.s32 $0xFFFFC000  }
0x2de: {  	[tilespmem:s14], [sflag:$0x2] =	stream.linear.gather [hbm4b:s1+s2], $0x4000, $0x38;
	[tilespmem:$0x14000] =	vst v63  }
0x2df: {  	_ =	swait.ge [sflag:s5], $0x4000  }
0x2e0: {  	s1 =	sld [smem:$0x7FB]  }
0x2e1: {  	[sflag:s5] =	ssyncset.done $0x0  }
0x2e2: {  	[sflag:s5] =	ssyncadd.s32 $0xFFFFC000  }
0x2e3: {  	[hbm4b:s1+s2] =	stream.linear.scatter [tilespmem:s2], [sflag:$0x4], $0x4000, $0x38;
	[tilespmem:$0x14000] =	vst v63  }
0x2e4: {  	_ =	swait.ge [sflag:s9], $0x4000  }
0x2e5: {  	s1 =	sld [smem:$0x7FC]  }
0x2e6: {  	[sflag:s9] =	ssyncset.done $0x0  }
0x2e7: {  	[sflag:s9] =	ssyncadd.s32 $0xFFFFC000  }
0x2e8: {  	[tilespmem:s11], [sflag:$0x3] =	stream.linear.gather [hbm4b:s1+s2], $0x4000, $0x38;
	[tilespmem:$0x14000] =	vst v63  }
0x2e9: {  	_ =	swait.ge [sflag:s19], $0x4000  }
0x2ea: {  	s1 =	sld [smem:$0x7FD]  }
0x2eb: {  	[sflag:s19] =	ssyncset.done $0x0  }
0x2ec: {  	[sflag:s19] =	ssyncadd.s32 $0xFFFFC000  }
0x2ed: {  	[hbm4b:s1+s2] =	stream.linear.scatter [tilespmem:s14], [sflag:$0x5], $0x4000, $0x38;
	[tilespmem:$0x14000] =	vst v63  }
0x2ee: {  	_ = 	snop  }
0x2ef: {  	[tilespmem:s4], [sflag:$0x8] =	stream.linear.gather [hbm4b:s28+s2], $0x4000, $0x38;
	[tilespmem:$0x14000] =	vst v63  }
0x2f0: {  	_ =	swait.ge [sflag:s6], $0x4000  }
0x2f1: {  	[sflag:s6] =	ssyncset.done $0x0  }
0x2f2: {  	[sflag:s6] =	ssyncadd.s32 $0xFFFFC000  }
0x2f3: {  	[tilespmem:s2], [sflag:$0x1] =	stream.linear.gather [hbm4b:s26+s2], $0x4000, $0x38;
	[tilespmem:$0x14000] =	vst v63  }
0x2f4: {  	_ =	swait.ge [sflag:s15], $0x4000  }
0x2f5: {  	[sflag:s15] =	ssyncset.done $0x0  }
0x2f6: {  	[sflag:s15] =	ssyncadd.s32 $0xFFFFC000  }
0x2f7: {  	_ =	swait.ge [sflag:s29], $0x4000  }
0x2f8: {  	[sflag:s29] =	ssyncset.done $0x0  }
0x2f9: {  	[sflag:s29] =	ssyncadd.s32 $0xFFFFC000  }
0x2fa: {  	[hbm4b:s24+s2] =	stream.linear.scatter [tilespmem:s11], [sflag:$0x6], $0x4000, $0x38;
	[tilespmem:$0x14000] =	vst v63  }
0x2fb: {  	_ =	swait.ge [sflag:s13], $0x4000  }
0x2fc: {  	[sflag:s13] =	ssyncset.done $0x0  }
0x2fd: {  	[sflag:s13] =	ssyncadd.s32 $0xFFFFC000  }
0x2fe: {  	[tilespmem:s14], [sflag:$0x2] =	stream.linear.gather [hbm4b:s23+s2], $0x4000, $0x38;
	[tilespmem:$0x14000] =	vst v63  }
0x2ff: {  	_ =	swait.ge [sflag:s5], $0x4000  }
0x300: {  	[sflag:s5] =	ssyncset.done $0x0  }
0x301: {  	[sflag:s5] =	ssyncadd.s32 $0xFFFFC000  }
0x302: {  	[hbm4b:s22+s2] =	stream.linear.scatter [tilespmem:s2], [sflag:$0x4], $0x4000, $0x38;
	[tilespmem:$0x14000] =	vst v63  }
0x303: {  	_ =	swait.ge [sflag:s9], $0x4000  }
0x304: {  	[sflag:s9] =	ssyncset.done $0x0  }
0x305: {  	[sflag:s9] =	ssyncadd.s32 $0xFFFFC000  }
0x306: {  	[tilespmem:s11], [sflag:$0x3] =	stream.linear.gather [hbm4b:s21+s2], $0x4000, $0x38;
	[tilespmem:$0x14000] =	vst v63  }
0x307: {  	_ =	swait.ge [sflag:s19], $0x4000  }
0x308: {  	[sflag:s19] =	ssyncset.done $0x0  }
0x309: {  	[sflag:s19] =	ssyncadd.s32 $0xFFFFC000  }
0x30a: {  	[hbm4b:s20+s2] =	stream.linear.scatter [tilespmem:s14], [sflag:$0x5], $0x4000, $0x38;
	[tilespmem:$0x14000] =	vst v63  }
0x30b: {  	_ =	swait.ge [sflag:s6], $0x4000  }
0x30c: {  	[sflag:s6] =	ssyncset.done $0x0  }
0x30d: {  	[sflag:s6] =	ssyncadd.s32 $0xFFFFC000  }
0x30e: {  	[tilespmem:s2], [sflag:$0x1] =	stream.linear.gather [hbm4b:s18+s2], $0x4000, $0x38;
	[tilespmem:$0x14000] =	vst v63  }
0x30f: {  	_ =	swait.ge [sflag:s15], $0x4000  }
0x310: {  	[sflag:s15] =	ssyncset.done $0x0  }
0x311: {  	[sflag:s15] =	ssyncadd.s32 $0xFFFFC000  }
0x312: {  	[hbm4b:s17+s2] =	stream.linear.scatter [tilespmem:s11], [sflag:$0x6], $0x4000, $0x38;
	[tilespmem:$0x14000] =	vst v63  }
0x313: {  	_ =	swait.ge [sflag:s13], $0x4000  }
0x314: {  	[sflag:s13] =	ssyncset.done $0x0  }
0x315: {  	[sflag:s13] =	ssyncadd.s32 $0xFFFFC000  }
0x316: {  	[tilespmem:s14], [sflag:$0x2] =	stream.linear.gather [hbm4b:s16+s2], $0x4000, $0x38;
	[tilespmem:$0x14000] =	vst v63  }
0x317: {  	_ =	swait.ge [sflag:s5], $0x4000  }
0x318: {  	[sflag:s5] =	ssyncset.done $0x0  }
0x319: {  	[sflag:s5] =	ssyncadd.s32 $0xFFFFC000  }
0x31a: {  	_ =	swait.ge [sflag:s25], $0x4000  }
0x31b: {  	[sflag:s25] =	ssyncset.done $0x0  }
0x31c: {  	[sflag:s25] =	ssyncadd.s32 $0xFFFFC000  }
0x31d: {  	[hbm4b:s12+s2] =	stream.linear.scatter [tilespmem:s2], [sflag:$0x4], $0x4000, $0x38;
	[tilespmem:$0x14000] =	vst v63  }
0x31e: {  	_ =	swait.ge [sflag:s9], $0x4000  }
0x31f: {  	[sflag:s9] =	ssyncset.done $0x0  }
0x320: {  	[sflag:s9] =	ssyncadd.s32 $0xFFFFC000  }
0x321: {  	[tilespmem:s11], [sflag:$0x3] =	stream.linear.gather [hbm4b:s10+s2], $0x4000, $0x38;
	[tilespmem:$0x14000] =	vst v63  }
0x322: {  	_ =	swait.ge [sflag:s19], $0x4000  }
0x323: {  	[sflag:s19] =	ssyncset.done $0x0  }
0x324: {  	[sflag:s19] =	ssyncadd.s32 $0xFFFFC000  }
0x325: {  	[hbm4b:s8+s2] =	stream.linear.scatter [tilespmem:s14], [sflag:$0x5], $0x4000, $0x38;
	[tilespmem:$0x14000] =	vst v63  }
0x326: {  	_ =	swait.ge [sflag:s6], $0x4000  }
0x327: {  	[sflag:s6] =	ssyncset.done $0x0  }
0x328: {  	[sflag:s6] =	ssyncadd.s32 $0xFFFFC000  }
0x329: {  	[tilespmem:s2], [sflag:$0x1] =	stream.linear.gather [hbm4b:s7+s2], $0x4000, $0x38;
	[tilespmem:$0x14000] =	vst v63  }
0x32a: {  	_ =	swait.ge [sflag:s15], $0x4000  }
0x32b: {  	[sflag:s15] =	ssyncset.done $0x0  }
0x32c: {  	[sflag:s15] =	ssyncadd.s32 $0xFFFFC000  }
0x32d: {  	[hbm4b:s30+s2] =	stream.linear.scatter [tilespmem:s11], [sflag:$0x6], $0x4000, $0x38;
	[tilespmem:$0x14000] =	vst v63  }
0x32e: {  	_ =	swait.ge [sflag:s13], $0x4000  }
0x32f: {  	[sflag:s13] =	ssyncset.done $0x0  }
0x330: {  	[sflag:s13] =	ssyncadd.s32 $0xFFFFC000  }
0x331: {  	_ =	swait.ge [sflag:s5], $0x4000  }
0x332: {  	[sflag:s5] =	ssyncset.done $0x0  }
0x333: {  	[sflag:s5] =	ssyncadd.s32 $0xFFFFC000  }
0x334: {  	[hbm4b:s3+s2] =	stream.linear.scatter [tilespmem:s2], [sflag:$0x4], $0x4000, $0x38;
	[tilespmem:$0x14000] =	vst v63  }
0x335: {  	_ =	swait.ge [sflag:s9], $0x4000  }
0x336: {  	s1 =	sld [smem:$0x799];
	_ =	sdelay $0x2  }
0x337: {  	p1 =	sne.s32 s1, $0x1  }
.Ltmp1:
0x338: {  	[sflag:s9] =	ssyncset.done $0x0;
	(pc) =	sbr.rel @!p1 .LBB2_3-.Ltmp1, $4  }
0x339: {  	[sflag:s9] =	ssyncadd.s32 $0xFFFFC000  }
0x33a: {  	_ =	swait.ge [sflag:s6], $0x4000  }
0x33b: {  	s0 =	sadd.s32 $0xFFFFFFFF, s1;
	s1 =	rddreg [dreg:$0x3]  }
0x33c: {  	p0 =	por $0x1, $0x1;
	[sflag:s6] =	ssyncset.done $0x0;
	[smem:$0x79A] =	sst s28  }
.LBB2_2:
0x33d: {  	[sflag:s6] =	ssyncadd.s32 $0xFFFFC000;
	s4 =	simm.s32 $0xC000;
	s28 =	smov.u32 s26  }
0x33e: {  	s26 =	smov.u32 s24;
	s24 =	smov.u32 s23;
	s23 =	smov.u32 s22  }
0x33f: {  	s22 =	smov.u32 s21;
	s21 =	smov.u32 s20;
	s20 =	smov.u32 s18  }
0x340: {  	s18 =	smov.u32 s17;
	s17 =	smov.u32 s16;
	s16 =	smov.u32 s12  }
0x341: {  	s12 =	smov.u32 s10;
	s10 =	smov.u32 s8;
	s8 =	smov.u32 s7  }
0x342: {  	[tilespmem:s4], [sflag:$0x7] =	stream.linear.gather [hbm4b:s1+s2], $0x4000, $0x38;
	[tilespmem:$0x14000] =	vst v63  }
0x343: {  	s7 =	smov.u32 s30;
	s30 =	smov.u32 s3;
	s3 =	rddreg [dreg:$0x4]  }
0x344: {  	[tilespmem:s2], [sflag:$0x1] =	stream.linear.gather [hbm4b:s3+s2], $0x4000, $0x38;
	[tilespmem:$0x14000] =	vst v63  }
0x345: {  	s31 =	simm.s32 $0x10000;
	s1 =	rddreg [dreg:$0x5]  }
0x346: {  	[tilespmem:s31], [sflag:$0x8] =	stream.linear.gather [hbm4b:s1+s2], $0x4000, $0x38;
	[tilespmem:$0x14000] =	vst v63  }
0x347: {  	s3 =	rddreg [dreg:$0x6]  }
0x348: {  	[tilespmem:s14], [sflag:$0x2] =	stream.linear.gather [hbm4b:s3+s2], $0x4000, $0x38;
	[tilespmem:$0x14000] =	vst v63  }
0x349: {  	_ =	swait.ge [sflag:s5], $0x4000  }
0x34a: {  	[sflag:s5] =	ssyncset.done $0x0  }
0x34b: {  	[sflag:s5] =	ssyncadd.s32 $0xFFFFC000  }
0x34c: {  	_ =	swait.ge [sflag:s29], $0x4000  }
0x34d: {  	[sflag:s29] =	ssyncset.done $0x0  }
0x34e: {  	s1 =	rddreg [dreg:$0x7];
	[sflag:s29] =	ssyncadd.s32 $0xFFFFC000  }
0x34f: {  	[hbm4b:s1+s2] =	stream.linear.scatter [tilespmem:s2], [sflag:$0x4], $0x4000, $0x38;
	[tilespmem:$0x14000] =	vst v63  }
0x350: {  	s3 =	rddreg [dreg:$0x8]  }
0x351: {  	[tilespmem:s11], [sflag:$0x3] =	stream.linear.gather [hbm4b:s3+s2], $0x4000, $0x38;
	[tilespmem:$0x14000] =	vst v63  }
0x352: {  	_ =	swait.ge [sflag:s19], $0x4000  }
0x353: {  	[sflag:s19] =	ssyncset.done $0x0  }
0x354: {  	s3 =	rddreg [dreg:$0x9];
	[sflag:s19] =	ssyncadd.s32 $0xFFFFC000  }
0x355: {  	[hbm4b:s3+s2] =	stream.linear.scatter [tilespmem:s14], [sflag:$0x5], $0x4000, $0x38;
	[tilespmem:$0x14000] =	vst v63  }
0x356: {  	_ =	swait.ge [sflag:s6], $0x4000  }
0x357: {  	[sflag:s6] =	ssyncset.done $0x0  }
0x358: {  	s3 =	rddreg [dreg:$0xa];
	[sflag:s6] =	ssyncadd.s32 $0xFFFFC000  }
0x359: {  	[tilespmem:s2], [sflag:$0x1] =	stream.linear.gather [hbm4b:s3+s2], $0x4000, $0x38;
	[tilespmem:$0x14000] =	vst v63  }
0x35a: {  	_ =	swait.ge [sflag:s15], $0x4000  }
0x35b: {  	[sflag:s15] =	ssyncset.done $0x0  }
0x35c: {  	s3 =	rddreg [dreg:$0xb];
	[sflag:s15] =	ssyncadd.s32 $0xFFFFC000  }
0x35d: {  	[hbm4b:s3+s2] =	stream.linear.scatter [tilespmem:s11], [sflag:$0x6], $0x4000, $0x38;
	[tilespmem:$0x14000] =	vst v63  }
0x35e: {  	_ =	swait.ge [sflag:s13], $0x4000  }
0x35f: {  	[sflag:s13] =	ssyncset.done $0x0  }
0x360: {  	s3 =	rddreg [dreg:$0xc];
	[sflag:s13] =	ssyncadd.s32 $0xFFFFC000  }
0x361: {  	[tilespmem:s14], [sflag:$0x2] =	stream.linear.gather [hbm4b:s3+s2], $0x4000, $0x38;
	[tilespmem:$0x14000] =	vst v63  }
0x362: {  	_ =	swait.ge [sflag:s5], $0x4000  }
0x363: {  	[sflag:s5] =	ssyncset.done $0x0  }
0x364: {  	s1 =	rddreg [dreg:$0xd];
	[sflag:s5] =	ssyncadd.s32 $0xFFFFC000  }
0x365: {  	[hbm4b:s1+s2] =	stream.linear.scatter [tilespmem:s2], [sflag:$0x4], $0x4000, $0x38;
	[tilespmem:$0x14000] =	vst v63  }
0x366: {  	s3 =	rddreg [dreg:$0xe]  }
0x367: {  	[tilespmem:s4], [sflag:$0x7] =	stream.linear.gather [hbm4b:s3+s2], $0x4000, $0x38;
	[tilespmem:$0x14000] =	vst v63  }
0x368: {  	_ =	swait.ge [sflag:s9], $0x4000  }
0x369: {  	[sflag:s9] =	ssyncset.done $0x0  }
0x36a: {  	s3 =	rddreg [dreg:$0xf];
	[sflag:s9] =	ssyncadd.s32 $0xFFFFC000  }
0x36b: {  	[tilespmem:s11], [sflag:$0x3] =	stream.linear.gather [hbm4b:s3+s2], $0x4000, $0x38;
	[tilespmem:$0x14000] =	vst v63  }
0x36c: {  	_ =	swait.ge [sflag:s19], $0x4000  }
0x36d: {  	[sflag:s19] =	ssyncset.done $0x0  }
0x36e: {  	[sflag:s19] =	ssyncadd.s32 $0xFFFFC000  }
0x36f: {  	_ =	swait.ge [sflag:s25], $0x4000  }
0x370: {  	[sflag:s25] =	ssyncset.done $0x0  }
0x371: {  	s3 =	rddreg [dreg:$0x10];
	[sflag:s25] =	ssyncadd.s32 $0xFFFFC000  }
0x372: {  	[hbm4b:s3+s2] =	stream.linear.scatter [tilespmem:s14], [sflag:$0x5], $0x4000, $0x38;
	[tilespmem:$0x14000] =	vst v63  }
0x373: {  	_ =	swait.ge [sflag:s6], $0x4000  }
0x374: {  	[sflag:s6] =	ssyncset.done $0x0  }
0x375: {  	s3 =	rddreg [dreg:$0x11];
	[sflag:s6] =	ssyncadd.s32 $0xFFFFC000  }
0x376: {  	[tilespmem:s2], [sflag:$0x1] =	stream.linear.gather [hbm4b:s3+s2], $0x4000, $0x38;
	[tilespmem:$0x14000] =	vst v63  }
0x377: {  	_ =	swait.ge [sflag:s15], $0x4000  }
0x378: {  	[sflag:s15] =	ssyncset.done $0x0  }
0x379: {  	s3 =	rddreg [dreg:$0x12];
	[sflag:s15] =	ssyncadd.s32 $0xFFFFC000  }
0x37a: {  	[hbm4b:s3+s2] =	stream.linear.scatter [tilespmem:s11], [sflag:$0x6], $0x4000, $0x38;
	[tilespmem:$0x14000] =	vst v63  }
0x37b: {  	_ =	swait.ge [sflag:s13], $0x4000  }
0x37c: {  	[sflag:s13] =	ssyncset.done $0x0  }
0x37d: {  	s3 =	rddreg [dreg:$0x13];
	[sflag:s13] =	ssyncadd.s32 $0xFFFFC000  }
0x37e: {  	[tilespmem:s14], [sflag:$0x2] =	stream.linear.gather [hbm4b:s3+s2], $0x4000, $0x38;
	[tilespmem:$0x14000] =	vst v63  }
0x37f: {  	_ =	swait.ge [sflag:s5], $0x4000  }
0x380: {  	[sflag:s5] =	ssyncset.done $0x0  }
0x381: {  	s3 =	rddreg [dreg:$0x14];
	[sflag:s5] =	ssyncadd.s32 $0xFFFFC000  }
0x382: {  	[hbm4b:s3+s2] =	stream.linear.scatter [tilespmem:s2], [sflag:$0x4], $0x4000, $0x38;
	[tilespmem:$0x14000] =	vst v63  }
0x383: {  	_ =	swait.ge [sflag:s9], $0x4000  }
0x384: {  	[sflag:s9] =	ssyncset.done $0x0  }
0x385: {  	s3 =	rddreg [dreg:$0x15];
	[sflag:s9] =	ssyncadd.s32 $0xFFFFC000  }
0x386: {  	[tilespmem:s11], [sflag:$0x3] =	stream.linear.gather [hbm4b:s3+s2], $0x4000, $0x38;
	[tilespmem:$0x14000] =	vst v63  }
0x387: {  	_ =	swait.ge [sflag:s19], $0x4000  }
0x388: {  	[sflag:s19] =	ssyncset.done $0x0  }
0x389: {  	s1 =	rddreg [dreg:$0x16];
	[sflag:s19] =	ssyncadd.s32 $0xFFFFC000  }
0x38a: {  	[hbm4b:s1+s2] =	stream.linear.scatter [tilespmem:s14], [sflag:$0x5], $0x4000, $0x38;
	[tilespmem:$0x14000] =	vst v63  }
0x38b: {  	s3 =	rddreg [dreg:$0x17]  }
0x38c: {  	[tilespmem:s31], [sflag:$0x8] =	stream.linear.gather [hbm4b:s3+s2], $0x4000, $0x38;
	[tilespmem:$0x14000] =	vst v63  }
0x38d: {  	_ =	swait.ge [sflag:s6], $0x4000  }
0x38e: {  	[sflag:s6] =	ssyncset.done $0x0  }
0x38f: {  	s3 =	rddreg [dreg:$0x18];
	[sflag:s6] =	ssyncadd.s32 $0xFFFFC000  }
0x390: {  	[tilespmem:s2], [sflag:$0x1] =	stream.linear.gather [hbm4b:s3+s2], $0x4000, $0x38;
	[tilespmem:$0x14000] =	vst v63  }
0x391: {  	_ =	swait.ge [sflag:s15], $0x4000  }
0x392: {  	[sflag:s15] =	ssyncset.done $0x0  }
0x393: {  	[sflag:s15] =	ssyncadd.s32 $0xFFFFC000  }
0x394: {  	_ =	swait.ge [sflag:s29], $0x4000  }
0x395: {  	[sflag:s29] =	ssyncset.done $0x0  }
0x396: {  	s3 =	rddreg [dreg:$0x19];
	[sflag:s29] =	ssyncadd.s32 $0xFFFFC000  }
0x397: {  	[hbm4b:s3+s2] =	stream.linear.scatter [tilespmem:s11], [sflag:$0x6], $0x4000, $0x38;
	[tilespmem:$0x14000] =	vst v63  }
0x398: {  	_ =	swait.ge [sflag:s13], $0x4000  }
0x399: {  	[sflag:s13] =	ssyncset.done $0x0  }
0x39a: {  	s3 =	rddreg [dreg:$0x1a];
	[sflag:s13] =	ssyncadd.s32 $0xFFFFC000  }
0x39b: {  	[tilespmem:s14], [sflag:$0x2] =	stream.linear.gather [hbm4b:s3+s2], $0x4000, $0x38;
	[tilespmem:$0x14000] =	vst v63  }
0x39c: {  	_ =	swait.ge [sflag:s5], $0x4000  }
0x39d: {  	[sflag:s5] =	ssyncset.done $0x0  }
0x39e: {  	s3 =	rddreg [dreg:$0x1b];
	[sflag:s5] =	ssyncadd.s32 $0xFFFFC000  }
0x39f: {  	[hbm4b:s3+s2] =	stream.linear.scatter [tilespmem:s2], [sflag:$0x4], $0x4000, $0x38;
	[tilespmem:$0x14000] =	vst v63  }
0x3a0: {  	_ =	swait.ge [sflag:s9], $0x4000  }
0x3a1: {  	[sflag:s9] =	ssyncset.done $0x0  }
0x3a2: {  	s3 =	rddreg [dreg:$0x1c];
	[sflag:s9] =	ssyncadd.s32 $0xFFFFC000  }
0x3a3: {  	[tilespmem:s11], [sflag:$0x3] =	stream.linear.gather [hbm4b:s3+s2], $0x4000, $0x38;
	[tilespmem:$0x14000] =	vst v63  }
0x3a4: {  	_ =	swait.ge [sflag:s19], $0x4000  }
0x3a5: {  	[sflag:s19] =	ssyncset.done $0x0  }
0x3a6: {  	s3 =	rddreg [dreg:$0x1d];
	[sflag:s19] =	ssyncadd.s32 $0xFFFFC000  }
0x3a7: {  	[hbm4b:s3+s2] =	stream.linear.scatter [tilespmem:s14], [sflag:$0x5], $0x4000, $0x38;
	[tilespmem:$0x14000] =	vst v63  }
0x3a8: {  	_ =	swait.ge [sflag:s6], $0x4000  }
0x3a9: {  	[sflag:s6] =	ssyncset.done $0x0  }
0x3aa: {  	s3 =	rddreg [dreg:$0x1e];
	[sflag:s6] =	ssyncadd.s32 $0xFFFFC000  }
0x3ab: {  	[tilespmem:s2], [sflag:$0x1] =	stream.linear.gather [hbm4b:s3+s2], $0x4000, $0x38;
	[tilespmem:$0x14000] =	vst v63  }
0x3ac: {  	_ =	swait.ge [sflag:s15], $0x4000  }
0x3ad: {  	s1 =	rddreg [dreg:$0x1f];
	[sflag:s15] =	ssyncset.done $0x0  }
0x3ae: {  	s3 =	sld [smem:$0x79B];
	[sflag:s15] =	ssyncadd.s32 $0xFFFFC000  }
0x3af: {  	[hbm4b:s1+s2] =	stream.linear.scatter [tilespmem:s11], [sflag:$0x6], $0x4000, $0x38;
	[tilespmem:$0x14000] =	vst v63  }
0x3b0: {  	_ = 	snop  }
0x3b1: {  	[tilespmem:s4], [sflag:$0x7] =	stream.linear.gather [hbm4b:s3+s2], $0x4000, $0x38;
	[tilespmem:$0x14000] =	vst v63  }
0x3b2: {  	_ =	swait.ge [sflag:s13], $0x4000  }
0x3b3: {  	s3 =	sld [smem:$0x79C]  }
0x3b4: {  	[sflag:s13] =	ssyncset.done $0x0  }
0x3b5: {  	[sflag:s13] =	ssyncadd.s32 $0xFFFFC000  }
0x3b6: {  	[tilespmem:s14], [sflag:$0x2] =	stream.linear.gather [hbm4b:s3+s2], $0x4000, $0x38;
	[tilespmem:$0x14000] =	vst v63  }
0x3b7: {  	_ =	swait.ge [sflag:s5], $0x4000  }
0x3b8: {  	[sflag:s5] =	ssyncset.done $0x0  }
0x3b9: {  	[sflag:s5] =	ssyncadd.s32 $0xFFFFC000  }
0x3ba: {  	_ =	swait.ge [sflag:s25], $0x4000  }
0x3bb: {  	s3 =	sld [smem:$0x79D]  }
0x3bc: {  	[sflag:s25] =	ssyncset.done $0x0  }
0x3bd: {  	[sflag:s25] =	ssyncadd.s32 $0xFFFFC000  }
0x3be: {  	[hbm4b:s3+s2] =	stream.linear.scatter [tilespmem:s2], [sflag:$0x4], $0x4000, $0x38;
	[tilespmem:$0x14000] =	vst v63  }
0x3bf: {  	_ =	swait.ge [sflag:s9], $0x4000  }
0x3c0: {  	s3 =	sld [smem:$0x79E]  }
0x3c1: {  	[sflag:s9] =	ssyncset.done $0x0  }
0x3c2: {  	[sflag:s9] =	ssyncadd.s32 $0xFFFFC000  }
0x3c3: {  	[tilespmem:s11], [sflag:$0x3] =	stream.linear.gather [hbm4b:s3+s2], $0x4000, $0x38;
	[tilespmem:$0x14000] =	vst v63  }
0x3c4: {  	_ =	swait.ge [sflag:s19], $0x4000  }
0x3c5: {  	s3 =	sld [smem:$0x79F]  }
0x3c6: {  	[sflag:s19] =	ssyncset.done $0x0  }
0x3c7: {  	[sflag:s19] =	ssyncadd.s32 $0xFFFFC000  }
0x3c8: {  	[hbm4b:s3+s2] =	stream.linear.scatter [tilespmem:s14], [sflag:$0x5], $0x4000, $0x38;
	[tilespmem:$0x14000] =	vst v63  }
0x3c9: {  	_ =	swait.ge [sflag:s6], $0x4000  }
0x3ca: {  	s3 =	sld [smem:$0x7A0]  }
0x3cb: {  	[sflag:s6] =	ssyncset.done $0x0  }
0x3cc: {  	[sflag:s6] =	ssyncadd.s32 $0xFFFFC000  }
0x3cd: {  	[tilespmem:s2], [sflag:$0x1] =	stream.linear.gather [hbm4b:s3+s2], $0x4000, $0x38;
	[tilespmem:$0x14000] =	vst v63  }
0x3ce: {  	_ =	swait.ge [sflag:s15], $0x4000  }
0x3cf: {  	s3 =	sld [smem:$0x7A1]  }
0x3d0: {  	[sflag:s15] =	ssyncset.done $0x0  }
0x3d1: {  	[sflag:s15] =	ssyncadd.s32 $0xFFFFC000  }
0x3d2: {  	[hbm4b:s3+s2] =	stream.linear.scatter [tilespmem:s11], [sflag:$0x6], $0x4000, $0x38;
	[tilespmem:$0x14000] =	vst v63  }
0x3d3: {  	_ =	swait.ge [sflag:s13], $0x4000  }
0x3d4: {  	s3 =	sld [smem:$0x7A2]  }
0x3d5: {  	[sflag:s13] =	ssyncset.done $0x0  }
0x3d6: {  	[sflag:s13] =	ssyncadd.s32 $0xFFFFC000  }
0x3d7: {  	[tilespmem:s14], [sflag:$0x2] =	stream.linear.gather [hbm4b:s3+s2], $0x4000, $0x38;
	[tilespmem:$0x14000] =	vst v63  }
0x3d8: {  	_ =	swait.ge [sflag:s5], $0x4000  }
0x3d9: {  	s1 =	sld [smem:$0x7A3]  }
0x3da: {  	[sflag:s5] =	ssyncset.done $0x0  }
0x3db: {  	s3 =	sld [smem:$0x7A4];
	[sflag:s5] =	ssyncadd.s32 $0xFFFFC000  }
0x3dc: {  	[hbm4b:s1+s2] =	stream.linear.scatter [tilespmem:s2], [sflag:$0x4], $0x4000, $0x38;
	[tilespmem:$0x14000] =	vst v63  }
0x3dd: {  	_ = 	snop  }
0x3de: {  	[tilespmem:s31], [sflag:$0x8] =	stream.linear.gather [hbm4b:s3+s2], $0x4000, $0x38;
	[tilespmem:$0x14000] =	vst v63  }
0x3df: {  	_ =	swait.ge [sflag:s9], $0x4000  }
0x3e0: {  	s3 =	sld [smem:$0x7A5]  }
0x3e1: {  	[sflag:s9] =	ssyncset.done $0x0  }
0x3e2: {  	[sflag:s9] =	ssyncadd.s32 $0xFFFFC000  }
0x3e3: {  	[tilespmem:s11], [sflag:$0x3] =	stream.linear.gather [hbm4b:s3+s2], $0x4000, $0x38;
	[tilespmem:$0x14000] =	vst v63  }
0x3e4: {  	_ =	swait.ge [sflag:s19], $0x4000  }
0x3e5: {  	[sflag:s19] =	ssyncset.done $0x0  }
0x3e6: {  	[sflag:s19] =	ssyncadd.s32 $0xFFFFC000  }
0x3e7: {  	_ =	swait.ge [sflag:s29], $0x4000  }
0x3e8: {  	s3 =	sld [smem:$0x7A6]  }
0x3e9: {  	[sflag:s29] =	ssyncset.done $0x0  }
0x3ea: {  	[sflag:s29] =	ssyncadd.s32 $0xFFFFC000  }
0x3eb: {  	[hbm4b:s3+s2] =	stream.linear.scatter [tilespmem:s14], [sflag:$0x5], $0x4000, $0x38;
	[tilespmem:$0x14000] =	vst v63  }
0x3ec: {  	_ =	swait.ge [sflag:s6], $0x4000  }
0x3ed: {  	s3 =	sld [smem:$0x7A7]  }
0x3ee: {  	[sflag:s6] =	ssyncset.done $0x0  }
0x3ef: {  	[sflag:s6] =	ssyncadd.s32 $0xFFFFC000  }
0x3f0: {  	[tilespmem:s2], [sflag:$0x1] =	stream.linear.gather [hbm4b:s3+s2], $0x4000, $0x38;
	[tilespmem:$0x14000] =	vst v63  }
0x3f1: {  	_ =	swait.ge [sflag:s15], $0x4000  }
0x3f2: {  	s3 =	sld [smem:$0x7A8]  }
0x3f3: {  	[sflag:s15] =	ssyncset.done $0x0  }
0x3f4: {  	[sflag:s15] =	ssyncadd.s32 $0xFFFFC000  }
0x3f5: {  	[hbm4b:s3+s2] =	stream.linear.scatter [tilespmem:s11], [sflag:$0x6], $0x4000, $0x38;
	[tilespmem:$0x14000] =	vst v63  }
0x3f6: {  	_ =	swait.ge [sflag:s13], $0x4000  }
0x3f7: {  	s3 =	sld [smem:$0x7A9]  }
0x3f8: {  	[sflag:s13] =	ssyncset.done $0x0  }
0x3f9: {  	[sflag:s13] =	ssyncadd.s32 $0xFFFFC000  }
0x3fa: {  	[tilespmem:s14], [sflag:$0x2] =	stream.linear.gather [hbm4b:s3+s2], $0x4000, $0x38;
	[tilespmem:$0x14000] =	vst v63  }
0x3fb: {  	_ =	swait.ge [sflag:s5], $0x4000  }
0x3fc: {  	s3 =	sld [smem:$0x7AA]  }
0x3fd: {  	[sflag:s5] =	ssyncset.done $0x0  }
0x3fe: {  	[sflag:s5] =	ssyncadd.s32 $0xFFFFC000  }
0x3ff: {  	[hbm4b:s3+s2] =	stream.linear.scatter [tilespmem:s2], [sflag:$0x4], $0x4000, $0x38;
	[tilespmem:$0x14000] =	vst v63  }
0x400: {  	_ =	swait.ge [sflag:s9], $0x4000  }
0x401: {  	s3 =	sld [smem:$0x7AB]  }
0x402: {  	[sflag:s9] =	ssyncset.done $0x0  }
0x403: {  	[sflag:s9] =	ssyncadd.s32 $0xFFFFC000  }
0x404: {  	[tilespmem:s11], [sflag:$0x3] =	stream.linear.gather [hbm4b:s3+s2], $0x4000, $0x38;
	[tilespmem:$0x14000] =	vst v63  }
0x405: {  	_ =	swait.ge [sflag:s19], $0x4000  }
0x406: {  	s1 =	sld [smem:$0x7AC]  }
0x407: {  	[sflag:s19] =	ssyncset.done $0x0  }
0x408: {  	s3 =	sld [smem:$0x7AD];
	[sflag:s19] =	ssyncadd.s32 $0xFFFFC000  }
0x409: {  	[hbm4b:s1+s2] =	stream.linear.scatter [tilespmem:s14], [sflag:$0x5], $0x4000, $0x38;
	[tilespmem:$0x14000] =	vst v63  }
0x40a: {  	_ = 	snop  }
0x40b: {  	[tilespmem:s4], [sflag:$0x7] =	stream.linear.gather [hbm4b:s3+s2], $0x4000, $0x38;
	[tilespmem:$0x14000] =	vst v63  }
0x40c: {  	_ =	swait.ge [sflag:s6], $0x4000  }
0x40d: {  	s3 =	sld [smem:$0x7AE]  }
0x40e: {  	[sflag:s6] =	ssyncset.done $0x0  }
0x40f: {  	[sflag:s6] =	ssyncadd.s32 $0xFFFFC000  }
0x410: {  	[tilespmem:s2], [sflag:$0x1] =	stream.linear.gather [hbm4b:s3+s2], $0x4000, $0x38;
	[tilespmem:$0x14000] =	vst v63  }
0x411: {  	_ =	swait.ge [sflag:s15], $0x4000  }
0x412: {  	[sflag:s15] =	ssyncset.done $0x0  }
0x413: {  	[sflag:s15] =	ssyncadd.s32 $0xFFFFC000  }
0x414: {  	_ =	swait.ge [sflag:s25], $0x4000  }
0x415: {  	s3 =	sld [smem:$0x7AF]  }
0x416: {  	[sflag:s25] =	ssyncset.done $0x0  }
0x417: {  	[sflag:s25] =	ssyncadd.s32 $0xFFFFC000  }
0x418: {  	[hbm4b:s3+s2] =	stream.linear.scatter [tilespmem:s11], [sflag:$0x6], $0x4000, $0x38;
	[tilespmem:$0x14000] =	vst v63  }
0x419: {  	_ =	swait.ge [sflag:s13], $0x4000  }
0x41a: {  	s3 =	sld [smem:$0x7B0]  }
0x41b: {  	[sflag:s13] =	ssyncset.done $0x0  }
0x41c: {  	[sflag:s13] =	ssyncadd.s32 $0xFFFFC000  }
0x41d: {  	[tilespmem:s14], [sflag:$0x2] =	stream.linear.gather [hbm4b:s3+s2], $0x4000, $0x38;
	[tilespmem:$0x14000] =	vst v63  }
0x41e: {  	_ =	swait.ge [sflag:s5], $0x4000  }
0x41f: {  	s3 =	sld [smem:$0x7B1]  }
0x420: {  	[sflag:s5] =	ssyncset.done $0x0  }
0x421: {  	[sflag:s5] =	ssyncadd.s32 $0xFFFFC000  }
0x422: {  	[hbm4b:s3+s2] =	stream.linear.scatter [tilespmem:s2], [sflag:$0x4], $0x4000, $0x38;
	[tilespmem:$0x14000] =	vst v63  }
0x423: {  	_ =	swait.ge [sflag:s9], $0x4000  }
0x424: {  	s3 =	sld [smem:$0x7B2]  }
0x425: {  	[sflag:s9] =	ssyncset.done $0x0  }
0x426: {  	[sflag:s9] =	ssyncadd.s32 $0xFFFFC000  }
0x427: {  	[tilespmem:s11], [sflag:$0x3] =	stream.linear.gather [hbm4b:s3+s2], $0x4000, $0x38;
	[tilespmem:$0x14000] =	vst v63  }
0x428: {  	_ =	swait.ge [sflag:s19], $0x4000  }
0x429: {  	s3 =	sld [smem:$0x7B3]  }
0x42a: {  	[sflag:s19] =	ssyncset.done $0x0  }
0x42b: {  	[sflag:s19] =	ssyncadd.s32 $0xFFFFC000  }
0x42c: {  	[hbm4b:s3+s2] =	stream.linear.scatter [tilespmem:s14], [sflag:$0x5], $0x4000, $0x38;
	[tilespmem:$0x14000] =	vst v63  }
0x42d: {  	_ =	swait.ge [sflag:s6], $0x4000  }
0x42e: {  	s3 =	sld [smem:$0x7B4]  }
0x42f: {  	[sflag:s6] =	ssyncset.done $0x0  }
0x430: {  	[sflag:s6] =	ssyncadd.s32 $0xFFFFC000  }
0x431: {  	[tilespmem:s2], [sflag:$0x1] =	stream.linear.gather [hbm4b:s3+s2], $0x4000, $0x38;
	[tilespmem:$0x14000] =	vst v63  }
0x432: {  	_ =	swait.ge [sflag:s15], $0x4000  }
0x433: {  	s1 =	sld [smem:$0x7B5]  }
0x434: {  	[sflag:s15] =	ssyncset.done $0x0  }
0x435: {  	s3 =	sld [smem:$0x7B6];
	[sflag:s15] =	ssyncadd.s32 $0xFFFFC000  }
0x436: {  	[hbm4b:s1+s2] =	stream.linear.scatter [tilespmem:s11], [sflag:$0x6], $0x4000, $0x38;
	[tilespmem:$0x14000] =	vst v63  }
0x437: {  	_ = 	snop  }
0x438: {  	[tilespmem:s31], [sflag:$0x8] =	stream.linear.gather [hbm4b:s3+s2], $0x4000, $0x38;
	[tilespmem:$0x14000] =	vst v63  }
0x439: {  	_ =	swait.ge [sflag:s13], $0x4000  }
0x43a: {  	s3 =	sld [smem:$0x7B7]  }
0x43b: {  	[sflag:s13] =	ssyncset.done $0x0  }
0x43c: {  	[sflag:s13] =	ssyncadd.s32 $0xFFFFC000  }
0x43d: {  	[tilespmem:s14], [sflag:$0x2] =	stream.linear.gather [hbm4b:s3+s2], $0x4000, $0x38;
	[tilespmem:$0x14000] =	vst v63  }
0x43e: {  	_ =	swait.ge [sflag:s5], $0x4000  }
0x43f: {  	[sflag:s5] =	ssyncset.done $0x0  }
0x440: {  	[sflag:s5] =	ssyncadd.s32 $0xFFFFC000  }
0x441: {  	_ =	swait.ge [sflag:s29], $0x4000  }
0x442: {  	s3 =	sld [smem:$0x7B8]  }
0x443: {  	[sflag:s29] =	ssyncset.done $0x0  }
0x444: {  	[sflag:s29] =	ssyncadd.s32 $0xFFFFC000  }
0x445: {  	[hbm4b:s3+s2] =	stream.linear.scatter [tilespmem:s2], [sflag:$0x4], $0x4000, $0x38;
	[tilespmem:$0x14000] =	vst v63  }
0x446: {  	_ =	swait.ge [sflag:s9], $0x4000  }
0x447: {  	s3 =	sld [smem:$0x7B9]  }
0x448: {  	[sflag:s9] =	ssyncset.done $0x0  }
0x449: {  	[sflag:s9] =	ssyncadd.s32 $0xFFFFC000  }
0x44a: {  	[tilespmem:s11], [sflag:$0x3] =	stream.linear.gather [hbm4b:s3+s2], $0x4000, $0x38;
	[tilespmem:$0x14000] =	vst v63  }
0x44b: {  	_ =	swait.ge [sflag:s19], $0x4000  }
0x44c: {  	s3 =	sld [smem:$0x7BA]  }
0x44d: {  	[sflag:s19] =	ssyncset.done $0x0  }
0x44e: {  	[sflag:s19] =	ssyncadd.s32 $0xFFFFC000  }
0x44f: {  	[hbm4b:s3+s2] =	stream.linear.scatter [tilespmem:s14], [sflag:$0x5], $0x4000, $0x38;
	[tilespmem:$0x14000] =	vst v63  }
0x450: {  	_ =	swait.ge [sflag:s6], $0x4000  }
0x451: {  	s3 =	sld [smem:$0x7BB]  }
0x452: {  	[sflag:s6] =	ssyncset.done $0x0  }
0x453: {  	[sflag:s6] =	ssyncadd.s32 $0xFFFFC000  }
0x454: {  	[tilespmem:s2], [sflag:$0x1] =	stream.linear.gather [hbm4b:s3+s2], $0x4000, $0x38;
	[tilespmem:$0x14000] =	vst v63  }
0x455: {  	_ =	swait.ge [sflag:s15], $0x4000  }
0x456: {  	s3 =	sld [smem:$0x7BC]  }
0x457: {  	[sflag:s15] =	ssyncset.done $0x0  }
0x458: {  	[sflag:s15] =	ssyncadd.s32 $0xFFFFC000  }
0x459: {  	[hbm4b:s3+s2] =	stream.linear.scatter [tilespmem:s11], [sflag:$0x6], $0x4000, $0x38;
	[tilespmem:$0x14000] =	vst v63  }
0x45a: {  	_ =	swait.ge [sflag:s13], $0x4000  }
0x45b: {  	s3 =	sld [smem:$0x7BD]  }
0x45c: {  	[sflag:s13] =	ssyncset.done $0x0  }
0x45d: {  	[sflag:s13] =	ssyncadd.s32 $0xFFFFC000  }
0x45e: {  	[tilespmem:s14], [sflag:$0x2] =	stream.linear.gather [hbm4b:s3+s2], $0x4000, $0x38;
	[tilespmem:$0x14000] =	vst v63  }
0x45f: {  	_ =	swait.ge [sflag:s5], $0x4000  }
0x460: {  	s1 =	sld [smem:$0x7BE]  }
0x461: {  	[sflag:s5] =	ssyncset.done $0x0  }
0x462: {  	s3 =	sld [smem:$0x7BF];
	[sflag:s5] =	ssyncadd.s32 $0xFFFFC000  }
0x463: {  	[hbm4b:s1+s2] =	stream.linear.scatter [tilespmem:s2], [sflag:$0x4], $0x4000, $0x38;
	[tilespmem:$0x14000] =	vst v63  }
0x464: {  	_ = 	snop  }
0x465: {  	[tilespmem:s4], [sflag:$0x7] =	stream.linear.gather [hbm4b:s3+s2], $0x4000, $0x38;
	[tilespmem:$0x14000] =	vst v63  }
0x466: {  	_ =	swait.ge [sflag:s9], $0x4000  }
0x467: {  	s3 =	sld [smem:$0x7C0]  }
0x468: {  	[sflag:s9] =	ssyncset.done $0x0  }
0x469: {  	[sflag:s9] =	ssyncadd.s32 $0xFFFFC000  }
0x46a: {  	[tilespmem:s11], [sflag:$0x3] =	stream.linear.gather [hbm4b:s3+s2], $0x4000, $0x38;
	[tilespmem:$0x14000] =	vst v63  }
0x46b: {  	_ =	swait.ge [sflag:s19], $0x4000  }
0x46c: {  	[sflag:s19] =	ssyncset.done $0x0  }
0x46d: {  	[sflag:s19] =	ssyncadd.s32 $0xFFFFC000  }
0x46e: {  	_ =	swait.ge [sflag:s25], $0x4000  }
0x46f: {  	s3 =	sld [smem:$0x7C1]  }
0x470: {  	[sflag:s25] =	ssyncset.done $0x0  }
0x471: {  	[sflag:s25] =	ssyncadd.s32 $0xFFFFC000  }
0x472: {  	[hbm4b:s3+s2] =	stream.linear.scatter [tilespmem:s14], [sflag:$0x5], $0x4000, $0x38;
	[tilespmem:$0x14000] =	vst v63  }
0x473: {  	_ =	swait.ge [sflag:s6], $0x4000  }
0x474: {  	s3 =	sld [smem:$0x7C2]  }
0x475: {  	[sflag:s6] =	ssyncset.done $0x0  }
0x476: {  	[sflag:s6] =	ssyncadd.s32 $0xFFFFC000  }
0x477: {  	[tilespmem:s2], [sflag:$0x1] =	stream.linear.gather [hbm4b:s3+s2], $0x4000, $0x38;
	[tilespmem:$0x14000] =	vst v63  }
0x478: {  	_ =	swait.ge [sflag:s15], $0x4000  }
0x479: {  	s3 =	sld [smem:$0x7C3]  }
0x47a: {  	[sflag:s15] =	ssyncset.done $0x0  }
0x47b: {  	[sflag:s15] =	ssyncadd.s32 $0xFFFFC000  }
0x47c: {  	[hbm4b:s3+s2] =	stream.linear.scatter [tilespmem:s11], [sflag:$0x6], $0x4000, $0x38;
	[tilespmem:$0x14000] =	vst v63  }
0x47d: {  	_ =	swait.ge [sflag:s13], $0x4000  }
0x47e: {  	s3 =	sld [smem:$0x7C4]  }
0x47f: {  	[sflag:s13] =	ssyncset.done $0x0  }
0x480: {  	[sflag:s13] =	ssyncadd.s32 $0xFFFFC000  }
0x481: {  	[tilespmem:s14], [sflag:$0x2] =	stream.linear.gather [hbm4b:s3+s2], $0x4000, $0x38;
	[tilespmem:$0x14000] =	vst v63  }
0x482: {  	_ =	swait.ge [sflag:s5], $0x4000  }
0x483: {  	s3 =	sld [smem:$0x7C5]  }
0x484: {  	[sflag:s5] =	ssyncset.done $0x0  }
0x485: {  	[sflag:s5] =	ssyncadd.s32 $0xFFFFC000  }
0x486: {  	[hbm4b:s3+s2] =	stream.linear.scatter [tilespmem:s2], [sflag:$0x4], $0x4000, $0x38;
	[tilespmem:$0x14000] =	vst v63  }
0x487: {  	_ =	swait.ge [sflag:s9], $0x4000  }
0x488: {  	s3 =	sld [smem:$0x7C6]  }
0x489: {  	[sflag:s9] =	ssyncset.done $0x0  }
0x48a: {  	[sflag:s9] =	ssyncadd.s32 $0xFFFFC000  }
0x48b: {  	[tilespmem:s11], [sflag:$0x3] =	stream.linear.gather [hbm4b:s3+s2], $0x4000, $0x38;
	[tilespmem:$0x14000] =	vst v63  }
0x48c: {  	_ =	swait.ge [sflag:s19], $0x4000  }
0x48d: {  	s1 =	sld [smem:$0x7C7]  }
0x48e: {  	[sflag:s19] =	ssyncset.done $0x0  }
0x48f: {  	s3 =	sld [smem:$0x7C8];
	[sflag:s19] =	ssyncadd.s32 $0xFFFFC000  }
0x490: {  	[hbm4b:s1+s2] =	stream.linear.scatter [tilespmem:s14], [sflag:$0x5], $0x4000, $0x38;
	[tilespmem:$0x14000] =	vst v63  }
0x491: {  	_ = 	snop  }
0x492: {  	[tilespmem:s31], [sflag:$0x8] =	stream.linear.gather [hbm4b:s3+s2], $0x4000, $0x38;
	[tilespmem:$0x14000] =	vst v63  }
0x493: {  	_ =	swait.ge [sflag:s6], $0x4000  }
0x494: {  	s3 =	sld [smem:$0x7C9]  }
0x495: {  	[sflag:s6] =	ssyncset.done $0x0  }
0x496: {  	[sflag:s6] =	ssyncadd.s32 $0xFFFFC000  }
0x497: {  	[tilespmem:s2], [sflag:$0x1] =	stream.linear.gather [hbm4b:s3+s2], $0x4000, $0x38;
	[tilespmem:$0x14000] =	vst v63  }
0x498: {  	_ =	swait.ge [sflag:s15], $0x4000  }
0x499: {  	[sflag:s15] =	ssyncset.done $0x0  }
0x49a: {  	[sflag:s15] =	ssyncadd.s32 $0xFFFFC000  }
0x49b: {  	_ =	swait.ge [sflag:s29], $0x4000  }
0x49c: {  	s3 =	sld [smem:$0x7CA]  }
0x49d: {  	[sflag:s29] =	ssyncset.done $0x0  }
0x49e: {  	[sflag:s29] =	ssyncadd.s32 $0xFFFFC000  }
0x49f: {  	[hbm4b:s3+s2] =	stream.linear.scatter [tilespmem:s11], [sflag:$0x6], $0x4000, $0x38;
	[tilespmem:$0x14000] =	vst v63  }
0x4a0: {  	_ =	swait.ge [sflag:s13], $0x4000  }
0x4a1: {  	s3 =	sld [smem:$0x7CB]  }
0x4a2: {  	[sflag:s13] =	ssyncset.done $0x0  }
0x4a3: {  	[sflag:s13] =	ssyncadd.s32 $0xFFFFC000  }
0x4a4: {  	[tilespmem:s14], [sflag:$0x2] =	stream.linear.gather [hbm4b:s3+s2], $0x4000, $0x38;
	[tilespmem:$0x14000] =	vst v63  }
0x4a5: {  	_ =	swait.ge [sflag:s5], $0x4000  }
0x4a6: {  	s3 =	sld [smem:$0x7CC]  }
0x4a7: {  	[sflag:s5] =	ssyncset.done $0x0  }
0x4a8: {  	[sflag:s5] =	ssyncadd.s32 $0xFFFFC000  }
0x4a9: {  	[hbm4b:s3+s2] =	stream.linear.scatter [tilespmem:s2], [sflag:$0x4], $0x4000, $0x38;
	[tilespmem:$0x14000] =	vst v63  }
0x4aa: {  	_ =	swait.ge [sflag:s9], $0x4000  }
0x4ab: {  	s3 =	sld [smem:$0x7CD]  }
0x4ac: {  	[sflag:s9] =	ssyncset.done $0x0  }
0x4ad: {  	[sflag:s9] =	ssyncadd.s32 $0xFFFFC000  }
0x4ae: {  	[tilespmem:s11], [sflag:$0x3] =	stream.linear.gather [hbm4b:s3+s2], $0x4000, $0x38;
	[tilespmem:$0x14000] =	vst v63  }
0x4af: {  	_ =	swait.ge [sflag:s19], $0x4000  }
0x4b0: {  	s3 =	sld [smem:$0x7CE]  }
0x4b1: {  	[sflag:s19] =	ssyncset.done $0x0  }
0x4b2: {  	[sflag:s19] =	ssyncadd.s32 $0xFFFFC000  }
0x4b3: {  	[hbm4b:s3+s2] =	stream.linear.scatter [tilespmem:s14], [sflag:$0x5], $0x4000, $0x38;
	[tilespmem:$0x14000] =	vst v63  }
0x4b4: {  	_ =	swait.ge [sflag:s6], $0x4000  }
0x4b5: {  	s3 =	sld [smem:$0x7CF]  }
0x4b6: {  	[sflag:s6] =	ssyncset.done $0x0  }
0x4b7: {  	[sflag:s6] =	ssyncadd.s32 $0xFFFFC000  }
0x4b8: {  	[tilespmem:s2], [sflag:$0x1] =	stream.linear.gather [hbm4b:s3+s2], $0x4000, $0x38;
	[tilespmem:$0x14000] =	vst v63  }
0x4b9: {  	_ =	swait.ge [sflag:s15], $0x4000  }
0x4ba: {  	s1 =	sld [smem:$0x7D0]  }
0x4bb: {  	[sflag:s15] =	ssyncset.done $0x0  }
0x4bc: {  	s3 =	sld [smem:$0x7D1];
	[sflag:s15] =	ssyncadd.s32 $0xFFFFC000  }
0x4bd: {  	[hbm4b:s1+s2] =	stream.linear.scatter [tilespmem:s11], [sflag:$0x6], $0x4000, $0x38;
	[tilespmem:$0x14000] =	vst v63  }
0x4be: {  	_ = 	snop  }
0x4bf: {  	[tilespmem:s4], [sflag:$0x7] =	stream.linear.gather [hbm4b:s3+s2], $0x4000, $0x38;
	[tilespmem:$0x14000] =	vst v63  }
0x4c0: {  	_ =	swait.ge [sflag:s13], $0x4000  }
0x4c1: {  	s3 =	sld [smem:$0x7D2]  }
0x4c2: {  	[sflag:s13] =	ssyncset.done $0x0  }
0x4c3: {  	[sflag:s13] =	ssyncadd.s32 $0xFFFFC000  }
0x4c4: {  	[tilespmem:s14], [sflag:$0x2] =	stream.linear.gather [hbm4b:s3+s2], $0x4000, $0x38;
	[tilespmem:$0x14000] =	vst v63  }
0x4c5: {  	_ =	swait.ge [sflag:s5], $0x4000  }
0x4c6: {  	[sflag:s5] =	ssyncset.done $0x0  }
0x4c7: {  	[sflag:s5] =	ssyncadd.s32 $0xFFFFC000  }
0x4c8: {  	_ =	swait.ge [sflag:s25], $0x4000  }
0x4c9: {  	s3 =	sld [smem:$0x7D3]  }
0x4ca: {  	[sflag:s25] =	ssyncset.done $0x0  }
0x4cb: {  	[sflag:s25] =	ssyncadd.s32 $0xFFFFC000  }
0x4cc: {  	[hbm4b:s3+s2] =	stream.linear.scatter [tilespmem:s2], [sflag:$0x4], $0x4000, $0x38;
	[tilespmem:$0x14000] =	vst v63  }
0x4cd: {  	_ =	swait.ge [sflag:s9], $0x4000  }
0x4ce: {  	s3 =	sld [smem:$0x7D4]  }
0x4cf: {  	[sflag:s9] =	ssyncset.done $0x0  }
0x4d0: {  	[sflag:s9] =	ssyncadd.s32 $0xFFFFC000  }
0x4d1: {  	[tilespmem:s11], [sflag:$0x3] =	stream.linear.gather [hbm4b:s3+s2], $0x4000, $0x38;
	[tilespmem:$0x14000] =	vst v63  }
0x4d2: {  	_ =	swait.ge [sflag:s19], $0x4000  }
0x4d3: {  	s3 =	sld [smem:$0x7D5]  }
0x4d4: {  	[sflag:s19] =	ssyncset.done $0x0  }
0x4d5: {  	[sflag:s19] =	ssyncadd.s32 $0xFFFFC000  }
0x4d6: {  	[hbm4b:s3+s2] =	stream.linear.scatter [tilespmem:s14], [sflag:$0x5], $0x4000, $0x38;
	[tilespmem:$0x14000] =	vst v63  }
0x4d7: {  	_ =	swait.ge [sflag:s6], $0x4000  }
0x4d8: {  	s3 =	sld [smem:$0x7D6]  }
0x4d9: {  	[sflag:s6] =	ssyncset.done $0x0  }
0x4da: {  	[sflag:s6] =	ssyncadd.s32 $0xFFFFC000  }
0x4db: {  	[tilespmem:s2], [sflag:$0x1] =	stream.linear.gather [hbm4b:s3+s2], $0x4000, $0x38;
	[tilespmem:$0x14000] =	vst v63  }
0x4dc: {  	_ =	swait.ge [sflag:s15], $0x4000  }
0x4dd: {  	s3 =	sld [smem:$0x7D7]  }
0x4de: {  	[sflag:s15] =	ssyncset.done $0x0  }
0x4df: {  	[sflag:s15] =	ssyncadd.s32 $0xFFFFC000  }
0x4e0: {  	[hbm4b:s3+s2] =	stream.linear.scatter [tilespmem:s11], [sflag:$0x6], $0x4000, $0x38;
	[tilespmem:$0x14000] =	vst v63  }
0x4e1: {  	_ =	swait.ge [sflag:s13], $0x4000  }
0x4e2: {  	s3 =	sld [smem:$0x7D8]  }
0x4e3: {  	[sflag:s13] =	ssyncset.done $0x0  }
0x4e4: {  	[sflag:s13] =	ssyncadd.s32 $0xFFFFC000  }
0x4e5: {  	[tilespmem:s14], [sflag:$0x2] =	stream.linear.gather [hbm4b:s3+s2], $0x4000, $0x38;
	[tilespmem:$0x14000] =	vst v63  }
0x4e6: {  	_ =	swait.ge [sflag:s5], $0x4000  }
0x4e7: {  	s1 =	sld [smem:$0x7D9]  }
0x4e8: {  	[sflag:s5] =	ssyncset.done $0x0  }
0x4e9: {  	s3 =	sld [smem:$0x7DA];
	[sflag:s5] =	ssyncadd.s32 $0xFFFFC000  }
0x4ea: {  	[hbm4b:s1+s2] =	stream.linear.scatter [tilespmem:s2], [sflag:$0x4], $0x4000, $0x38;
	[tilespmem:$0x14000] =	vst v63  }
0x4eb: {  	_ = 	snop  }
0x4ec: {  	[tilespmem:s31], [sflag:$0x8] =	stream.linear.gather [hbm4b:s3+s2], $0x4000, $0x38;
	[tilespmem:$0x14000] =	vst v63  }
0x4ed: {  	_ =	swait.ge [sflag:s9], $0x4000  }
0x4ee: {  	s3 =	sld [smem:$0x7DB]  }
0x4ef: {  	[sflag:s9] =	ssyncset.done $0x0  }
0x4f0: {  	[sflag:s9] =	ssyncadd.s32 $0xFFFFC000  }
0x4f1: {  	[tilespmem:s11], [sflag:$0x3] =	stream.linear.gather [hbm4b:s3+s2], $0x4000, $0x38;
	[tilespmem:$0x14000] =	vst v63  }
0x4f2: {  	_ =	swait.ge [sflag:s19], $0x4000  }
0x4f3: {  	[sflag:s19] =	ssyncset.done $0x0  }
0x4f4: {  	[sflag:s19] =	ssyncadd.s32 $0xFFFFC000  }
0x4f5: {  	_ =	swait.ge [sflag:s29], $0x4000  }
0x4f6: {  	s3 =	sld [smem:$0x7DC]  }
0x4f7: {  	[sflag:s29] =	ssyncset.done $0x0  }
0x4f8: {  	[sflag:s29] =	ssyncadd.s32 $0xFFFFC000  }
0x4f9: {  	[hbm4b:s3+s2] =	stream.linear.scatter [tilespmem:s14], [sflag:$0x5], $0x4000, $0x38;
	[tilespmem:$0x14000] =	vst v63  }
0x4fa: {  	_ =	swait.ge [sflag:s6], $0x4000  }
0x4fb: {  	s3 =	sld [smem:$0x7DD]  }
0x4fc: {  	[sflag:s6] =	ssyncset.done $0x0  }
0x4fd: {  	[sflag:s6] =	ssyncadd.s32 $0xFFFFC000  }
0x4fe: {  	[tilespmem:s2], [sflag:$0x1] =	stream.linear.gather [hbm4b:s3+s2], $0x4000, $0x38;
	[tilespmem:$0x14000] =	vst v63  }
0x4ff: {  	_ =	swait.ge [sflag:s15], $0x4000  }
0x500: {  	s3 =	sld [smem:$0x7DE]  }
0x501: {  	[sflag:s15] =	ssyncset.done $0x0  }
0x502: {  	[sflag:s15] =	ssyncadd.s32 $0xFFFFC000  }
0x503: {  	[hbm4b:s3+s2] =	stream.linear.scatter [tilespmem:s11], [sflag:$0x6], $0x4000, $0x38;
	[tilespmem:$0x14000] =	vst v63  }
0x504: {  	_ =	swait.ge [sflag:s13], $0x4000  }
0x505: {  	s3 =	sld [smem:$0x7DF]  }
0x506: {  	[sflag:s13] =	ssyncset.done $0x0  }
0x507: {  	[sflag:s13] =	ssyncadd.s32 $0xFFFFC000  }
0x508: {  	[tilespmem:s14], [sflag:$0x2] =	stream.linear.gather [hbm4b:s3+s2], $0x4000, $0x38;
	[tilespmem:$0x14000] =	vst v63  }
0x509: {  	_ =	swait.ge [sflag:s5], $0x4000  }
0x50a: {  	s3 =	sld [smem:$0x7E0]  }
0x50b: {  	[sflag:s5] =	ssyncset.done $0x0  }
0x50c: {  	[sflag:s5] =	ssyncadd.s32 $0xFFFFC000  }
0x50d: {  	[hbm4b:s3+s2] =	stream.linear.scatter [tilespmem:s2], [sflag:$0x4], $0x4000, $0x38;
	[tilespmem:$0x14000] =	vst v63  }
0x50e: {  	_ =	swait.ge [sflag:s9], $0x4000  }
0x50f: {  	s3 =	sld [smem:$0x7E1]  }
0x510: {  	[sflag:s9] =	ssyncset.done $0x0  }
0x511: {  	[sflag:s9] =	ssyncadd.s32 $0xFFFFC000  }
0x512: {  	[tilespmem:s11], [sflag:$0x3] =	stream.linear.gather [hbm4b:s3+s2], $0x4000, $0x38;
	[tilespmem:$0x14000] =	vst v63  }
0x513: {  	_ =	swait.ge [sflag:s19], $0x4000  }
0x514: {  	s1 =	sld [smem:$0x7E2]  }
0x515: {  	[sflag:s19] =	ssyncset.done $0x0  }
0x516: {  	s3 =	sld [smem:$0x7E3];
	[sflag:s19] =	ssyncadd.s32 $0xFFFFC000  }
0x517: {  	[hbm4b:s1+s2] =	stream.linear.scatter [tilespmem:s14], [sflag:$0x5], $0x4000, $0x38;
	[tilespmem:$0x14000] =	vst v63  }
0x518: {  	_ = 	snop  }
0x519: {  	[tilespmem:s4], [sflag:$0x7] =	stream.linear.gather [hbm4b:s3+s2], $0x4000, $0x38;
	[tilespmem:$0x14000] =	vst v63  }
0x51a: {  	_ =	swait.ge [sflag:s6], $0x4000  }
0x51b: {  	s4 =	sld [smem:$0x7E4]  }
0x51c: {  	[sflag:s6] =	ssyncset.done $0x0  }
0x51d: {  	[sflag:s6] =	ssyncadd.s32 $0xFFFFC000  }
0x51e: {  	[tilespmem:s2], [sflag:$0x1] =	stream.linear.gather [hbm4b:s4+s2], $0x4000, $0x38;
	[tilespmem:$0x14000] =	vst v63  }
0x51f: {  	_ =	swait.ge [sflag:s15], $0x4000  }
0x520: {  	[sflag:s15] =	ssyncset.done $0x0  }
0x521: {  	[sflag:s15] =	ssyncadd.s32 $0xFFFFC000  }
0x522: {  	_ =	swait.ge [sflag:s25], $0x4000  }
0x523: {  	s3 =	sld [smem:$0x7E5]  }
0x524: {  	[sflag:s25] =	ssyncset.done $0x0  }
0x525: {  	[sflag:s25] =	ssyncadd.s32 $0xFFFFC000  }
0x526: {  	[hbm4b:s3+s2] =	stream.linear.scatter [tilespmem:s11], [sflag:$0x6], $0x4000, $0x38;
	[tilespmem:$0x14000] =	vst v63  }
0x527: {  	_ =	swait.ge [sflag:s13], $0x4000  }
0x528: {  	s4 =	sld [smem:$0x7E6]  }
0x529: {  	[sflag:s13] =	ssyncset.done $0x0  }
0x52a: {  	[sflag:s13] =	ssyncadd.s32 $0xFFFFC000  }
0x52b: {  	[tilespmem:s14], [sflag:$0x2] =	stream.linear.gather [hbm4b:s4+s2], $0x4000, $0x38;
	[tilespmem:$0x14000] =	vst v63  }
0x52c: {  	_ =	swait.ge [sflag:s5], $0x4000  }
0x52d: {  	s3 =	sld [smem:$0x7E7]  }
0x52e: {  	[sflag:s5] =	ssyncset.done $0x0  }
0x52f: {  	[sflag:s5] =	ssyncadd.s32 $0xFFFFC000  }
0x530: {  	[hbm4b:s3+s2] =	stream.linear.scatter [tilespmem:s2], [sflag:$0x4], $0x4000, $0x38;
	[tilespmem:$0x14000] =	vst v63  }
0x531: {  	_ =	swait.ge [sflag:s9], $0x4000  }
0x532: {  	s4 =	sld [smem:$0x7E8]  }
0x533: {  	[sflag:s9] =	ssyncset.done $0x0  }
0x534: {  	[sflag:s9] =	ssyncadd.s32 $0xFFFFC000  }
0x535: {  	[tilespmem:s11], [sflag:$0x3] =	stream.linear.gather [hbm4b:s4+s2], $0x4000, $0x38;
	[tilespmem:$0x14000] =	vst v63  }
0x536: {  	_ =	swait.ge [sflag:s19], $0x4000  }
0x537: {  	s3 =	sld [smem:$0x7E9]  }
0x538: {  	[sflag:s19] =	ssyncset.done $0x0  }
0x539: {  	[sflag:s19] =	ssyncadd.s32 $0xFFFFC000  }
0x53a: {  	[hbm4b:s3+s2] =	stream.linear.scatter [tilespmem:s14], [sflag:$0x5], $0x4000, $0x38;
	[tilespmem:$0x14000] =	vst v63  }
0x53b: {  	_ =	swait.ge [sflag:s6], $0x4000  }
0x53c: {  	s4 =	sld [smem:$0x7EA]  }
0x53d: {  	[sflag:s6] =	ssyncset.done $0x0  }
0x53e: {  	[sflag:s6] =	ssyncadd.s32 $0xFFFFC000  }
0x53f: {  	[tilespmem:s2], [sflag:$0x1] =	stream.linear.gather [hbm4b:s4+s2], $0x4000, $0x38;
	[tilespmem:$0x14000] =	vst v63  }
0x540: {  	_ =	swait.ge [sflag:s15], $0x4000  }
0x541: {  	s3 =	sld [smem:$0x7EB]  }
0x542: {  	[sflag:s15] =	ssyncset.done $0x0  }
0x543: {  	s4 =	sld [smem:$0x7EC];
	[sflag:s15] =	ssyncadd.s32 $0xFFFFC000  }
0x544: {  	[hbm4b:s3+s2] =	stream.linear.scatter [tilespmem:s11], [sflag:$0x6], $0x4000, $0x38;
	[tilespmem:$0x14000] =	vst v63  }
0x545: {  	_ = 	snop  }
0x546: {  	[tilespmem:s31], [sflag:$0x8] =	stream.linear.gather [hbm4b:s4+s2], $0x4000, $0x38;
	[tilespmem:$0x14000] =	vst v63  }
0x547: {  	_ =	swait.ge [sflag:s13], $0x4000  }
0x548: {  	s4 =	sld [smem:$0x7ED]  }
0x549: {  	[sflag:s13] =	ssyncset.done $0x0  }
0x54a: {  	[sflag:s13] =	ssyncadd.s32 $0xFFFFC000  }
0x54b: {  	[tilespmem:s14], [sflag:$0x2] =	stream.linear.gather [hbm4b:s4+s2], $0x4000, $0x38;
	[tilespmem:$0x14000] =	vst v63  }
0x54c: {  	_ =	swait.ge [sflag:s5], $0x4000  }
0x54d: {  	[sflag:s5] =	ssyncset.done $0x0  }
0x54e: {  	[sflag:s5] =	ssyncadd.s32 $0xFFFFC000  }
0x54f: {  	_ =	swait.ge [sflag:s29], $0x4000  }
0x550: {  	s3 =	sld [smem:$0x7EE]  }
0x551: {  	[sflag:s29] =	ssyncset.done $0x0  }
0x552: {  	[sflag:s29] =	ssyncadd.s32 $0xFFFFC000  }
0x553: {  	[hbm4b:s3+s2] =	stream.linear.scatter [tilespmem:s2], [sflag:$0x4], $0x4000, $0x38;
	[tilespmem:$0x14000] =	vst v63  }
0x554: {  	_ =	swait.ge [sflag:s9], $0x4000  }
0x555: {  	s4 =	sld [smem:$0x7EF]  }
0x556: {  	[sflag:s9] =	ssyncset.done $0x0  }
0x557: {  	[sflag:s9] =	ssyncadd.s32 $0xFFFFC000  }
0x558: {  	[tilespmem:s11], [sflag:$0x3] =	stream.linear.gather [hbm4b:s4+s2], $0x4000, $0x38;
	[tilespmem:$0x14000] =	vst v63  }
0x559: {  	_ =	swait.ge [sflag:s19], $0x4000  }
0x55a: {  	s3 =	sld [smem:$0x7F0]  }
0x55b: {  	[sflag:s19] =	ssyncset.done $0x0  }
0x55c: {  	[sflag:s19] =	ssyncadd.s32 $0xFFFFC000  }
0x55d: {  	[hbm4b:s3+s2] =	stream.linear.scatter [tilespmem:s14], [sflag:$0x5], $0x4000, $0x38;
	[tilespmem:$0x14000] =	vst v63  }
0x55e: {  	_ =	swait.ge [sflag:s6], $0x4000  }
0x55f: {  	s4 =	sld [smem:$0x7F1]  }
0x560: {  	[sflag:s6] =	ssyncset.done $0x0  }
0x561: {  	[sflag:s6] =	ssyncadd.s32 $0xFFFFC000  }
0x562: {  	[tilespmem:s2], [sflag:$0x1] =	stream.linear.gather [hbm4b:s4+s2], $0x4000, $0x38;
	[tilespmem:$0x14000] =	vst v63  }
0x563: {  	_ =	swait.ge [sflag:s15], $0x4000  }
0x564: {  	s3 =	sld [smem:$0x7F2]  }
0x565: {  	[sflag:s15] =	ssyncset.done $0x0  }
0x566: {  	[sflag:s15] =	ssyncadd.s32 $0xFFFFC000  }
0x567: {  	[hbm4b:s3+s2] =	stream.linear.scatter [tilespmem:s11], [sflag:$0x6], $0x4000, $0x38;
	[tilespmem:$0x14000] =	vst v63  }
0x568: {  	_ =	swait.ge [sflag:s13], $0x4000  }
0x569: {  	s4 =	sld [smem:$0x7F3]  }
0x56a: {  	[sflag:s13] =	ssyncset.done $0x0  }
0x56b: {  	[sflag:s13] =	ssyncadd.s32 $0xFFFFC000  }
0x56c: {  	[tilespmem:s14], [sflag:$0x2] =	stream.linear.gather [hbm4b:s4+s2], $0x4000, $0x38;
	[tilespmem:$0x14000] =	vst v63  }
0x56d: {  	_ =	swait.ge [sflag:s5], $0x4000  }
0x56e: {  	s3 =	sld [smem:$0x7F4]  }
0x56f: {  	[sflag:s5] =	ssyncset.done $0x0  }
0x570: {  	s31 =	simm.s32 $0xC000;
	[sflag:s5] =	ssyncadd.s32 $0xFFFFC000  }
0x571: {  	[hbm4b:s3+s2] =	stream.linear.scatter [tilespmem:s2], [sflag:$0x4], $0x4000, $0x38;
	[tilespmem:$0x14000] =	vst v63  }
0x572: {  	s4 =	sld [smem:$0x7F5];
	s3 =	smov.u32 s30;
	s30 =	smov.u32 s7  }
0x573: {  	s7 =	smov.u32 s8;
	s8 =	smov.u32 s10;
	s10 =	smov.u32 s12  }
0x574: {  	s12 =	smov.u32 s16;
	s16 =	smov.u32 s17;
	s17 =	smov.u32 s18  }
0x575: {  	s18 =	smov.u32 s20;
	s20 =	smov.u32 s21;
	s21 =	smov.u32 s22  }
0x576: {  	s22 =	smov.u32 s23;
	s23 =	smov.u32 s24;
	s24 =	smov.u32 s26  }
0x577: {  	[tilespmem:s31], [sflag:$0x7] =	stream.linear.gather [hbm4b:s4+s2], $0x4000, $0x38;
	[tilespmem:$0x14000] =	vst v63  }
0x578: {  	s26 =	smov.u32 s28;
	s28 =	sld [smem:$0x79A];
	_ =	swait.ge [sflag:s9], $0x4000  }
0x579: {  	s1 =	sld [smem:$0x7F6]  }
0x57a: {  	[sflag:s9] =	ssyncset.done $0x0  }
0x57b: {  	[sflag:s9] =	ssyncadd.s32 $0xFFFFC000  }
0x57c: {  	[tilespmem:s11], [sflag:$0x3] =	stream.linear.gather [hbm4b:s1+s2], $0x4000, $0x38;
	[tilespmem:$0x14000] =	vst v63  }
0x57d: {  	_ =	swait.ge [sflag:s19], $0x4000  }
0x57e: {  	[sflag:s19] =	ssyncset.done $0x0  }
0x57f: {  	[sflag:s19] =	ssyncadd.s32 $0xFFFFC000  }
0x580: {  	_ =	swait.ge [sflag:s25], $0x4000  }
0x581: {  	s1 =	sld [smem:$0x7F7]  }
0x582: {  	[sflag:s25] =	ssyncset.done $0x0  }
0x583: {  	[sflag:s25] =	ssyncadd.s32 $0xFFFFC000  }
0x584: {  	[hbm4b:s1+s2] =	stream.linear.scatter [tilespmem:s14], [sflag:$0x5], $0x4000, $0x38;
	[tilespmem:$0x14000] =	vst v63  }
0x585: {  	_ =	swait.ge [sflag:s6], $0x4000  }
0x586: {  	s1 =	sld [smem:$0x7F8]  }
0x587: {  	[sflag:s6] =	ssyncset.done $0x0  }
0x588: {  	[sflag:s6] =	ssyncadd.s32 $0xFFFFC000  }
0x589: {  	[tilespmem:s2], [sflag:$0x1] =	stream.linear.gather [hbm4b:s1+s2], $0x4000, $0x38;
	[tilespmem:$0x14000] =	vst v63  }
0x58a: {  	_ =	swait.ge [sflag:s15], $0x4000  }
0x58b: {  	s1 =	sld [smem:$0x7F9]  }
0x58c: {  	[sflag:s15] =	ssyncset.done $0x0  }
0x58d: {  	[sflag:s15] =	ssyncadd.s32 $0xFFFFC000  }
0x58e: {  	[hbm4b:s1+s2] =	stream.linear.scatter [tilespmem:s11], [sflag:$0x6], $0x4000, $0x38;
	[tilespmem:$0x14000] =	vst v63  }
0x58f: {  	_ =	swait.ge [sflag:s13], $0x4000  }
0x590: {  	s1 =	sld [smem:$0x7FA]  }
0x591: {  	[sflag:s13] =	ssyncset.done $0x0  }
0x592: {  	[sflag:s13] =	ssyncadd.s32 $0xFFFFC000  }
0x593: {  	[tilespmem:s14], [sflag:$0x2] =	stream.linear.gather [hbm4b:s1+s2], $0x4000, $0x38;
	[tilespmem:$0x14000] =	vst v63  }
0x594: {  	_ =	swait.ge [sflag:s5], $0x4000  }
0x595: {  	s1 =	sld [smem:$0x7FB]  }
0x596: {  	[sflag:s5] =	ssyncset.done $0x0  }
0x597: {  	[sflag:s5] =	ssyncadd.s32 $0xFFFFC000  }
0x598: {  	[hbm4b:s1+s2] =	stream.linear.scatter [tilespmem:s2], [sflag:$0x4], $0x4000, $0x38;
	[tilespmem:$0x14000] =	vst v63  }
0x599: {  	_ =	swait.ge [sflag:s9], $0x4000  }
0x59a: {  	s1 =	sld [smem:$0x7FC]  }
0x59b: {  	[sflag:s9] =	ssyncset.done $0x0  }
0x59c: {  	[sflag:s9] =	ssyncadd.s32 $0xFFFFC000  }
0x59d: {  	[tilespmem:s11], [sflag:$0x3] =	stream.linear.gather [hbm4b:s1+s2], $0x4000, $0x38;
	[tilespmem:$0x14000] =	vst v63  }
0x59e: {  	_ =	swait.ge [sflag:s19], $0x4000  }
0x59f: {  	s1 =	sld [smem:$0x7FD]  }
0x5a0: {  	[sflag:s19] =	ssyncset.done $0x0  }
0x5a1: {  	[sflag:s19] =	ssyncadd.s32 $0xFFFFC000  }
0x5a2: {  	[hbm4b:s1+s2] =	stream.linear.scatter [tilespmem:s14], [sflag:$0x5], $0x4000, $0x38;
	[tilespmem:$0x14000] =	vst v63  }
0x5a3: {  	s4 =	simm.s32 $0x10000  }
0x5a4: {  	[tilespmem:s4], [sflag:$0x8] =	stream.linear.gather [hbm4b:s28+s2], $0x4000, $0x38;
	[tilespmem:$0x14000] =	vst v63  }
0x5a5: {  	_ =	swait.ge [sflag:s6], $0x4000  }
0x5a6: {  	[sflag:s6] =	ssyncset.done $0x0  }
0x5a7: {  	[sflag:s6] =	ssyncadd.s32 $0xFFFFC000  }
0x5a8: {  	[tilespmem:s2], [sflag:$0x1] =	stream.linear.gather [hbm4b:s26+s2], $0x4000, $0x38;
	[tilespmem:$0x14000] =	vst v63  }
0x5a9: {  	_ =	swait.ge [sflag:s15], $0x4000  }
0x5aa: {  	[sflag:s15] =	ssyncset.done $0x0  }
0x5ab: {  	[sflag:s15] =	ssyncadd.s32 $0xFFFFC000  }
0x5ac: {  	_ =	swait.ge [sflag:s29], $0x4000  }
0x5ad: {  	[sflag:s29] =	ssyncset.done $0x0  }
0x5ae: {  	[sflag:s29] =	ssyncadd.s32 $0xFFFFC000  }
0x5af: {  	[hbm4b:s24+s2] =	stream.linear.scatter [tilespmem:s11], [sflag:$0x6], $0x4000, $0x38;
	[tilespmem:$0x14000] =	vst v63  }
0x5b0: {  	_ =	swait.ge [sflag:s13], $0x4000  }
0x5b1: {  	[sflag:s13] =	ssyncset.done $0x0  }
0x5b2: {  	[sflag:s13] =	ssyncadd.s32 $0xFFFFC000  }
0x5b3: {  	[tilespmem:s14], [sflag:$0x2] =	stream.linear.gather [hbm4b:s23+s2], $0x4000, $0x38;
	[tilespmem:$0x14000] =	vst v63  }
0x5b4: {  	_ =	swait.ge [sflag:s5], $0x4000  }
0x5b5: {  	[sflag:s5] =	ssyncset.done $0x0  }
0x5b6: {  	[sflag:s5] =	ssyncadd.s32 $0xFFFFC000  }
0x5b7: {  	[hbm4b:s22+s2] =	stream.linear.scatter [tilespmem:s2], [sflag:$0x4], $0x4000, $0x38;
	[tilespmem:$0x14000] =	vst v63  }
0x5b8: {  	_ =	swait.ge [sflag:s9], $0x4000  }
0x5b9: {  	[sflag:s9] =	ssyncset.done $0x0  }
0x5ba: {  	[sflag:s9] =	ssyncadd.s32 $0xFFFFC000  }
0x5bb: {  	[tilespmem:s11], [sflag:$0x3] =	stream.linear.gather [hbm4b:s21+s2], $0x4000, $0x38;
	[tilespmem:$0x14000] =	vst v63  }
0x5bc: {  	_ =	swait.ge [sflag:s19], $0x4000  }
0x5bd: {  	[sflag:s19] =	ssyncset.done $0x0  }
0x5be: {  	[sflag:s19] =	ssyncadd.s32 $0xFFFFC000  }
0x5bf: {  	[hbm4b:s20+s2] =	stream.linear.scatter [tilespmem:s14], [sflag:$0x5], $0x4000, $0x38;
	[tilespmem:$0x14000] =	vst v63  }
0x5c0: {  	_ =	swait.ge [sflag:s6], $0x4000  }
0x5c1: {  	[sflag:s6] =	ssyncset.done $0x0  }
0x5c2: {  	[sflag:s6] =	ssyncadd.s32 $0xFFFFC000  }
0x5c3: {  	[tilespmem:s2], [sflag:$0x1] =	stream.linear.gather [hbm4b:s18+s2], $0x4000, $0x38;
	[tilespmem:$0x14000] =	vst v63  }
0x5c4: {  	_ =	swait.ge [sflag:s15], $0x4000  }
0x5c5: {  	[sflag:s15] =	ssyncset.done $0x0  }
0x5c6: {  	[sflag:s15] =	ssyncadd.s32 $0xFFFFC000  }
0x5c7: {  	[hbm4b:s17+s2] =	stream.linear.scatter [tilespmem:s11], [sflag:$0x6], $0x4000, $0x38;
	[tilespmem:$0x14000] =	vst v63  }
0x5c8: {  	_ =	swait.ge [sflag:s13], $0x4000  }
0x5c9: {  	[sflag:s13] =	ssyncset.done $0x0  }
0x5ca: {  	[sflag:s13] =	ssyncadd.s32 $0xFFFFC000  }
0x5cb: {  	[tilespmem:s14], [sflag:$0x2] =	stream.linear.gather [hbm4b:s16+s2], $0x4000, $0x38;
	[tilespmem:$0x14000] =	vst v63  }
0x5cc: {  	_ =	swait.ge [sflag:s5], $0x4000  }
0x5cd: {  	[sflag:s5] =	ssyncset.done $0x0  }
0x5ce: {  	[sflag:s5] =	ssyncadd.s32 $0xFFFFC000  }
0x5cf: {  	_ =	swait.ge [sflag:s25], $0x4000  }
0x5d0: {  	[sflag:s25] =	ssyncset.done $0x0  }
0x5d1: {  	[sflag:s25] =	ssyncadd.s32 $0xFFFFC000  }
0x5d2: {  	[hbm4b:s12+s2] =	stream.linear.scatter [tilespmem:s2], [sflag:$0x4], $0x4000, $0x38;
	[tilespmem:$0x14000] =	vst v63  }
0x5d3: {  	_ =	swait.ge [sflag:s9], $0x4000  }
0x5d4: {  	[sflag:s9] =	ssyncset.done $0x0  }
0x5d5: {  	[sflag:s9] =	ssyncadd.s32 $0xFFFFC000  }
0x5d6: {  	[tilespmem:s11], [sflag:$0x3] =	stream.linear.gather [hbm4b:s10+s2], $0x4000, $0x38;
	[tilespmem:$0x14000] =	vst v63  }
0x5d7: {  	_ =	swait.ge [sflag:s19], $0x4000  }
0x5d8: {  	[sflag:s19] =	ssyncset.done $0x0  }
0x5d9: {  	[sflag:s19] =	ssyncadd.s32 $0xFFFFC000  }
0x5da: {  	[hbm4b:s8+s2] =	stream.linear.scatter [tilespmem:s14], [sflag:$0x5], $0x4000, $0x38;
	[tilespmem:$0x14000] =	vst v63  }
0x5db: {  	_ =	swait.ge [sflag:s6], $0x4000  }
0x5dc: {  	[sflag:s6] =	ssyncset.done $0x0  }
0x5dd: {  	[sflag:s6] =	ssyncadd.s32 $0xFFFFC000  }
0x5de: {  	[tilespmem:s2], [sflag:$0x1] =	stream.linear.gather [hbm4b:s7+s2], $0x4000, $0x38;
	[tilespmem:$0x14000] =	vst v63  }
0x5df: {  	_ =	swait.ge [sflag:s15], $0x4000  }
0x5e0: {  	[sflag:s15] =	ssyncset.done $0x0  }
0x5e1: {  	[sflag:s15] =	ssyncadd.s32 $0xFFFFC000  }
0x5e2: {  	[hbm4b:s30+s2] =	stream.linear.scatter [tilespmem:s11], [sflag:$0x6], $0x4000, $0x38;
	[tilespmem:$0x14000] =	vst v63  }
0x5e3: {  	_ =	swait.ge [sflag:s13], $0x4000  }
0x5e4: {  	[sflag:s13] =	ssyncset.done $0x0  }
0x5e5: {  	[sflag:s13] =	ssyncadd.s32 $0xFFFFC000  }
0x5e6: {  	_ =	swait.ge [sflag:s5], $0x4000  }
0x5e7: {  	[sflag:s5] =	ssyncset.done $0x0  }
0x5e8: {  	p1 =	sne.s32 s0, $0x1;
	[sflag:s5] =	ssyncadd.s32 $0xFFFFC000  }
0x5e9: {  	[hbm4b:s3+s2] =	stream.linear.scatter [tilespmem:s2], [sflag:$0x4], $0x4000, $0x38;
	[tilespmem:$0x14000] =	vst v63  }
.Ltmp2:
0x5ea: {  	_ =	swait.ge [sflag:s9], $0x4000;
	(pc) =	sbr.rel @p1 .LBB2_2-.Ltmp2, $4  }
0x5eb: {  	[sflag:s9] =	ssyncset.done $0x0  }
0x5ec: {  	[sflag:s9] =	ssyncadd.s32 $0xFFFFC000  }
0x5ed: {  	_ =	swait.ge [sflag:s6], $0x4000  }
0x5ee: {  	s0 =	sadd.s32 $0xFFFFFFFF, s0;
	s1 =	rddreg [dreg:$0x3];
	[sflag:s6] =	ssyncset.done $0x0  }
.LBB2_3:
0x5ef: {  	[sflag:s6] =	ssyncadd.s32 @p0 $0xFFFFC000  }
0x5f0: {  	[tilespmem:s31], [sflag:$0x7] =	stream.linear.gather [hbm4b:s1+s2], $0x4000, $0x38;
	[tilespmem:$0x14000] =	vst v63  }
0x5f1: {  	s0 =	rddreg [dreg:$0x4]  }
0x5f2: {  	[tilespmem:s2], [sflag:$0x1] =	stream.linear.gather [hbm4b:s0+s2], $0x4000, $0x38;
	[tilespmem:$0x14000] =	vst v63  }
0x5f3: {  	s1 =	rddreg [dreg:$0x5]  }
0x5f4: {  	[tilespmem:s4], [sflag:$0x8] =	stream.linear.gather [hbm4b:s1+s2], $0x4000, $0x38;
	[tilespmem:$0x14000] =	vst v63  }
0x5f5: {  	s0 =	rddreg [dreg:$0x6]  }
0x5f6: {  	[tilespmem:s14], [sflag:$0x2] =	stream.linear.gather [hbm4b:s0+s2], $0x4000, $0x38;
	[tilespmem:$0x14000] =	vst v63  }
0x5f7: {  	_ =	swait.ge [sflag:s5], $0x4000  }
0x5f8: {  	[sflag:s5] =	ssyncset.done $0x0  }
0x5f9: {  	[sflag:s5] =	ssyncadd.s32 $0xFFFFC000  }
0x5fa: {  	_ =	swait.ge [sflag:s29], $0x4000  }
0x5fb: {  	[sflag:s29] =	ssyncset.done $0x0  }
0x5fc: {  	s0 =	rddreg [dreg:$0x7];
	[sflag:s29] =	ssyncadd.s32 $0xFFFFC000  }
0x5fd: {  	[hbm4b:s0+s2] =	stream.linear.scatter [tilespmem:s2], [sflag:$0x4], $0x4000, $0x38;
	[tilespmem:$0x14000] =	vst v63  }
0x5fe: {  	s1 =	rddreg [dreg:$0x8]  }
0x5ff: {  	[tilespmem:s11], [sflag:$0x3] =	stream.linear.gather [hbm4b:s1+s2], $0x4000, $0x38;
	[tilespmem:$0x14000] =	vst v63  }
0x600: {  	_ =	swait.ge [sflag:s19], $0x4000  }
0x601: {  	[sflag:s19] =	ssyncset.done $0x0  }
0x602: {  	s1 =	rddreg [dreg:$0x9];
	[sflag:s19] =	ssyncadd.s32 $0xFFFFC000  }
0x603: {  	[hbm4b:s1+s2] =	stream.linear.scatter [tilespmem:s14], [sflag:$0x5], $0x4000, $0x38;
	[tilespmem:$0x14000] =	vst v63  }
0x604: {  	_ =	swait.ge [sflag:s6], $0x4000  }
0x605: {  	[sflag:s6] =	ssyncset.done $0x0  }
0x606: {  	s1 =	rddreg [dreg:$0xa];
	[sflag:s6] =	ssyncadd.s32 $0xFFFFC000  }
0x607: {  	[tilespmem:s2], [sflag:$0x1] =	stream.linear.gather [hbm4b:s1+s2], $0x4000, $0x38;
	[tilespmem:$0x14000] =	vst v63  }
0x608: {  	_ =	swait.ge [sflag:s15], $0x4000  }
0x609: {  	[sflag:s15] =	ssyncset.done $0x0  }
0x60a: {  	s1 =	rddreg [dreg:$0xb];
	[sflag:s15] =	ssyncadd.s32 $0xFFFFC000  }
0x60b: {  	[hbm4b:s1+s2] =	stream.linear.scatter [tilespmem:s11], [sflag:$0x6], $0x4000, $0x38;
	[tilespmem:$0x14000] =	vst v63  }
0x60c: {  	_ =	swait.ge [sflag:s13], $0x4000  }
0x60d: {  	[sflag:s13] =	ssyncset.done $0x0  }
0x60e: {  	s1 =	rddreg [dreg:$0xc];
	[sflag:s13] =	ssyncadd.s32 $0xFFFFC000  }
0x60f: {  	[tilespmem:s14], [sflag:$0x2] =	stream.linear.gather [hbm4b:s1+s2], $0x4000, $0x38;
	[tilespmem:$0x14000] =	vst v63  }
0x610: {  	_ =	swait.ge [sflag:s5], $0x4000  }
0x611: {  	[sflag:s5] =	ssyncset.done $0x0  }
0x612: {  	s0 =	rddreg [dreg:$0xd];
	[sflag:s5] =	ssyncadd.s32 $0xFFFFC000  }
0x613: {  	[hbm4b:s0+s2] =	stream.linear.scatter [tilespmem:s2], [sflag:$0x4], $0x4000, $0x38;
	[tilespmem:$0x14000] =	vst v63  }
0x614: {  	s1 =	rddreg [dreg:$0xe]  }
0x615: {  	[tilespmem:s31], [sflag:$0x7] =	stream.linear.gather [hbm4b:s1+s2], $0x4000, $0x38;
	[tilespmem:$0x14000] =	vst v63  }
0x616: {  	_ =	swait.ge [sflag:s9], $0x4000  }
0x617: {  	[sflag:s9] =	ssyncset.done $0x0  }
0x618: {  	s1 =	rddreg [dreg:$0xf];
	[sflag:s9] =	ssyncadd.s32 $0xFFFFC000  }
0x619: {  	[tilespmem:s11], [sflag:$0x3] =	stream.linear.gather [hbm4b:s1+s2], $0x4000, $0x38;
	[tilespmem:$0x14000] =	vst v63  }
0x61a: {  	_ =	swait.ge [sflag:s19], $0x4000  }
0x61b: {  	[sflag:s19] =	ssyncset.done $0x0  }
0x61c: {  	[sflag:s19] =	ssyncadd.s32 $0xFFFFC000  }
0x61d: {  	_ =	swait.ge [sflag:s25], $0x4000  }
0x61e: {  	[sflag:s25] =	ssyncset.done $0x0  }
0x61f: {  	s1 =	rddreg [dreg:$0x10];
	[sflag:s25] =	ssyncadd.s32 $0xFFFFC000  }
0x620: {  	[hbm4b:s1+s2] =	stream.linear.scatter [tilespmem:s14], [sflag:$0x5], $0x4000, $0x38;
	[tilespmem:$0x14000] =	vst v63  }
0x621: {  	_ =	swait.ge [sflag:s6], $0x4000  }
0x622: {  	[sflag:s6] =	ssyncset.done $0x0  }
0x623: {  	s1 =	rddreg [dreg:$0x11];
	[sflag:s6] =	ssyncadd.s32 $0xFFFFC000  }
0x624: {  	[tilespmem:s2], [sflag:$0x1] =	stream.linear.gather [hbm4b:s1+s2], $0x4000, $0x38;
	[tilespmem:$0x14000] =	vst v63  }
0x625: {  	_ =	swait.ge [sflag:s15], $0x4000  }
0x626: {  	[sflag:s15] =	ssyncset.done $0x0  }
0x627: {  	s1 =	rddreg [dreg:$0x12];
	[sflag:s15] =	ssyncadd.s32 $0xFFFFC000  }
0x628: {  	[hbm4b:s1+s2] =	stream.linear.scatter [tilespmem:s11], [sflag:$0x6], $0x4000, $0x38;
	[tilespmem:$0x14000] =	vst v63  }
0x629: {  	_ =	swait.ge [sflag:s13], $0x4000  }
0x62a: {  	[sflag:s13] =	ssyncset.done $0x0  }
0x62b: {  	s1 =	rddreg [dreg:$0x13];
	[sflag:s13] =	ssyncadd.s32 $0xFFFFC000  }
0x62c: {  	[tilespmem:s14], [sflag:$0x2] =	stream.linear.gather [hbm4b:s1+s2], $0x4000, $0x38;
	[tilespmem:$0x14000] =	vst v63  }
0x62d: {  	_ =	swait.ge [sflag:s5], $0x4000  }
0x62e: {  	[sflag:s5] =	ssyncset.done $0x0  }
0x62f: {  	s1 =	rddreg [dreg:$0x14];
	[sflag:s5] =	ssyncadd.s32 $0xFFFFC000  }
0x630: {  	[hbm4b:s1+s2] =	stream.linear.scatter [tilespmem:s2], [sflag:$0x4], $0x4000, $0x38;
	[tilespmem:$0x14000] =	vst v63  }
0x631: {  	_ =	swait.ge [sflag:s9], $0x4000  }
0x632: {  	[sflag:s9] =	ssyncset.done $0x0  }
0x633: {  	s1 =	rddreg [dreg:$0x15];
	[sflag:s9] =	ssyncadd.s32 $0xFFFFC000  }
0x634: {  	[tilespmem:s11], [sflag:$0x3] =	stream.linear.gather [hbm4b:s1+s2], $0x4000, $0x38;
	[tilespmem:$0x14000] =	vst v63  }
0x635: {  	_ =	swait.ge [sflag:s19], $0x4000  }
0x636: {  	[sflag:s19] =	ssyncset.done $0x0  }
0x637: {  	s0 =	rddreg [dreg:$0x16];
	[sflag:s19] =	ssyncadd.s32 $0xFFFFC000  }
0x638: {  	[hbm4b:s0+s2] =	stream.linear.scatter [tilespmem:s14], [sflag:$0x5], $0x4000, $0x38;
	[tilespmem:$0x14000] =	vst v63  }
0x639: {  	s1 =	rddreg [dreg:$0x17]  }
0x63a: {  	[tilespmem:s4], [sflag:$0x8] =	stream.linear.gather [hbm4b:s1+s2], $0x4000, $0x38;
	[tilespmem:$0x14000] =	vst v63  }
0x63b: {  	_ =	swait.ge [sflag:s6], $0x4000  }
0x63c: {  	[sflag:s6] =	ssyncset.done $0x0  }
0x63d: {  	s1 =	rddreg [dreg:$0x18];
	[sflag:s6] =	ssyncadd.s32 $0xFFFFC000  }
0x63e: {  	[tilespmem:s2], [sflag:$0x1] =	stream.linear.gather [hbm4b:s1+s2], $0x4000, $0x38;
	[tilespmem:$0x14000] =	vst v63  }
0x63f: {  	_ =	swait.ge [sflag:s15], $0x4000  }
0x640: {  	[sflag:s15] =	ssyncset.done $0x0  }
0x641: {  	[sflag:s15] =	ssyncadd.s32 $0xFFFFC000  }
0x642: {  	_ =	swait.ge [sflag:s29], $0x4000  }
0x643: {  	[sflag:s29] =	ssyncset.done $0x0  }
0x644: {  	s1 =	rddreg [dreg:$0x19];
	[sflag:s29] =	ssyncadd.s32 $0xFFFFC000  }
0x645: {  	[hbm4b:s1+s2] =	stream.linear.scatter [tilespmem:s11], [sflag:$0x6], $0x4000, $0x38;
	[tilespmem:$0x14000] =	vst v63  }
0x646: {  	_ =	swait.ge [sflag:s13], $0x4000  }
0x647: {  	[sflag:s13] =	ssyncset.done $0x0  }
0x648: {  	s1 =	rddreg [dreg:$0x1a];
	[sflag:s13] =	ssyncadd.s32 $0xFFFFC000  }
0x649: {  	[tilespmem:s14], [sflag:$0x2] =	stream.linear.gather [hbm4b:s1+s2], $0x4000, $0x38;
	[tilespmem:$0x14000] =	vst v63  }
0x64a: {  	_ =	swait.ge [sflag:s5], $0x4000  }
0x64b: {  	[sflag:s5] =	ssyncset.done $0x0  }
0x64c: {  	s1 =	rddreg [dreg:$0x1b];
	[sflag:s5] =	ssyncadd.s32 $0xFFFFC000  }
0x64d: {  	[hbm4b:s1+s2] =	stream.linear.scatter [tilespmem:s2], [sflag:$0x4], $0x4000, $0x38;
	[tilespmem:$0x14000] =	vst v63  }
0x64e: {  	_ =	swait.ge [sflag:s9], $0x4000  }
0x64f: {  	[sflag:s9] =	ssyncset.done $0x0  }
0x650: {  	s1 =	rddreg [dreg:$0x1c];
	[sflag:s9] =	ssyncadd.s32 $0xFFFFC000  }
0x651: {  	[tilespmem:s11], [sflag:$0x3] =	stream.linear.gather [hbm4b:s1+s2], $0x4000, $0x38;
	[tilespmem:$0x14000] =	vst v63  }
0x652: {  	_ =	swait.ge [sflag:s19], $0x4000  }
0x653: {  	[sflag:s19] =	ssyncset.done $0x0  }
0x654: {  	s1 =	rddreg [dreg:$0x1d];
	[sflag:s19] =	ssyncadd.s32 $0xFFFFC000  }
0x655: {  	[hbm4b:s1+s2] =	stream.linear.scatter [tilespmem:s14], [sflag:$0x5], $0x4000, $0x38;
	[tilespmem:$0x14000] =	vst v63  }
0x656: {  	_ =	swait.ge [sflag:s6], $0x4000  }
0x657: {  	[sflag:s6] =	ssyncset.done $0x0  }
0x658: {  	s1 =	rddreg [dreg:$0x1e];
	[sflag:s6] =	ssyncadd.s32 $0xFFFFC000  }
0x659: {  	[tilespmem:s2], [sflag:$0x1] =	stream.linear.gather [hbm4b:s1+s2], $0x4000, $0x38;
	[tilespmem:$0x14000] =	vst v63  }
0x65a: {  	_ =	swait.ge [sflag:s15], $0x4000  }
0x65b: {  	s0 =	rddreg [dreg:$0x1f];
	[sflag:s15] =	ssyncset.done $0x0  }
0x65c: {  	s1 =	sld [smem:$0x79B];
	[sflag:s15] =	ssyncadd.s32 $0xFFFFC000  }
0x65d: {  	[hbm4b:s0+s2] =	stream.linear.scatter [tilespmem:s11], [sflag:$0x6], $0x4000, $0x38;
	[tilespmem:$0x14000] =	vst v63  }
0x65e: {  	_ = 	snop  }
0x65f: {  	[tilespmem:s31], [sflag:$0x7] =	stream.linear.gather [hbm4b:s1+s2], $0x4000, $0x38;
	[tilespmem:$0x14000] =	vst v63  }
0x660: {  	_ =	swait.ge [sflag:s13], $0x4000  }
0x661: {  	s1 =	sld [smem:$0x79C]  }
0x662: {  	[sflag:s13] =	ssyncset.done $0x0  }
0x663: {  	[sflag:s13] =	ssyncadd.s32 $0xFFFFC000  }
0x664: {  	[tilespmem:s14], [sflag:$0x2] =	stream.linear.gather [hbm4b:s1+s2], $0x4000, $0x38;
	[tilespmem:$0x14000] =	vst v63  }
0x665: {  	_ =	swait.ge [sflag:s5], $0x4000  }
0x666: {  	[sflag:s5] =	ssyncset.done $0x0  }
0x667: {  	[sflag:s5] =	ssyncadd.s32 $0xFFFFC000  }
0x668: {  	_ =	swait.ge [sflag:s25], $0x4000  }
0x669: {  	s1 =	sld [smem:$0x79D]  }
0x66a: {  	[sflag:s25] =	ssyncset.done $0x0  }
0x66b: {  	[sflag:s25] =	ssyncadd.s32 $0xFFFFC000  }
0x66c: {  	[hbm4b:s1+s2] =	stream.linear.scatter [tilespmem:s2], [sflag:$0x4], $0x4000, $0x38;
	[tilespmem:$0x14000] =	vst v63  }
0x66d: {  	_ =	swait.ge [sflag:s9], $0x4000  }
0x66e: {  	s1 =	sld [smem:$0x79E]  }
0x66f: {  	[sflag:s9] =	ssyncset.done $0x0  }
0x670: {  	[sflag:s9] =	ssyncadd.s32 $0xFFFFC000  }
0x671: {  	[tilespmem:s11], [sflag:$0x3] =	stream.linear.gather [hbm4b:s1+s2], $0x4000, $0x38;
	[tilespmem:$0x14000] =	vst v63  }
0x672: {  	_ =	swait.ge [sflag:s19], $0x4000  }
0x673: {  	s1 =	sld [smem:$0x79F]  }
0x674: {  	[sflag:s19] =	ssyncset.done $0x0  }
0x675: {  	[sflag:s19] =	ssyncadd.s32 $0xFFFFC000  }
0x676: {  	[hbm4b:s1+s2] =	stream.linear.scatter [tilespmem:s14], [sflag:$0x5], $0x4000, $0x38;
	[tilespmem:$0x14000] =	vst v63  }
0x677: {  	_ =	swait.ge [sflag:s6], $0x4000  }
0x678: {  	s1 =	sld [smem:$0x7A0]  }
0x679: {  	[sflag:s6] =	ssyncset.done $0x0  }
0x67a: {  	[sflag:s6] =	ssyncadd.s32 $0xFFFFC000  }
0x67b: {  	[tilespmem:s2], [sflag:$0x1] =	stream.linear.gather [hbm4b:s1+s2], $0x4000, $0x38;
	[tilespmem:$0x14000] =	vst v63  }
0x67c: {  	_ =	swait.ge [sflag:s15], $0x4000  }
0x67d: {  	s1 =	sld [smem:$0x7A1]  }
0x67e: {  	[sflag:s15] =	ssyncset.done $0x0  }
0x67f: {  	[sflag:s15] =	ssyncadd.s32 $0xFFFFC000  }
0x680: {  	[hbm4b:s1+s2] =	stream.linear.scatter [tilespmem:s11], [sflag:$0x6], $0x4000, $0x38;
	[tilespmem:$0x14000] =	vst v63  }
0x681: {  	_ =	swait.ge [sflag:s13], $0x4000  }
0x682: {  	s1 =	sld [smem:$0x7A2]  }
0x683: {  	[sflag:s13] =	ssyncset.done $0x0  }
0x684: {  	[sflag:s13] =	ssyncadd.s32 $0xFFFFC000  }
0x685: {  	[tilespmem:s14], [sflag:$0x2] =	stream.linear.gather [hbm4b:s1+s2], $0x4000, $0x38;
	[tilespmem:$0x14000] =	vst v63  }
0x686: {  	_ =	swait.ge [sflag:s5], $0x4000  }
0x687: {  	s0 =	sld [smem:$0x7A3]  }
0x688: {  	[sflag:s5] =	ssyncset.done $0x0  }
0x689: {  	s1 =	sld [smem:$0x7A4];
	[sflag:s5] =	ssyncadd.s32 $0xFFFFC000  }
0x68a: {  	[hbm4b:s0+s2] =	stream.linear.scatter [tilespmem:s2], [sflag:$0x4], $0x4000, $0x38;
	[tilespmem:$0x14000] =	vst v63  }
0x68b: {  	_ = 	snop  }
0x68c: {  	[tilespmem:s4], [sflag:$0x8] =	stream.linear.gather [hbm4b:s1+s2], $0x4000, $0x38;
	[tilespmem:$0x14000] =	vst v63  }
0x68d: {  	_ =	swait.ge [sflag:s9], $0x4000  }
0x68e: {  	s1 =	sld [smem:$0x7A5]  }
0x68f: {  	[sflag:s9] =	ssyncset.done $0x0  }
0x690: {  	[sflag:s9] =	ssyncadd.s32 $0xFFFFC000  }
0x691: {  	[tilespmem:s11], [sflag:$0x3] =	stream.linear.gather [hbm4b:s1+s2], $0x4000, $0x38;
	[tilespmem:$0x14000] =	vst v63  }
0x692: {  	_ =	swait.ge [sflag:s19], $0x4000  }
0x693: {  	[sflag:s19] =	ssyncset.done $0x0  }
0x694: {  	[sflag:s19] =	ssyncadd.s32 $0xFFFFC000  }
0x695: {  	_ =	swait.ge [sflag:s29], $0x4000  }
0x696: {  	s1 =	sld [smem:$0x7A6]  }
0x697: {  	[sflag:s29] =	ssyncset.done $0x0  }
0x698: {  	[sflag:s29] =	ssyncadd.s32 $0xFFFFC000  }
0x699: {  	[hbm4b:s1+s2] =	stream.linear.scatter [tilespmem:s14], [sflag:$0x5], $0x4000, $0x38;
	[tilespmem:$0x14000] =	vst v63  }
0x69a: {  	_ =	swait.ge [sflag:s6], $0x4000  }
0x69b: {  	s1 =	sld [smem:$0x7A7]  }
0x69c: {  	[sflag:s6] =	ssyncset.done $0x0  }
0x69d: {  	[sflag:s6] =	ssyncadd.s32 $0xFFFFC000  }
0x69e: {  	[tilespmem:s2], [sflag:$0x1] =	stream.linear.gather [hbm4b:s1+s2], $0x4000, $0x38;
	[tilespmem:$0x14000] =	vst v63  }
0x69f: {  	_ =	swait.ge [sflag:s15], $0x4000  }
0x6a0: {  	s1 =	sld [smem:$0x7A8]  }
0x6a1: {  	[sflag:s15] =	ssyncset.done $0x0  }
0x6a2: {  	[sflag:s15] =	ssyncadd.s32 $0xFFFFC000  }
0x6a3: {  	[hbm4b:s1+s2] =	stream.linear.scatter [tilespmem:s11], [sflag:$0x6], $0x4000, $0x38;
	[tilespmem:$0x14000] =	vst v63  }
0x6a4: {  	_ =	swait.ge [sflag:s13], $0x4000  }
0x6a5: {  	s1 =	sld [smem:$0x7A9]  }
0x6a6: {  	[sflag:s13] =	ssyncset.done $0x0  }
0x6a7: {  	[sflag:s13] =	ssyncadd.s32 $0xFFFFC000  }
0x6a8: {  	[tilespmem:s14], [sflag:$0x2] =	stream.linear.gather [hbm4b:s1+s2], $0x4000, $0x38;
	[tilespmem:$0x14000] =	vst v63  }
0x6a9: {  	_ =	swait.ge [sflag:s5], $0x4000  }
0x6aa: {  	s1 =	sld [smem:$0x7AA]  }
0x6ab: {  	[sflag:s5] =	ssyncset.done $0x0  }
0x6ac: {  	[sflag:s5] =	ssyncadd.s32 $0xFFFFC000  }
0x6ad: {  	[hbm4b:s1+s2] =	stream.linear.scatter [tilespmem:s2], [sflag:$0x4], $0x4000, $0x38;
	[tilespmem:$0x14000] =	vst v63  }
0x6ae: {  	_ =	swait.ge [sflag:s9], $0x4000  }
0x6af: {  	s1 =	sld [smem:$0x7AB]  }
0x6b0: {  	[sflag:s9] =	ssyncset.done $0x0  }
0x6b1: {  	[sflag:s9] =	ssyncadd.s32 $0xFFFFC000  }
0x6b2: {  	[tilespmem:s11], [sflag:$0x3] =	stream.linear.gather [hbm4b:s1+s2], $0x4000, $0x38;
	[tilespmem:$0x14000] =	vst v63  }
0x6b3: {  	_ =	swait.ge [sflag:s19], $0x4000  }
0x6b4: {  	s0 =	sld [smem:$0x7AC]  }
0x6b5: {  	[sflag:s19] =	ssyncset.done $0x0  }
0x6b6: {  	s1 =	sld [smem:$0x7AD];
	[sflag:s19] =	ssyncadd.s32 $0xFFFFC000  }
0x6b7: {  	[hbm4b:s0+s2] =	stream.linear.scatter [tilespmem:s14], [sflag:$0x5], $0x4000, $0x38;
	[tilespmem:$0x14000] =	vst v63  }
0x6b8: {  	_ = 	snop  }
0x6b9: {  	[tilespmem:s31], [sflag:$0x7] =	stream.linear.gather [hbm4b:s1+s2], $0x4000, $0x38;
	[tilespmem:$0x14000] =	vst v63  }
0x6ba: {  	_ =	swait.ge [sflag:s6], $0x4000  }
0x6bb: {  	s1 =	sld [smem:$0x7AE]  }
0x6bc: {  	[sflag:s6] =	ssyncset.done $0x0  }
0x6bd: {  	[sflag:s6] =	ssyncadd.s32 $0xFFFFC000  }
0x6be: {  	[tilespmem:s2], [sflag:$0x1] =	stream.linear.gather [hbm4b:s1+s2], $0x4000, $0x38;
	[tilespmem:$0x14000] =	vst v63  }
0x6bf: {  	_ =	swait.ge [sflag:s15], $0x4000  }
0x6c0: {  	[sflag:s15] =	ssyncset.done $0x0  }
0x6c1: {  	[sflag:s15] =	ssyncadd.s32 $0xFFFFC000  }
0x6c2: {  	_ =	swait.ge [sflag:s25], $0x4000  }
0x6c3: {  	s1 =	sld [smem:$0x7AF]  }
0x6c4: {  	[sflag:s25] =	ssyncset.done $0x0  }
0x6c5: {  	[sflag:s25] =	ssyncadd.s32 $0xFFFFC000  }
0x6c6: {  	[hbm4b:s1+s2] =	stream.linear.scatter [tilespmem:s11], [sflag:$0x6], $0x4000, $0x38;
	[tilespmem:$0x14000] =	vst v63  }
0x6c7: {  	_ =	swait.ge [sflag:s13], $0x4000  }
0x6c8: {  	s1 =	sld [smem:$0x7B0]  }
0x6c9: {  	[sflag:s13] =	ssyncset.done $0x0  }
0x6ca: {  	[sflag:s13] =	ssyncadd.s32 $0xFFFFC000  }
0x6cb: {  	[tilespmem:s14], [sflag:$0x2] =	stream.linear.gather [hbm4b:s1+s2], $0x4000, $0x38;
	[tilespmem:$0x14000] =	vst v63  }
0x6cc: {  	_ =	swait.ge [sflag:s5], $0x4000  }
0x6cd: {  	s1 =	sld [smem:$0x7B1]  }
0x6ce: {  	[sflag:s5] =	ssyncset.done $0x0  }
0x6cf: {  	[sflag:s5] =	ssyncadd.s32 $0xFFFFC000  }
0x6d0: {  	[hbm4b:s1+s2] =	stream.linear.scatter [tilespmem:s2], [sflag:$0x4], $0x4000, $0x38;
	[tilespmem:$0x14000] =	vst v63  }
0x6d1: {  	_ =	swait.ge [sflag:s9], $0x4000  }
0x6d2: {  	s1 =	sld [smem:$0x7B2]  }
0x6d3: {  	[sflag:s9] =	ssyncset.done $0x0  }
0x6d4: {  	[sflag:s9] =	ssyncadd.s32 $0xFFFFC000  }
0x6d5: {  	[tilespmem:s11], [sflag:$0x3] =	stream.linear.gather [hbm4b:s1+s2], $0x4000, $0x38;
	[tilespmem:$0x14000] =	vst v63  }
0x6d6: {  	_ =	swait.ge [sflag:s19], $0x4000  }
0x6d7: {  	s1 =	sld [smem:$0x7B3]  }
0x6d8: {  	[sflag:s19] =	ssyncset.done $0x0  }
0x6d9: {  	[sflag:s19] =	ssyncadd.s32 $0xFFFFC000  }
0x6da: {  	[hbm4b:s1+s2] =	stream.linear.scatter [tilespmem:s14], [sflag:$0x5], $0x4000, $0x38;
	[tilespmem:$0x14000] =	vst v63  }
0x6db: {  	_ =	swait.ge [sflag:s6], $0x4000  }
0x6dc: {  	s1 =	sld [smem:$0x7B4]  }
0x6dd: {  	[sflag:s6] =	ssyncset.done $0x0  }
0x6de: {  	[sflag:s6] =	ssyncadd.s32 $0xFFFFC000  }
0x6df: {  	[tilespmem:s2], [sflag:$0x1] =	stream.linear.gather [hbm4b:s1+s2], $0x4000, $0x38;
	[tilespmem:$0x14000] =	vst v63  }
0x6e0: {  	_ =	swait.ge [sflag:s15], $0x4000  }
0x6e1: {  	s0 =	sld [smem:$0x7B5]  }
0x6e2: {  	[sflag:s15] =	ssyncset.done $0x0  }
0x6e3: {  	s1 =	sld [smem:$0x7B6];
	[sflag:s15] =	ssyncadd.s32 $0xFFFFC000  }
0x6e4: {  	[hbm4b:s0+s2] =	stream.linear.scatter [tilespmem:s11], [sflag:$0x6], $0x4000, $0x38;
	[tilespmem:$0x14000] =	vst v63  }
0x6e5: {  	_ = 	snop  }
0x6e6: {  	[tilespmem:s4], [sflag:$0x8] =	stream.linear.gather [hbm4b:s1+s2], $0x4000, $0x38;
	[tilespmem:$0x14000] =	vst v63  }
0x6e7: {  	_ =	swait.ge [sflag:s13], $0x4000  }
0x6e8: {  	s1 =	sld [smem:$0x7B7]  }
0x6e9: {  	[sflag:s13] =	ssyncset.done $0x0  }
0x6ea: {  	[sflag:s13] =	ssyncadd.s32 $0xFFFFC000  }
0x6eb: {  	[tilespmem:s14], [sflag:$0x2] =	stream.linear.gather [hbm4b:s1+s2], $0x4000, $0x38;
	[tilespmem:$0x14000] =	vst v63  }
0x6ec: {  	_ =	swait.ge [sflag:s5], $0x4000  }
0x6ed: {  	[sflag:s5] =	ssyncset.done $0x0  }
0x6ee: {  	[sflag:s5] =	ssyncadd.s32 $0xFFFFC000  }
0x6ef: {  	_ =	swait.ge [sflag:s29], $0x4000  }
0x6f0: {  	s1 =	sld [smem:$0x7B8]  }
0x6f1: {  	[sflag:s29] =	ssyncset.done $0x0  }
0x6f2: {  	[sflag:s29] =	ssyncadd.s32 $0xFFFFC000  }
0x6f3: {  	[hbm4b:s1+s2] =	stream.linear.scatter [tilespmem:s2], [sflag:$0x4], $0x4000, $0x38;
	[tilespmem:$0x14000] =	vst v63  }
0x6f4: {  	_ =	swait.ge [sflag:s9], $0x4000  }
0x6f5: {  	s1 =	sld [smem:$0x7B9]  }
0x6f6: {  	[sflag:s9] =	ssyncset.done $0x0  }
0x6f7: {  	[sflag:s9] =	ssyncadd.s32 $0xFFFFC000  }
0x6f8: {  	[tilespmem:s11], [sflag:$0x3] =	stream.linear.gather [hbm4b:s1+s2], $0x4000, $0x38;
	[tilespmem:$0x14000] =	vst v63  }
0x6f9: {  	_ =	swait.ge [sflag:s19], $0x4000  }
0x6fa: {  	s1 =	sld [smem:$0x7BA]  }
0x6fb: {  	[sflag:s19] =	ssyncset.done $0x0  }
0x6fc: {  	[sflag:s19] =	ssyncadd.s32 $0xFFFFC000  }
0x6fd: {  	[hbm4b:s1+s2] =	stream.linear.scatter [tilespmem:s14], [sflag:$0x5], $0x4000, $0x38;
	[tilespmem:$0x14000] =	vst v63  }
0x6fe: {  	_ =	swait.ge [sflag:s6], $0x4000  }
0x6ff: {  	s1 =	sld [smem:$0x7BB]  }
0x700: {  	[sflag:s6] =	ssyncset.done $0x0  }
0x701: {  	[sflag:s6] =	ssyncadd.s32 $0xFFFFC000  }
0x702: {  	[tilespmem:s2], [sflag:$0x1] =	stream.linear.gather [hbm4b:s1+s2], $0x4000, $0x38;
	[tilespmem:$0x14000] =	vst v63  }
0x703: {  	_ =	swait.ge [sflag:s15], $0x4000  }
0x704: {  	s1 =	sld [smem:$0x7BC]  }
0x705: {  	[sflag:s15] =	ssyncset.done $0x0  }
0x706: {  	[sflag:s15] =	ssyncadd.s32 $0xFFFFC000  }
0x707: {  	[hbm4b:s1+s2] =	stream.linear.scatter [tilespmem:s11], [sflag:$0x6], $0x4000, $0x38;
	[tilespmem:$0x14000] =	vst v63  }
0x708: {  	_ =	swait.ge [sflag:s13], $0x4000  }
0x709: {  	s1 =	sld [smem:$0x7BD]  }
0x70a: {  	[sflag:s13] =	ssyncset.done $0x0  }
0x70b: {  	[sflag:s13] =	ssyncadd.s32 $0xFFFFC000  }
0x70c: {  	[tilespmem:s14], [sflag:$0x2] =	stream.linear.gather [hbm4b:s1+s2], $0x4000, $0x38;
	[tilespmem:$0x14000] =	vst v63  }
0x70d: {  	_ =	swait.ge [sflag:s5], $0x4000  }
0x70e: {  	s0 =	sld [smem:$0x7BE]  }
0x70f: {  	[sflag:s5] =	ssyncset.done $0x0  }
0x710: {  	s1 =	sld [smem:$0x7BF];
	[sflag:s5] =	ssyncadd.s32 $0xFFFFC000  }
0x711: {  	[hbm4b:s0+s2] =	stream.linear.scatter [tilespmem:s2], [sflag:$0x4], $0x4000, $0x38;
	[tilespmem:$0x14000] =	vst v63  }
0x712: {  	_ = 	snop  }
0x713: {  	[tilespmem:s31], [sflag:$0x7] =	stream.linear.gather [hbm4b:s1+s2], $0x4000, $0x38;
	[tilespmem:$0x14000] =	vst v63  }
0x714: {  	_ =	swait.ge [sflag:s9], $0x4000  }
0x715: {  	s1 =	sld [smem:$0x7C0]  }
0x716: {  	[sflag:s9] =	ssyncset.done $0x0  }
0x717: {  	[sflag:s9] =	ssyncadd.s32 $0xFFFFC000  }
0x718: {  	[tilespmem:s11], [sflag:$0x3] =	stream.linear.gather [hbm4b:s1+s2], $0x4000, $0x38;
	[tilespmem:$0x14000] =	vst v63  }
0x719: {  	_ =	swait.ge [sflag:s19], $0x4000  }
0x71a: {  	[sflag:s19] =	ssyncset.done $0x0  }
0x71b: {  	[sflag:s19] =	ssyncadd.s32 $0xFFFFC000  }
0x71c: {  	_ =	swait.ge [sflag:s25], $0x4000  }
0x71d: {  	s1 =	sld [smem:$0x7C1]  }
0x71e: {  	[sflag:s25] =	ssyncset.done $0x0  }
0x71f: {  	[sflag:s25] =	ssyncadd.s32 $0xFFFFC000  }
0x720: {  	[hbm4b:s1+s2] =	stream.linear.scatter [tilespmem:s14], [sflag:$0x5], $0x4000, $0x38;
	[tilespmem:$0x14000] =	vst v63  }
0x721: {  	_ =	swait.ge [sflag:s6], $0x4000  }
0x722: {  	s1 =	sld [smem:$0x7C2]  }
0x723: {  	[sflag:s6] =	ssyncset.done $0x0  }
0x724: {  	[sflag:s6] =	ssyncadd.s32 $0xFFFFC000  }
0x725: {  	[tilespmem:s2], [sflag:$0x1] =	stream.linear.gather [hbm4b:s1+s2], $0x4000, $0x38;
	[tilespmem:$0x14000] =	vst v63  }
0x726: {  	_ =	swait.ge [sflag:s15], $0x4000  }
0x727: {  	s1 =	sld [smem:$0x7C3]  }
0x728: {  	[sflag:s15] =	ssyncset.done $0x0  }
0x729: {  	[sflag:s15] =	ssyncadd.s32 $0xFFFFC000  }
0x72a: {  	[hbm4b:s1+s2] =	stream.linear.scatter [tilespmem:s11], [sflag:$0x6], $0x4000, $0x38;
	[tilespmem:$0x14000] =	vst v63  }
0x72b: {  	_ =	swait.ge [sflag:s13], $0x4000  }
0x72c: {  	s1 =	sld [smem:$0x7C4]  }
0x72d: {  	[sflag:s13] =	ssyncset.done $0x0  }
0x72e: {  	[sflag:s13] =	ssyncadd.s32 $0xFFFFC000  }
0x72f: {  	[tilespmem:s14], [sflag:$0x2] =	stream.linear.gather [hbm4b:s1+s2], $0x4000, $0x38;
	[tilespmem:$0x14000] =	vst v63  }
0x730: {  	_ =	swait.ge [sflag:s5], $0x4000  }
0x731: {  	s1 =	sld [smem:$0x7C5]  }
0x732: {  	[sflag:s5] =	ssyncset.done $0x0  }
0x733: {  	[sflag:s5] =	ssyncadd.s32 $0xFFFFC000  }
0x734: {  	[hbm4b:s1+s2] =	stream.linear.scatter [tilespmem:s2], [sflag:$0x4], $0x4000, $0x38;
	[tilespmem:$0x14000] =	vst v63  }
0x735: {  	_ =	swait.ge [sflag:s9], $0x4000  }
0x736: {  	s1 =	sld [smem:$0x7C6]  }
0x737: {  	[sflag:s9] =	ssyncset.done $0x0  }
0x738: {  	[sflag:s9] =	ssyncadd.s32 $0xFFFFC000  }
0x739: {  	[tilespmem:s11], [sflag:$0x3] =	stream.linear.gather [hbm4b:s1+s2], $0x4000, $0x38;
	[tilespmem:$0x14000] =	vst v63  }
0x73a: {  	_ =	swait.ge [sflag:s19], $0x4000  }
0x73b: {  	s0 =	sld [smem:$0x7C7]  }
0x73c: {  	[sflag:s19] =	ssyncset.done $0x0  }
0x73d: {  	s1 =	sld [smem:$0x7C8];
	[sflag:s19] =	ssyncadd.s32 $0xFFFFC000  }
0x73e: {  	[hbm4b:s0+s2] =	stream.linear.scatter [tilespmem:s14], [sflag:$0x5], $0x4000, $0x38;
	[tilespmem:$0x14000] =	vst v63  }
0x73f: {  	_ = 	snop  }
0x740: {  	[tilespmem:s4], [sflag:$0x8] =	stream.linear.gather [hbm4b:s1+s2], $0x4000, $0x38;
	[tilespmem:$0x14000] =	vst v63  }
0x741: {  	_ =	swait.ge [sflag:s6], $0x4000  }
0x742: {  	s1 =	sld [smem:$0x7C9]  }
0x743: {  	[sflag:s6] =	ssyncset.done $0x0  }
0x744: {  	[sflag:s6] =	ssyncadd.s32 $0xFFFFC000  }
0x745: {  	[tilespmem:s2], [sflag:$0x1] =	stream.linear.gather [hbm4b:s1+s2], $0x4000, $0x38;
	[tilespmem:$0x14000] =	vst v63  }
0x746: {  	_ =	swait.ge [sflag:s15], $0x4000  }
0x747: {  	[sflag:s15] =	ssyncset.done $0x0  }
0x748: {  	[sflag:s15] =	ssyncadd.s32 $0xFFFFC000  }
0x749: {  	_ =	swait.ge [sflag:s29], $0x4000  }
0x74a: {  	s1 =	sld [smem:$0x7CA]  }
0x74b: {  	[sflag:s29] =	ssyncset.done $0x0  }
0x74c: {  	[sflag:s29] =	ssyncadd.s32 $0xFFFFC000  }
0x74d: {  	[hbm4b:s1+s2] =	stream.linear.scatter [tilespmem:s11], [sflag:$0x6], $0x4000, $0x38;
	[tilespmem:$0x14000] =	vst v63  }
0x74e: {  	_ =	swait.ge [sflag:s13], $0x4000  }
0x74f: {  	s1 =	sld [smem:$0x7CB]  }
0x750: {  	[sflag:s13] =	ssyncset.done $0x0  }
0x751: {  	[sflag:s13] =	ssyncadd.s32 $0xFFFFC000  }
0x752: {  	[tilespmem:s14], [sflag:$0x2] =	stream.linear.gather [hbm4b:s1+s2], $0x4000, $0x38;
	[tilespmem:$0x14000] =	vst v63  }
0x753: {  	_ =	swait.ge [sflag:s5], $0x4000  }
0x754: {  	s1 =	sld [smem:$0x7CC]  }
0x755: {  	[sflag:s5] =	ssyncset.done $0x0  }
0x756: {  	[sflag:s5] =	ssyncadd.s32 $0xFFFFC000  }
0x757: {  	[hbm4b:s1+s2] =	stream.linear.scatter [tilespmem:s2], [sflag:$0x4], $0x4000, $0x38;
	[tilespmem:$0x14000] =	vst v63  }
0x758: {  	_ =	swait.ge [sflag:s9], $0x4000  }
0x759: {  	s1 =	sld [smem:$0x7CD]  }
0x75a: {  	[sflag:s9] =	ssyncset.done $0x0  }
0x75b: {  	[sflag:s9] =	ssyncadd.s32 $0xFFFFC000  }
0x75c: {  	[tilespmem:s11], [sflag:$0x3] =	stream.linear.gather [hbm4b:s1+s2], $0x4000, $0x38;
	[tilespmem:$0x14000] =	vst v63  }
0x75d: {  	_ =	swait.ge [sflag:s19], $0x4000  }
0x75e: {  	s1 =	sld [smem:$0x7CE]  }
0x75f: {  	[sflag:s19] =	ssyncset.done $0x0  }
0x760: {  	[sflag:s19] =	ssyncadd.s32 $0xFFFFC000  }
0x761: {  	[hbm4b:s1+s2] =	stream.linear.scatter [tilespmem:s14], [sflag:$0x5], $0x4000, $0x38;
	[tilespmem:$0x14000] =	vst v63  }
0x762: {  	_ =	swait.ge [sflag:s6], $0x4000  }
0x763: {  	s1 =	sld [smem:$0x7CF]  }
0x764: {  	[sflag:s6] =	ssyncset.done $0x0  }
0x765: {  	[sflag:s6] =	ssyncadd.s32 $0xFFFFC000  }
0x766: {  	[tilespmem:s2], [sflag:$0x1] =	stream.linear.gather [hbm4b:s1+s2], $0x4000, $0x38;
	[tilespmem:$0x14000] =	vst v63  }
0x767: {  	_ =	swait.ge [sflag:s15], $0x4000  }
0x768: {  	s0 =	sld [smem:$0x7D0]  }
0x769: {  	[sflag:s15] =	ssyncset.done $0x0  }
0x76a: {  	s1 =	sld [smem:$0x7D1];
	[sflag:s15] =	ssyncadd.s32 $0xFFFFC000  }
0x76b: {  	[hbm4b:s0+s2] =	stream.linear.scatter [tilespmem:s11], [sflag:$0x6], $0x4000, $0x38;
	[tilespmem:$0x14000] =	vst v63  }
0x76c: {  	_ = 	snop  }
0x76d: {  	[tilespmem:s31], [sflag:$0x7] =	stream.linear.gather [hbm4b:s1+s2], $0x4000, $0x38;
	[tilespmem:$0x14000] =	vst v63  }
0x76e: {  	_ =	swait.ge [sflag:s13], $0x4000  }
0x76f: {  	s1 =	sld [smem:$0x7D2]  }
0x770: {  	[sflag:s13] =	ssyncset.done $0x0  }
0x771: {  	[sflag:s13] =	ssyncadd.s32 $0xFFFFC000  }
0x772: {  	[tilespmem:s14], [sflag:$0x2] =	stream.linear.gather [hbm4b:s1+s2], $0x4000, $0x38;
	[tilespmem:$0x14000] =	vst v63  }
0x773: {  	_ =	swait.ge [sflag:s5], $0x4000  }
0x774: {  	[sflag:s5] =	ssyncset.done $0x0  }
0x775: {  	[sflag:s5] =	ssyncadd.s32 $0xFFFFC000  }
0x776: {  	_ =	swait.ge [sflag:s25], $0x4000  }
0x777: {  	s1 =	sld [smem:$0x7D3]  }
0x778: {  	[sflag:s25] =	ssyncset.done $0x0  }
0x779: {  	[sflag:s25] =	ssyncadd.s32 $0xFFFFC000  }
0x77a: {  	[hbm4b:s1+s2] =	stream.linear.scatter [tilespmem:s2], [sflag:$0x4], $0x4000, $0x38;
	[tilespmem:$0x14000] =	vst v63  }
0x77b: {  	_ =	swait.ge [sflag:s9], $0x4000  }
0x77c: {  	s1 =	sld [smem:$0x7D4]  }
0x77d: {  	[sflag:s9] =	ssyncset.done $0x0  }
0x77e: {  	[sflag:s9] =	ssyncadd.s32 $0xFFFFC000  }
0x77f: {  	[tilespmem:s11], [sflag:$0x3] =	stream.linear.gather [hbm4b:s1+s2], $0x4000, $0x38;
	[tilespmem:$0x14000] =	vst v63  }
0x780: {  	_ =	swait.ge [sflag:s19], $0x4000  }
0x781: {  	s1 =	sld [smem:$0x7D5]  }
0x782: {  	[sflag:s19] =	ssyncset.done $0x0  }
0x783: {  	[sflag:s19] =	ssyncadd.s32 $0xFFFFC000  }
0x784: {  	[hbm4b:s1+s2] =	stream.linear.scatter [tilespmem:s14], [sflag:$0x5], $0x4000, $0x38;
	[tilespmem:$0x14000] =	vst v63  }
0x785: {  	_ =	swait.ge [sflag:s6], $0x4000  }
0x786: {  	s1 =	sld [smem:$0x7D6]  }
0x787: {  	[sflag:s6] =	ssyncset.done $0x0  }
0x788: {  	[sflag:s6] =	ssyncadd.s32 $0xFFFFC000  }
0x789: {  	[tilespmem:s2], [sflag:$0x1] =	stream.linear.gather [hbm4b:s1+s2], $0x4000, $0x38;
	[tilespmem:$0x14000] =	vst v63  }
0x78a: {  	_ =	swait.ge [sflag:s15], $0x4000  }
0x78b: {  	s1 =	sld [smem:$0x7D7]  }
0x78c: {  	[sflag:s15] =	ssyncset.done $0x0  }
0x78d: {  	[sflag:s15] =	ssyncadd.s32 $0xFFFFC000  }
0x78e: {  	[hbm4b:s1+s2] =	stream.linear.scatter [tilespmem:s11], [sflag:$0x6], $0x4000, $0x38;
	[tilespmem:$0x14000] =	vst v63  }
0x78f: {  	_ =	swait.ge [sflag:s13], $0x4000  }
0x790: {  	s1 =	sld [smem:$0x7D8]  }
0x791: {  	[sflag:s13] =	ssyncset.done $0x0  }
0x792: {  	[sflag:s13] =	ssyncadd.s32 $0xFFFFC000  }
0x793: {  	[tilespmem:s14], [sflag:$0x2] =	stream.linear.gather [hbm4b:s1+s2], $0x4000, $0x38;
	[tilespmem:$0x14000] =	vst v63  }
0x794: {  	_ =	swait.ge [sflag:s5], $0x4000  }
0x795: {  	s0 =	sld [smem:$0x7D9]  }
0x796: {  	[sflag:s5] =	ssyncset.done $0x0  }
0x797: {  	s1 =	sld [smem:$0x7DA];
	[sflag:s5] =	ssyncadd.s32 $0xFFFFC000  }
0x798: {  	[hbm4b:s0+s2] =	stream.linear.scatter [tilespmem:s2], [sflag:$0x4], $0x4000, $0x38;
	[tilespmem:$0x14000] =	vst v63  }
0x799: {  	_ = 	snop  }
0x79a: {  	[tilespmem:s4], [sflag:$0x8] =	stream.linear.gather [hbm4b:s1+s2], $0x4000, $0x38;
	[tilespmem:$0x14000] =	vst v63  }
0x79b: {  	_ =	swait.ge [sflag:s9], $0x4000  }
0x79c: {  	s1 =	sld [smem:$0x7DB]  }
0x79d: {  	[sflag:s9] =	ssyncset.done $0x0  }
0x79e: {  	[sflag:s9] =	ssyncadd.s32 $0xFFFFC000  }
0x79f: {  	[tilespmem:s11], [sflag:$0x3] =	stream.linear.gather [hbm4b:s1+s2], $0x4000, $0x38;
	[tilespmem:$0x14000] =	vst v63  }
0x7a0: {  	_ =	swait.ge [sflag:s19], $0x4000  }
0x7a1: {  	[sflag:s19] =	ssyncset.done $0x0  }
0x7a2: {  	[sflag:s19] =	ssyncadd.s32 $0xFFFFC000  }
0x7a3: {  	_ =	swait.ge [sflag:s29], $0x4000  }
0x7a4: {  	s1 =	sld [smem:$0x7DC]  }
0x7a5: {  	[sflag:s29] =	ssyncset.done $0x0  }
0x7a6: {  	[sflag:s29] =	ssyncadd.s32 $0xFFFFC000  }
0x7a7: {  	[hbm4b:s1+s2] =	stream.linear.scatter [tilespmem:s14], [sflag:$0x5], $0x4000, $0x38;
	[tilespmem:$0x14000] =	vst v63  }
0x7a8: {  	_ =	swait.ge [sflag:s6], $0x4000  }
0x7a9: {  	s1 =	sld [smem:$0x7DD]  }
0x7aa: {  	[sflag:s6] =	ssyncset.done $0x0  }
0x7ab: {  	[sflag:s6] =	ssyncadd.s32 $0xFFFFC000  }
0x7ac: {  	[tilespmem:s2], [sflag:$0x1] =	stream.linear.gather [hbm4b:s1+s2], $0x4000, $0x38;
	[tilespmem:$0x14000] =	vst v63  }
0x7ad: {  	_ =	swait.ge [sflag:s15], $0x4000  }
0x7ae: {  	s1 =	sld [smem:$0x7DE]  }
0x7af: {  	[sflag:s15] =	ssyncset.done $0x0  }
0x7b0: {  	[sflag:s15] =	ssyncadd.s32 $0xFFFFC000  }
0x7b1: {  	[hbm4b:s1+s2] =	stream.linear.scatter [tilespmem:s11], [sflag:$0x6], $0x4000, $0x38;
	[tilespmem:$0x14000] =	vst v63  }
0x7b2: {  	_ =	swait.ge [sflag:s13], $0x4000  }
0x7b3: {  	s1 =	sld [smem:$0x7DF]  }
0x7b4: {  	[sflag:s13] =	ssyncset.done $0x0  }
0x7b5: {  	[sflag:s13] =	ssyncadd.s32 $0xFFFFC000  }
0x7b6: {  	[tilespmem:s14], [sflag:$0x2] =	stream.linear.gather [hbm4b:s1+s2], $0x4000, $0x38;
	[tilespmem:$0x14000] =	vst v63  }
0x7b7: {  	_ =	swait.ge [sflag:s5], $0x4000  }
0x7b8: {  	s1 =	sld [smem:$0x7E0]  }
0x7b9: {  	[sflag:s5] =	ssyncset.done $0x0  }
0x7ba: {  	[sflag:s5] =	ssyncadd.s32 $0xFFFFC000  }
0x7bb: {  	[hbm4b:s1+s2] =	stream.linear.scatter [tilespmem:s2], [sflag:$0x4], $0x4000, $0x38;
	[tilespmem:$0x14000] =	vst v63  }
0x7bc: {  	_ =	swait.ge [sflag:s9], $0x4000  }
0x7bd: {  	s1 =	sld [smem:$0x7E1]  }
0x7be: {  	[sflag:s9] =	ssyncset.done $0x0  }
0x7bf: {  	[sflag:s9] =	ssyncadd.s32 $0xFFFFC000  }
0x7c0: {  	[tilespmem:s11], [sflag:$0x3] =	stream.linear.gather [hbm4b:s1+s2], $0x4000, $0x38;
	[tilespmem:$0x14000] =	vst v63  }
0x7c1: {  	_ =	swait.ge [sflag:s19], $0x4000  }
0x7c2: {  	s0 =	sld [smem:$0x7E2]  }
0x7c3: {  	[sflag:s19] =	ssyncset.done $0x0  }
0x7c4: {  	s1 =	sld [smem:$0x7E3];
	[sflag:s19] =	ssyncadd.s32 $0xFFFFC000  }
0x7c5: {  	[hbm4b:s0+s2] =	stream.linear.scatter [tilespmem:s14], [sflag:$0x5], $0x4000, $0x38;
	[tilespmem:$0x14000] =	vst v63  }
0x7c6: {  	_ = 	snop  }
0x7c7: {  	[tilespmem:s31], [sflag:$0x7] =	stream.linear.gather [hbm4b:s1+s2], $0x4000, $0x38;
	[tilespmem:$0x14000] =	vst v63  }
0x7c8: {  	_ =	swait.ge [sflag:s6], $0x4000  }
0x7c9: {  	s1 =	sld [smem:$0x7E4]  }
0x7ca: {  	[sflag:s6] =	ssyncset.done $0x0  }
0x7cb: {  	[sflag:s6] =	ssyncadd.s32 $0xFFFFC000  }
0x7cc: {  	[tilespmem:s2], [sflag:$0x1] =	stream.linear.gather [hbm4b:s1+s2], $0x4000, $0x38;
	[tilespmem:$0x14000] =	vst v63  }
0x7cd: {  	_ =	swait.ge [sflag:s15], $0x4000  }
0x7ce: {  	[sflag:s15] =	ssyncset.done $0x0  }
0x7cf: {  	[sflag:s15] =	ssyncadd.s32 $0xFFFFC000  }
0x7d0: {  	_ =	swait.ge [sflag:s25], $0x4000  }
0x7d1: {  	s1 =	sld [smem:$0x7E5]  }
0x7d2: {  	[sflag:s25] =	ssyncset.done $0x0  }
0x7d3: {  	[sflag:s25] =	ssyncadd.s32 $0xFFFFC000  }
0x7d4: {  	[hbm4b:s1+s2] =	stream.linear.scatter [tilespmem:s11], [sflag:$0x6], $0x4000, $0x38;
	[tilespmem:$0x14000] =	vst v63  }
0x7d5: {  	_ =	swait.ge [sflag:s13], $0x4000  }
0x7d6: {  	s1 =	sld [smem:$0x7E6]  }
0x7d7: {  	[sflag:s13] =	ssyncset.done $0x0  }
0x7d8: {  	[sflag:s13] =	ssyncadd.s32 $0xFFFFC000  }
0x7d9: {  	[tilespmem:s14], [sflag:$0x2] =	stream.linear.gather [hbm4b:s1+s2], $0x4000, $0x38;
	[tilespmem:$0x14000] =	vst v63  }
0x7da: {  	_ =	swait.ge [sflag:s5], $0x4000  }
0x7db: {  	s1 =	sld [smem:$0x7E7]  }
0x7dc: {  	[sflag:s5] =	ssyncset.done $0x0  }
0x7dd: {  	[sflag:s5] =	ssyncadd.s32 $0xFFFFC000  }
0x7de: {  	[hbm4b:s1+s2] =	stream.linear.scatter [tilespmem:s2], [sflag:$0x4], $0x4000, $0x38;
	[tilespmem:$0x14000] =	vst v63  }
0x7df: {  	_ =	swait.ge [sflag:s9], $0x4000  }
0x7e0: {  	s1 =	sld [smem:$0x7E8]  }
0x7e1: {  	[sflag:s9] =	ssyncset.done $0x0  }
0x7e2: {  	[sflag:s9] =	ssyncadd.s32 $0xFFFFC000  }
0x7e3: {  	[tilespmem:s11], [sflag:$0x3] =	stream.linear.gather [hbm4b:s1+s2], $0x4000, $0x38;
	[tilespmem:$0x14000] =	vst v63  }
0x7e4: {  	_ =	swait.ge [sflag:s19], $0x4000  }
0x7e5: {  	s1 =	sld [smem:$0x7E9]  }
0x7e6: {  	[sflag:s19] =	ssyncset.done $0x0  }
0x7e7: {  	[sflag:s19] =	ssyncadd.s32 $0xFFFFC000  }
0x7e8: {  	[hbm4b:s1+s2] =	stream.linear.scatter [tilespmem:s14], [sflag:$0x5], $0x4000, $0x38;
	[tilespmem:$0x14000] =	vst v63  }
0x7e9: {  	_ =	swait.ge [sflag:s6], $0x4000  }
0x7ea: {  	s1 =	sld [smem:$0x7EA]  }
0x7eb: {  	[sflag:s6] =	ssyncset.done $0x0  }
0x7ec: {  	[sflag:s6] =	ssyncadd.s32 $0xFFFFC000  }
0x7ed: {  	[tilespmem:s2], [sflag:$0x1] =	stream.linear.gather [hbm4b:s1+s2], $0x4000, $0x38;
	[tilespmem:$0x14000] =	vst v63  }
0x7ee: {  	_ =	swait.ge [sflag:s15], $0x4000  }
0x7ef: {  	s0 =	sld [smem:$0x7EB]  }
0x7f0: {  	[sflag:s15] =	ssyncset.done $0x0  }
0x7f1: {  	s1 =	sld [smem:$0x7EC];
	[sflag:s15] =	ssyncadd.s32 $0xFFFFC000  }
0x7f2: {  	[hbm4b:s0+s2] =	stream.linear.scatter [tilespmem:s11], [sflag:$0x6], $0x4000, $0x38;
	[tilespmem:$0x14000] =	vst v63  }
0x7f3: {  	_ = 	snop  }
0x7f4: {  	[tilespmem:s4], [sflag:$0x8] =	stream.linear.gather [hbm4b:s1+s2], $0x4000, $0x38;
	[tilespmem:$0x14000] =	vst v63  }
0x7f5: {  	_ =	swait.ge [sflag:s13], $0x4000  }
0x7f6: {  	s1 =	sld [smem:$0x7ED]  }
0x7f7: {  	[sflag:s13] =	ssyncset.done $0x0  }
0x7f8: {  	[sflag:s13] =	ssyncadd.s32 $0xFFFFC000  }
0x7f9: {  	[tilespmem:s14], [sflag:$0x2] =	stream.linear.gather [hbm4b:s1+s2], $0x4000, $0x38;
	[tilespmem:$0x14000] =	vst v63  }
0x7fa: {  	_ =	swait.ge [sflag:s5], $0x4000  }
0x7fb: {  	[sflag:s5] =	ssyncset.done $0x0  }
0x7fc: {  	[sflag:s5] =	ssyncadd.s32 $0xFFFFC000  }
0x7fd: {  	_ =	swait.ge [sflag:s29], $0x4000  }
0x7fe: {  	s1 =	sld [smem:$0x7EE]  }
0x7ff: {  	[sflag:s29] =	ssyncset.done $0x0  }
0x800: {  	[sflag:s29] =	ssyncadd.s32 $0xFFFFC000  }
0x801: {  	[hbm4b:s1+s2] =	stream.linear.scatter [tilespmem:s2], [sflag:$0x4], $0x4000, $0x38;
	[tilespmem:$0x14000] =	vst v63  }
0x802: {  	_ =	swait.ge [sflag:s9], $0x4000  }
0x803: {  	s1 =	sld [smem:$0x7EF]  }
0x804: {  	[sflag:s9] =	ssyncset.done $0x0  }
0x805: {  	[sflag:s9] =	ssyncadd.s32 $0xFFFFC000  }
0x806: {  	[tilespmem:s11], [sflag:$0x3] =	stream.linear.gather [hbm4b:s1+s2], $0x4000, $0x38;
	[tilespmem:$0x14000] =	vst v63  }
0x807: {  	_ =	swait.ge [sflag:s19], $0x4000  }
0x808: {  	s1 =	sld [smem:$0x7F0]  }
0x809: {  	[sflag:s19] =	ssyncset.done $0x0  }
0x80a: {  	[sflag:s19] =	ssyncadd.s32 $0xFFFFC000  }
0x80b: {  	[hbm4b:s1+s2] =	stream.linear.scatter [tilespmem:s14], [sflag:$0x5], $0x4000, $0x38;
	[tilespmem:$0x14000] =	vst v63  }
0x80c: {  	_ =	swait.ge [sflag:s6], $0x4000  }
0x80d: {  	s1 =	sld [smem:$0x7F1]  }
0x80e: {  	[sflag:s6] =	ssyncset.done $0x0  }
0x80f: {  	[sflag:s6] =	ssyncadd.s32 $0xFFFFC000  }
0x810: {  	[tilespmem:s2], [sflag:$0x1] =	stream.linear.gather [hbm4b:s1+s2], $0x4000, $0x38;
	[tilespmem:$0x14000] =	vst v63  }
0x811: {  	_ =	swait.ge [sflag:s15], $0x4000  }
0x812: {  	s1 =	sld [smem:$0x7F2]  }
0x813: {  	[sflag:s15] =	ssyncset.done $0x0  }
0x814: {  	[sflag:s15] =	ssyncadd.s32 $0xFFFFC000  }
0x815: {  	[hbm4b:s1+s2] =	stream.linear.scatter [tilespmem:s11], [sflag:$0x6], $0x4000, $0x38;
	[tilespmem:$0x14000] =	vst v63  }
0x816: {  	_ =	swait.ge [sflag:s13], $0x4000  }
0x817: {  	s1 =	sld [smem:$0x7F3]  }
0x818: {  	[sflag:s13] =	ssyncset.done $0x0  }
0x819: {  	[sflag:s13] =	ssyncadd.s32 $0xFFFFC000  }
0x81a: {  	[tilespmem:s14], [sflag:$0x2] =	stream.linear.gather [hbm4b:s1+s2], $0x4000, $0x38;
	[tilespmem:$0x14000] =	vst v63  }
0x81b: {  	_ =	swait.ge [sflag:s5], $0x4000  }
0x81c: {  	s0 =	sld [smem:$0x7F4]  }
0x81d: {  	[sflag:s5] =	ssyncset.done $0x0  }
0x81e: {  	s1 =	sld [smem:$0x7F5];
	[sflag:s5] =	ssyncadd.s32 $0xFFFFC000  }
0x81f: {  	[hbm4b:s0+s2] =	stream.linear.scatter [tilespmem:s2], [sflag:$0x4], $0x4000, $0x38;
	[tilespmem:$0x14000] =	vst v63  }
0x820: {  	_ = 	snop  }
0x821: {  	[tilespmem:s31], [sflag:$0x7] =	stream.linear.gather [hbm4b:s1+s2], $0x4000, $0x38;
	[tilespmem:$0x14000] =	vst v63  }
0x822: {  	_ =	swait.ge [sflag:s9], $0x4000  }
0x823: {  	s31 =	sld [smem:$0x7F6]  }
0x824: {  	[sflag:s9] =	ssyncset.done $0x0  }
0x825: {  	[sflag:s9] =	ssyncadd.s32 $0xFFFFC000  }
0x826: {  	[tilespmem:s11], [sflag:$0x3] =	stream.linear.gather [hbm4b:s31+s2], $0x4000, $0x38;
	[tilespmem:$0x14000] =	vst v63  }
0x827: {  	_ =	swait.ge [sflag:s19], $0x4000  }
0x828: {  	[sflag:s19] =	ssyncset.done $0x0  }
0x829: {  	[sflag:s19] =	ssyncadd.s32 $0xFFFFC000  }
0x82a: {  	_ =	swait.ge [sflag:s25], $0x4000  }
0x82b: {  	s1 =	sld [smem:$0x7F7]  }
0x82c: {  	[sflag:s25] =	ssyncset.done $0x0  }
0x82d: {  	[sflag:s25] =	ssyncadd.s32 $0xFFFFC000  }
0x82e: {  	[hbm4b:s1+s2] =	stream.linear.scatter [tilespmem:s14], [sflag:$0x5], $0x4000, $0x38;
	[tilespmem:$0x14000] =	vst v63  }
0x82f: {  	_ =	swait.ge [sflag:s6], $0x4000  }
0x830: {  	s31 =	sld [smem:$0x7F8]  }
0x831: {  	[sflag:s6] =	ssyncset.done $0x0  }
0x832: {  	[sflag:s6] =	ssyncadd.s32 $0xFFFFC000  }
0x833: {  	[tilespmem:s2], [sflag:$0x1] =	stream.linear.gather [hbm4b:s31+s2], $0x4000, $0x38;
	[tilespmem:$0x14000] =	vst v63  }
0x834: {  	_ =	swait.ge [sflag:s15], $0x4000  }
0x835: {  	s1 =	sld [smem:$0x7F9]  }
0x836: {  	[sflag:s15] =	ssyncset.done $0x0  }
0x837: {  	[sflag:s15] =	ssyncadd.s32 $0xFFFFC000  }
0x838: {  	[hbm4b:s1+s2] =	stream.linear.scatter [tilespmem:s11], [sflag:$0x6], $0x4000, $0x38;
	[tilespmem:$0x14000] =	vst v63  }
0x839: {  	_ =	swait.ge [sflag:s13], $0x4000  }
0x83a: {  	s31 =	sld [smem:$0x7FA]  }
0x83b: {  	[sflag:s13] =	ssyncset.done $0x0  }
0x83c: {  	[sflag:s13] =	ssyncadd.s32 $0xFFFFC000  }
0x83d: {  	[tilespmem:s14], [sflag:$0x2] =	stream.linear.gather [hbm4b:s31+s2], $0x4000, $0x38;
	[tilespmem:$0x14000] =	vst v63  }
0x83e: {  	_ =	swait.ge [sflag:s5], $0x4000  }
0x83f: {  	s1 =	sld [smem:$0x7FB]  }
0x840: {  	[sflag:s5] =	ssyncset.done $0x0  }
0x841: {  	[sflag:s5] =	ssyncadd.s32 $0xFFFFC000  }
0x842: {  	[hbm4b:s1+s2] =	stream.linear.scatter [tilespmem:s2], [sflag:$0x4], $0x4000, $0x38;
	[tilespmem:$0x14000] =	vst v63  }
0x843: {  	_ =	swait.ge [sflag:s9], $0x4000  }
0x844: {  	s31 =	sld [smem:$0x7FC]  }
0x845: {  	[sflag:s9] =	ssyncset.done $0x0  }
0x846: {  	[sflag:s9] =	ssyncadd.s32 $0xFFFFC000  }
0x847: {  	[tilespmem:s11], [sflag:$0x3] =	stream.linear.gather [hbm4b:s31+s2], $0x4000, $0x38;
	[tilespmem:$0x14000] =	vst v63  }
0x848: {  	_ =	swait.ge [sflag:s19], $0x4000  }
0x849: {  	s1 =	sld [smem:$0x7FD]  }
0x84a: {  	[sflag:s19] =	ssyncset.done $0x0  }
0x84b: {  	[sflag:s19] =	ssyncadd.s32 $0xFFFFC000  }
0x84c: {  	[hbm4b:s1+s2] =	stream.linear.scatter [tilespmem:s14], [sflag:$0x5], $0x4000, $0x38;
	[tilespmem:$0x14000] =	vst v63  }
0x84d: {  	_ = 	snop  }
0x84e: {  	[tilespmem:s4], [sflag:$0x8] =	stream.linear.gather [hbm4b:s28+s2], $0x4000, $0x38;
	[tilespmem:$0x14000] =	vst v63  }
0x84f: {  	_ =	swait.ge [sflag:s6], $0x4000  }
0x850: {  	[sflag:s6] =	ssyncset.done $0x0  }
0x851: {  	[sflag:s6] =	ssyncadd.s32 $0xFFFFC000  }
0x852: {  	[tilespmem:s2], [sflag:$0x1] =	stream.linear.gather [hbm4b:s26+s2], $0x4000, $0x38;
	[tilespmem:$0x14000] =	vst v63  }
0x853: {  	_ =	swait.ge [sflag:s15], $0x4000  }
0x854: {  	[sflag:s15] =	ssyncset.done $0x0  }
0x855: {  	[sflag:s15] =	ssyncadd.s32 $0xFFFFC000  }
0x856: {  	_ =	swait.ge [sflag:s29], $0x4000  }
0x857: {  	[sflag:s29] =	ssyncset.done $0x0  }
0x858: {  	[sflag:s29] =	ssyncadd.s32 $0xFFFFC000  }
0x859: {  	[hbm4b:s24+s2] =	stream.linear.scatter [tilespmem:s11], [sflag:$0x6], $0x4000, $0x38;
	[tilespmem:$0x14000] =	vst v63  }
0x85a: {  	_ =	swait.ge [sflag:s13], $0x4000  }
0x85b: {  	[sflag:s13] =	ssyncset.done $0x0  }
0x85c: {  	[sflag:s13] =	ssyncadd.s32 $0xFFFFC000  }
0x85d: {  	[tilespmem:s14], [sflag:$0x2] =	stream.linear.gather [hbm4b:s23+s2], $0x4000, $0x38;
	[tilespmem:$0x14000] =	vst v63  }
0x85e: {  	_ =	swait.ge [sflag:s5], $0x4000  }
0x85f: {  	[sflag:s5] =	ssyncset.done $0x0  }
0x860: {  	[sflag:s5] =	ssyncadd.s32 $0xFFFFC000  }
0x861: {  	[hbm4b:s22+s2] =	stream.linear.scatter [tilespmem:s2], [sflag:$0x4], $0x4000, $0x38;
	[tilespmem:$0x14000] =	vst v63  }
0x862: {  	_ =	swait.ge [sflag:s9], $0x4000  }
0x863: {  	[sflag:s9] =	ssyncset.done $0x0  }
0x864: {  	[sflag:s9] =	ssyncadd.s32 $0xFFFFC000  }
0x865: {  	[tilespmem:s11], [sflag:$0x3] =	stream.linear.gather [hbm4b:s21+s2], $0x4000, $0x38;
	[tilespmem:$0x14000] =	vst v63  }
0x866: {  	_ =	swait.ge [sflag:s19], $0x4000  }
0x867: {  	[sflag:s19] =	ssyncset.done $0x0  }
0x868: {  	[sflag:s19] =	ssyncadd.s32 $0xFFFFC000  }
0x869: {  	[hbm4b:s20+s2] =	stream.linear.scatter [tilespmem:s14], [sflag:$0x5], $0x4000, $0x38;
	[tilespmem:$0x14000] =	vst v63  }
0x86a: {  	_ =	swait.ge [sflag:s6], $0x4000  }
0x86b: {  	[sflag:s6] =	ssyncset.done $0x0  }
0x86c: {  	[sflag:s6] =	ssyncadd.s32 $0xFFFFC000  }
0x86d: {  	[tilespmem:s2], [sflag:$0x1] =	stream.linear.gather [hbm4b:s18+s2], $0x4000, $0x38;
	[tilespmem:$0x14000] =	vst v63  }
0x86e: {  	_ =	swait.ge [sflag:s15], $0x4000  }
0x86f: {  	[sflag:s15] =	ssyncset.done $0x0  }
0x870: {  	[sflag:s15] =	ssyncadd.s32 $0xFFFFC000  }
0x871: {  	[hbm4b:s17+s2] =	stream.linear.scatter [tilespmem:s11], [sflag:$0x6], $0x4000, $0x38;
	[tilespmem:$0x14000] =	vst v63  }
0x872: {  	_ =	swait.ge [sflag:s13], $0x4000  }
0x873: {  	[sflag:s13] =	ssyncset.done $0x0  }
0x874: {  	[sflag:s13] =	ssyncadd.s32 $0xFFFFC000  }
0x875: {  	[tilespmem:s14], [sflag:$0x2] =	stream.linear.gather [hbm4b:s16+s2], $0x4000, $0x38;
	[tilespmem:$0x14000] =	vst v63  }
0x876: {  	_ =	swait.ge [sflag:s5], $0x4000  }
0x877: {  	[sflag:s5] =	ssyncset.done $0x0  }
0x878: {  	[sflag:s5] =	ssyncadd.s32 $0xFFFFC000  }
0x879: {  	_ =	swait.ge [sflag:s25], $0x4000  }
0x87a: {  	[sflag:s25] =	ssyncset.done $0x0  }
0x87b: {  	[sflag:s25] =	ssyncadd.s32 $0xFFFFC000  }
0x87c: {  	[hbm4b:s12+s2] =	stream.linear.scatter [tilespmem:s2], [sflag:$0x4], $0x4000, $0x38;
	[tilespmem:$0x14000] =	vst v63  }
0x87d: {  	_ =	swait.ge [sflag:s9], $0x4000  }
0x87e: {  	[sflag:s9] =	ssyncset.done $0x0  }
0x87f: {  	[sflag:s9] =	ssyncadd.s32 $0xFFFFC000  }
0x880: {  	[tilespmem:s11], [sflag:$0x3] =	stream.linear.gather [hbm4b:s10+s2], $0x4000, $0x38;
	[tilespmem:$0x14000] =	vst v63  }
0x881: {  	_ =	swait.ge [sflag:s19], $0x4000  }
0x882: {  	[sflag:s19] =	ssyncset.done $0x0  }
0x883: {  	[sflag:s19] =	ssyncadd.s32 $0xFFFFC000  }
0x884: {  	[hbm4b:s8+s2] =	stream.linear.scatter [tilespmem:s14], [sflag:$0x5], $0x4000, $0x38;
	[tilespmem:$0x14000] =	vst v63  }
0x885: {  	_ =	swait.ge [sflag:s6], $0x4000  }
0x886: {  	[sflag:s6] =	ssyncset.done $0x0  }
0x887: {  	[sflag:s6] =	ssyncadd.s32 $0xFFFFC000  }
0x888: {  	[tilespmem:s2], [sflag:$0x1] =	stream.linear.gather [hbm4b:s7+s2], $0x4000, $0x38;
	[tilespmem:$0x14000] =	vst v63  }
0x889: {  	_ =	swait.ge [sflag:s15], $0x4000  }
0x88a: {  	[sflag:s15] =	ssyncset.done $0x0  }
0x88b: {  	[sflag:s15] =	ssyncadd.s32 $0xFFFFC000  }
0x88c: {  	[hbm4b:s30+s2] =	stream.linear.scatter [tilespmem:s11], [sflag:$0x6], $0x4000, $0x38;
	[tilespmem:$0x14000] =	vst v63  }
0x88d: {  	_ =	swait.ge [sflag:s13], $0x4000  }
0x88e: {  	[sflag:s13] =	ssyncset.done $0x0  }
0x88f: {  	[sflag:s13] =	ssyncadd.s32 $0xFFFFC000  }
0x890: {  	_ =	swait.ge [sflag:s5], $0x4000  }
0x891: {  	[sflag:s5] =	ssyncset.done $0x0  }
0x892: {  	[sflag:s5] =	ssyncadd.s32 $0xFFFFC000  }
0x893: {  	[hbm4b:s3+s2] =	stream.linear.scatter [tilespmem:s2], [sflag:$0x4], $0x4000, $0x38;
	[tilespmem:$0x14000] =	vst v63  }
0x894: {  	_ =	swait.ge [sflag:s9], $0x4000  }
0x895: {  	[sflag:s9] =	ssyncset.done $0x0  }
0x896: {  	[sflag:s9] =	ssyncadd.s32 $0xFFFFC000  }
0x897: {  	_ =	swait.ge [sflag:s6], $0x4000  }
0x898: {  	[sflag:s6] =	ssyncset.done $0x0  }
0x899: {  	[sflag:s6] =	ssyncadd.s32 $0xFFFFC000  }
0x89a: {  	_ =	sfence.sel $0x180000  }
0x89b: {  	[bflag:$0x0] =	sbarrier.arrive $0xFFFF  }
0x89c: {  	_ =	strace $0x9000004D  }
0x89d: {  	s31 =	stileid.u32;
	[bflag:$0x2] =	sbarrier.arrive $0xFFFF  }
0x89e: {  	p0 =	sne.s32 s31, $0x0;
	s0 =	rddreg [dreg:$0x2]  }
0x89f: {  	s0 =	sadd.s32 @!p0 $0x100000, s0  }
0x8a0: {  	[sflag:s0] =	ssyncadd.tile.s32 @!p0 $0x1;
	_ =	shalt  }
.Lfunc_end2:
_tile_overlayer_lowered:
.L_overlay_start_2:
0x8a1: {  	(tag) =	ssettag $0x2  }
0x8a2: {  	s0 =	rddreg [dreg:$0x0];
	s2 =	stileid.u32  }
0x8a3: {  	s1 =	rddreg [dreg:$0x1];
	p0 =	sne.s32 s2, $0x0  }
0x8a4: {  	s3 =	rddreg [dreg:$0x2];
	[bflag:$0x3] =	sbarrier.arrive $0xFFFF;
	s2 =	simm.s32 @!p0 $0x1C09  }
0x8a5: {  	[timem:s3], [sflag:s2] =	dma.local @!p0 [hbm:s0], s1  }
0x8a6: {  	s0 =	simm.s32 @!p0 $0x9  }
0x8a7: {  	_ =	swait.ge @!p0 [sflag:s0], s1  }
0x8a8: {  	s1 =	ssub.s32 @!p0 $0x0, s1;
	[sflag:s0] =	ssyncset.done @!p0 $0x0  }
0x8a9: {  	[sflag:s0] =	ssyncadd.s32 @!p0 s1  }
0x8aa: {  	[bflag:$0x3] =	sbarrier.arrive $0xFFFF  }
0x8ab: {  	_ =	shalt  }

// kernel: sparse-core-data-format-call.1.cloned.1.call-start
scs
called_computation.1_lowered:
.L_overlay_start_0:
0x0: {  	s2 =	sld [smem:$0x3FD9]  }
0x1: {  	s3 =	sld [smem:$0x3FFE];
	_ =	sdelay $0x1  }
0x2: {  	s1 =	srdreg.scid  }
0x3: {  	s0 =	sand.u32 $0x1, s1  }
0x4: {  	s19 =	sshll.u32 s0, $0xA;
	s2 =	sadd.s32 s3, s2  }
0x5: {  	s2 =	sadd.s32 s2, s19  }
0x6: {  	[smem:$0x3FC6] =	sst s2  }
0x7: {  	_ = 	snop  }
0x8: {  	s20 =	sld [smem:$0x3FC9]  }
0x9: {  	s4 =	sld [smem:$0x3FD0];
	(tm) =	ssettm $0x1  }
0xa: {  	s21 =	sld [smem:$0x3FFB];
	_ =	sdelay $0x3  }
0xb: {  	_ =	strace s21  }
0xc: {  	s2 =	sld [smem:$0x3FFC];
	_ =	sdelay $0x3  }
0xd: {  	_ =	strace s2  }
0xe: {  	s2 =	sld [smem:$0x3FFD];
	_ =	sdelay $0x3  }
0xf: {  	_ =	strace s2  }
0x10: {  	_ =	strace $0x8FFFFFFF  }
0x11: {  	s22 =	sld [smem:$0x3FDB];
	_ =	sdelay $0x1  }
0x12: {  	s5 =	simm.s32 $_scs_section_size  }
0x13: {  	s6 =	simm.s32 $_size__tile_overlayer_lowered;
	s7 =	simm.s32 $_tile_overlayer_lowered  }
0x14: {  	s8 =	simm.s32 $0x1BFF;
	s23 =	sshll.u32 s7, $0x1;
	s5 =	sadd.s32 s5, s22  }
0x15: {  	s24 =	simm.s32 $0x0;
	s6 =	sshll.u32 s6, $0x1;
	s7 =	sadd.s32 s23, s5  }
0x16: {  	[timem:s24], [sflag:s8] =	dma.local [hbm:s7], s6  }
0x17: {  	_ =	swait.ge [sflag:s8], s6  }
0x18: {  	s6 =	ssub.s32 $0x0, s6;
	[sflag:s8] =	ssyncset.done $0x0  }
0x19: {  	[sflag:s8] =	ssyncadd.s32 s6;
	_ =	sdelay $0x1  }
0x1a: {  	s25 =	simm.s32 $0x1B8B  }
0x1b: {  	_ =	swait.ge [sflag:s25], $0x1  }
0x1c: {  	[sflag:s25] =	ssyncset.done $0x0  }
0x1d: {  	[sflag:s25] =	ssyncadd.s32 $0xFFFFFFFF  }
0x1e: {  	s6 =	sld [smem:$0x0]  }
0x1f: {  	s7 =	sand.u32 $0xFFFFFFFE, s1  }
0x20: {  	p0 =	sne.s32 s1, s7  }
0x21: {  	s7 =	sshll.u32 @p0 s7, $0xE  }
0x22: {  	s7 =	sadd.s32 @p0 $0x11B8D, s7;
	s8 =	sshll.u32 @p0 s6, $0x11  }
0x23: {  	s7 =	sor.u32 @p0 s8, s7  }
0x24: {  	[sflag:s7] =	ssyncadd.remote.s32 @p0 $0x1;
	_ =	sdelay $0x1  }
0x25: {  	s7 =	simm.s32 @p0 $0x1B8D  }
0x26: {  	_ =	swait.eq @p0 [sflag:s7], $0x1  }
0x27: {  	[sflag:s7] =	ssyncadd.s32 @p0 $0xFFFFFFFF  }
0x28: {  	s8 =	sshll.u32 @!p0 s1, $0xE  }
0x29: {  	s8 =	sor.u32 @!p0 $0x4000, s8;
	s7 =	simm.s32 @!p0 $0x1B8D  }
0x2a: {  	s6 =	sshll.u32 @!p0 s6, $0x11;
	s8 =	sadd.s32 @!p0 $0x11B8D, s8;
	_ =	swait.eq @!p0 [sflag:s7], $0x1  }
0x2b: {  	s6 =	sor.u32 @!p0 s6, s8;
	[sflag:s7] =	ssyncadd.s32 @!p0 $0xFFFFFFFF  }
0x2c: {  	s26 =	simm.s32 $0x1B8E;
	[sflag:s6] =	ssyncadd.remote.s32 @!p0 $0x1  }
0x2d: {  	s27 =	simm.s32 $execute0_lowered;
	[smem:$0x3FD2] =	sst s26  }
0x2e: {  	s6 =	sshll.u32 s27, $0x1;
	_ =	strace $0x80000049;
	[dreg:$0x1] =	wrdreg $0xFFFFFFFF  }
0x2f: {  	s28 =	simm.s32 $_size_execute0_lowered;
	s5 =	sadd.s32 s5, s6;
	[dreg:$0x0] =	wrdreg $0x0  }
0x30: {  	s6 =	sshll.u32 s28, $0x1;
	[dreg:$0x2] =	wrdreg s5  }
0x31: {  	[dreg:$0x3] =	wrdreg s6  }
0x32: {  	[dreg:$0x4] =	wrdreg $0xC0  }
0x33: {  	_ =	task [dreg:s24], $0x5FFFF  }
0x34: {  	[dreg:$0x1] =	wrdreg $0xFFFFFFFF  }
0x35: {  	[dreg:$0x0] =	wrdreg $0x60  }
0x36: {  	[dreg:$0x2] =	wrdreg s20  }
0x37: {  	[dreg:$0x3] =	wrdreg s4  }
0x38: {  	[dreg:$0x4] =	wrdreg $0xA  }
0x39: {  	_ =	task.clear_ibuf [dreg:s24], $0x5FFFF;
	_ =	strace $0x90000049  }
0x3a: {  	s29 =	simm.s32 $0xA;
	_ =	strace $0x8000004B  }
0x3b: {  	_ =	swait.ge [sflag:s29], $0x1  }
0x3c: {  	[sflag:s29] =	ssyncadd.s32 $0xFFFFFFFF  }
0x3d: {  	_ =	strace $0x9000004B  }
0x3e: {  	_ =	sfence  }
0x3f: {  	s30 =	sld [smem:$0x0];
	_ =	sdelay $0x2  }
0x40: {  	s31 =	sshll.u32 s1, $0xD;
	s1 =	sshrl.u32 s1, $0x2  }
0x41: {  	s4 =	sand.u32 $0x4000, s31;
	s1 =	sadd.s32 s1, s30  }
0x42: {  	s0 =	sor.u32 s4, s0;
	s1 =	sshll.u32 s1, $0x11  }
0x43: {  	s0 =	sor.u32 s1, s0  }
0x44: {  	s0 =	sadd.s32 $0x8F2B, s0  }
0x45: {  	[sflag:s0] =	ssyncadd.remote.s32 $0x1  }
0x46: {  	_ =	sfence.sel $0xFFFF  }
0x47: {  	[dreg:$0x0] =	wrdreg $0xFFFFFFFF;
	(pc) =	sbr.abs _section_cstart, $3  }
0x48: {  	[dreg:$0x1] =	wrdreg $0xFFFFFFFF  }
0x49: {  	_ =	task.clear_ibuf [dreg:s24], $0x2FFFF;
	_ =	strace $0x9FFFFFFF  }
0x4a: {  	(tm) =	ssettm $0x7FFFFFFF  }
0x4b: {  	_ =	shalt  }
tec
execute0_lowered:
.L_overlay_start_1:
0x0: {  	(tag) =	ssettag $0x1  }
0x1: {  	s0 =	srdreg.scid  }
0x2: {  	s1 =	sshll.u32 s0, $0x4  }
0x3: {  	s2 =	rddreg [dreg:$0x0];
	s0 =	stileid.u32;
	s1 =	sand.u32 $0x10, s1  }
0x4: {  	s4 =	rddreg [dreg:$0x1];
	s1 =	sor.u32 s0, s1  }
0x5: {  	s7 =	simm.s32 $0x1;
	s8 =	simm.s32 $0x2;
	s3 =	sshll.u32 s1, $0x1  }
0x6: {  	s9 =	simm.s32 $0x0;
	s12 =	simm.s32 $0x0;
	s6 =	ssub.s32 $0x1000, s3  }
.Ltmp0:
0x7: {  	s11 =	simm.s32 $0x0;
	s5 =	sand.u32 $0x3E, s6;
	(pc) =	sbr.rel .LBB1_1-.Ltmp0, $4  }
0x8: {  	s1 =	rddreg [dreg:$0x2];
	_ =	strace $0x8000004A;
	p0 =	sne.s32 s5, $0x0  }
0x9: {  	s6 =	sshrl.u32 s6, $0x6;
	s5 =	simm.s32 $0x1;
	s7 =	simm.s32 @!p0 $0x0  }
0xa: {  	s10 =	smov.u32 s3;
	[sflag:s5] =	ssyncpa.u1 $0x0;
	s6 =	sadd.s32 s7, s6  }
0xb: {  	[sflag:s8] =	ssyncpa.u1 $0x0;
	s8 =	simm.s32 $0x0;
	s7 =	sadd.s32 $0x1, s6  }
.LBB1_9:
0xc: {  	s14 =	sadd.s32 $0x40, s10  }
0xd: {  	p1 =	sgt.s32 s14, $0xFFF  }
0xe: {  	s14 =	smov.u32 @p1 s3;
	p1 =	sne.s32 s11, s7  }
.Ltmp1:
0xf: {  	p0 =	slt.u32 s11, $0x2;
	(pc) =	sbr.rel @!p1 .LBB1_10-.Ltmp1, $4  }
0x10: {  	s13 =	simm.s32 @!p0 $0x2  }
0x11: {  	s15 =	sadd.s32 $0x1, s11;
	_ =	swait.ge @!p0 [sflag:s13], $0x4000  }
0x12: {  	s12 =	smov.u32 s10;
	s9 =	sadd.s32 $0x4000, s9;
	[sflag:s13] =	ssyncset.done @!p0 $0x0  }
0x13: {  	s11 =	smov.u32 s15;
	s10 =	smov.u32 s14;
	[sflag:s13] =	ssyncadd.s32 @!p0 $0xFFFFC000  }
.LBB1_1:
0x14: {  	p0 =	sge.u32 s11, s6  }
0x15: {  	s13 =	sxor.u32 @!p0 $0xFFFFFFFF, s11  }
0x16: {  	s31 =	sadd.s32 $0xFFFFFFFF, s11;
	s14 =	sshll.u32 @!p0 s10, $0xA;
	s13 =	sshll.u32 @!p0 s13, $0xE  }
0x17: {  	s15 =	simm.s32 @!p0 $0x0;
	s14 =	sadd.s32 @!p0 s2, s14;
	s13 =	sand.u32 @!p0 $0x4000, s13  }
0x18: {  	[tilespmem:s13], [sflag:$0x1] =	stream.linear.gather @!p0 [hbm4b:s14+s15], $0x4000, $0x38;
	[tilespmem:$0x10000] =	vst v63  }
0x19: {  	p0 =	sge.u32 s31, s6  }
.Ltmp2:
0x1a: {  	_ = 	snop;
	(pc) =	sbr.rel @p0 .LBB1_9-.Ltmp2, $1  }
0x1b: {  	_ =	sdelay $0x3  }
0x1c: {  	s13 =	sshll.u32 s9, $0x2  }
0x1d: {  	_ =	swait.ge [sflag:s5], $0x4000;
	s14 =	sshll.u32 s11, $0xE;
	s16 =	simm.s32 $0x0  }
0x1e: {  	p1 =	por $0x1, $0x1;
	s13 =	sand.u32 $0x10000, s13;
	[sflag:s5] =	ssyncset.done $0x0  }
0x1f: {  	s14 =	sand.u32 $0x4000, s14;
	s15 =	sshrl.u32 s13, $0x2;
	[sflag:s5] =	ssyncadd.s32 $0xFFFFC000  }
0x20: {  	s13 =	sor.u32 $0x8000, s14;
	s14 =	sadd.s32 $0x8040, s15;
	s15 =	sadd.s32 $0x40, s15  }
.LBB1_3:
0x21: {  	s16 =	sshll.u32 s16, $0x2  }
0x22: {  	p0 =	por p1, p1;
	s17 =	sshra.s32 s16, $0x2  }
0x23: {  	s18 =	simm.s32 $0x0;
	s16 =	sadd.s32 s17, s14;
	s17 =	sadd.s32 s17, s15  }
.LBB1_4:
0x24: {  	v0 =	vmov s17;
	_ =	sdelay $0x3  }
0x25: {  	s20 =	simm.s32 $0x0  }
0x26: {  	v6 =	vld.idx.msk [tilespmem:v0+s20+$0x30 ss:$0x1], $0xffff  }
0x27: {  	v7 =	vld.idx.msk [tilespmem:v0+s20+$0xFFFFFFC0 ss:$0x1], $0xffff  }
0x28: {  	v5 =	vld.idx.msk [tilespmem:v0+s20+$0xFFFFFFD0 ss:$0x1], $0xffff  }
0x29: {  	v4 =	vld.idx.msk [tilespmem:v0+s20+$0xFFFFFFE0 ss:$0x1], $0xffff  }
0x2a: {  	v3 =	vld.idx.msk [tilespmem:v0+s20+$0xFFFFFFF0 ss:$0x1], $0xffff  }
0x2b: {  	v1 =	vld.idx.msk [tilespmem:v0+s20+$0x0 ss:$0x1], $0xffff  }
0x2c: {  	v2 =	vld.idx.msk [tilespmem:v0+s20+$0x10 ss:$0x1], $0xffff;
	[tilespmem:s16+$0x30] =	vst v6  }
0x2d: {  	s19 =	simm.s32 $0x80;
	s21 =	simm.s32 $0x400;
	[tilespmem:s16+$0xFFFFFFC0] =	vst v7;
	v6 =	vld.idx.msk [tilespmem:v0+s20+$0x20 ss:$0x1], $0xffff;
	s20 =	smov.u32 s16  }
.LBB1_5:
0x2e: {  	p1 =	sne.s32 s21, $0xE00;
	v7 =	vld.idx.msk [tilespmem:v0+s19+$0x30 ss:$0x1], $0xffff;
	[tilespmem:s20+$0xFFFFFFD0] =	vst v5  }
0x2f: {  	v8 =	vld.idx.msk [tilespmem:v0+s19+$0xFFFFFFC0 ss:$0x1], $0xffff;
	[tilespmem:s20+$0xFFFFFFE0] =	vst v4  }
0x30: {  	v5 =	vld.idx.msk [tilespmem:v0+s19+$0xFFFFFFD0 ss:$0x1], $0xffff;
	[tilespmem:s20+$0xFFFFFFF0] =	vst v3  }
.Ltmp3:
0x31: {  	v4 =	vld.idx.msk [tilespmem:v0+s19+$0xFFFFFFE0 ss:$0x1], $0xffff;
	[tilespmem:s20+$0x0] =	vst v1;
	(pc) =	sbr.rel @p1 .LBB1_5-.Ltmp3, $4  }
0x32: {  	v3 =	vld.idx.msk [tilespmem:v0+s19+$0xFFFFFFF0 ss:$0x1], $0xffff;
	[tilespmem:s20+$0x10] =	vst v2  }
0x33: {  	v1 =	vld.idx.msk [tilespmem:v0+s19+$0x0 ss:$0x1], $0xffff;
	[tilespmem:s20+$0x20] =	vst v6;
	s20 =	sadd.s32 $0x400, s20  }
0x34: {  	v2 =	vld.idx.msk [tilespmem:v0+s19+$0x10 ss:$0x1], $0xffff;
	[tilespmem:s20+$0x30] =	vst v7  }
0x35: {  	[tilespmem:s20+$0xFFFFFFC0] =	vst v8;
	v6 =	vld.idx.msk [tilespmem:v0+s19+$0x20 ss:$0x1], $0xffff;
	s19 =	sshra.s32 s21, $0x2;
	s21 =	sadd.s32 $0x200, s21  }
0x36: {  	_ =	sdelay $0x2  }
0x37: {  	[tilespmem:s20+$0xFFFFFFD0] =	vst v5  }
0x38: {  	v56 =	vld.idx.msk [tilespmem:v0+s19+$0x30 ss:$0x1], $0xffff;
	[tilespmem:s20+$0xFFFFFFE0] =	vst v4  }
0x39: {  	v57 =	vld.idx.msk [tilespmem:v0+s19+$0xFFFFFFC0 ss:$0x1], $0xffff;
	[tilespmem:s20+$0xFFFFFFF0] =	vst v3  }
0x3a: {  	v58 =	vld.idx.msk [tilespmem:v0+s19+$0xFFFFFFD0 ss:$0x1], $0xffff;
	[tilespmem:s20+$0x0] =	vst v1  }
0x3b: {  	v59 =	vld.idx.msk [tilespmem:v0+s19+$0xFFFFFFE0 ss:$0x1], $0xffff;
	[tilespmem:s20+$0x10] =	vst v2  }
0x3c: {  	v60 =	vld.idx.msk [tilespmem:v0+s19+$0xFFFFFFF0 ss:$0x1], $0xffff;
	s31 =	sadd.s32 $0x400, s20;
	[tilespmem:s20+$0x20] =	vst v6  }
0x3d: {  	v61 =	vld.idx.msk [tilespmem:v0+s19+$0x0 ss:$0x1], $0xffff;
	[tilespmem:s31+$0x30] =	vst v56  }
0x3e: {  	v62 =	vld.idx.msk [tilespmem:v0+s19+$0x10 ss:$0x1], $0xffff;
	s18 =	sadd.s32 $0x1, s18;
	[tilespmem:s31+$0xFFFFFFC0] =	vst v57  }
0x3f: {  	v63 =	vld.idx.msk [tilespmem:v0+s19+$0x20 ss:$0x1], $0xffff;
	p1 =	sne.s32 s18, $0x8;
	[tilespmem:s31+$0xFFFFFFD0] =	vst v58  }
.Ltmp4:
0x40: {  	[tilespmem:s31+$0xFFFFFFE0] =	vst v59;
	(pc) =	sbr.rel @p1 .LBB1_4-.Ltmp4, $4  }
0x41: {  	[tilespmem:s31+$0xFFFFFFF0] =	vst v60  }
0x42: {  	[tilespmem:s31+$0x0] =	vst v61  }
0x43: {  	[tilespmem:s31+$0x10] =	vst v62  }
0x44: {  	s16 =	sadd.s32 $0x80, s16;
	s17 =	sadd.s32 $0x400, s17;
	[tilespmem:s31+$0x20] =	vst v63  }
.Ltmp5:
0x45: {  	(pc) =	sbr.rel @p0 .LBB1_3-.Ltmp5, $2  }
0x46: {  	_ =	sdelay $0x2  }
0x47: {  	s16 =	simm.s32 $0x2000;
	p1 =	por $0x0, $0x0  }
.Ltmp6:
0x48: {  	(pc) =	sbr.rel .LBB1_9-.Ltmp6, $4  }
0x49: {  	_ = 	snop  }
0x4a: {  	s12 =	sshll.u32 s12, $0xA  }
0x4b: {  	s12 =	sadd.s32 s4, s12  }
0x4c: {  	[hbm4b:s12+s8] =	stream.linear.scatter [tilespmem:s13], [sflag:$0x2], $0x4000, $0x38;
	[tilespmem:$0x10000] =	vst v63  }
.LBB1_10:
0x4d: {  	_ =	sfence.sel $0x180000  }
0x4e: {  	s2 =	simm.s32 $0x1;
	[bflag:$0x0] =	sbarrier.arrive $0xFFFF  }
0x4f: {  	s31 =	simm.s32 $0x2;
	[sflag:s2] =	ssyncpa.u1 $0x1  }
0x50: {  	[sflag:s31] =	ssyncpa.u1 $0x1  }
0x51: {  	p0 =	sne.s32 s0, $0x0;
	_ =	strace $0x9000004A  }
0x52: {  	s0 =	sadd.s32 @!p0 $0x100000, s1;
	[bflag:$0x2] =	sbarrier.arrive $0xFFFF  }
0x53: {  	[sflag:s0] =	ssyncadd.tile.s32 @!p0 $0x1;
	_ =	shalt  }
.Lfunc_end1:
_tile_overlayer_lowered:
.L_overlay_start_2:
0x54: {  	(tag) =	ssettag $0x2  }
0x55: {  	s0 =	rddreg [dreg:$0x0];
	s2 =	stileid.u32  }
0x56: {  	s1 =	rddreg [dreg:$0x1];
	p0 =	sne.s32 s2, $0x0  }
0x57: {  	s3 =	rddreg [dreg:$0x2];
	[bflag:$0x3] =	sbarrier.arrive $0xFFFF;
	s2 =	simm.s32 @!p0 $0x1C01  }
0x58: {  	[timem:s3], [sflag:s2] =	dma.local @!p0 [hbm:s0], s1  }
0x59: {  	s0 =	simm.s32 @!p0 $0x1  }
0x5a: {  	_ =	swait.ge @!p0 [sflag:s0], s1  }
0x5b: {  	s1 =	ssub.s32 @!p0 $0x0, s1;
	[sflag:s0] =	ssyncset.done @!p0 $0x0  }
0x5c: {  	[sflag:s0] =	ssyncadd.s32 @!p0 s1  }
0x5d: {  	[bflag:$0x3] =	sbarrier.arrive $0xFFFF  }
0x5e: {  	_ =	shalt  }

// kernel: sparse-core-data-format-call.cloned.1.call-start
scs
called_computation_lowered:
.L_overlay_start_0:
0x0: {  	s2 =	sld [smem:$0x3FD9]  }
0x1: {  	s3 =	sld [smem:$0x3FFE];
	_ =	sdelay $0x1  }
0x2: {  	s1 =	srdreg.scid  }
0x3: {  	s0 =	sand.u32 $0x1, s1  }
0x4: {  	s18 =	sshll.u32 s0, $0xA;
	s2 =	sadd.s32 s3, s2  }
0x5: {  	s2 =	sadd.s32 s2, s18  }
0x6: {  	[smem:$0x3FC6] =	sst s2  }
0x7: {  	_ = 	snop  }
0x8: {  	s2 =	sld [smem:$0x3FC8];
	(tm) =	ssettm $0x1  }
0x9: {  	s19 =	sld [smem:$0x3FFB];
	_ =	sdelay $0x3  }
0xa: {  	_ =	strace s19  }
0xb: {  	s3 =	sld [smem:$0x3FFC];
	_ =	sdelay $0x3  }
0xc: {  	_ =	strace s3  }
0xd: {  	s3 =	sld [smem:$0x3FFD];
	_ =	sdelay $0x3  }
0xe: {  	_ =	strace s3  }
0xf: {  	_ =	strace $0x8FFFFFFF  }
0x10: {  	s20 =	sld [smem:$0x3FDB];
	_ =	sdelay $0x1  }
0x11: {  	s4 =	simm.s32 $_scs_section_size  }
0x12: {  	s5 =	simm.s32 $_size__tile_overlayer_lowered;
	s6 =	simm.s32 $_tile_overlayer_lowered  }
0x13: {  	s23 =	simm.s32 $0x1BFF;
	s22 =	sshll.u32 s6, $0x1;
	s3 =	sadd.s32 s4, s20  }
0x14: {  	s7 =	simm.s32 $0x0;
	s21 =	sshll.u32 s5, $0x1;
	s5 =	sadd.s32 s22, s3  }
0x15: {  	[timem:s7], [sflag:s23] =	dma.local [hbm:s5], s21  }
0x16: {  	_ =	swait.ge [sflag:s23], s21  }
0x17: {  	s4 =	ssub.s32 $0x0, s21;
	[sflag:s23] =	ssyncset.done $0x0  }
0x18: {  	[sflag:s23] =	ssyncadd.s32 s4;
	_ =	sdelay $0x1  }
0x19: {  	s24 =	simm.s32 $0x1B8B  }
0x1a: {  	_ =	swait.ge [sflag:s24], $0x1  }
0x1b: {  	[sflag:s24] =	ssyncset.done $0x0  }
0x1c: {  	s26 =	simm.s32 $0x1B8E;
	s25 =	sld [smem:$0x3FFE];
	[sflag:s24] =	ssyncadd.s32 $0xFFFFFFFF  }
0x1d: {  	s27 =	simm.s32 $execute0_lowered;
	[smem:$0x3FD2] =	sst s26  }
0x1e: {  	s5 =	sshll.u32 s27, $0x1;
	_ =	strace $0x80000046;
	[dreg:$0x1] =	wrdreg $0xFFFFFFFF  }
0x1f: {  	s28 =	simm.s32 $_size_execute0_lowered;
	s3 =	sadd.s32 s3, s5;
	[dreg:$0x0] =	wrdreg $0x0  }
0x20: {  	s5 =	sshll.u32 s28, $0x1;
	[dreg:$0x2] =	wrdreg s3  }
0x21: {  	[dreg:$0x3] =	wrdreg s5  }
0x22: {  	[dreg:$0x4] =	wrdreg $0xC0  }
0x23: {  	_ =	task [dreg:s7], $0x5FFFF  }
0x24: {  	[dreg:$0x1] =	wrdreg $0xFFFFFFFF  }
0x25: {  	[dreg:$0x0] =	wrdreg $0x60  }
0x26: {  	[dreg:$0x2] =	wrdreg s2  }
0x27: {  	[dreg:$0x3] =	wrdreg s25  }
0x28: {  	[dreg:$0x4] =	wrdreg $0x9  }
0x29: {  	_ =	task.clear_ibuf [dreg:s7], $0x5FFFF;
	_ =	strace $0x90000046  }
0x2a: {  	s29 =	simm.s32 $0x9;
	_ =	strace $0x80000048  }
0x2b: {  	_ =	swait.ge [sflag:s29], $0x1  }
0x2c: {  	[sflag:s29] =	ssyncadd.s32 $0xFFFFFFFF  }
0x2d: {  	_ =	strace $0x90000048  }
0x2e: {  	_ =	sfence  }
0x2f: {  	s30 =	sld [smem:$0x0];
	_ =	sdelay $0x2  }
0x30: {  	s31 =	sshll.u32 s1, $0xD;
	s1 =	sshrl.u32 s1, $0x2  }
0x31: {  	s3 =	sand.u32 $0x4000, s31;
	s1 =	sadd.s32 s1, s30  }
0x32: {  	s0 =	sor.u32 s3, s0;
	s1 =	sshll.u32 s1, $0x11  }
0x33: {  	s0 =	sor.u32 s1, s0  }
0x34: {  	s0 =	sadd.s32 $0x8F2B, s0  }
0x35: {  	[sflag:s0] =	ssyncadd.remote.s32 $0x1  }
0x36: {  	_ =	sfence.sel $0xFFFF  }
0x37: {  	[dreg:$0x0] =	wrdreg $0xFFFFFFFF;
	(pc) =	sbr.abs _section_cstart, $3  }
0x38: {  	[dreg:$0x1] =	wrdreg $0xFFFFFFFF  }
0x39: {  	_ =	task.clear_ibuf [dreg:s7], $0x2FFFF;
	_ =	strace $0x9FFFFFFF  }
0x3a: {  	(tm) =	ssettm $0x7FFFFFFF  }
0x3b: {  	_ =	shalt  }
tec
execute0_lowered:
.L_overlay_start_1:
0x0: {  	(tag) =	ssettag $0x1  }
0x1: {  	s0 =	srdreg.scid  }
0x2: {  	s1 =	sshll.u32 s0, $0x4  }
0x3: {  	s2 =	rddreg [dreg:$0x0];
	s0 =	stileid.u32;
	s1 =	sand.u32 $0x10, s1  }
0x4: {  	s4 =	rddreg [dreg:$0x1];
	s7 =	simm.s32 $0x1;
	s1 =	sor.u32 s0, s1  }
0x5: {  	s8 =	simm.s32 $0x2;
	s9 =	simm.s32 $0x0;
	s3 =	sshll.u32 s1, $0x1  }
0x6: {  	s12 =	simm.s32 $0x0;
	s11 =	simm.s32 $0x0;
	s6 =	ssub.s32 $0x400, s3  }
.Ltmp0:
0x7: {  	s4 =	sadd.s32 $0xC00, s4;
	s5 =	sand.u32 $0x3E, s6;
	(pc) =	sbr.rel .LBB1_1-.Ltmp0, $4  }
0x8: {  	s1 =	rddreg [dreg:$0x2];
	_ =	strace $0x80000047;
	p0 =	sne.s32 s5, $0x0  }
0x9: {  	s6 =	sshrl.u32 s6, $0x6;
	s5 =	simm.s32 $0x1;
	s7 =	simm.s32 @!p0 $0x0  }
0xa: {  	s10 =	smov.u32 s3;
	[sflag:s5] =	ssyncpa.u1 $0x0;
	s6 =	sadd.s32 s7, s6  }
0xb: {  	[sflag:s8] =	ssyncpa.u1 $0x0;
	s8 =	simm.s32 $0x0;
	s7 =	sadd.s32 $0x1, s6  }
.LBB1_9:
0xc: {  	s14 =	sadd.s32 $0x40, s10  }
0xd: {  	p1 =	sgt.s32 s14, $0x3FF  }
0xe: {  	s14 =	smov.u32 @p1 s3;
	p1 =	sne.s32 s11, s7  }
.Ltmp1:
0xf: {  	p0 =	slt.u32 s11, $0x2;
	(pc) =	sbr.rel @!p1 .LBB1_10-.Ltmp1, $4  }
0x10: {  	s13 =	simm.s32 @!p0 $0x2  }
0x11: {  	s15 =	sadd.s32 $0x1, s11;
	_ =	swait.ge @!p0 [sflag:s13], $0x4000  }
0x12: {  	s12 =	smov.u32 s10;
	s9 =	sadd.s32 $0x4000, s9;
	[sflag:s13] =	ssyncset.done @!p0 $0x0  }
0x13: {  	s11 =	smov.u32 s15;
	s10 =	smov.u32 s14;
	[sflag:s13] =	ssyncadd.s32 @!p0 $0xFFFFC000  }
.LBB1_1:
0x14: {  	p0 =	sge.u32 s11, s6  }
0x15: {  	s13 =	sxor.u32 @!p0 $0xFFFFFFFF, s11  }
0x16: {  	s31 =	sadd.s32 $0xFFFFFFFF, s11;
	s14 =	sshll.u32 @!p0 s10, $0xA;
	s13 =	sshll.u32 @!p0 s13, $0xE  }
0x17: {  	s15 =	simm.s32 @!p0 $0x0;
	s14 =	sadd.s32 @!p0 s2, s14;
	s13 =	sand.u32 @!p0 $0x4000, s13  }
0x18: {  	[tilespmem:s13], [sflag:$0x1] =	stream.linear.gather @!p0 [hbm4b:s14+s15], $0x4000, $0x38;
	[tilespmem:$0x10000] =	vst v63  }
0x19: {  	p0 =	sge.u32 s31, s6  }
.Ltmp2:
0x1a: {  	_ = 	snop;
	(pc) =	sbr.rel @p0 .LBB1_9-.Ltmp2, $1  }
0x1b: {  	_ =	sdelay $0x3  }
0x1c: {  	s13 =	sshll.u32 s9, $0x2  }
0x1d: {  	_ =	swait.ge [sflag:s5], $0x4000;
	s14 =	sshll.u32 s11, $0xE;
	s16 =	simm.s32 $0x0  }
0x1e: {  	p1 =	por $0x1, $0x1;
	s13 =	sand.u32 $0x10000, s13;
	[sflag:s5] =	ssyncset.done $0x0  }
0x1f: {  	s14 =	sand.u32 $0x4000, s14;
	s15 =	sshrl.u32 s13, $0x2;
	[sflag:s5] =	ssyncadd.s32 $0xFFFFC000  }
0x20: {  	s13 =	sor.u32 $0x8000, s14;
	s14 =	sadd.s32 $0x8040, s15;
	s15 =	sadd.s32 $0x40, s15  }
.LBB1_3:
0x21: {  	s16 =	sshll.u32 s16, $0x2  }
0x22: {  	p0 =	por p1, p1;
	s17 =	sshra.s32 s16, $0x2  }
0x23: {  	s18 =	simm.s32 $0x0;
	s16 =	sadd.s32 s17, s14;
	s17 =	sadd.s32 s17, s15  }
.LBB1_4:
0x24: {  	v0 =	vmov s17;
	_ =	sdelay $0x3  }
0x25: {  	s20 =	simm.s32 $0x0  }
0x26: {  	v6 =	vld.idx.msk [tilespmem:v0+s20+$0x30 ss:$0x1], $0xffff  }
0x27: {  	v7 =	vld.idx.msk [tilespmem:v0+s20+$0xFFFFFFC0 ss:$0x1], $0xffff  }
0x28: {  	v5 =	vld.idx.msk [tilespmem:v0+s20+$0xFFFFFFD0 ss:$0x1], $0xffff  }
0x29: {  	v4 =	vld.idx.msk [tilespmem:v0+s20+$0xFFFFFFE0 ss:$0x1], $0xffff  }
0x2a: {  	v3 =	vld.idx.msk [tilespmem:v0+s20+$0xFFFFFFF0 ss:$0x1], $0xffff  }
0x2b: {  	v1 =	vld.idx.msk [tilespmem:v0+s20+$0x0 ss:$0x1], $0xffff  }
0x2c: {  	v2 =	vld.idx.msk [tilespmem:v0+s20+$0x10 ss:$0x1], $0xffff;
	[tilespmem:s16+$0x30] =	vst v6  }
0x2d: {  	s19 =	simm.s32 $0x80;
	s21 =	simm.s32 $0x400;
	[tilespmem:s16+$0xFFFFFFC0] =	vst v7;
	v6 =	vld.idx.msk [tilespmem:v0+s20+$0x20 ss:$0x1], $0xffff;
	s20 =	smov.u32 s16  }
.LBB1_5:
0x2e: {  	p1 =	sne.s32 s21, $0xE00;
	v7 =	vld.idx.msk [tilespmem:v0+s19+$0x30 ss:$0x1], $0xffff;
	[tilespmem:s20+$0xFFFFFFD0] =	vst v5  }
0x2f: {  	v8 =	vld.idx.msk [tilespmem:v0+s19+$0xFFFFFFC0 ss:$0x1], $0xffff;
	[tilespmem:s20+$0xFFFFFFE0] =	vst v4  }
0x30: {  	v5 =	vld.idx.msk [tilespmem:v0+s19+$0xFFFFFFD0 ss:$0x1], $0xffff;
	[tilespmem:s20+$0xFFFFFFF0] =	vst v3  }
.Ltmp3:
0x31: {  	v4 =	vld.idx.msk [tilespmem:v0+s19+$0xFFFFFFE0 ss:$0x1], $0xffff;
	[tilespmem:s20+$0x0] =	vst v1;
	(pc) =	sbr.rel @p1 .LBB1_5-.Ltmp3, $4  }
0x32: {  	v3 =	vld.idx.msk [tilespmem:v0+s19+$0xFFFFFFF0 ss:$0x1], $0xffff;
	[tilespmem:s20+$0x10] =	vst v2  }
0x33: {  	v1 =	vld.idx.msk [tilespmem:v0+s19+$0x0 ss:$0x1], $0xffff;
	[tilespmem:s20+$0x20] =	vst v6;
	s20 =	sadd.s32 $0x400, s20  }
0x34: {  	v2 =	vld.idx.msk [tilespmem:v0+s19+$0x10 ss:$0x1], $0xffff;
	[tilespmem:s20+$0x30] =	vst v7  }
0x35: {  	[tilespmem:s20+$0xFFFFFFC0] =	vst v8;
	v6 =	vld.idx.msk [tilespmem:v0+s19+$0x20 ss:$0x1], $0xffff;
	s19 =	sshra.s32 s21, $0x2;
	s21 =	sadd.s32 $0x200, s21  }
0x36: {  	_ =	sdelay $0x2  }
0x37: {  	[tilespmem:s20+$0xFFFFFFD0] =	vst v5  }
0x38: {  	v56 =	vld.idx.msk [tilespmem:v0+s19+$0x30 ss:$0x1], $0xffff;
	[tilespmem:s20+$0xFFFFFFE0] =	vst v4  }
0x39: {  	v57 =	vld.idx.msk [tilespmem:v0+s19+$0xFFFFFFC0 ss:$0x1], $0xffff;
	[tilespmem:s20+$0xFFFFFFF0] =	vst v3  }
0x3a: {  	v58 =	vld.idx.msk [tilespmem:v0+s19+$0xFFFFFFD0 ss:$0x1], $0xffff;
	[tilespmem:s20+$0x0] =	vst v1  }
0x3b: {  	v59 =	vld.idx.msk [tilespmem:v0+s19+$0xFFFFFFE0 ss:$0x1], $0xffff;
	[tilespmem:s20+$0x10] =	vst v2  }
0x3c: {  	v60 =	vld.idx.msk [tilespmem:v0+s19+$0xFFFFFFF0 ss:$0x1], $0xffff;
	s31 =	sadd.s32 $0x400, s20;
	[tilespmem:s20+$0x20] =	vst v6  }
0x3d: {  	v61 =	vld.idx.msk [tilespmem:v0+s19+$0x0 ss:$0x1], $0xffff;
	[tilespmem:s31+$0x30] =	vst v56  }
0x3e: {  	v62 =	vld.idx.msk [tilespmem:v0+s19+$0x10 ss:$0x1], $0xffff;
	s18 =	sadd.s32 $0x1, s18;
	[tilespmem:s31+$0xFFFFFFC0] =	vst v57  }
0x3f: {  	v63 =	vld.idx.msk [tilespmem:v0+s19+$0x20 ss:$0x1], $0xffff;
	p1 =	sne.s32 s18, $0x8;
	[tilespmem:s31+$0xFFFFFFD0] =	vst v58  }
.Ltmp4:
0x40: {  	[tilespmem:s31+$0xFFFFFFE0] =	vst v59;
	(pc) =	sbr.rel @p1 .LBB1_4-.Ltmp4, $4  }
0x41: {  	[tilespmem:s31+$0xFFFFFFF0] =	vst v60  }
0x42: {  	[tilespmem:s31+$0x0] =	vst v61  }
0x43: {  	[tilespmem:s31+$0x10] =	vst v62  }
0x44: {  	s16 =	sadd.s32 $0x80, s16;
	s17 =	sadd.s32 $0x400, s17;
	[tilespmem:s31+$0x20] =	vst v63  }
.Ltmp5:
0x45: {  	(pc) =	sbr.rel @p0 .LBB1_3-.Ltmp5, $2  }
0x46: {  	_ =	sdelay $0x2  }
0x47: {  	s16 =	simm.s32 $0x2000;
	p1 =	por $0x0, $0x0  }
.Ltmp6:
0x48: {  	(pc) =	sbr.rel .LBB1_9-.Ltmp6, $4  }
0x49: {  	_ = 	snop  }
0x4a: {  	s12 =	sshll.u32 s12, $0xA  }
0x4b: {  	s12 =	sadd.s32 s4, s12  }
0x4c: {  	[hbm4b:s12+s8] =	stream.linear.scatter [tilespmem:s13], [sflag:$0x2], $0x4000, $0x38;
	[tilespmem:$0x10000] =	vst v63  }
.LBB1_10:
0x4d: {  	_ =	sfence.sel $0x180000  }
0x4e: {  	s2 =	simm.s32 $0x1;
	[bflag:$0x0] =	sbarrier.arrive $0xFFFF  }
0x4f: {  	s31 =	simm.s32 $0x2;
	[sflag:s2] =	ssyncpa.u1 $0x1  }
0x50: {  	[sflag:s31] =	ssyncpa.u1 $0x1  }
0x51: {  	p0 =	sne.s32 s0, $0x0;
	_ =	strace $0x90000047  }
0x52: {  	s0 =	sadd.s32 @!p0 $0x100000, s1;
	[bflag:$0x2] =	sbarrier.arrive $0xFFFF  }
0x53: {  	[sflag:s0] =	ssyncadd.tile.s32 @!p0 $0x1;
	_ =	shalt  }
.Lfunc_end1:
_tile_overlayer_lowered:
.L_overlay_start_2:
0x54: {  	(tag) =	ssettag $0x2  }
0x55: {  	s0 =	rddreg [dreg:$0x0];
	s2 =	stileid.u32  }
0x56: {  	s1 =	rddreg [dreg:$0x1];
	p0 =	sne.s32 s2, $0x0  }
0x57: {  	s3 =	rddreg [dreg:$0x2];
	[bflag:$0x3] =	sbarrier.arrive $0xFFFF;
	s2 =	simm.s32 @!p0 $0x1C01  }
0x58: {  	[timem:s3], [sflag:s2] =	dma.local @!p0 [hbm:s0], s1  }
0x59: {  	s0 =	simm.s32 @!p0 $0x1  }
0x5a: {  	_ =	swait.ge @!p0 [sflag:s0], s1  }
0x5b: {  	s1 =	ssub.s32 @!p0 $0x0, s1;
	[sflag:s0] =	ssyncset.done @!p0 $0x0  }
0x5c: {  	[sflag:s0] =	ssyncadd.s32 @!p0 s1  }
0x5d: {  	[bflag:$0x3] =	sbarrier.arrive $0xFFFF  }
0x5e: {  	_ =	shalt  }

</sc_bundles>
